<compile_context>
chip_gen: v7x
topology: tpu7x:2x2x1
jax: 0.10.2.dev20260603
libtpu: 0.0.44.dev20260713+nightly
codegen_flags: <defaults>
</compile_context>

<pallas_src>
import jax
import jax.numpy as jnp
from jax import lax
from jax.experimental import pallas as pl
from jax.experimental.pallas import tpu as pltpu
from jax.experimental.pallas import tpu_sc as plsc

_B, _N, _Q = 16, 2048, 128
_SPAD = 2 * _Q
_STRIDE = 133
_NPTS = _N // 2
_UNROLL = 2


def _tc_prep_body(srow_ref, scol_ref, spad_ref, ranks_ref):
    srow = srow_ref[...]
    scol = scol_ref[...]
    krow = lax.broadcasted_iota(jnp.int32, (_Q, _Q), 0)
    jcol = lax.broadcasted_iota(jnp.int32, (_Q, _Q), 1)
    m = (scol < srow) | ((scol == srow) & (krow < jcol))
    ranks_f = jnp.sum(m.astype(jnp.float32), axis=0, keepdims=True)
    ranks_ref[...] = ranks_f.astype(jnp.int32)
    mt = (srow < scol) | ((srow == scol) & (jcol < krow))
    rank_col = jnp.sum(mt.astype(jnp.float32), axis=1, keepdims=False)
    oh = (rank_col[:, None] == jcol.astype(jnp.float32)).astype(jnp.float32)
    spad_ref[:, :_Q] = lax.dot_general(
        srow, oh, (((1,), (0,)), ((), ())), preferred_element_type=jnp.float32)
    spad_ref[:, _Q:] = jnp.full((1, _Q), 2.0, jnp.float32)


_tc_prep = pl.pallas_call(
    _tc_prep_body,
    out_shape=[
        jax.ShapeDtypeStruct((1, _SPAD), jnp.float32),
        jax.ShapeDtypeStruct((1, _Q), jnp.int32),
    ],
)


def _sc_tile(b, h, xs_hbm, ys_hbm, spad_hbm, ranks_hbm, out_hbm,
             xs_v, ys_v, sp_v, rk_v, da_v, db_v, ab_v, f_v):
    pltpu.sync_copy(xs_hbm.at[b, h], xs_v)
    pltpu.sync_copy(ys_hbm.at[b, h], ys_v)
    pltpu.sync_copy(spad_hbm, sp_v)
    pltpu.sync_copy(ranks_hbm, rk_v)

    zero = jnp.zeros((16,), jnp.float32)
    for i in range(_STRIDE):
        da_v[pl.ds(16 * i, 16)] = zero
        db_v[pl.ds(16 * i, 16)] = zero

    lanebase = lax.iota(jnp.int32, 16) * _STRIDE
    ones = jnp.ones((16,), jnp.float32)
    neg2 = jnp.full((16,), -2.0, jnp.float32)

    def count_le(v):
        p = jnp.full((16,), _Q - 1, jnp.int32)
        for d in (128, 64, 32, 16, 8, 4, 2):
            cle = plsc.load_gather(sp_v, [p]) <= v
            d2 = d // 2
            p = p + jnp.where(cle, d2, d2 - d).astype(jnp.int32)
        return p + (plsc.load_gather(sp_v, [p]) <= v).astype(jnp.int32)

    def body(i, carry):
        for u in range(_UNROLL):
            g = i * _UNROLL + u
            xv = xs_v[pl.ds(g * 16, 16)]
            yv = ys_v[pl.ds(g * 16, 16)]
            m2 = xv + yv
            mv = 0.5 * m2
            cx = lanebase + count_le(xv)
            cm = lanebase + count_le(mv)
            cy = lanebase + count_le(yv)
            plsc.addupdate_scatter(da_v, [cx], ones)
            plsc.addupdate_scatter(da_v, [cm], neg2)
            plsc.addupdate_scatter(da_v, [cy], ones)
            plsc.addupdate_scatter(db_v, [cx], 0.0 - xv)
            plsc.addupdate_scatter(db_v, [cm], m2)
            plsc.addupdate_scatter(db_v, [cy], 0.0 - yv)
        return carry

    lax.fori_loop(0, _NPTS // (16 * _UNROLL), body, 0)

    carry_a = zero
    carry_b = zero
    for i in range(_Q // 16):
        va = zero
        vb = zero
        for l in range(16):
            va = va + da_v[pl.ds(l * _STRIDE + 16 * i, 16)]
            vb = vb + db_v[pl.ds(l * _STRIDE + 16 * i, 16)]
        ca = plsc.cumsum(va) + carry_a
        cb = plsc.cumsum(vb) + carry_b
        carry_a = jnp.full((16,), 0.0, jnp.float32) + ca[15]
        carry_b = jnp.full((16,), 0.0, jnp.float32) + cb[15]
        ab_v[pl.ds(16 * i, 16)] = ca
        ab_v[pl.ds(_Q + 16 * i, 16)] = cb

    for i in range(_Q // 16):
        rv = rk_v[pl.ds(16 * i, 16)]
        av = plsc.load_gather(ab_v, [rv])
        bv = plsc.load_gather(ab_v, [rv + _Q])
        tv = plsc.load_gather(sp_v, [rv])
        f_v[pl.ds(16 * i, 16)] = tv * av + bv
    pltpu.sync_copy(f_v, out_hbm.at[b, h])


def _sc_pool_body(xs_hbm, ys_hbm, spad_hbm, ranks_hbm, out_hbm,
                  xs_v, ys_v, sp_v, rk_v, da_v, db_v, ab_v, f_v):
    c = lax.axis_index("c")
    s = lax.axis_index("s")
    _sc_tile(s, c, xs_hbm, ys_hbm, spad_hbm, ranks_hbm, out_hbm,
             xs_v, ys_v, sp_v, rk_v, da_v, db_v, ab_v, f_v)


_SC_SCRATCH = [
    pltpu.VMEM((_NPTS,), jnp.float32),
    pltpu.VMEM((_NPTS,), jnp.float32),
    pltpu.VMEM((_SPAD,), jnp.float32),
    pltpu.VMEM((_Q,), jnp.int32),
    pltpu.VMEM((16 * _STRIDE,), jnp.float32),
    pltpu.VMEM((16 * _STRIDE,), jnp.float32),
    pltpu.VMEM((2 * _Q,), jnp.float32),
    pltpu.VMEM((_Q,), jnp.float32),
]

_SC_POOL_CACHE = []


def _sc_pool(*args):
    if not _SC_POOL_CACHE:
        _SC_POOL_CACHE.append(pl.kernel(
            _sc_pool_body,
            out_type=jax.ShapeDtypeStruct((_B, 2, _Q), jnp.float32),
            mesh=plsc.VectorSubcoreMesh(core_axis_name="c",
                                        subcore_axis_name="s"),
            compiler_params=pltpu.CompilerParams(needs_layout_passes=False),
            scratch_types=_SC_SCRATCH,
        ))
    return _SC_POOL_CACHE[0](*args)


def _tc_rho_body(f0_ref, f1_ref, w_ref, b_ref, out_ref):
    pooled = f0_ref[...] + f1_ref[...]
    acc = lax.dot_general(
        pooled, w_ref[...], (((1,), (0,)), ((), ())),
        preferred_element_type=jnp.float32,
    )
    out_ref[...] = jnp.maximum(acc + b_ref[...], 0.0)


_tc_rho = pl.pallas_call(
    _tc_rho_body,
    out_shape=jax.ShapeDtypeStruct((_B, _Q), jnp.float32),
)


def kernel(diagram, samples, rho_w, rho_b):
    xs = diagram[:, :, 0].reshape(_B, 2, _NPTS)
    ys = diagram[:, :, 1].reshape(_B, 2, _NPTS)
    spad, ranks = _tc_prep(samples.reshape(1, _Q), samples.reshape(_Q, 1))
    f = _sc_pool(xs, ys, spad.reshape(_SPAD), ranks.reshape(_Q))
    return _tc_rho(f[:, 0], f[:, 1], rho_w.T, rho_b.reshape(1, _Q))

# --- scband reference (transcript-rebuilt; emitter-appended) ---
"""Pipeline reference for scband-pers-lay-10986526343339 (READ-ONLY COPY).

The authoritative reference and input builder live on the scoring server;
editing this copy changes nothing except your own understanding.
"""

import jax, jax.numpy as jnp
import numpy as np

B, N, Q = 16, 2048, 128

def setup_inputs(seed: int = 0) -> dict:
    key = jax.random.key(seed)
    k1, k2, k3, k4 = jax.random.split(key, 4)
    # padded persistence diagrams: (B, N, 2) with (birth, death) coords in [0, 1]
    births = jax.random.uniform(k1, (B, N, 1), dtype=jnp.float32)
    pers = jax.random.uniform(k4, (B, N, 1), dtype=jnp.float32) * (1.0 - births)
    diagram = jnp.concatenate([births, births + pers], axis=-1)
    # learned parameters: landscape sample locations (q,), rho linear head (q, q)
    samples = jax.random.uniform(k2, (Q,), dtype=jnp.float32)
    rho_w = jax.random.normal(k3, (Q, Q), dtype=jnp.float32) * (1.0 / np.sqrt(Q))
    rho_b = jnp.zeros((Q,), dtype=jnp.float32)
    return {"diagram": diagram, "samples": samples, "rho_w": rho_w, "rho_b": rho_b}

def reference(diagram, samples, rho_w, rho_b):
    # PersLay with Landscape point transform phi, sum op, and linear rho.
    # phi(p)[j] = max(0, min(t_j - x, y - t_j))  (triangular landscape function)
    x = diagram[..., 0][..., None]            # (B, N, 1)
    y = diagram[..., 1][..., None]            # (B, N, 1)
    minimum = jnp.minimum(samples - x, y - samples)   # (B, N, Q)
    phi = jax.nn.relu(minimum)                # (B, N, Q)
    pooled = jnp.sum(phi, axis=-2)            # permutation-invariant sum op -> (B, Q)
    out = jax.nn.relu(pooled @ rho_w.T + rho_b)  # rho: Linear + relu -> (B, Q)
    return out

if __name__ == "__main__":
    import jax
    _d = setup_inputs()
    print(jax.jit(kernel)(*tuple(_d.values())))

</pallas_src>

<mosaic_0001>
#map = affine_map<(d0, d1) -> (0, 0, 0)>
#map1 = affine_map<(d0, d1) -> (0)>
module attributes {stable_mosaic.version = 14 : i64} {
  func.func @_sc_pool_body(%arg0: i32, %arg1: i32, %arg2: memref<16x2x1024xf32, #tpu.memory_space<hbm>>, %arg3: memref<16x2x1024xf32, #tpu.memory_space<hbm>>, %arg4: memref<256xf32, #tpu.memory_space<hbm>>, %arg5: memref<128xi32, #tpu.memory_space<hbm>>, %arg6: memref<16x2x128xf32, #tpu.memory_space<hbm>>, %arg7: memref<1024xf32, #tpu.memory_space<vmem>>, %arg8: memref<1024xf32, #tpu.memory_space<vmem>>, %arg9: memref<256xf32, #tpu.memory_space<vmem>>, %arg10: memref<128xi32, #tpu.memory_space<vmem>>, %arg11: memref<2128xf32, #tpu.memory_space<vmem>>, %arg12: memref<2128xf32, #tpu.memory_space<vmem>>, %arg13: memref<256xf32, #tpu.memory_space<vmem>>, %arg14: memref<128xf32, #tpu.memory_space<vmem>>) attributes {dimension_semantics = [#tpu.dimension_semantics<core_parallel>, #tpu.dimension_semantics<subcore_parallel>], iteration_bounds = array<i64: 2, 16>, scalar_prefetch = 0 : i64, scratch_operands = 8 : i64, tpu.core_type = #tpu.core_type<sc_vector_subcore>, window_params = [{transform_indices = #map}, {transform_indices = #map}, {transform_indices = #map1}, {transform_indices = #map1}, {transform_indices = #map}]} {
    "tpu.region"() ({
      %run_scoped3A = tpu.sem_alloc : memref<!tpu.dma_semaphore, #tpu.memory_space<semaphore_mem>>
      %dma_start3A = arith.constant 0 : i32
      %dma_start3A_1593 = tpu.memref_slice %arg2[%arg1, %arg0, %dma_start3A] : memref<16x2x1024xf32, #tpu.memory_space<hbm>> -> memref<1x1x1024xf32, #tpu.memory_space<hbm>>
      %dma_start3A_1594 = tpu.memref_squeeze %dma_start3A_1593 : memref<1x1x1024xf32, #tpu.memory_space<hbm>> -> memref<1024xf32, #tpu.memory_space<hbm>>
      %dma_start3A_1595 = arith.constant 0 : i32
      %dma_start3A_1596 = tpu.memref_slice %arg2[%arg1, %arg0, %dma_start3A_1595] : memref<16x2x1024xf32, #tpu.memory_space<hbm>> -> memref<1x1x1024xf32, #tpu.memory_space<hbm>>
      %dma_start3A_1597 = tpu.memref_squeeze %dma_start3A_1596 : memref<1x1x1024xf32, #tpu.memory_space<hbm>> -> memref<1024xf32, #tpu.memory_space<hbm>>
      tpu.enqueue_dma source(%dma_start3A_1597 : memref<1024xf32, #tpu.memory_space<hbm>>) target(%arg7 : memref<1024xf32, #tpu.memory_space<vmem>>) target_semaphore(%run_scoped3A : memref<!tpu.dma_semaphore, #tpu.memory_space<semaphore_mem>>)
      %dma_wait3A = arith.constant 0 : i32
      %dma_wait3A_1598 = tpu.memref_slice %arg2[%arg1, %arg0, %dma_wait3A] : memref<16x2x1024xf32, #tpu.memory_space<hbm>> -> memref<1x1x1024xf32, #tpu.memory_space<hbm>>
      %dma_wait3A_1599 = tpu.memref_squeeze %dma_wait3A_1598 : memref<1x1x1024xf32, #tpu.memory_space<hbm>> -> memref<1024xf32, #tpu.memory_space<hbm>>
      %dma_wait3A_1600 = arith.constant 0 : i32
      %dma_wait3A_1601 = tpu.memref_slice %arg2[%arg1, %arg0, %dma_wait3A_1600] : memref<16x2x1024xf32, #tpu.memory_space<hbm>> -> memref<1x1x1024xf32, #tpu.memory_space<hbm>>
      %dma_wait3A_1602 = tpu.memref_squeeze %dma_wait3A_1601 : memref<1x1x1024xf32, #tpu.memory_space<hbm>> -> memref<1024xf32, #tpu.memory_space<hbm>>
      tpu.wait_dma2 semaphore(%run_scoped3A : memref<!tpu.dma_semaphore, #tpu.memory_space<semaphore_mem>>) src(%dma_wait3A_1602 : memref<1024xf32, #tpu.memory_space<hbm>>) dst(%arg7 : memref<1024xf32, #tpu.memory_space<vmem>>)
      tpu.yield
    }) : () -> ()
    "tpu.region"() ({
      %run_scoped3A = tpu.sem_alloc : memref<!tpu.dma_semaphore, #tpu.memory_space<semaphore_mem>>
      %dma_start3A = arith.constant 0 : i32
      %dma_start3A_1593 = tpu.memref_slice %arg3[%arg1, %arg0, %dma_start3A] : memref<16x2x1024xf32, #tpu.memory_space<hbm>> -> memref<1x1x1024xf32, #tpu.memory_space<hbm>>
      %dma_start3A_1594 = tpu.memref_squeeze %dma_start3A_1593 : memref<1x1x1024xf32, #tpu.memory_space<hbm>> -> memref<1024xf32, #tpu.memory_space<hbm>>
      %dma_start3A_1595 = arith.constant 0 : i32
      %dma_start3A_1596 = tpu.memref_slice %arg3[%arg1, %arg0, %dma_start3A_1595] : memref<16x2x1024xf32, #tpu.memory_space<hbm>> -> memref<1x1x1024xf32, #tpu.memory_space<hbm>>
      %dma_start3A_1597 = tpu.memref_squeeze %dma_start3A_1596 : memref<1x1x1024xf32, #tpu.memory_space<hbm>> -> memref<1024xf32, #tpu.memory_space<hbm>>
      tpu.enqueue_dma source(%dma_start3A_1597 : memref<1024xf32, #tpu.memory_space<hbm>>) target(%arg8 : memref<1024xf32, #tpu.memory_space<vmem>>) target_semaphore(%run_scoped3A : memref<!tpu.dma_semaphore, #tpu.memory_space<semaphore_mem>>)
      %dma_wait3A = arith.constant 0 : i32
      %dma_wait3A_1598 = tpu.memref_slice %arg3[%arg1, %arg0, %dma_wait3A] : memref<16x2x1024xf32, #tpu.memory_space<hbm>> -> memref<1x1x1024xf32, #tpu.memory_space<hbm>>
      %dma_wait3A_1599 = tpu.memref_squeeze %dma_wait3A_1598 : memref<1x1x1024xf32, #tpu.memory_space<hbm>> -> memref<1024xf32, #tpu.memory_space<hbm>>
      %dma_wait3A_1600 = arith.constant 0 : i32
      %dma_wait3A_1601 = tpu.memref_slice %arg3[%arg1, %arg0, %dma_wait3A_1600] : memref<16x2x1024xf32, #tpu.memory_space<hbm>> -> memref<1x1x1024xf32, #tpu.memory_space<hbm>>
      %dma_wait3A_1602 = tpu.memref_squeeze %dma_wait3A_1601 : memref<1x1x1024xf32, #tpu.memory_space<hbm>> -> memref<1024xf32, #tpu.memory_space<hbm>>
      tpu.wait_dma2 semaphore(%run_scoped3A : memref<!tpu.dma_semaphore, #tpu.memory_space<semaphore_mem>>) src(%dma_wait3A_1602 : memref<1024xf32, #tpu.memory_space<hbm>>) dst(%arg8 : memref<1024xf32, #tpu.memory_space<vmem>>)
      tpu.yield
    }) : () -> ()
    "tpu.region"() ({
      %run_scoped3A = tpu.sem_alloc : memref<!tpu.dma_semaphore, #tpu.memory_space<semaphore_mem>>
      tpu.enqueue_dma source(%arg4 : memref<256xf32, #tpu.memory_space<hbm>>) target(%arg9 : memref<256xf32, #tpu.memory_space<vmem>>) target_semaphore(%run_scoped3A : memref<!tpu.dma_semaphore, #tpu.memory_space<semaphore_mem>>)
      tpu.wait_dma2 semaphore(%run_scoped3A : memref<!tpu.dma_semaphore, #tpu.memory_space<semaphore_mem>>) src(%arg4 : memref<256xf32, #tpu.memory_space<hbm>>) dst(%arg9 : memref<256xf32, #tpu.memory_space<vmem>>)
      tpu.yield
    }) : () -> ()
    "tpu.region"() ({
      %run_scoped3A = tpu.sem_alloc : memref<!tpu.dma_semaphore, #tpu.memory_space<semaphore_mem>>
      tpu.enqueue_dma source(%arg5 : memref<128xi32, #tpu.memory_space<hbm>>) target(%arg10 : memref<128xi32, #tpu.memory_space<vmem>>) target_semaphore(%run_scoped3A : memref<!tpu.dma_semaphore, #tpu.memory_space<semaphore_mem>>)
      tpu.wait_dma2 semaphore(%run_scoped3A : memref<!tpu.dma_semaphore, #tpu.memory_space<semaphore_mem>>) src(%arg5 : memref<128xi32, #tpu.memory_space<hbm>>) dst(%arg10 : memref<128xi32, #tpu.memory_space<vmem>>)
      tpu.yield
    }) : () -> ()
    %broadcast_in_dim3A = arith.constant 0.000000e+00 : f32
    %broadcast_in_dim3A_0 = vector.broadcast %broadcast_in_dim3A : f32 to vector<16xf32>
    %swap3A = arith.constant 0 : index
    %swap3A_1 = tpu.vector_load %arg11[%swap3A] {strides = array<i32>} : memref<2128xf32, #tpu.memory_space<vmem>>, vector<16xf32>,
    tpu.vector_store %arg11[%swap3A], %broadcast_in_dim3A_0 {strides = array<i32>} : memref<2128xf32, #tpu.memory_space<vmem>>, vector<16xf32>,
    %swap3A_2 = arith.constant 0 : index
    %swap3A_3 = tpu.vector_load %arg12[%swap3A_2] {strides = array<i32>} : memref<2128xf32, #tpu.memory_space<vmem>>, vector<16xf32>,
    tpu.vector_store %arg12[%swap3A_2], %broadcast_in_dim3A_0 {strides = array<i32>} : memref<2128xf32, #tpu.memory_space<vmem>>, vector<16xf32>,
    %swap3A_4 = arith.constant 16 : index
    %swap3A_5 = tpu.vector_load %arg11[%swap3A_4] {strides = array<i32>} : memref<2128xf32, #tpu.memory_space<vmem>>, vector<16xf32>,
    tpu.vector_store %arg11[%swap3A_4], %broadcast_in_dim3A_0 {strides = array<i32>} : memref<2128xf32, #tpu.memory_space<vmem>>, vector<16xf32>,
    %swap3A_6 = arith.constant 16 : index
    %swap3A_7 = tpu.vector_load %arg12[%swap3A_6] {strides = array<i32>} : memref<2128xf32, #tpu.memory_space<vmem>>, vector<16xf32>,
    tpu.vector_store %arg12[%swap3A_6], %broadcast_in_dim3A_0 {strides = array<i32>} : memref<2128xf32, #tpu.memory_space<vmem>>, vector<16xf32>,
    %swap3A_8 = arith.constant 32 : index
    %swap3A_9 = tpu.vector_load %arg11[%swap3A_8] {strides = array<i32>} : memref<2128xf32, #tpu.memory_space<vmem>>, vector<16xf32>,
    tpu.vector_store %arg11[%swap3A_8], %broadcast_in_dim3A_0 {strides = array<i32>} : memref<2128xf32, #tpu.memory_space<vmem>>, vector<16xf32>,
    %swap3A_10 = arith.constant 32 : index
    %swap3A_11 = tpu.vector_load %arg12[%swap3A_10] {strides = array<i32>} : memref<2128xf32, #tpu.memory_space<vmem>>, vector<16xf32>,
    tpu.vector_store %arg12[%swap3A_10], %broadcast_in_dim3A_0 {strides = array<i32>} : memref<2128xf32, #tpu.memory_space<vmem>>, vector<16xf32>,
    %swap3A_12 = arith.constant 48 : index
    %swap3A_13 = tpu.vector_load %arg11[%swap3A_12] {strides = array<i32>} : memref<2128xf32, #tpu.memory_space<vmem>>, vector<16xf32>,
    tpu.vector_store %arg11[%swap3A_12], %broadcast_in_dim3A_0 {strides = array<i32>} : memref<2128xf32, #tpu.memory_space<vmem>>, vector<16xf32>,
    %swap3A_14 = arith.constant 48 : index
    %swap3A_15 = tpu.vector_load %arg12[%swap3A_14] {strides = array<i32>} : memref<2128xf32, #tpu.memory_space<vmem>>, vector<16xf32>,
    tpu.vector_store %arg12[%swap3A_14], %broadcast_in_dim3A_0 {strides = array<i32>} : memref<2128xf32, #tpu.memory_space<vmem>>, vector<16xf32>,
    %swap3A_16 = arith.constant 64 : index
    %swap3A_17 = tpu.vector_load %arg11[%swap3A_16] {strides = array<i32>} : memref<2128xf32, #tpu.memory_space<vmem>>, vector<16xf32>,
    tpu.vector_store %arg11[%swap3A_16], %broadcast_in_dim3A_0 {strides = array<i32>} : memref<2128xf32, #tpu.memory_space<vmem>>, vector<16xf32>,
    %swap3A_18 = arith.constant 64 : index
    %swap3A_19 = tpu.vector_load %arg12[%swap3A_18] {strides = array<i32>} : memref<2128xf32, #tpu.memory_space<vmem>>, vector<16xf32>,
    tpu.vector_store %arg12[%swap3A_18], %broadcast_in_dim3A_0 {strides = array<i32>} : memref<2128xf32, #tpu.memory_space<vmem>>, vector<16xf32>,
    %swap3A_20 = arith.constant 80 : index
    %swap3A_21 = tpu.vector_load %arg11[%swap3A_20] {strides = array<i32>} : memref<2128xf32, #tpu.memory_space<vmem>>, vector<16xf32>,
    tpu.vector_store %arg11[%swap3A_20], %broadcast_in_dim3A_0 {strides = array<i32>} : memref<2128xf32, #tpu.memory_space<vmem>>, vector<16xf32>,
    %swap3A_22 = arith.constant 80 : index
    %swap3A_23 = tpu.vector_load %arg12[%swap3A_22] {strides = array<i32>} : memref<2128xf32, #tpu.memory_space<vmem>>, vector<16xf32>,
    tpu.vector_store %arg12[%swap3A_22], %broadcast_in_dim3A_0 {strides = array<i32>} : memref<2128xf32, #tpu.memory_space<vmem>>, vector<16xf32>,
    %swap3A_24 = arith.constant 96 : index
    %swap3A_25 = tpu.vector_load %arg11[%swap3A_24] {strides = array<i32>} : memref<2128xf32, #tpu.memory_space<vmem>>, vector<16xf32>,
    tpu.vector_store %arg11[%swap3A_24], %broadcast_in_dim3A_0 {strides = array<i32>} : memref<2128xf32, #tpu.memory_space<vmem>>, vector<16xf32>,
    %swap3A_26 = arith.constant 96 : index
    %swap3A_27 = tpu.vector_load %arg12[%swap3A_26] {strides = array<i32>} : memref<2128xf32, #tpu.memory_space<vmem>>, vector<16xf32>,
    tpu.vector_store %arg12[%swap3A_26], %broadcast_in_dim3A_0 {strides = array<i32>} : memref<2128xf32, #tpu.memory_space<vmem>>, vector<16xf32>,
    %swap3A_28 = arith.constant 112 : index
    %swap3A_29 = tpu.vector_load %arg11[%swap3A_28] {strides = array<i32>} : memref<2128xf32, #tpu.memory_space<vmem>>, vector<16xf32>,
    tpu.vector_store %arg11[%swap3A_28], %broadcast_in_dim3A_0 {strides = array<i32>} : memref<2128xf32, #tpu.memory_space<vmem>>, vector<16xf32>,
    %swap3A_30 = arith.constant 112 : index
    %swap3A_31 = tpu.vector_load %arg12[%swap3A_30] {strides = array<i32>} : memref<2128xf32, #tpu.memory_space<vmem>>, vector<16xf32>,
    tpu.vector_store %arg12[%swap3A_30], %broadcast_in_dim3A_0 {strides = array<i32>} : memref<2128xf32, #tpu.memory_space<vmem>>, vector<16xf32>,
    %swap3A_32 = arith.constant 128 : index
    %swap3A_33 = tpu.vector_load %arg11[%swap3A_32] {strides = array<i32>} : memref<2128xf32, #tpu.memory_space<vmem>>, vector<16xf32>,
    tpu.vector_store %arg11[%swap3A_32], %broadcast_in_dim3A_0 {strides = array<i32>} : memref<2128xf32, #tpu.memory_space<vmem>>, vector<16xf32>,
    %swap3A_34 = arith.constant 128 : index
    %swap3A_35 = tpu.vector_load %arg12[%swap3A_34] {strides = array<i32>} : memref<2128xf32, #tpu.memory_space<vmem>>, vector<16xf32>,
    tpu.vector_store %arg12[%swap3A_34], %broadcast_in_dim3A_0 {strides = array<i32>} : memref<2128xf32, #tpu.memory_space<vmem>>, vector<16xf32>,
    %swap3A_36 = arith.constant 144 : index
    %swap3A_37 = tpu.vector_load %arg11[%swap3A_36] {strides = array<i32>} : memref<2128xf32, #tpu.memory_space<vmem>>, vector<16xf32>,
    tpu.vector_store %arg11[%swap3A_36], %broadcast_in_dim3A_0 {strides = array<i32>} : memref<2128xf32, #tpu.memory_space<vmem>>, vector<16xf32>,
    %swap3A_38 = arith.constant 144 : index
    %swap3A_39 = tpu.vector_load %arg12[%swap3A_38] {strides = array<i32>} : memref<2128xf32, #tpu.memory_space<vmem>>, vector<16xf32>,
    tpu.vector_store %arg12[%swap3A_38], %broadcast_in_dim3A_0 {strides = array<i32>} : memref<2128xf32, #tpu.memory_space<vmem>>, vector<16xf32>,
    %swap3A_40 = arith.constant 160 : index
    %swap3A_41 = tpu.vector_load %arg11[%swap3A_40] {strides = array<i32>} : memref<2128xf32, #tpu.memory_space<vmem>>, vector<16xf32>,
    tpu.vector_store %arg11[%swap3A_40], %broadcast_in_dim3A_0 {strides = array<i32>} : memref<2128xf32, #tpu.memory_space<vmem>>, vector<16xf32>,
    %swap3A_42 = arith.constant 160 : index
    %swap3A_43 = tpu.vector_load %arg12[%swap3A_42] {strides = array<i32>} : memref<2128xf32, #tpu.memory_space<vmem>>, vector<16xf32>,
    tpu.vector_store %arg12[%swap3A_42], %broadcast_in_dim3A_0 {strides = array<i32>} : memref<2128xf32, #tpu.memory_space<vmem>>, vector<16xf32>,
    %swap3A_44 = arith.constant 176 : index
    %swap3A_45 = tpu.vector_load %arg11[%swap3A_44] {strides = array<i32>} : memref<2128xf32, #tpu.memory_space<vmem>>, vector<16xf32>,
    tpu.vector_store %arg11[%swap3A_44], %broadcast_in_dim3A_0 {strides = array<i32>} : memref<2128xf32, #tpu.memory_space<vmem>>, vector<16xf32>,
    %swap3A_46 = arith.constant 176 : index
    %swap3A_47 = tpu.vector_load %arg12[%swap3A_46] {strides = array<i32>} : memref<2128xf32, #tpu.memory_space<vmem>>, vector<16xf32>,
    tpu.vector_store %arg12[%swap3A_46], %broadcast_in_dim3A_0 {strides = array<i32>} : memref<2128xf32, #tpu.memory_space<vmem>>, vector<16xf32>,
    %swap3A_48 = arith.constant 192 : index
    %swap3A_49 = tpu.vector_load %arg11[%swap3A_48] {strides = array<i32>} : memref<2128xf32, #tpu.memory_space<vmem>>, vector<16xf32>,
    tpu.vector_store %arg11[%swap3A_48], %broadcast_in_dim3A_0 {strides = array<i32>} : memref<2128xf32, #tpu.memory_space<vmem>>, vector<16xf32>,
    %swap3A_50 = arith.constant 192 : index
    %swap3A_51 = tpu.vector_load %arg12[%swap3A_50] {strides = array<i32>} : memref<2128xf32, #tpu.memory_space<vmem>>, vector<16xf32>,
    tpu.vector_store %arg12[%swap3A_50], %broadcast_in_dim3A_0 {strides = array<i32>} : memref<2128xf32, #tpu.memory_space<vmem>>, vector<16xf32>,
    %swap3A_52 = arith.constant 208 : index
    %swap3A_53 = tpu.vector_load %arg11[%swap3A_52] {strides = array<i32>} : memref<2128xf32, #tpu.memory_space<vmem>>, vector<16xf32>,
    tpu.vector_store %arg11[%swap3A_52], %broadcast_in_dim3A_0 {strides = array<i32>} : memref<2128xf32, #tpu.memory_space<vmem>>, vector<16xf32>,
    %swap3A_54 = arith.constant 208 : index
    %swap3A_55 = tpu.vector_load %arg12[%swap3A_54] {strides = array<i32>} : memref<2128xf32, #tpu.memory_space<vmem>>, vector<16xf32>,
    tpu.vector_store %arg12[%swap3A_54], %broadcast_in_dim3A_0 {strides = array<i32>} : memref<2128xf32, #tpu.memory_space<vmem>>, vector<16xf32>,
    %swap3A_56 = arith.constant 224 : index
    %swap3A_57 = tpu.vector_load %arg11[%swap3A_56] {strides = array<i32>} : memref<2128xf32, #tpu.memory_space<vmem>>, vector<16xf32>,
    tpu.vector_store %arg11[%swap3A_56], %broadcast_in_dim3A_0 {strides = array<i32>} : memref<2128xf32, #tpu.memory_space<vmem>>, vector<16xf32>,
    %swap3A_58 = arith.constant 224 : index
    %swap3A_59 = tpu.vector_load %arg12[%swap3A_58] {strides = array<i32>} : memref<2128xf32, #tpu.memory_space<vmem>>, vector<16xf32>,
    tpu.vector_store %arg12[%swap3A_58], %broadcast_in_dim3A_0 {strides = array<i32>} : memref<2128xf32, #tpu.memory_space<vmem>>, vector<16xf32>,
    %swap3A_60 = arith.constant 240 : index
    %swap3A_61 = tpu.vector_load %arg11[%swap3A_60] {strides = array<i32>} : memref<2128xf32, #tpu.memory_space<vmem>>, vector<16xf32>,
    tpu.vector_store %arg11[%swap3A_60], %broadcast_in_dim3A_0 {strides = array<i32>} : memref<2128xf32, #tpu.memory_space<vmem>>, vector<16xf32>,
    %swap3A_62 = arith.constant 240 : index
    %swap3A_63 = tpu.vector_load %arg12[%swap3A_62] {strides = array<i32>} : memref<2128xf32, #tpu.memory_space<vmem>>, vector<16xf32>,
    tpu.vector_store %arg12[%swap3A_62], %broadcast_in_dim3A_0 {strides = array<i32>} : memref<2128xf32, #tpu.memory_space<vmem>>, vector<16xf32>,
    %swap3A_64 = arith.constant 256 : index
    %swap3A_65 = tpu.vector_load %arg11[%swap3A_64] {strides = array<i32>} : memref<2128xf32, #tpu.memory_space<vmem>>, vector<16xf32>,
    tpu.vector_store %arg11[%swap3A_64], %broadcast_in_dim3A_0 {strides = array<i32>} : memref<2128xf32, #tpu.memory_space<vmem>>, vector<16xf32>,
    %swap3A_66 = arith.constant 256 : index
    %swap3A_67 = tpu.vector_load %arg12[%swap3A_66] {strides = array<i32>} : memref<2128xf32, #tpu.memory_space<vmem>>, vector<16xf32>,
    tpu.vector_store %arg12[%swap3A_66], %broadcast_in_dim3A_0 {strides = array<i32>} : memref<2128xf32, #tpu.memory_space<vmem>>, vector<16xf32>,
    %swap3A_68 = arith.constant 272 : index
    %swap3A_69 = tpu.vector_load %arg11[%swap3A_68] {strides = array<i32>} : memref<2128xf32, #tpu.memory_space<vmem>>, vector<16xf32>,
    tpu.vector_store %arg11[%swap3A_68], %broadcast_in_dim3A_0 {strides = array<i32>} : memref<2128xf32, #tpu.memory_space<vmem>>, vector<16xf32>,
    %swap3A_70 = arith.constant 272 : index
    %swap3A_71 = tpu.vector_load %arg12[%swap3A_70] {strides = array<i32>} : memref<2128xf32, #tpu.memory_space<vmem>>, vector<16xf32>,
    tpu.vector_store %arg12[%swap3A_70], %broadcast_in_dim3A_0 {strides = array<i32>} : memref<2128xf32, #tpu.memory_space<vmem>>, vector<16xf32>,
    %swap3A_72 = arith.constant 288 : index
    %swap3A_73 = tpu.vector_load %arg11[%swap3A_72] {strides = array<i32>} : memref<2128xf32, #tpu.memory_space<vmem>>, vector<16xf32>,
    tpu.vector_store %arg11[%swap3A_72], %broadcast_in_dim3A_0 {strides = array<i32>} : memref<2128xf32, #tpu.memory_space<vmem>>, vector<16xf32>,
    %swap3A_74 = arith.constant 288 : index
    %swap3A_75 = tpu.vector_load %arg12[%swap3A_74] {strides = array<i32>} : memref<2128xf32, #tpu.memory_space<vmem>>, vector<16xf32>,
    tpu.vector_store %arg12[%swap3A_74], %broadcast_in_dim3A_0 {strides = array<i32>} : memref<2128xf32, #tpu.memory_space<vmem>>, vector<16xf32>,
    %swap3A_76 = arith.constant 304 : index
    %swap3A_77 = tpu.vector_load %arg11[%swap3A_76] {strides = array<i32>} : memref<2128xf32, #tpu.memory_space<vmem>>, vector<16xf32>,
    tpu.vector_store %arg11[%swap3A_76], %broadcast_in_dim3A_0 {strides = array<i32>} : memref<2128xf32, #tpu.memory_space<vmem>>, vector<16xf32>,
    %swap3A_78 = arith.constant 304 : index
    %swap3A_79 = tpu.vector_load %arg12[%swap3A_78] {strides = array<i32>} : memref<2128xf32, #tpu.memory_space<vmem>>, vector<16xf32>,
    tpu.vector_store %arg12[%swap3A_78], %broadcast_in_dim3A_0 {strides = array<i32>} : memref<2128xf32, #tpu.memory_space<vmem>>, vector<16xf32>,
    %swap3A_80 = arith.constant 320 : index
    %swap3A_81 = tpu.vector_load %arg11[%swap3A_80] {strides = array<i32>} : memref<2128xf32, #tpu.memory_space<vmem>>, vector<16xf32>,
    tpu.vector_store %arg11[%swap3A_80], %broadcast_in_dim3A_0 {strides = array<i32>} : memref<2128xf32, #tpu.memory_space<vmem>>, vector<16xf32>,
    %swap3A_82 = arith.constant 320 : index
    %swap3A_83 = tpu.vector_load %arg12[%swap3A_82] {strides = array<i32>} : memref<2128xf32, #tpu.memory_space<vmem>>, vector<16xf32>,
    tpu.vector_store %arg12[%swap3A_82], %broadcast_in_dim3A_0 {strides = array<i32>} : memref<2128xf32, #tpu.memory_space<vmem>>, vector<16xf32>,
    %swap3A_84 = arith.constant 336 : index
    %swap3A_85 = tpu.vector_load %arg11[%swap3A_84] {strides = array<i32>} : memref<2128xf32, #tpu.memory_space<vmem>>, vector<16xf32>,
    tpu.vector_store %arg11[%swap3A_84], %broadcast_in_dim3A_0 {strides = array<i32>} : memref<2128xf32, #tpu.memory_space<vmem>>, vector<16xf32>,
    %swap3A_86 = arith.constant 336 : index
    %swap3A_87 = tpu.vector_load %arg12[%swap3A_86] {strides = array<i32>} : memref<2128xf32, #tpu.memory_space<vmem>>, vector<16xf32>,
    tpu.vector_store %arg12[%swap3A_86], %broadcast_in_dim3A_0 {strides = array<i32>} : memref<2128xf32, #tpu.memory_space<vmem>>, vector<16xf32>,
    %swap3A_88 = arith.constant 352 : index
    %swap3A_89 = tpu.vector_load %arg11[%swap3A_88] {strides = array<i32>} : memref<2128xf32, #tpu.memory_space<vmem>>, vector<16xf32>,
    tpu.vector_store %arg11[%swap3A_88], %broadcast_in_dim3A_0 {strides = array<i32>} : memref<2128xf32, #tpu.memory_space<vmem>>, vector<16xf32>,
    %swap3A_90 = arith.constant 352 : index
    %swap3A_91 = tpu.vector_load %arg12[%swap3A_90] {strides = array<i32>} : memref<2128xf32, #tpu.memory_space<vmem>>, vector<16xf32>,
    tpu.vector_store %arg12[%swap3A_90], %broadcast_in_dim3A_0 {strides = array<i32>} : memref<2128xf32, #tpu.memory_space<vmem>>, vector<16xf32>,
    %swap3A_92 = arith.constant 368 : index
    %swap3A_93 = tpu.vector_load %arg11[%swap3A_92] {strides = array<i32>} : memref<2128xf32, #tpu.memory_space<vmem>>, vector<16xf32>,
    tpu.vector_store %arg11[%swap3A_92], %broadcast_in_dim3A_0 {strides = array<i32>} : memref<2128xf32, #tpu.memory_space<vmem>>, vector<16xf32>,
    %swap3A_94 = arith.constant 368 : index
    %swap3A_95 = tpu.vector_load %arg12[%swap3A_94] {strides = array<i32>} : memref<2128xf32, #tpu.memory_space<vmem>>, vector<16xf32>,
    tpu.vector_store %arg12[%swap3A_94], %broadcast_in_dim3A_0 {strides = array<i32>} : memref<2128xf32, #tpu.memory_space<vmem>>, vector<16xf32>,
    %swap3A_96 = arith.constant 384 : index
    %swap3A_97 = tpu.vector_load %arg11[%swap3A_96] {strides = array<i32>} : memref<2128xf32, #tpu.memory_space<vmem>>, vector<16xf32>,
    tpu.vector_store %arg11[%swap3A_96], %broadcast_in_dim3A_0 {strides = array<i32>} : memref<2128xf32, #tpu.memory_space<vmem>>, vector<16xf32>,
    %swap3A_98 = arith.constant 384 : index
    %swap3A_99 = tpu.vector_load %arg12[%swap3A_98] {strides = array<i32>} : memref<2128xf32, #tpu.memory_space<vmem>>, vector<16xf32>,
    tpu.vector_store %arg12[%swap3A_98], %broadcast_in_dim3A_0 {strides = array<i32>} : memref<2128xf32, #tpu.memory_space<vmem>>, vector<16xf32>,
    %swap3A_100 = arith.constant 400 : index
    %swap3A_101 = tpu.vector_load %arg11[%swap3A_100] {strides = array<i32>} : memref<2128xf32, #tpu.memory_space<vmem>>, vector<16xf32>,
    tpu.vector_store %arg11[%swap3A_100], %broadcast_in_dim3A_0 {strides = array<i32>} : memref<2128xf32, #tpu.memory_space<vmem>>, vector<16xf32>,
    %swap3A_102 = arith.constant 400 : index
    %swap3A_103 = tpu.vector_load %arg12[%swap3A_102] {strides = array<i32>} : memref<2128xf32, #tpu.memory_space<vmem>>, vector<16xf32>,
    tpu.vector_store %arg12[%swap3A_102], %broadcast_in_dim3A_0 {strides = array<i32>} : memref<2128xf32, #tpu.memory_space<vmem>>, vector<16xf32>,
    %swap3A_104 = arith.constant 416 : index
    %swap3A_105 = tpu.vector_load %arg11[%swap3A_104] {strides = array<i32>} : memref<2128xf32, #tpu.memory_space<vmem>>, vector<16xf32>,
    tpu.vector_store %arg11[%swap3A_104], %broadcast_in_dim3A_0 {strides = array<i32>} : memref<2128xf32, #tpu.memory_space<vmem>>, vector<16xf32>,
    %swap3A_106 = arith.constant 416 : index
    %swap3A_107 = tpu.vector_load %arg12[%swap3A_106] {strides = array<i32>} : memref<2128xf32, #tpu.memory_space<vmem>>, vector<16xf32>,
    tpu.vector_store %arg12[%swap3A_106], %broadcast_in_dim3A_0 {strides = array<i32>} : memref<2128xf32, #tpu.memory_space<vmem>>, vector<16xf32>,
    %swap3A_108 = arith.constant 432 : index
    %swap3A_109 = tpu.vector_load %arg11[%swap3A_108] {strides = array<i32>} : memref<2128xf32, #tpu.memory_space<vmem>>, vector<16xf32>,
    tpu.vector_store %arg11[%swap3A_108], %broadcast_in_dim3A_0 {strides = array<i32>} : memref<2128xf32, #tpu.memory_space<vmem>>, vector<16xf32>,
    %swap3A_110 = arith.constant 432 : index
    %swap3A_111 = tpu.vector_load %arg12[%swap3A_110] {strides = array<i32>} : memref<2128xf32, #tpu.memory_space<vmem>>, vector<16xf32>,
    tpu.vector_store %arg12[%swap3A_110], %broadcast_in_dim3A_0 {strides = array<i32>} : memref<2128xf32, #tpu.memory_space<vmem>>, vector<16xf32>,
    %swap3A_112 = arith.constant 448 : index
    %swap3A_113 = tpu.vector_load %arg11[%swap3A_112] {strides = array<i32>} : memref<2128xf32, #tpu.memory_space<vmem>>, vector<16xf32>,
    tpu.vector_store %arg11[%swap3A_112], %broadcast_in_dim3A_0 {strides = array<i32>} : memref<2128xf32, #tpu.memory_space<vmem>>, vector<16xf32>,
    %swap3A_114 = arith.constant 448 : index
    %swap3A_115 = tpu.vector_load %arg12[%swap3A_114] {strides = array<i32>} : memref<2128xf32, #tpu.memory_space<vmem>>, vector<16xf32>,
    tpu.vector_store %arg12[%swap3A_114], %broadcast_in_dim3A_0 {strides = array<i32>} : memref<2128xf32, #tpu.memory_space<vmem>>, vector<16xf32>,
    %swap3A_116 = arith.constant 464 : index
    %swap3A_117 = tpu.vector_load %arg11[%swap3A_116] {strides = array<i32>} : memref<2128xf32, #tpu.memory_space<vmem>>, vector<16xf32>,
    tpu.vector_store %arg11[%swap3A_116], %broadcast_in_dim3A_0 {strides = array<i32>} : memref<2128xf32, #tpu.memory_space<vmem>>, vector<16xf32>,
    %swap3A_118 = arith.constant 464 : index
    %swap3A_119 = tpu.vector_load %arg12[%swap3A_118] {strides = array<i32>} : memref<2128xf32, #tpu.memory_space<vmem>>, vector<16xf32>,
    tpu.vector_store %arg12[%swap3A_118], %broadcast_in_dim3A_0 {strides = array<i32>} : memref<2128xf32, #tpu.memory_space<vmem>>, vector<16xf32>,
    %swap3A_120 = arith.constant 480 : index
    %swap3A_121 = tpu.vector_load %arg11[%swap3A_120] {strides = array<i32>} : memref<2128xf32, #tpu.memory_space<vmem>>, vector<16xf32>,
    tpu.vector_store %arg11[%swap3A_120], %broadcast_in_dim3A_0 {strides = array<i32>} : memref<2128xf32, #tpu.memory_space<vmem>>, vector<16xf32>,
    %swap3A_122 = arith.constant 480 : index
    %swap3A_123 = tpu.vector_load %arg12[%swap3A_122] {strides = array<i32>} : memref<2128xf32, #tpu.memory_space<vmem>>, vector<16xf32>,
    tpu.vector_store %arg12[%swap3A_122], %broadcast_in_dim3A_0 {strides = array<i32>} : memref<2128xf32, #tpu.memory_space<vmem>>, vector<16xf32>,
    %swap3A_124 = arith.constant 496 : index
    %swap3A_125 = tpu.vector_load %arg11[%swap3A_124] {strides = array<i32>} : memref<2128xf32, #tpu.memory_space<vmem>>, vector<16xf32>,
    tpu.vector_store %arg11[%swap3A_124], %broadcast_in_dim3A_0 {strides = array<i32>} : memref<2128xf32, #tpu.memory_space<vmem>>, vector<16xf32>,
    %swap3A_126 = arith.constant 496 : index
    %swap3A_127 = tpu.vector_load %arg12[%swap3A_126] {strides = array<i32>} : memref<2128xf32, #tpu.memory_space<vmem>>, vector<16xf32>,
    tpu.vector_store %arg12[%swap3A_126], %broadcast_in_dim3A_0 {strides = array<i32>} : memref<2128xf32, #tpu.memory_space<vmem>>, vector<16xf32>,
    %swap3A_128 = arith.constant 512 : index
    %swap3A_129 = tpu.vector_load %arg11[%swap3A_128] {strides = array<i32>} : memref<2128xf32, #tpu.memory_space<vmem>>, vector<16xf32>,
    tpu.vector_store %arg11[%swap3A_128], %broadcast_in_dim3A_0 {strides = array<i32>} : memref<2128xf32, #tpu.memory_space<vmem>>, vector<16xf32>,
    %swap3A_130 = arith.constant 512 : index
    %swap3A_131 = tpu.vector_load %arg12[%swap3A_130] {strides = array<i32>} : memref<2128xf32, #tpu.memory_space<vmem>>, vector<16xf32>,
    tpu.vector_store %arg12[%swap3A_130], %broadcast_in_dim3A_0 {strides = array<i32>} : memref<2128xf32, #tpu.memory_space<vmem>>, vector<16xf32>,
    %swap3A_132 = arith.constant 528 : index
    %swap3A_133 = tpu.vector_load %arg11[%swap3A_132] {strides = array<i32>} : memref<2128xf32, #tpu.memory_space<vmem>>, vector<16xf32>,
    tpu.vector_store %arg11[%swap3A_132], %broadcast_in_dim3A_0 {strides = array<i32>} : memref<2128xf32, #tpu.memory_space<vmem>>, vector<16xf32>,
    %swap3A_134 = arith.constant 528 : index
    %swap3A_135 = tpu.vector_load %arg12[%swap3A_134] {strides = array<i32>} : memref<2128xf32, #tpu.memory_space<vmem>>, vector<16xf32>,
    tpu.vector_store %arg12[%swap3A_134], %broadcast_in_dim3A_0 {strides = array<i32>} : memref<2128xf32, #tpu.memory_space<vmem>>, vector<16xf32>,
    %swap3A_136 = arith.constant 544 : index
    %swap3A_137 = tpu.vector_load %arg11[%swap3A_136] {strides = array<i32>} : memref<2128xf32, #tpu.memory_space<vmem>>, vector<16xf32>,
    tpu.vector_store %arg11[%swap3A_136], %broadcast_in_dim3A_0 {strides = array<i32>} : memref<2128xf32, #tpu.memory_space<vmem>>, vector<16xf32>,
    %swap3A_138 = arith.constant 544 : index
    %swap3A_139 = tpu.vector_load %arg12[%swap3A_138] {strides = array<i32>} : memref<2128xf32, #tpu.memory_space<vmem>>, vector<16xf32>,
    tpu.vector_store %arg12[%swap3A_138], %broadcast_in_dim3A_0 {strides = array<i32>} : memref<2128xf32, #tpu.memory_space<vmem>>, vector<16xf32>,
    %swap3A_140 = arith.constant 560 : index
    %swap3A_141 = tpu.vector_load %arg11[%swap3A_140] {strides = array<i32>} : memref<2128xf32, #tpu.memory_space<vmem>>, vector<16xf32>,
    tpu.vector_store %arg11[%swap3A_140], %broadcast_in_dim3A_0 {strides = array<i32>} : memref<2128xf32, #tpu.memory_space<vmem>>, vector<16xf32>,
    %swap3A_142 = arith.constant 560 : index
    %swap3A_143 = tpu.vector_load %arg12[%swap3A_142] {strides = array<i32>} : memref<2128xf32, #tpu.memory_space<vmem>>, vector<16xf32>,
    tpu.vector_store %arg12[%swap3A_142], %broadcast_in_dim3A_0 {strides = array<i32>} : memref<2128xf32, #tpu.memory_space<vmem>>, vector<16xf32>,
    %swap3A_144 = arith.constant 576 : index
    %swap3A_145 = tpu.vector_load %arg11[%swap3A_144] {strides = array<i32>} : memref<2128xf32, #tpu.memory_space<vmem>>, vector<16xf32>,
    tpu.vector_store %arg11[%swap3A_144], %broadcast_in_dim3A_0 {strides = array<i32>} : memref<2128xf32, #tpu.memory_space<vmem>>, vector<16xf32>,
    %swap3A_146 = arith.constant 576 : index
    %swap3A_147 = tpu.vector_load %arg12[%swap3A_146] {strides = array<i32>} : memref<2128xf32, #tpu.memory_space<vmem>>, vector<16xf32>,
    tpu.vector_store %arg12[%swap3A_146], %broadcast_in_dim3A_0 {strides = array<i32>} : memref<2128xf32, #tpu.memory_space<vmem>>, vector<16xf32>,
    %swap3A_148 = arith.constant 592 : index
    %swap3A_149 = tpu.vector_load %arg11[%swap3A_148] {strides = array<i32>} : memref<2128xf32, #tpu.memory_space<vmem>>, vector<16xf32>,
    tpu.vector_store %arg11[%swap3A_148], %broadcast_in_dim3A_0 {strides = array<i32>} : memref<2128xf32, #tpu.memory_space<vmem>>, vector<16xf32>,
    %swap3A_150 = arith.constant 592 : index
    %swap3A_151 = tpu.vector_load %arg12[%swap3A_150] {strides = array<i32>} : memref<2128xf32, #tpu.memory_space<vmem>>, vector<16xf32>,
    tpu.vector_store %arg12[%swap3A_150], %broadcast_in_dim3A_0 {strides = array<i32>} : memref<2128xf32, #tpu.memory_space<vmem>>, vector<16xf32>,
    %swap3A_152 = arith.constant 608 : index
    %swap3A_153 = tpu.vector_load %arg11[%swap3A_152] {strides = array<i32>} : memref<2128xf32, #tpu.memory_space<vmem>>, vector<16xf32>,
    tpu.vector_store %arg11[%swap3A_152], %broadcast_in_dim3A_0 {strides = array<i32>} : memref<2128xf32, #tpu.memory_space<vmem>>, vector<16xf32>,
    %swap3A_154 = arith.constant 608 : index
    %swap3A_155 = tpu.vector_load %arg12[%swap3A_154] {strides = array<i32>} : memref<2128xf32, #tpu.memory_space<vmem>>, vector<16xf32>,
    tpu.vector_store %arg12[%swap3A_154], %broadcast_in_dim3A_0 {strides = array<i32>} : memref<2128xf32, #tpu.memory_space<vmem>>, vector<16xf32>,
    %swap3A_156 = arith.constant 624 : index
    %swap3A_157 = tpu.vector_load %arg11[%swap3A_156] {strides = array<i32>} : memref<2128xf32, #tpu.memory_space<vmem>>, vector<16xf32>,
    tpu.vector_store %arg11[%swap3A_156], %broadcast_in_dim3A_0 {strides = array<i32>} : memref<2128xf32, #tpu.memory_space<vmem>>, vector<16xf32>,
    %swap3A_158 = arith.constant 624 : index
    %swap3A_159 = tpu.vector_load %arg12[%swap3A_158] {strides = array<i32>} : memref<2128xf32, #tpu.memory_space<vmem>>, vector<16xf32>,
    tpu.vector_store %arg12[%swap3A_158], %broadcast_in_dim3A_0 {strides = array<i32>} : memref<2128xf32, #tpu.memory_space<vmem>>, vector<16xf32>,
    %swap3A_160 = arith.constant 640 : index
    %swap3A_161 = tpu.vector_load %arg11[%swap3A_160] {strides = array<i32>} : memref<2128xf32, #tpu.memory_space<vmem>>, vector<16xf32>,
    tpu.vector_store %arg11[%swap3A_160], %broadcast_in_dim3A_0 {strides = array<i32>} : memref<2128xf32, #tpu.memory_space<vmem>>, vector<16xf32>,
    %swap3A_162 = arith.constant 640 : index
    %swap3A_163 = tpu.vector_load %arg12[%swap3A_162] {strides = array<i32>} : memref<2128xf32, #tpu.memory_space<vmem>>, vector<16xf32>,
    tpu.vector_store %arg12[%swap3A_162], %broadcast_in_dim3A_0 {strides = array<i32>} : memref<2128xf32, #tpu.memory_space<vmem>>, vector<16xf32>,
    %swap3A_164 = arith.constant 656 : index
    %swap3A_165 = tpu.vector_load %arg11[%swap3A_164] {strides = array<i32>} : memref<2128xf32, #tpu.memory_space<vmem>>, vector<16xf32>,
    tpu.vector_store %arg11[%swap3A_164], %broadcast_in_dim3A_0 {strides = array<i32>} : memref<2128xf32, #tpu.memory_space<vmem>>, vector<16xf32>,
    %swap3A_166 = arith.constant 656 : index
    %swap3A_167 = tpu.vector_load %arg12[%swap3A_166] {strides = array<i32>} : memref<2128xf32, #tpu.memory_space<vmem>>, vector<16xf32>,
    tpu.vector_store %arg12[%swap3A_166], %broadcast_in_dim3A_0 {strides = array<i32>} : memref<2128xf32, #tpu.memory_space<vmem>>, vector<16xf32>,
    %swap3A_168 = arith.constant 672 : index
    %swap3A_169 = tpu.vector_load %arg11[%swap3A_168] {strides = array<i32>} : memref<2128xf32, #tpu.memory_space<vmem>>, vector<16xf32>,
    tpu.vector_store %arg11[%swap3A_168], %broadcast_in_dim3A_0 {strides = array<i32>} : memref<2128xf32, #tpu.memory_space<vmem>>, vector<16xf32>,
    %swap3A_170 = arith.constant 672 : index
    %swap3A_171 = tpu.vector_load %arg12[%swap3A_170] {strides = array<i32>} : memref<2128xf32, #tpu.memory_space<vmem>>, vector<16xf32>,
    tpu.vector_store %arg12[%swap3A_170], %broadcast_in_dim3A_0 {strides = array<i32>} : memref<2128xf32, #tpu.memory_space<vmem>>, vector<16xf32>,
    %swap3A_172 = arith.constant 688 : index
    %swap3A_173 = tpu.vector_load %arg11[%swap3A_172] {strides = array<i32>} : memref<2128xf32, #tpu.memory_space<vmem>>, vector<16xf32>,
    tpu.vector_store %arg11[%swap3A_172], %broadcast_in_dim3A_0 {strides = array<i32>} : memref<2128xf32, #tpu.memory_space<vmem>>, vector<16xf32>,
    %swap3A_174 = arith.constant 688 : index
    %swap3A_175 = tpu.vector_load %arg12[%swap3A_174] {strides = array<i32>} : memref<2128xf32, #tpu.memory_space<vmem>>, vector<16xf32>,
    tpu.vector_store %arg12[%swap3A_174], %broadcast_in_dim3A_0 {strides = array<i32>} : memref<2128xf32, #tpu.memory_space<vmem>>, vector<16xf32>,
    %swap3A_176 = arith.constant 704 : index
    %swap3A_177 = tpu.vector_load %arg11[%swap3A_176] {strides = array<i32>} : memref<2128xf32, #tpu.memory_space<vmem>>, vector<16xf32>,
    tpu.vector_store %arg11[%swap3A_176], %broadcast_in_dim3A_0 {strides = array<i32>} : memref<2128xf32, #tpu.memory_space<vmem>>, vector<16xf32>,
    %swap3A_178 = arith.constant 704 : index
    %swap3A_179 = tpu.vector_load %arg12[%swap3A_178] {strides = array<i32>} : memref<2128xf32, #tpu.memory_space<vmem>>, vector<16xf32>,
    tpu.vector_store %arg12[%swap3A_178], %broadcast_in_dim3A_0 {strides = array<i32>} : memref<2128xf32, #tpu.memory_space<vmem>>, vector<16xf32>,
    %swap3A_180 = arith.constant 720 : index
    %swap3A_181 = tpu.vector_load %arg11[%swap3A_180] {strides = array<i32>} : memref<2128xf32, #tpu.memory_space<vmem>>, vector<16xf32>,
    tpu.vector_store %arg11[%swap3A_180], %broadcast_in_dim3A_0 {strides = array<i32>} : memref<2128xf32, #tpu.memory_space<vmem>>, vector<16xf32>,
    %swap3A_182 = arith.constant 720 : index
    %swap3A_183 = tpu.vector_load %arg12[%swap3A_182] {strides = array<i32>} : memref<2128xf32, #tpu.memory_space<vmem>>, vector<16xf32>,
    tpu.vector_store %arg12[%swap3A_182], %broadcast_in_dim3A_0 {strides = array<i32>} : memref<2128xf32, #tpu.memory_space<vmem>>, vector<16xf32>,
    %swap3A_184 = arith.constant 736 : index
    %swap3A_185 = tpu.vector_load %arg11[%swap3A_184] {strides = array<i32>} : memref<2128xf32, #tpu.memory_space<vmem>>, vector<16xf32>,
    tpu.vector_store %arg11[%swap3A_184], %broadcast_in_dim3A_0 {strides = array<i32>} : memref<2128xf32, #tpu.memory_space<vmem>>, vector<16xf32>,
    %swap3A_186 = arith.constant 736 : index
    %swap3A_187 = tpu.vector_load %arg12[%swap3A_186] {strides = array<i32>} : memref<2128xf32, #tpu.memory_space<vmem>>, vector<16xf32>,
    tpu.vector_store %arg12[%swap3A_186], %broadcast_in_dim3A_0 {strides = array<i32>} : memref<2128xf32, #tpu.memory_space<vmem>>, vector<16xf32>,
    %swap3A_188 = arith.constant 752 : index
    %swap3A_189 = tpu.vector_load %arg11[%swap3A_188] {strides = array<i32>} : memref<2128xf32, #tpu.memory_space<vmem>>, vector<16xf32>,
    tpu.vector_store %arg11[%swap3A_188], %broadcast_in_dim3A_0 {strides = array<i32>} : memref<2128xf32, #tpu.memory_space<vmem>>, vector<16xf32>,
    %swap3A_190 = arith.constant 752 : index
    %swap3A_191 = tpu.vector_load %arg12[%swap3A_190] {strides = array<i32>} : memref<2128xf32, #tpu.memory_space<vmem>>, vector<16xf32>,
    tpu.vector_store %arg12[%swap3A_190], %broadcast_in_dim3A_0 {strides = array<i32>} : memref<2128xf32, #tpu.memory_space<vmem>>, vector<16xf32>,
    %swap3A_192 = arith.constant 768 : index
    %swap3A_193 = tpu.vector_load %arg11[%swap3A_192] {strides = array<i32>} : memref<2128xf32, #tpu.memory_space<vmem>>, vector<16xf32>,
    tpu.vector_store %arg11[%swap3A_192], %broadcast_in_dim3A_0 {strides = array<i32>} : memref<2128xf32, #tpu.memory_space<vmem>>, vector<16xf32>,
    %swap3A_194 = arith.constant 768 : index
    %swap3A_195 = tpu.vector_load %arg12[%swap3A_194] {strides = array<i32>} : memref<2128xf32, #tpu.memory_space<vmem>>, vector<16xf32>,
    tpu.vector_store %arg12[%swap3A_194], %broadcast_in_dim3A_0 {strides = array<i32>} : memref<2128xf32, #tpu.memory_space<vmem>>, vector<16xf32>,
    %swap3A_196 = arith.constant 784 : index
    %swap3A_197 = tpu.vector_load %arg11[%swap3A_196] {strides = array<i32>} : memref<2128xf32, #tpu.memory_space<vmem>>, vector<16xf32>,
    tpu.vector_store %arg11[%swap3A_196], %broadcast_in_dim3A_0 {strides = array<i32>} : memref<2128xf32, #tpu.memory_space<vmem>>, vector<16xf32>,
    %swap3A_198 = arith.constant 784 : index
    %swap3A_199 = tpu.vector_load %arg12[%swap3A_198] {strides = array<i32>} : memref<2128xf32, #tpu.memory_space<vmem>>, vector<16xf32>,
    tpu.vector_store %arg12[%swap3A_198], %broadcast_in_dim3A_0 {strides = array<i32>} : memref<2128xf32, #tpu.memory_space<vmem>>, vector<16xf32>,
    %swap3A_200 = arith.constant 800 : index
    %swap3A_201 = tpu.vector_load %arg11[%swap3A_200] {strides = array<i32>} : memref<2128xf32, #tpu.memory_space<vmem>>, vector<16xf32>,
    tpu.vector_store %arg11[%swap3A_200], %broadcast_in_dim3A_0 {strides = array<i32>} : memref<2128xf32, #tpu.memory_space<vmem>>, vector<16xf32>,
    %swap3A_202 = arith.constant 800 : index
    %swap3A_203 = tpu.vector_load %arg12[%swap3A_202] {strides = array<i32>} : memref<2128xf32, #tpu.memory_space<vmem>>, vector<16xf32>,
    tpu.vector_store %arg12[%swap3A_202], %broadcast_in_dim3A_0 {strides = array<i32>} : memref<2128xf32, #tpu.memory_space<vmem>>, vector<16xf32>,
    %swap3A_204 = arith.constant 816 : index
    %swap3A_205 = tpu.vector_load %arg11[%swap3A_204] {strides = array<i32>} : memref<2128xf32, #tpu.memory_space<vmem>>, vector<16xf32>,
    tpu.vector_store %arg11[%swap3A_204], %broadcast_in_dim3A_0 {strides = array<i32>} : memref<2128xf32, #tpu.memory_space<vmem>>, vector<16xf32>,
    %swap3A_206 = arith.constant 816 : index
    %swap3A_207 = tpu.vector_load %arg12[%swap3A_206] {strides = array<i32>} : memref<2128xf32, #tpu.memory_space<vmem>>, vector<16xf32>,
    tpu.vector_store %arg12[%swap3A_206], %broadcast_in_dim3A_0 {strides = array<i32>} : memref<2128xf32, #tpu.memory_space<vmem>>, vector<16xf32>,
    %swap3A_208 = arith.constant 832 : index
    %swap3A_209 = tpu.vector_load %arg11[%swap3A_208] {strides = array<i32>} : memref<2128xf32, #tpu.memory_space<vmem>>, vector<16xf32>,
    tpu.vector_store %arg11[%swap3A_208], %broadcast_in_dim3A_0 {strides = array<i32>} : memref<2128xf32, #tpu.memory_space<vmem>>, vector<16xf32>,
    %swap3A_210 = arith.constant 832 : index
    %swap3A_211 = tpu.vector_load %arg12[%swap3A_210] {strides = array<i32>} : memref<2128xf32, #tpu.memory_space<vmem>>, vector<16xf32>,
    tpu.vector_store %arg12[%swap3A_210], %broadcast_in_dim3A_0 {strides = array<i32>} : memref<2128xf32, #tpu.memory_space<vmem>>, vector<16xf32>,
    %swap3A_212 = arith.constant 848 : index
    %swap3A_213 = tpu.vector_load %arg11[%swap3A_212] {strides = array<i32>} : memref<2128xf32, #tpu.memory_space<vmem>>, vector<16xf32>,
    tpu.vector_store %arg11[%swap3A_212], %broadcast_in_dim3A_0 {strides = array<i32>} : memref<2128xf32, #tpu.memory_space<vmem>>, vector<16xf32>,
    %swap3A_214 = arith.constant 848 : index
    %swap3A_215 = tpu.vector_load %arg12[%swap3A_214] {strides = array<i32>} : memref<2128xf32, #tpu.memory_space<vmem>>, vector<16xf32>,
    tpu.vector_store %arg12[%swap3A_214], %broadcast_in_dim3A_0 {strides = array<i32>} : memref<2128xf32, #tpu.memory_space<vmem>>, vector<16xf32>,
    %swap3A_216 = arith.constant 864 : index
    %swap3A_217 = tpu.vector_load %arg11[%swap3A_216] {strides = array<i32>} : memref<2128xf32, #tpu.memory_space<vmem>>, vector<16xf32>,
    tpu.vector_store %arg11[%swap3A_216], %broadcast_in_dim3A_0 {strides = array<i32>} : memref<2128xf32, #tpu.memory_space<vmem>>, vector<16xf32>,
    %swap3A_218 = arith.constant 864 : index
    %swap3A_219 = tpu.vector_load %arg12[%swap3A_218] {strides = array<i32>} : memref<2128xf32, #tpu.memory_space<vmem>>, vector<16xf32>,
    tpu.vector_store %arg12[%swap3A_218], %broadcast_in_dim3A_0 {strides = array<i32>} : memref<2128xf32, #tpu.memory_space<vmem>>, vector<16xf32>,
    %swap3A_220 = arith.constant 880 : index
    %swap3A_221 = tpu.vector_load %arg11[%swap3A_220] {strides = array<i32>} : memref<2128xf32, #tpu.memory_space<vmem>>, vector<16xf32>,
    tpu.vector_store %arg11[%swap3A_220], %broadcast_in_dim3A_0 {strides = array<i32>} : memref<2128xf32, #tpu.memory_space<vmem>>, vector<16xf32>,
    %swap3A_222 = arith.constant 880 : index
    %swap3A_223 = tpu.vector_load %arg12[%swap3A_222] {strides = array<i32>} : memref<2128xf32, #tpu.memory_space<vmem>>, vector<16xf32>,
    tpu.vector_store %arg12[%swap3A_222], %broadcast_in_dim3A_0 {strides = array<i32>} : memref<2128xf32, #tpu.memory_space<vmem>>, vector<16xf32>,
    %swap3A_224 = arith.constant 896 : index
    %swap3A_225 = tpu.vector_load %arg11[%swap3A_224] {strides = array<i32>} : memref<2128xf32, #tpu.memory_space<vmem>>, vector<16xf32>,
    tpu.vector_store %arg11[%swap3A_224], %broadcast_in_dim3A_0 {strides = array<i32>} : memref<2128xf32, #tpu.memory_space<vmem>>, vector<16xf32>,
    %swap3A_226 = arith.constant 896 : index
    %swap3A_227 = tpu.vector_load %arg12[%swap3A_226] {strides = array<i32>} : memref<2128xf32, #tpu.memory_space<vmem>>, vector<16xf32>,
    tpu.vector_store %arg12[%swap3A_226], %broadcast_in_dim3A_0 {strides = array<i32>} : memref<2128xf32, #tpu.memory_space<vmem>>, vector<16xf32>,
    %swap3A_228 = arith.constant 912 : index
    %swap3A_229 = tpu.vector_load %arg11[%swap3A_228] {strides = array<i32>} : memref<2128xf32, #tpu.memory_space<vmem>>, vector<16xf32>,
    tpu.vector_store %arg11[%swap3A_228], %broadcast_in_dim3A_0 {strides = array<i32>} : memref<2128xf32, #tpu.memory_space<vmem>>, vector<16xf32>,
    %swap3A_230 = arith.constant 912 : index
    %swap3A_231 = tpu.vector_load %arg12[%swap3A_230] {strides = array<i32>} : memref<2128xf32, #tpu.memory_space<vmem>>, vector<16xf32>,
    tpu.vector_store %arg12[%swap3A_230], %broadcast_in_dim3A_0 {strides = array<i32>} : memref<2128xf32, #tpu.memory_space<vmem>>, vector<16xf32>,
    %swap3A_232 = arith.constant 928 : index
    %swap3A_233 = tpu.vector_load %arg11[%swap3A_232] {strides = array<i32>} : memref<2128xf32, #tpu.memory_space<vmem>>, vector<16xf32>,
    tpu.vector_store %arg11[%swap3A_232], %broadcast_in_dim3A_0 {strides = array<i32>} : memref<2128xf32, #tpu.memory_space<vmem>>, vector<16xf32>,
    %swap3A_234 = arith.constant 928 : index
    %swap3A_235 = tpu.vector_load %arg12[%swap3A_234] {strides = array<i32>} : memref<2128xf32, #tpu.memory_space<vmem>>, vector<16xf32>,
    tpu.vector_store %arg12[%swap3A_234], %broadcast_in_dim3A_0 {strides = array<i32>} : memref<2128xf32, #tpu.memory_space<vmem>>, vector<16xf32>,
    %swap3A_236 = arith.constant 944 : index
    %swap3A_237 = tpu.vector_load %arg11[%swap3A_236] {strides = array<i32>} : memref<2128xf32, #tpu.memory_space<vmem>>, vector<16xf32>,
    tpu.vector_store %arg11[%swap3A_236], %broadcast_in_dim3A_0 {strides = array<i32>} : memref<2128xf32, #tpu.memory_space<vmem>>, vector<16xf32>,
    %swap3A_238 = arith.constant 944 : index
    %swap3A_239 = tpu.vector_load %arg12[%swap3A_238] {strides = array<i32>} : memref<2128xf32, #tpu.memory_space<vmem>>, vector<16xf32>,
    tpu.vector_store %arg12[%swap3A_238], %broadcast_in_dim3A_0 {strides = array<i32>} : memref<2128xf32, #tpu.memory_space<vmem>>, vector<16xf32>,
    %swap3A_240 = arith.constant 960 : index
    %swap3A_241 = tpu.vector_load %arg11[%swap3A_240] {strides = array<i32>} : memref<2128xf32, #tpu.memory_space<vmem>>, vector<16xf32>,
    tpu.vector_store %arg11[%swap3A_240], %broadcast_in_dim3A_0 {strides = array<i32>} : memref<2128xf32, #tpu.memory_space<vmem>>, vector<16xf32>,
    %swap3A_242 = arith.constant 960 : index
    %swap3A_243 = tpu.vector_load %arg12[%swap3A_242] {strides = array<i32>} : memref<2128xf32, #tpu.memory_space<vmem>>, vector<16xf32>,
    tpu.vector_store %arg12[%swap3A_242], %broadcast_in_dim3A_0 {strides = array<i32>} : memref<2128xf32, #tpu.memory_space<vmem>>, vector<16xf32>,
    %swap3A_244 = arith.constant 976 : index
    %swap3A_245 = tpu.vector_load %arg11[%swap3A_244] {strides = array<i32>} : memref<2128xf32, #tpu.memory_space<vmem>>, vector<16xf32>,
    tpu.vector_store %arg11[%swap3A_244], %broadcast_in_dim3A_0 {strides = array<i32>} : memref<2128xf32, #tpu.memory_space<vmem>>, vector<16xf32>,
    %swap3A_246 = arith.constant 976 : index
    %swap3A_247 = tpu.vector_load %arg12[%swap3A_246] {strides = array<i32>} : memref<2128xf32, #tpu.memory_space<vmem>>, vector<16xf32>,
    tpu.vector_store %arg12[%swap3A_246], %broadcast_in_dim3A_0 {strides = array<i32>} : memref<2128xf32, #tpu.memory_space<vmem>>, vector<16xf32>,
    %swap3A_248 = arith.constant 992 : index
    %swap3A_249 = tpu.vector_load %arg11[%swap3A_248] {strides = array<i32>} : memref<2128xf32, #tpu.memory_space<vmem>>, vector<16xf32>,
    tpu.vector_store %arg11[%swap3A_248], %broadcast_in_dim3A_0 {strides = array<i32>} : memref<2128xf32, #tpu.memory_space<vmem>>, vector<16xf32>,
    %swap3A_250 = arith.constant 992 : index
    %swap3A_251 = tpu.vector_load %arg12[%swap3A_250] {strides = array<i32>} : memref<2128xf32, #tpu.memory_space<vmem>>, vector<16xf32>,
    tpu.vector_store %arg12[%swap3A_250], %broadcast_in_dim3A_0 {strides = array<i32>} : memref<2128xf32, #tpu.memory_space<vmem>>, vector<16xf32>,
    %swap3A_252 = arith.constant 1008 : index
    %swap3A_253 = tpu.vector_load %arg11[%swap3A_252] {strides = array<i32>} : memref<2128xf32, #tpu.memory_space<vmem>>, vector<16xf32>,
    tpu.vector_store %arg11[%swap3A_252], %broadcast_in_dim3A_0 {strides = array<i32>} : memref<2128xf32, #tpu.memory_space<vmem>>, vector<16xf32>,
    %swap3A_254 = arith.constant 1008 : index
    %swap3A_255 = tpu.vector_load %arg12[%swap3A_254] {strides = array<i32>} : memref<2128xf32, #tpu.memory_space<vmem>>, vector<16xf32>,
    tpu.vector_store %arg12[%swap3A_254], %broadcast_in_dim3A_0 {strides = array<i32>} : memref<2128xf32, #tpu.memory_space<vmem>>, vector<16xf32>,
    %swap3A_256 = arith.constant 1024 : index
    %swap3A_257 = tpu.vector_load %arg11[%swap3A_256] {strides = array<i32>} : memref<2128xf32, #tpu.memory_space<vmem>>, vector<16xf32>,
    tpu.vector_store %arg11[%swap3A_256], %broadcast_in_dim3A_0 {strides = array<i32>} : memref<2128xf32, #tpu.memory_space<vmem>>, vector<16xf32>,
    %swap3A_258 = arith.constant 1024 : index
    %swap3A_259 = tpu.vector_load %arg12[%swap3A_258] {strides = array<i32>} : memref<2128xf32, #tpu.memory_space<vmem>>, vector<16xf32>,
    tpu.vector_store %arg12[%swap3A_258], %broadcast_in_dim3A_0 {strides = array<i32>} : memref<2128xf32, #tpu.memory_space<vmem>>, vector<16xf32>,
    %swap3A_260 = arith.constant 1040 : index
    %swap3A_261 = tpu.vector_load %arg11[%swap3A_260] {strides = array<i32>} : memref<2128xf32, #tpu.memory_space<vmem>>, vector<16xf32>,
    tpu.vector_store %arg11[%swap3A_260], %broadcast_in_dim3A_0 {strides = array<i32>} : memref<2128xf32, #tpu.memory_space<vmem>>, vector<16xf32>,
    %swap3A_262 = arith.constant 1040 : index
    %swap3A_263 = tpu.vector_load %arg12[%swap3A_262] {strides = array<i32>} : memref<2128xf32, #tpu.memory_space<vmem>>, vector<16xf32>,
    tpu.vector_store %arg12[%swap3A_262], %broadcast_in_dim3A_0 {strides = array<i32>} : memref<2128xf32, #tpu.memory_space<vmem>>, vector<16xf32>,
    %swap3A_264 = arith.constant 1056 : index
    %swap3A_265 = tpu.vector_load %arg11[%swap3A_264] {strides = array<i32>} : memref<2128xf32, #tpu.memory_space<vmem>>, vector<16xf32>,
    tpu.vector_store %arg11[%swap3A_264], %broadcast_in_dim3A_0 {strides = array<i32>} : memref<2128xf32, #tpu.memory_space<vmem>>, vector<16xf32>,
    %swap3A_266 = arith.constant 1056 : index
    %swap3A_267 = tpu.vector_load %arg12[%swap3A_266] {strides = array<i32>} : memref<2128xf32, #tpu.memory_space<vmem>>, vector<16xf32>,
    tpu.vector_store %arg12[%swap3A_266], %broadcast_in_dim3A_0 {strides = array<i32>} : memref<2128xf32, #tpu.memory_space<vmem>>, vector<16xf32>,
    %swap3A_268 = arith.constant 1072 : index
    %swap3A_269 = tpu.vector_load %arg11[%swap3A_268] {strides = array<i32>} : memref<2128xf32, #tpu.memory_space<vmem>>, vector<16xf32>,
    tpu.vector_store %arg11[%swap3A_268], %broadcast_in_dim3A_0 {strides = array<i32>} : memref<2128xf32, #tpu.memory_space<vmem>>, vector<16xf32>,
    %swap3A_270 = arith.constant 1072 : index
    %swap3A_271 = tpu.vector_load %arg12[%swap3A_270] {strides = array<i32>} : memref<2128xf32, #tpu.memory_space<vmem>>, vector<16xf32>,
    tpu.vector_store %arg12[%swap3A_270], %broadcast_in_dim3A_0 {strides = array<i32>} : memref<2128xf32, #tpu.memory_space<vmem>>, vector<16xf32>,
    %swap3A_272 = arith.constant 1088 : index
    %swap3A_273 = tpu.vector_load %arg11[%swap3A_272] {strides = array<i32>} : memref<2128xf32, #tpu.memory_space<vmem>>, vector<16xf32>,
    tpu.vector_store %arg11[%swap3A_272], %broadcast_in_dim3A_0 {strides = array<i32>} : memref<2128xf32, #tpu.memory_space<vmem>>, vector<16xf32>,
    %swap3A_274 = arith.constant 1088 : index
    %swap3A_275 = tpu.vector_load %arg12[%swap3A_274] {strides = array<i32>} : memref<2128xf32, #tpu.memory_space<vmem>>, vector<16xf32>,
    tpu.vector_store %arg12[%swap3A_274], %broadcast_in_dim3A_0 {strides = array<i32>} : memref<2128xf32, #tpu.memory_space<vmem>>, vector<16xf32>,
    %swap3A_276 = arith.constant 1104 : index
    %swap3A_277 = tpu.vector_load %arg11[%swap3A_276] {strides = array<i32>} : memref<2128xf32, #tpu.memory_space<vmem>>, vector<16xf32>,
    tpu.vector_store %arg11[%swap3A_276], %broadcast_in_dim3A_0 {strides = array<i32>} : memref<2128xf32, #tpu.memory_space<vmem>>, vector<16xf32>,
    %swap3A_278 = arith.constant 1104 : index
    %swap3A_279 = tpu.vector_load %arg12[%swap3A_278] {strides = array<i32>} : memref<2128xf32, #tpu.memory_space<vmem>>, vector<16xf32>,
    tpu.vector_store %arg12[%swap3A_278], %broadcast_in_dim3A_0 {strides = array<i32>} : memref<2128xf32, #tpu.memory_space<vmem>>, vector<16xf32>,
    %swap3A_280 = arith.constant 1120 : index
    %swap3A_281 = tpu.vector_load %arg11[%swap3A_280] {strides = array<i32>} : memref<2128xf32, #tpu.memory_space<vmem>>, vector<16xf32>,
    tpu.vector_store %arg11[%swap3A_280], %broadcast_in_dim3A_0 {strides = array<i32>} : memref<2128xf32, #tpu.memory_space<vmem>>, vector<16xf32>,
    %swap3A_282 = arith.constant 1120 : index
    %swap3A_283 = tpu.vector_load %arg12[%swap3A_282] {strides = array<i32>} : memref<2128xf32, #tpu.memory_space<vmem>>, vector<16xf32>,
    tpu.vector_store %arg12[%swap3A_282], %broadcast_in_dim3A_0 {strides = array<i32>} : memref<2128xf32, #tpu.memory_space<vmem>>, vector<16xf32>,
    %swap3A_284 = arith.constant 1136 : index
    %swap3A_285 = tpu.vector_load %arg11[%swap3A_284] {strides = array<i32>} : memref<2128xf32, #tpu.memory_space<vmem>>, vector<16xf32>,
    tpu.vector_store %arg11[%swap3A_284], %broadcast_in_dim3A_0 {strides = array<i32>} : memref<2128xf32, #tpu.memory_space<vmem>>, vector<16xf32>,
    %swap3A_286 = arith.constant 1136 : index
    %swap3A_287 = tpu.vector_load %arg12[%swap3A_286] {strides = array<i32>} : memref<2128xf32, #tpu.memory_space<vmem>>, vector<16xf32>,
    tpu.vector_store %arg12[%swap3A_286], %broadcast_in_dim3A_0 {strides = array<i32>} : memref<2128xf32, #tpu.memory_space<vmem>>, vector<16xf32>,
    %swap3A_288 = arith.constant 1152 : index
    %swap3A_289 = tpu.vector_load %arg11[%swap3A_288] {strides = array<i32>} : memref<2128xf32, #tpu.memory_space<vmem>>, vector<16xf32>,
    tpu.vector_store %arg11[%swap3A_288], %broadcast_in_dim3A_0 {strides = array<i32>} : memref<2128xf32, #tpu.memory_space<vmem>>, vector<16xf32>,
    %swap3A_290 = arith.constant 1152 : index
    %swap3A_291 = tpu.vector_load %arg12[%swap3A_290] {strides = array<i32>} : memref<2128xf32, #tpu.memory_space<vmem>>, vector<16xf32>,
    tpu.vector_store %arg12[%swap3A_290], %broadcast_in_dim3A_0 {strides = array<i32>} : memref<2128xf32, #tpu.memory_space<vmem>>, vector<16xf32>,
    %swap3A_292 = arith.constant 1168 : index
    %swap3A_293 = tpu.vector_load %arg11[%swap3A_292] {strides = array<i32>} : memref<2128xf32, #tpu.memory_space<vmem>>, vector<16xf32>,
    tpu.vector_store %arg11[%swap3A_292], %broadcast_in_dim3A_0 {strides = array<i32>} : memref<2128xf32, #tpu.memory_space<vmem>>, vector<16xf32>,
    %swap3A_294 = arith.constant 1168 : index
    %swap3A_295 = tpu.vector_load %arg12[%swap3A_294] {strides = array<i32>} : memref<2128xf32, #tpu.memory_space<vmem>>, vector<16xf32>,
    tpu.vector_store %arg12[%swap3A_294], %broadcast_in_dim3A_0 {strides = array<i32>} : memref<2128xf32, #tpu.memory_space<vmem>>, vector<16xf32>,
    %swap3A_296 = arith.constant 1184 : index
    %swap3A_297 = tpu.vector_load %arg11[%swap3A_296] {strides = array<i32>} : memref<2128xf32, #tpu.memory_space<vmem>>, vector<16xf32>,
    tpu.vector_store %arg11[%swap3A_296], %broadcast_in_dim3A_0 {strides = array<i32>} : memref<2128xf32, #tpu.memory_space<vmem>>, vector<16xf32>,
    %swap3A_298 = arith.constant 1184 : index
    %swap3A_299 = tpu.vector_load %arg12[%swap3A_298] {strides = array<i32>} : memref<2128xf32, #tpu.memory_space<vmem>>, vector<16xf32>,
    tpu.vector_store %arg12[%swap3A_298], %broadcast_in_dim3A_0 {strides = array<i32>} : memref<2128xf32, #tpu.memory_space<vmem>>, vector<16xf32>,
    %swap3A_300 = arith.constant 1200 : index
    %swap3A_301 = tpu.vector_load %arg11[%swap3A_300] {strides = array<i32>} : memref<2128xf32, #tpu.memory_space<vmem>>, vector<16xf32>,
    tpu.vector_store %arg11[%swap3A_300], %broadcast_in_dim3A_0 {strides = array<i32>} : memref<2128xf32, #tpu.memory_space<vmem>>, vector<16xf32>,
    %swap3A_302 = arith.constant 1200 : index
    %swap3A_303 = tpu.vector_load %arg12[%swap3A_302] {strides = array<i32>} : memref<2128xf32, #tpu.memory_space<vmem>>, vector<16xf32>,
    tpu.vector_store %arg12[%swap3A_302], %broadcast_in_dim3A_0 {strides = array<i32>} : memref<2128xf32, #tpu.memory_space<vmem>>, vector<16xf32>,
    %swap3A_304 = arith.constant 1216 : index
    %swap3A_305 = tpu.vector_load %arg11[%swap3A_304] {strides = array<i32>} : memref<2128xf32, #tpu.memory_space<vmem>>, vector<16xf32>,
    tpu.vector_store %arg11[%swap3A_304], %broadcast_in_dim3A_0 {strides = array<i32>} : memref<2128xf32, #tpu.memory_space<vmem>>, vector<16xf32>,
    %swap3A_306 = arith.constant 1216 : index
    %swap3A_307 = tpu.vector_load %arg12[%swap3A_306] {strides = array<i32>} : memref<2128xf32, #tpu.memory_space<vmem>>, vector<16xf32>,
    tpu.vector_store %arg12[%swap3A_306], %broadcast_in_dim3A_0 {strides = array<i32>} : memref<2128xf32, #tpu.memory_space<vmem>>, vector<16xf32>,
    %swap3A_308 = arith.constant 1232 : index
    %swap3A_309 = tpu.vector_load %arg11[%swap3A_308] {strides = array<i32>} : memref<2128xf32, #tpu.memory_space<vmem>>, vector<16xf32>,
    tpu.vector_store %arg11[%swap3A_308], %broadcast_in_dim3A_0 {strides = array<i32>} : memref<2128xf32, #tpu.memory_space<vmem>>, vector<16xf32>,
    %swap3A_310 = arith.constant 1232 : index
    %swap3A_311 = tpu.vector_load %arg12[%swap3A_310] {strides = array<i32>} : memref<2128xf32, #tpu.memory_space<vmem>>, vector<16xf32>,
    tpu.vector_store %arg12[%swap3A_310], %broadcast_in_dim3A_0 {strides = array<i32>} : memref<2128xf32, #tpu.memory_space<vmem>>, vector<16xf32>,
    %swap3A_312 = arith.constant 1248 : index
    %swap3A_313 = tpu.vector_load %arg11[%swap3A_312] {strides = array<i32>} : memref<2128xf32, #tpu.memory_space<vmem>>, vector<16xf32>,
    tpu.vector_store %arg11[%swap3A_312], %broadcast_in_dim3A_0 {strides = array<i32>} : memref<2128xf32, #tpu.memory_space<vmem>>, vector<16xf32>,
    %swap3A_314 = arith.constant 1248 : index
    %swap3A_315 = tpu.vector_load %arg12[%swap3A_314] {strides = array<i32>} : memref<2128xf32, #tpu.memory_space<vmem>>, vector<16xf32>,
    tpu.vector_store %arg12[%swap3A_314], %broadcast_in_dim3A_0 {strides = array<i32>} : memref<2128xf32, #tpu.memory_space<vmem>>, vector<16xf32>,
    %swap3A_316 = arith.constant 1264 : index
    %swap3A_317 = tpu.vector_load %arg11[%swap3A_316] {strides = array<i32>} : memref<2128xf32, #tpu.memory_space<vmem>>, vector<16xf32>,
    tpu.vector_store %arg11[%swap3A_316], %broadcast_in_dim3A_0 {strides = array<i32>} : memref<2128xf32, #tpu.memory_space<vmem>>, vector<16xf32>,
    %swap3A_318 = arith.constant 1264 : index
    %swap3A_319 = tpu.vector_load %arg12[%swap3A_318] {strides = array<i32>} : memref<2128xf32, #tpu.memory_space<vmem>>, vector<16xf32>,
    tpu.vector_store %arg12[%swap3A_318], %broadcast_in_dim3A_0 {strides = array<i32>} : memref<2128xf32, #tpu.memory_space<vmem>>, vector<16xf32>,
    %swap3A_320 = arith.constant 1280 : index
    %swap3A_321 = tpu.vector_load %arg11[%swap3A_320] {strides = array<i32>} : memref<2128xf32, #tpu.memory_space<vmem>>, vector<16xf32>,
    tpu.vector_store %arg11[%swap3A_320], %broadcast_in_dim3A_0 {strides = array<i32>} : memref<2128xf32, #tpu.memory_space<vmem>>, vector<16xf32>,
    %swap3A_322 = arith.constant 1280 : index
    %swap3A_323 = tpu.vector_load %arg12[%swap3A_322] {strides = array<i32>} : memref<2128xf32, #tpu.memory_space<vmem>>, vector<16xf32>,
    tpu.vector_store %arg12[%swap3A_322], %broadcast_in_dim3A_0 {strides = array<i32>} : memref<2128xf32, #tpu.memory_space<vmem>>, vector<16xf32>,
    %swap3A_324 = arith.constant 1296 : index
    %swap3A_325 = tpu.vector_load %arg11[%swap3A_324] {strides = array<i32>} : memref<2128xf32, #tpu.memory_space<vmem>>, vector<16xf32>,
    tpu.vector_store %arg11[%swap3A_324], %broadcast_in_dim3A_0 {strides = array<i32>} : memref<2128xf32, #tpu.memory_space<vmem>>, vector<16xf32>,
    %swap3A_326 = arith.constant 1296 : index
    %swap3A_327 = tpu.vector_load %arg12[%swap3A_326] {strides = array<i32>} : memref<2128xf32, #tpu.memory_space<vmem>>, vector<16xf32>,
    tpu.vector_store %arg12[%swap3A_326], %broadcast_in_dim3A_0 {strides = array<i32>} : memref<2128xf32, #tpu.memory_space<vmem>>, vector<16xf32>,
    %swap3A_328 = arith.constant 1312 : index
    %swap3A_329 = tpu.vector_load %arg11[%swap3A_328] {strides = array<i32>} : memref<2128xf32, #tpu.memory_space<vmem>>, vector<16xf32>,
    tpu.vector_store %arg11[%swap3A_328], %broadcast_in_dim3A_0 {strides = array<i32>} : memref<2128xf32, #tpu.memory_space<vmem>>, vector<16xf32>,
    %swap3A_330 = arith.constant 1312 : index
    %swap3A_331 = tpu.vector_load %arg12[%swap3A_330] {strides = array<i32>} : memref<2128xf32, #tpu.memory_space<vmem>>, vector<16xf32>,
    tpu.vector_store %arg12[%swap3A_330], %broadcast_in_dim3A_0 {strides = array<i32>} : memref<2128xf32, #tpu.memory_space<vmem>>, vector<16xf32>,
    %swap3A_332 = arith.constant 1328 : index
    %swap3A_333 = tpu.vector_load %arg11[%swap3A_332] {strides = array<i32>} : memref<2128xf32, #tpu.memory_space<vmem>>, vector<16xf32>,
    tpu.vector_store %arg11[%swap3A_332], %broadcast_in_dim3A_0 {strides = array<i32>} : memref<2128xf32, #tpu.memory_space<vmem>>, vector<16xf32>,
    %swap3A_334 = arith.constant 1328 : index
    %swap3A_335 = tpu.vector_load %arg12[%swap3A_334] {strides = array<i32>} : memref<2128xf32, #tpu.memory_space<vmem>>, vector<16xf32>,
    tpu.vector_store %arg12[%swap3A_334], %broadcast_in_dim3A_0 {strides = array<i32>} : memref<2128xf32, #tpu.memory_space<vmem>>, vector<16xf32>,
    %swap3A_336 = arith.constant 1344 : index
    %swap3A_337 = tpu.vector_load %arg11[%swap3A_336] {strides = array<i32>} : memref<2128xf32, #tpu.memory_space<vmem>>, vector<16xf32>,
    tpu.vector_store %arg11[%swap3A_336], %broadcast_in_dim3A_0 {strides = array<i32>} : memref<2128xf32, #tpu.memory_space<vmem>>, vector<16xf32>,
    %swap3A_338 = arith.constant 1344 : index
    %swap3A_339 = tpu.vector_load %arg12[%swap3A_338] {strides = array<i32>} : memref<2128xf32, #tpu.memory_space<vmem>>, vector<16xf32>,
    tpu.vector_store %arg12[%swap3A_338], %broadcast_in_dim3A_0 {strides = array<i32>} : memref<2128xf32, #tpu.memory_space<vmem>>, vector<16xf32>,
    %swap3A_340 = arith.constant 1360 : index
    %swap3A_341 = tpu.vector_load %arg11[%swap3A_340] {strides = array<i32>} : memref<2128xf32, #tpu.memory_space<vmem>>, vector<16xf32>,
    tpu.vector_store %arg11[%swap3A_340], %broadcast_in_dim3A_0 {strides = array<i32>} : memref<2128xf32, #tpu.memory_space<vmem>>, vector<16xf32>,
    %swap3A_342 = arith.constant 1360 : index
    %swap3A_343 = tpu.vector_load %arg12[%swap3A_342] {strides = array<i32>} : memref<2128xf32, #tpu.memory_space<vmem>>, vector<16xf32>,
    tpu.vector_store %arg12[%swap3A_342], %broadcast_in_dim3A_0 {strides = array<i32>} : memref<2128xf32, #tpu.memory_space<vmem>>, vector<16xf32>,
    %swap3A_344 = arith.constant 1376 : index
    %swap3A_345 = tpu.vector_load %arg11[%swap3A_344] {strides = array<i32>} : memref<2128xf32, #tpu.memory_space<vmem>>, vector<16xf32>,
    tpu.vector_store %arg11[%swap3A_344], %broadcast_in_dim3A_0 {strides = array<i32>} : memref<2128xf32, #tpu.memory_space<vmem>>, vector<16xf32>,
    %swap3A_346 = arith.constant 1376 : index
    %swap3A_347 = tpu.vector_load %arg12[%swap3A_346] {strides = array<i32>} : memref<2128xf32, #tpu.memory_space<vmem>>, vector<16xf32>,
    tpu.vector_store %arg12[%swap3A_346], %broadcast_in_dim3A_0 {strides = array<i32>} : memref<2128xf32, #tpu.memory_space<vmem>>, vector<16xf32>,
    %swap3A_348 = arith.constant 1392 : index
    %swap3A_349 = tpu.vector_load %arg11[%swap3A_348] {strides = array<i32>} : memref<2128xf32, #tpu.memory_space<vmem>>, vector<16xf32>,
    tpu.vector_store %arg11[%swap3A_348], %broadcast_in_dim3A_0 {strides = array<i32>} : memref<2128xf32, #tpu.memory_space<vmem>>, vector<16xf32>,
    %swap3A_350 = arith.constant 1392 : index
    %swap3A_351 = tpu.vector_load %arg12[%swap3A_350] {strides = array<i32>} : memref<2128xf32, #tpu.memory_space<vmem>>, vector<16xf32>,
    tpu.vector_store %arg12[%swap3A_350], %broadcast_in_dim3A_0 {strides = array<i32>} : memref<2128xf32, #tpu.memory_space<vmem>>, vector<16xf32>,
    %swap3A_352 = arith.constant 1408 : index
    %swap3A_353 = tpu.vector_load %arg11[%swap3A_352] {strides = array<i32>} : memref<2128xf32, #tpu.memory_space<vmem>>, vector<16xf32>,
    tpu.vector_store %arg11[%swap3A_352], %broadcast_in_dim3A_0 {strides = array<i32>} : memref<2128xf32, #tpu.memory_space<vmem>>, vector<16xf32>,
    %swap3A_354 = arith.constant 1408 : index
    %swap3A_355 = tpu.vector_load %arg12[%swap3A_354] {strides = array<i32>} : memref<2128xf32, #tpu.memory_space<vmem>>, vector<16xf32>,
    tpu.vector_store %arg12[%swap3A_354], %broadcast_in_dim3A_0 {strides = array<i32>} : memref<2128xf32, #tpu.memory_space<vmem>>, vector<16xf32>,
    %swap3A_356 = arith.constant 1424 : index
    %swap3A_357 = tpu.vector_load %arg11[%swap3A_356] {strides = array<i32>} : memref<2128xf32, #tpu.memory_space<vmem>>, vector<16xf32>,
    tpu.vector_store %arg11[%swap3A_356], %broadcast_in_dim3A_0 {strides = array<i32>} : memref<2128xf32, #tpu.memory_space<vmem>>, vector<16xf32>,
    %swap3A_358 = arith.constant 1424 : index
    %swap3A_359 = tpu.vector_load %arg12[%swap3A_358] {strides = array<i32>} : memref<2128xf32, #tpu.memory_space<vmem>>, vector<16xf32>,
    tpu.vector_store %arg12[%swap3A_358], %broadcast_in_dim3A_0 {strides = array<i32>} : memref<2128xf32, #tpu.memory_space<vmem>>, vector<16xf32>,
    %swap3A_360 = arith.constant 1440 : index
    %swap3A_361 = tpu.vector_load %arg11[%swap3A_360] {strides = array<i32>} : memref<2128xf32, #tpu.memory_space<vmem>>, vector<16xf32>,
    tpu.vector_store %arg11[%swap3A_360], %broadcast_in_dim3A_0 {strides = array<i32>} : memref<2128xf32, #tpu.memory_space<vmem>>, vector<16xf32>,
    %swap3A_362 = arith.constant 1440 : index
    %swap3A_363 = tpu.vector_load %arg12[%swap3A_362] {strides = array<i32>} : memref<2128xf32, #tpu.memory_space<vmem>>, vector<16xf32>,
    tpu.vector_store %arg12[%swap3A_362], %broadcast_in_dim3A_0 {strides = array<i32>} : memref<2128xf32, #tpu.memory_space<vmem>>, vector<16xf32>,
    %swap3A_364 = arith.constant 1456 : index
    %swap3A_365 = tpu.vector_load %arg11[%swap3A_364] {strides = array<i32>} : memref<2128xf32, #tpu.memory_space<vmem>>, vector<16xf32>,
    tpu.vector_store %arg11[%swap3A_364], %broadcast_in_dim3A_0 {strides = array<i32>} : memref<2128xf32, #tpu.memory_space<vmem>>, vector<16xf32>,
    %swap3A_366 = arith.constant 1456 : index
    %swap3A_367 = tpu.vector_load %arg12[%swap3A_366] {strides = array<i32>} : memref<2128xf32, #tpu.memory_space<vmem>>, vector<16xf32>,
    tpu.vector_store %arg12[%swap3A_366], %broadcast_in_dim3A_0 {strides = array<i32>} : memref<2128xf32, #tpu.memory_space<vmem>>, vector<16xf32>,
    %swap3A_368 = arith.constant 1472 : index
    %swap3A_369 = tpu.vector_load %arg11[%swap3A_368] {strides = array<i32>} : memref<2128xf32, #tpu.memory_space<vmem>>, vector<16xf32>,
    tpu.vector_store %arg11[%swap3A_368], %broadcast_in_dim3A_0 {strides = array<i32>} : memref<2128xf32, #tpu.memory_space<vmem>>, vector<16xf32>,
    %swap3A_370 = arith.constant 1472 : index
    %swap3A_371 = tpu.vector_load %arg12[%swap3A_370] {strides = array<i32>} : memref<2128xf32, #tpu.memory_space<vmem>>, vector<16xf32>,
    tpu.vector_store %arg12[%swap3A_370], %broadcast_in_dim3A_0 {strides = array<i32>} : memref<2128xf32, #tpu.memory_space<vmem>>, vector<16xf32>,
    %swap3A_372 = arith.constant 1488 : index
    %swap3A_373 = tpu.vector_load %arg11[%swap3A_372] {strides = array<i32>} : memref<2128xf32, #tpu.memory_space<vmem>>, vector<16xf32>,
    tpu.vector_store %arg11[%swap3A_372], %broadcast_in_dim3A_0 {strides = array<i32>} : memref<2128xf32, #tpu.memory_space<vmem>>, vector<16xf32>,
    %swap3A_374 = arith.constant 1488 : index
    %swap3A_375 = tpu.vector_load %arg12[%swap3A_374] {strides = array<i32>} : memref<2128xf32, #tpu.memory_space<vmem>>, vector<16xf32>,
    tpu.vector_store %arg12[%swap3A_374], %broadcast_in_dim3A_0 {strides = array<i32>} : memref<2128xf32, #tpu.memory_space<vmem>>, vector<16xf32>,
    %swap3A_376 = arith.constant 1504 : index
    %swap3A_377 = tpu.vector_load %arg11[%swap3A_376] {strides = array<i32>} : memref<2128xf32, #tpu.memory_space<vmem>>, vector<16xf32>,
    tpu.vector_store %arg11[%swap3A_376], %broadcast_in_dim3A_0 {strides = array<i32>} : memref<2128xf32, #tpu.memory_space<vmem>>, vector<16xf32>,
    %swap3A_378 = arith.constant 1504 : index
    %swap3A_379 = tpu.vector_load %arg12[%swap3A_378] {strides = array<i32>} : memref<2128xf32, #tpu.memory_space<vmem>>, vector<16xf32>,
    tpu.vector_store %arg12[%swap3A_378], %broadcast_in_dim3A_0 {strides = array<i32>} : memref<2128xf32, #tpu.memory_space<vmem>>, vector<16xf32>,
    %swap3A_380 = arith.constant 1520 : index
    %swap3A_381 = tpu.vector_load %arg11[%swap3A_380] {strides = array<i32>} : memref<2128xf32, #tpu.memory_space<vmem>>, vector<16xf32>,
    tpu.vector_store %arg11[%swap3A_380], %broadcast_in_dim3A_0 {strides = array<i32>} : memref<2128xf32, #tpu.memory_space<vmem>>, vector<16xf32>,
    %swap3A_382 = arith.constant 1520 : index
    %swap3A_383 = tpu.vector_load %arg12[%swap3A_382] {strides = array<i32>} : memref<2128xf32, #tpu.memory_space<vmem>>, vector<16xf32>,
    tpu.vector_store %arg12[%swap3A_382], %broadcast_in_dim3A_0 {strides = array<i32>} : memref<2128xf32, #tpu.memory_space<vmem>>, vector<16xf32>,
    %swap3A_384 = arith.constant 1536 : index
    %swap3A_385 = tpu.vector_load %arg11[%swap3A_384] {strides = array<i32>} : memref<2128xf32, #tpu.memory_space<vmem>>, vector<16xf32>,
    tpu.vector_store %arg11[%swap3A_384], %broadcast_in_dim3A_0 {strides = array<i32>} : memref<2128xf32, #tpu.memory_space<vmem>>, vector<16xf32>,
    %swap3A_386 = arith.constant 1536 : index
    %swap3A_387 = tpu.vector_load %arg12[%swap3A_386] {strides = array<i32>} : memref<2128xf32, #tpu.memory_space<vmem>>, vector<16xf32>,
    tpu.vector_store %arg12[%swap3A_386], %broadcast_in_dim3A_0 {strides = array<i32>} : memref<2128xf32, #tpu.memory_space<vmem>>, vector<16xf32>,
    %swap3A_388 = arith.constant 1552 : index
    %swap3A_389 = tpu.vector_load %arg11[%swap3A_388] {strides = array<i32>} : memref<2128xf32, #tpu.memory_space<vmem>>, vector<16xf32>,
    tpu.vector_store %arg11[%swap3A_388], %broadcast_in_dim3A_0 {strides = array<i32>} : memref<2128xf32, #tpu.memory_space<vmem>>, vector<16xf32>,
    %swap3A_390 = arith.constant 1552 : index
    %swap3A_391 = tpu.vector_load %arg12[%swap3A_390] {strides = array<i32>} : memref<2128xf32, #tpu.memory_space<vmem>>, vector<16xf32>,
    tpu.vector_store %arg12[%swap3A_390], %broadcast_in_dim3A_0 {strides = array<i32>} : memref<2128xf32, #tpu.memory_space<vmem>>, vector<16xf32>,
    %swap3A_392 = arith.constant 1568 : index
    %swap3A_393 = tpu.vector_load %arg11[%swap3A_392] {strides = array<i32>} : memref<2128xf32, #tpu.memory_space<vmem>>, vector<16xf32>,
    tpu.vector_store %arg11[%swap3A_392], %broadcast_in_dim3A_0 {strides = array<i32>} : memref<2128xf32, #tpu.memory_space<vmem>>, vector<16xf32>,
    %swap3A_394 = arith.constant 1568 : index
    %swap3A_395 = tpu.vector_load %arg12[%swap3A_394] {strides = array<i32>} : memref<2128xf32, #tpu.memory_space<vmem>>, vector<16xf32>,
    tpu.vector_store %arg12[%swap3A_394], %broadcast_in_dim3A_0 {strides = array<i32>} : memref<2128xf32, #tpu.memory_space<vmem>>, vector<16xf32>,
    %swap3A_396 = arith.constant 1584 : index
    %swap3A_397 = tpu.vector_load %arg11[%swap3A_396] {strides = array<i32>} : memref<2128xf32, #tpu.memory_space<vmem>>, vector<16xf32>,
    tpu.vector_store %arg11[%swap3A_396], %broadcast_in_dim3A_0 {strides = array<i32>} : memref<2128xf32, #tpu.memory_space<vmem>>, vector<16xf32>,
    %swap3A_398 = arith.constant 1584 : index
    %swap3A_399 = tpu.vector_load %arg12[%swap3A_398] {strides = array<i32>} : memref<2128xf32, #tpu.memory_space<vmem>>, vector<16xf32>,
    tpu.vector_store %arg12[%swap3A_398], %broadcast_in_dim3A_0 {strides = array<i32>} : memref<2128xf32, #tpu.memory_space<vmem>>, vector<16xf32>,
    %swap3A_400 = arith.constant 1600 : index
    %swap3A_401 = tpu.vector_load %arg11[%swap3A_400] {strides = array<i32>} : memref<2128xf32, #tpu.memory_space<vmem>>, vector<16xf32>,
    tpu.vector_store %arg11[%swap3A_400], %broadcast_in_dim3A_0 {strides = array<i32>} : memref<2128xf32, #tpu.memory_space<vmem>>, vector<16xf32>,
    %swap3A_402 = arith.constant 1600 : index
    %swap3A_403 = tpu.vector_load %arg12[%swap3A_402] {strides = array<i32>} : memref<2128xf32, #tpu.memory_space<vmem>>, vector<16xf32>,
    tpu.vector_store %arg12[%swap3A_402], %broadcast_in_dim3A_0 {strides = array<i32>} : memref<2128xf32, #tpu.memory_space<vmem>>, vector<16xf32>,
    %swap3A_404 = arith.constant 1616 : index
    %swap3A_405 = tpu.vector_load %arg11[%swap3A_404] {strides = array<i32>} : memref<2128xf32, #tpu.memory_space<vmem>>, vector<16xf32>,
    tpu.vector_store %arg11[%swap3A_404], %broadcast_in_dim3A_0 {strides = array<i32>} : memref<2128xf32, #tpu.memory_space<vmem>>, vector<16xf32>,
    %swap3A_406 = arith.constant 1616 : index
    %swap3A_407 = tpu.vector_load %arg12[%swap3A_406] {strides = array<i32>} : memref<2128xf32, #tpu.memory_space<vmem>>, vector<16xf32>,
    tpu.vector_store %arg12[%swap3A_406], %broadcast_in_dim3A_0 {strides = array<i32>} : memref<2128xf32, #tpu.memory_space<vmem>>, vector<16xf32>,
    %swap3A_408 = arith.constant 1632 : index
    %swap3A_409 = tpu.vector_load %arg11[%swap3A_408] {strides = array<i32>} : memref<2128xf32, #tpu.memory_space<vmem>>, vector<16xf32>,
    tpu.vector_store %arg11[%swap3A_408], %broadcast_in_dim3A_0 {strides = array<i32>} : memref<2128xf32, #tpu.memory_space<vmem>>, vector<16xf32>,
    %swap3A_410 = arith.constant 1632 : index
    %swap3A_411 = tpu.vector_load %arg12[%swap3A_410] {strides = array<i32>} : memref<2128xf32, #tpu.memory_space<vmem>>, vector<16xf32>,
    tpu.vector_store %arg12[%swap3A_410], %broadcast_in_dim3A_0 {strides = array<i32>} : memref<2128xf32, #tpu.memory_space<vmem>>, vector<16xf32>,
    %swap3A_412 = arith.constant 1648 : index
    %swap3A_413 = tpu.vector_load %arg11[%swap3A_412] {strides = array<i32>} : memref<2128xf32, #tpu.memory_space<vmem>>, vector<16xf32>,
    tpu.vector_store %arg11[%swap3A_412], %broadcast_in_dim3A_0 {strides = array<i32>} : memref<2128xf32, #tpu.memory_space<vmem>>, vector<16xf32>,
    %swap3A_414 = arith.constant 1648 : index
    %swap3A_415 = tpu.vector_load %arg12[%swap3A_414] {strides = array<i32>} : memref<2128xf32, #tpu.memory_space<vmem>>, vector<16xf32>,
    tpu.vector_store %arg12[%swap3A_414], %broadcast_in_dim3A_0 {strides = array<i32>} : memref<2128xf32, #tpu.memory_space<vmem>>, vector<16xf32>,
    %swap3A_416 = arith.constant 1664 : index
    %swap3A_417 = tpu.vector_load %arg11[%swap3A_416] {strides = array<i32>} : memref<2128xf32, #tpu.memory_space<vmem>>, vector<16xf32>,
    tpu.vector_store %arg11[%swap3A_416], %broadcast_in_dim3A_0 {strides = array<i32>} : memref<2128xf32, #tpu.memory_space<vmem>>, vector<16xf32>,
    %swap3A_418 = arith.constant 1664 : index
    %swap3A_419 = tpu.vector_load %arg12[%swap3A_418] {strides = array<i32>} : memref<2128xf32, #tpu.memory_space<vmem>>, vector<16xf32>,
    tpu.vector_store %arg12[%swap3A_418], %broadcast_in_dim3A_0 {strides = array<i32>} : memref<2128xf32, #tpu.memory_space<vmem>>, vector<16xf32>,
    %swap3A_420 = arith.constant 1680 : index
    %swap3A_421 = tpu.vector_load %arg11[%swap3A_420] {strides = array<i32>} : memref<2128xf32, #tpu.memory_space<vmem>>, vector<16xf32>,
    tpu.vector_store %arg11[%swap3A_420], %broadcast_in_dim3A_0 {strides = array<i32>} : memref<2128xf32, #tpu.memory_space<vmem>>, vector<16xf32>,
    %swap3A_422 = arith.constant 1680 : index
    %swap3A_423 = tpu.vector_load %arg12[%swap3A_422] {strides = array<i32>} : memref<2128xf32, #tpu.memory_space<vmem>>, vector<16xf32>,
    tpu.vector_store %arg12[%swap3A_422], %broadcast_in_dim3A_0 {strides = array<i32>} : memref<2128xf32, #tpu.memory_space<vmem>>, vector<16xf32>,
    %swap3A_424 = arith.constant 1696 : index
    %swap3A_425 = tpu.vector_load %arg11[%swap3A_424] {strides = array<i32>} : memref<2128xf32, #tpu.memory_space<vmem>>, vector<16xf32>,
    tpu.vector_store %arg11[%swap3A_424], %broadcast_in_dim3A_0 {strides = array<i32>} : memref<2128xf32, #tpu.memory_space<vmem>>, vector<16xf32>,
    %swap3A_426 = arith.constant 1696 : index
    %swap3A_427 = tpu.vector_load %arg12[%swap3A_426] {strides = array<i32>} : memref<2128xf32, #tpu.memory_space<vmem>>, vector<16xf32>,
    tpu.vector_store %arg12[%swap3A_426], %broadcast_in_dim3A_0 {strides = array<i32>} : memref<2128xf32, #tpu.memory_space<vmem>>, vector<16xf32>,
    %swap3A_428 = arith.constant 1712 : index
    %swap3A_429 = tpu.vector_load %arg11[%swap3A_428] {strides = array<i32>} : memref<2128xf32, #tpu.memory_space<vmem>>, vector<16xf32>,
    tpu.vector_store %arg11[%swap3A_428], %broadcast_in_dim3A_0 {strides = array<i32>} : memref<2128xf32, #tpu.memory_space<vmem>>, vector<16xf32>,
    %swap3A_430 = arith.constant 1712 : index
    %swap3A_431 = tpu.vector_load %arg12[%swap3A_430] {strides = array<i32>} : memref<2128xf32, #tpu.memory_space<vmem>>, vector<16xf32>,
    tpu.vector_store %arg12[%swap3A_430], %broadcast_in_dim3A_0 {strides = array<i32>} : memref<2128xf32, #tpu.memory_space<vmem>>, vector<16xf32>,
    %swap3A_432 = arith.constant 1728 : index
    %swap3A_433 = tpu.vector_load %arg11[%swap3A_432] {strides = array<i32>} : memref<2128xf32, #tpu.memory_space<vmem>>, vector<16xf32>,
    tpu.vector_store %arg11[%swap3A_432], %broadcast_in_dim3A_0 {strides = array<i32>} : memref<2128xf32, #tpu.memory_space<vmem>>, vector<16xf32>,
    %swap3A_434 = arith.constant 1728 : index
    %swap3A_435 = tpu.vector_load %arg12[%swap3A_434] {strides = array<i32>} : memref<2128xf32, #tpu.memory_space<vmem>>, vector<16xf32>,
    tpu.vector_store %arg12[%swap3A_434], %broadcast_in_dim3A_0 {strides = array<i32>} : memref<2128xf32, #tpu.memory_space<vmem>>, vector<16xf32>,
    %swap3A_436 = arith.constant 1744 : index
    %swap3A_437 = tpu.vector_load %arg11[%swap3A_436] {strides = array<i32>} : memref<2128xf32, #tpu.memory_space<vmem>>, vector<16xf32>,
    tpu.vector_store %arg11[%swap3A_436], %broadcast_in_dim3A_0 {strides = array<i32>} : memref<2128xf32, #tpu.memory_space<vmem>>, vector<16xf32>,
    %swap3A_438 = arith.constant 1744 : index
    %swap3A_439 = tpu.vector_load %arg12[%swap3A_438] {strides = array<i32>} : memref<2128xf32, #tpu.memory_space<vmem>>, vector<16xf32>,
    tpu.vector_store %arg12[%swap3A_438], %broadcast_in_dim3A_0 {strides = array<i32>} : memref<2128xf32, #tpu.memory_space<vmem>>, vector<16xf32>,
    %swap3A_440 = arith.constant 1760 : index
    %swap3A_441 = tpu.vector_load %arg11[%swap3A_440] {strides = array<i32>} : memref<2128xf32, #tpu.memory_space<vmem>>, vector<16xf32>,
    tpu.vector_store %arg11[%swap3A_440], %broadcast_in_dim3A_0 {strides = array<i32>} : memref<2128xf32, #tpu.memory_space<vmem>>, vector<16xf32>,
    %swap3A_442 = arith.constant 1760 : index
    %swap3A_443 = tpu.vector_load %arg12[%swap3A_442] {strides = array<i32>} : memref<2128xf32, #tpu.memory_space<vmem>>, vector<16xf32>,
    tpu.vector_store %arg12[%swap3A_442], %broadcast_in_dim3A_0 {strides = array<i32>} : memref<2128xf32, #tpu.memory_space<vmem>>, vector<16xf32>,
    %swap3A_444 = arith.constant 1776 : index
    %swap3A_445 = tpu.vector_load %arg11[%swap3A_444] {strides = array<i32>} : memref<2128xf32, #tpu.memory_space<vmem>>, vector<16xf32>,
    tpu.vector_store %arg11[%swap3A_444], %broadcast_in_dim3A_0 {strides = array<i32>} : memref<2128xf32, #tpu.memory_space<vmem>>, vector<16xf32>,
    %swap3A_446 = arith.constant 1776 : index
    %swap3A_447 = tpu.vector_load %arg12[%swap3A_446] {strides = array<i32>} : memref<2128xf32, #tpu.memory_space<vmem>>, vector<16xf32>,
    tpu.vector_store %arg12[%swap3A_446], %broadcast_in_dim3A_0 {strides = array<i32>} : memref<2128xf32, #tpu.memory_space<vmem>>, vector<16xf32>,
    %swap3A_448 = arith.constant 1792 : index
    %swap3A_449 = tpu.vector_load %arg11[%swap3A_448] {strides = array<i32>} : memref<2128xf32, #tpu.memory_space<vmem>>, vector<16xf32>,
    tpu.vector_store %arg11[%swap3A_448], %broadcast_in_dim3A_0 {strides = array<i32>} : memref<2128xf32, #tpu.memory_space<vmem>>, vector<16xf32>,
    %swap3A_450 = arith.constant 1792 : index
    %swap3A_451 = tpu.vector_load %arg12[%swap3A_450] {strides = array<i32>} : memref<2128xf32, #tpu.memory_space<vmem>>, vector<16xf32>,
    tpu.vector_store %arg12[%swap3A_450], %broadcast_in_dim3A_0 {strides = array<i32>} : memref<2128xf32, #tpu.memory_space<vmem>>, vector<16xf32>,
    %swap3A_452 = arith.constant 1808 : index
    %swap3A_453 = tpu.vector_load %arg11[%swap3A_452] {strides = array<i32>} : memref<2128xf32, #tpu.memory_space<vmem>>, vector<16xf32>,
    tpu.vector_store %arg11[%swap3A_452], %broadcast_in_dim3A_0 {strides = array<i32>} : memref<2128xf32, #tpu.memory_space<vmem>>, vector<16xf32>,
    %swap3A_454 = arith.constant 1808 : index
    %swap3A_455 = tpu.vector_load %arg12[%swap3A_454] {strides = array<i32>} : memref<2128xf32, #tpu.memory_space<vmem>>, vector<16xf32>,
    tpu.vector_store %arg12[%swap3A_454], %broadcast_in_dim3A_0 {strides = array<i32>} : memref<2128xf32, #tpu.memory_space<vmem>>, vector<16xf32>,
    %swap3A_456 = arith.constant 1824 : index
    %swap3A_457 = tpu.vector_load %arg11[%swap3A_456] {strides = array<i32>} : memref<2128xf32, #tpu.memory_space<vmem>>, vector<16xf32>,
    tpu.vector_store %arg11[%swap3A_456], %broadcast_in_dim3A_0 {strides = array<i32>} : memref<2128xf32, #tpu.memory_space<vmem>>, vector<16xf32>,
    %swap3A_458 = arith.constant 1824 : index
    %swap3A_459 = tpu.vector_load %arg12[%swap3A_458] {strides = array<i32>} : memref<2128xf32, #tpu.memory_space<vmem>>, vector<16xf32>,
    tpu.vector_store %arg12[%swap3A_458], %broadcast_in_dim3A_0 {strides = array<i32>} : memref<2128xf32, #tpu.memory_space<vmem>>, vector<16xf32>,
    %swap3A_460 = arith.constant 1840 : index
    %swap3A_461 = tpu.vector_load %arg11[%swap3A_460] {strides = array<i32>} : memref<2128xf32, #tpu.memory_space<vmem>>, vector<16xf32>,
    tpu.vector_store %arg11[%swap3A_460], %broadcast_in_dim3A_0 {strides = array<i32>} : memref<2128xf32, #tpu.memory_space<vmem>>, vector<16xf32>,
    %swap3A_462 = arith.constant 1840 : index
    %swap3A_463 = tpu.vector_load %arg12[%swap3A_462] {strides = array<i32>} : memref<2128xf32, #tpu.memory_space<vmem>>, vector<16xf32>,
    tpu.vector_store %arg12[%swap3A_462], %broadcast_in_dim3A_0 {strides = array<i32>} : memref<2128xf32, #tpu.memory_space<vmem>>, vector<16xf32>,
    %swap3A_464 = arith.constant 1856 : index
    %swap3A_465 = tpu.vector_load %arg11[%swap3A_464] {strides = array<i32>} : memref<2128xf32, #tpu.memory_space<vmem>>, vector<16xf32>,
    tpu.vector_store %arg11[%swap3A_464], %broadcast_in_dim3A_0 {strides = array<i32>} : memref<2128xf32, #tpu.memory_space<vmem>>, vector<16xf32>,
    %swap3A_466 = arith.constant 1856 : index
    %swap3A_467 = tpu.vector_load %arg12[%swap3A_466] {strides = array<i32>} : memref<2128xf32, #tpu.memory_space<vmem>>, vector<16xf32>,
    tpu.vector_store %arg12[%swap3A_466], %broadcast_in_dim3A_0 {strides = array<i32>} : memref<2128xf32, #tpu.memory_space<vmem>>, vector<16xf32>,
    %swap3A_468 = arith.constant 1872 : index
    %swap3A_469 = tpu.vector_load %arg11[%swap3A_468] {strides = array<i32>} : memref<2128xf32, #tpu.memory_space<vmem>>, vector<16xf32>,
    tpu.vector_store %arg11[%swap3A_468], %broadcast_in_dim3A_0 {strides = array<i32>} : memref<2128xf32, #tpu.memory_space<vmem>>, vector<16xf32>,
    %swap3A_470 = arith.constant 1872 : index
    %swap3A_471 = tpu.vector_load %arg12[%swap3A_470] {strides = array<i32>} : memref<2128xf32, #tpu.memory_space<vmem>>, vector<16xf32>,
    tpu.vector_store %arg12[%swap3A_470], %broadcast_in_dim3A_0 {strides = array<i32>} : memref<2128xf32, #tpu.memory_space<vmem>>, vector<16xf32>,
    %swap3A_472 = arith.constant 1888 : index
    %swap3A_473 = tpu.vector_load %arg11[%swap3A_472] {strides = array<i32>} : memref<2128xf32, #tpu.memory_space<vmem>>, vector<16xf32>,
    tpu.vector_store %arg11[%swap3A_472], %broadcast_in_dim3A_0 {strides = array<i32>} : memref<2128xf32, #tpu.memory_space<vmem>>, vector<16xf32>,
    %swap3A_474 = arith.constant 1888 : index
    %swap3A_475 = tpu.vector_load %arg12[%swap3A_474] {strides = array<i32>} : memref<2128xf32, #tpu.memory_space<vmem>>, vector<16xf32>,
    tpu.vector_store %arg12[%swap3A_474], %broadcast_in_dim3A_0 {strides = array<i32>} : memref<2128xf32, #tpu.memory_space<vmem>>, vector<16xf32>,
    %swap3A_476 = arith.constant 1904 : index
    %swap3A_477 = tpu.vector_load %arg11[%swap3A_476] {strides = array<i32>} : memref<2128xf32, #tpu.memory_space<vmem>>, vector<16xf32>,
    tpu.vector_store %arg11[%swap3A_476], %broadcast_in_dim3A_0 {strides = array<i32>} : memref<2128xf32, #tpu.memory_space<vmem>>, vector<16xf32>,
    %swap3A_478 = arith.constant 1904 : index
    %swap3A_479 = tpu.vector_load %arg12[%swap3A_478] {strides = array<i32>} : memref<2128xf32, #tpu.memory_space<vmem>>, vector<16xf32>,
    tpu.vector_store %arg12[%swap3A_478], %broadcast_in_dim3A_0 {strides = array<i32>} : memref<2128xf32, #tpu.memory_space<vmem>>, vector<16xf32>,
    %swap3A_480 = arith.constant 1920 : index
    %swap3A_481 = tpu.vector_load %arg11[%swap3A_480] {strides = array<i32>} : memref<2128xf32, #tpu.memory_space<vmem>>, vector<16xf32>,
    tpu.vector_store %arg11[%swap3A_480], %broadcast_in_dim3A_0 {strides = array<i32>} : memref<2128xf32, #tpu.memory_space<vmem>>, vector<16xf32>,
    %swap3A_482 = arith.constant 1920 : index
    %swap3A_483 = tpu.vector_load %arg12[%swap3A_482] {strides = array<i32>} : memref<2128xf32, #tpu.memory_space<vmem>>, vector<16xf32>,
    tpu.vector_store %arg12[%swap3A_482], %broadcast_in_dim3A_0 {strides = array<i32>} : memref<2128xf32, #tpu.memory_space<vmem>>, vector<16xf32>,
    %swap3A_484 = arith.constant 1936 : index
    %swap3A_485 = tpu.vector_load %arg11[%swap3A_484] {strides = array<i32>} : memref<2128xf32, #tpu.memory_space<vmem>>, vector<16xf32>,
    tpu.vector_store %arg11[%swap3A_484], %broadcast_in_dim3A_0 {strides = array<i32>} : memref<2128xf32, #tpu.memory_space<vmem>>, vector<16xf32>,
    %swap3A_486 = arith.constant 1936 : index
    %swap3A_487 = tpu.vector_load %arg12[%swap3A_486] {strides = array<i32>} : memref<2128xf32, #tpu.memory_space<vmem>>, vector<16xf32>,
    tpu.vector_store %arg12[%swap3A_486], %broadcast_in_dim3A_0 {strides = array<i32>} : memref<2128xf32, #tpu.memory_space<vmem>>, vector<16xf32>,
    %swap3A_488 = arith.constant 1952 : index
    %swap3A_489 = tpu.vector_load %arg11[%swap3A_488] {strides = array<i32>} : memref<2128xf32, #tpu.memory_space<vmem>>, vector<16xf32>,
    tpu.vector_store %arg11[%swap3A_488], %broadcast_in_dim3A_0 {strides = array<i32>} : memref<2128xf32, #tpu.memory_space<vmem>>, vector<16xf32>,
    %swap3A_490 = arith.constant 1952 : index
    %swap3A_491 = tpu.vector_load %arg12[%swap3A_490] {strides = array<i32>} : memref<2128xf32, #tpu.memory_space<vmem>>, vector<16xf32>,
    tpu.vector_store %arg12[%swap3A_490], %broadcast_in_dim3A_0 {strides = array<i32>} : memref<2128xf32, #tpu.memory_space<vmem>>, vector<16xf32>,
    %swap3A_492 = arith.constant 1968 : index
    %swap3A_493 = tpu.vector_load %arg11[%swap3A_492] {strides = array<i32>} : memref<2128xf32, #tpu.memory_space<vmem>>, vector<16xf32>,
    tpu.vector_store %arg11[%swap3A_492], %broadcast_in_dim3A_0 {strides = array<i32>} : memref<2128xf32, #tpu.memory_space<vmem>>, vector<16xf32>,
    %swap3A_494 = arith.constant 1968 : index
    %swap3A_495 = tpu.vector_load %arg12[%swap3A_494] {strides = array<i32>} : memref<2128xf32, #tpu.memory_space<vmem>>, vector<16xf32>,
    tpu.vector_store %arg12[%swap3A_494], %broadcast_in_dim3A_0 {strides = array<i32>} : memref<2128xf32, #tpu.memory_space<vmem>>, vector<16xf32>,
    %swap3A_496 = arith.constant 1984 : index
    %swap3A_497 = tpu.vector_load %arg11[%swap3A_496] {strides = array<i32>} : memref<2128xf32, #tpu.memory_space<vmem>>, vector<16xf32>,
    tpu.vector_store %arg11[%swap3A_496], %broadcast_in_dim3A_0 {strides = array<i32>} : memref<2128xf32, #tpu.memory_space<vmem>>, vector<16xf32>,
    %swap3A_498 = arith.constant 1984 : index
    %swap3A_499 = tpu.vector_load %arg12[%swap3A_498] {strides = array<i32>} : memref<2128xf32, #tpu.memory_space<vmem>>, vector<16xf32>,
    tpu.vector_store %arg12[%swap3A_498], %broadcast_in_dim3A_0 {strides = array<i32>} : memref<2128xf32, #tpu.memory_space<vmem>>, vector<16xf32>,
    %swap3A_500 = arith.constant 2000 : index
    %swap3A_501 = tpu.vector_load %arg11[%swap3A_500] {strides = array<i32>} : memref<2128xf32, #tpu.memory_space<vmem>>, vector<16xf32>,
    tpu.vector_store %arg11[%swap3A_500], %broadcast_in_dim3A_0 {strides = array<i32>} : memref<2128xf32, #tpu.memory_space<vmem>>, vector<16xf32>,
    %swap3A_502 = arith.constant 2000 : index
    %swap3A_503 = tpu.vector_load %arg12[%swap3A_502] {strides = array<i32>} : memref<2128xf32, #tpu.memory_space<vmem>>, vector<16xf32>,
    tpu.vector_store %arg12[%swap3A_502], %broadcast_in_dim3A_0 {strides = array<i32>} : memref<2128xf32, #tpu.memory_space<vmem>>, vector<16xf32>,
    %swap3A_504 = arith.constant 2016 : index
    %swap3A_505 = tpu.vector_load %arg11[%swap3A_504] {strides = array<i32>} : memref<2128xf32, #tpu.memory_space<vmem>>, vector<16xf32>,
    tpu.vector_store %arg11[%swap3A_504], %broadcast_in_dim3A_0 {strides = array<i32>} : memref<2128xf32, #tpu.memory_space<vmem>>, vector<16xf32>,
    %swap3A_506 = arith.constant 2016 : index
    %swap3A_507 = tpu.vector_load %arg12[%swap3A_506] {strides = array<i32>} : memref<2128xf32, #tpu.memory_space<vmem>>, vector<16xf32>,
    tpu.vector_store %arg12[%swap3A_506], %broadcast_in_dim3A_0 {strides = array<i32>} : memref<2128xf32, #tpu.memory_space<vmem>>, vector<16xf32>,
    %swap3A_508 = arith.constant 2032 : index
    %swap3A_509 = tpu.vector_load %arg11[%swap3A_508] {strides = array<i32>} : memref<2128xf32, #tpu.memory_space<vmem>>, vector<16xf32>,
    tpu.vector_store %arg11[%swap3A_508], %broadcast_in_dim3A_0 {strides = array<i32>} : memref<2128xf32, #tpu.memory_space<vmem>>, vector<16xf32>,
    %swap3A_510 = arith.constant 2032 : index
    %swap3A_511 = tpu.vector_load %arg12[%swap3A_510] {strides = array<i32>} : memref<2128xf32, #tpu.memory_space<vmem>>, vector<16xf32>,
    tpu.vector_store %arg12[%swap3A_510], %broadcast_in_dim3A_0 {strides = array<i32>} : memref<2128xf32, #tpu.memory_space<vmem>>, vector<16xf32>,
    %swap3A_512 = arith.constant 2048 : index
    %swap3A_513 = tpu.vector_load %arg11[%swap3A_512] {strides = array<i32>} : memref<2128xf32, #tpu.memory_space<vmem>>, vector<16xf32>,
    tpu.vector_store %arg11[%swap3A_512], %broadcast_in_dim3A_0 {strides = array<i32>} : memref<2128xf32, #tpu.memory_space<vmem>>, vector<16xf32>,
    %swap3A_514 = arith.constant 2048 : index
    %swap3A_515 = tpu.vector_load %arg12[%swap3A_514] {strides = array<i32>} : memref<2128xf32, #tpu.memory_space<vmem>>, vector<16xf32>,
    tpu.vector_store %arg12[%swap3A_514], %broadcast_in_dim3A_0 {strides = array<i32>} : memref<2128xf32, #tpu.memory_space<vmem>>, vector<16xf32>,
    %swap3A_516 = arith.constant 2064 : index
    %swap3A_517 = tpu.vector_load %arg11[%swap3A_516] {strides = array<i32>} : memref<2128xf32, #tpu.memory_space<vmem>>, vector<16xf32>,
    tpu.vector_store %arg11[%swap3A_516], %broadcast_in_dim3A_0 {strides = array<i32>} : memref<2128xf32, #tpu.memory_space<vmem>>, vector<16xf32>,
    %swap3A_518 = arith.constant 2064 : index
    %swap3A_519 = tpu.vector_load %arg12[%swap3A_518] {strides = array<i32>} : memref<2128xf32, #tpu.memory_space<vmem>>, vector<16xf32>,
    tpu.vector_store %arg12[%swap3A_518], %broadcast_in_dim3A_0 {strides = array<i32>} : memref<2128xf32, #tpu.memory_space<vmem>>, vector<16xf32>,
    %swap3A_520 = arith.constant 2080 : index
    %swap3A_521 = tpu.vector_load %arg11[%swap3A_520] {strides = array<i32>} : memref<2128xf32, #tpu.memory_space<vmem>>, vector<16xf32>,
    tpu.vector_store %arg11[%swap3A_520], %broadcast_in_dim3A_0 {strides = array<i32>} : memref<2128xf32, #tpu.memory_space<vmem>>, vector<16xf32>,
    %swap3A_522 = arith.constant 2080 : index
    %swap3A_523 = tpu.vector_load %arg12[%swap3A_522] {strides = array<i32>} : memref<2128xf32, #tpu.memory_space<vmem>>, vector<16xf32>,
    tpu.vector_store %arg12[%swap3A_522], %broadcast_in_dim3A_0 {strides = array<i32>} : memref<2128xf32, #tpu.memory_space<vmem>>, vector<16xf32>,
    %swap3A_524 = arith.constant 2096 : index
    %swap3A_525 = tpu.vector_load %arg11[%swap3A_524] {strides = array<i32>} : memref<2128xf32, #tpu.memory_space<vmem>>, vector<16xf32>,
    tpu.vector_store %arg11[%swap3A_524], %broadcast_in_dim3A_0 {strides = array<i32>} : memref<2128xf32, #tpu.memory_space<vmem>>, vector<16xf32>,
    %swap3A_526 = arith.constant 2096 : index
    %swap3A_527 = tpu.vector_load %arg12[%swap3A_526] {strides = array<i32>} : memref<2128xf32, #tpu.memory_space<vmem>>, vector<16xf32>,
    tpu.vector_store %arg12[%swap3A_526], %broadcast_in_dim3A_0 {strides = array<i32>} : memref<2128xf32, #tpu.memory_space<vmem>>, vector<16xf32>,
    %swap3A_528 = arith.constant 2112 : index
    %swap3A_529 = tpu.vector_load %arg11[%swap3A_528] {strides = array<i32>} : memref<2128xf32, #tpu.memory_space<vmem>>, vector<16xf32>,
    tpu.vector_store %arg11[%swap3A_528], %broadcast_in_dim3A_0 {strides = array<i32>} : memref<2128xf32, #tpu.memory_space<vmem>>, vector<16xf32>,
    %swap3A_530 = arith.constant 2112 : index
    %swap3A_531 = tpu.vector_load %arg12[%swap3A_530] {strides = array<i32>} : memref<2128xf32, #tpu.memory_space<vmem>>, vector<16xf32>,
    tpu.vector_store %arg12[%swap3A_530], %broadcast_in_dim3A_0 {strides = array<i32>} : memref<2128xf32, #tpu.memory_space<vmem>>, vector<16xf32>,
    %iota3A = tpu.iota {dimensions = array<i32: 0>} : vector<16xi32>
    %mul3A = arith.constant 133 : i32
    %mul3A_532 = vector.broadcast %mul3A : i32 to vector<16xi32>
    %mul3A_533 = arith.muli %iota3A, %mul3A_532 : vector<16xi32>
    %broadcast_in_dim3A_534 = arith.constant 1.000000e+00 : f32
    %broadcast_in_dim3A_535 = vector.broadcast %broadcast_in_dim3A_534 : f32 to vector<16xf32>
    %broadcast_in_dim3A_536 = arith.constant -2.000000e+00 : f32
    %broadcast_in_dim3A_537 = vector.broadcast %broadcast_in_dim3A_536 : f32 to vector<16xf32>
    %scan3A = arith.constant 0 : i32
    %scan3A_538 = arith.constant 0 : i32
    %scan3A_539 = arith.constant 32 : i32
    %scan3A_540 = arith.addi %scan3A_538, %scan3A_539 : i32
    %scan3A_541 = arith.constant 1 : i32
    scf.for %scan3A_1593 = %scan3A_538 to %scan3A_540 step %scan3A_541  : i32 {
      %mul3A_1594 = arith.constant 2 : i32
      %mul3A_1595 = arith.muli %scan3A_1593, %mul3A_1594 : i32
      %add3A_1596 = arith.constant 0 : i32
      %add3A_1597 = arith.addi %mul3A_1595, %add3A_1596 : i32
      %mul3A_1598 = arith.constant 16 : i32
      %mul3A_1599 = arith.muli %add3A_1597, %mul3A_1598 : i32
      %get3A_1600 = arith.index_cast %mul3A_1599 : i32 to index
      %get3A_1601 = tpu.vector_load %arg7[%get3A_1600] {strides = array<i32>} : memref<1024xf32, #tpu.memory_space<vmem>>, vector<16xf32>,
      %mul3A_1602 = arith.constant 16 : i32
      %mul3A_1603 = arith.muli %add3A_1597, %mul3A_1602 : i32
      %get3A_1604 = arith.index_cast %mul3A_1603 : i32 to index
      %get3A_1605 = tpu.vector_load %arg8[%get3A_1604] {strides = array<i32>} : memref<1024xf32, #tpu.memory_space<vmem>>, vector<16xf32>,
      %add3A_1606 = arith.addf %get3A_1601, %get3A_1605 : vector<16xf32>
      %mul3A_1607 = arith.constant 5.000000e-01 : f32
      %mul3A_1608 = vector.broadcast %mul3A_1607 : f32 to vector<16xf32>
      %mul3A_1609 = arith.mulf %mul3A_1608, %add3A_1606 : vector<16xf32>
      %broadcast_in_dim3A_1610 = arith.constant 127 : i32
      %broadcast_in_dim3A_1611 = vector.broadcast %broadcast_in_dim3A_1610 : i32 to vector<16xi32>
      %gather3A_1612 = tpu.vector_load_idx %arg9[%broadcast_in_dim3A_1611] : memref<256xf32, #tpu.memory_space<vmem>>[vector<16xi32>], vector<16xf32>,
      %le3A = arith.cmpf ole, %gather3A_1612, %get3A_1601 : vector<16xf32>
      %jit3A = arith.constant 64 : i32
      %jit3A_1613 = arith.constant -64 : i32
      %broadcast_in_dim3A_1614 = vector.broadcast %jit3A : i32 to vector<16xi32>
      %broadcast_in_dim3A_1615 = vector.broadcast %jit3A_1613 : i32 to vector<16xi32>
      %select_n3A = arith.select %le3A, %broadcast_in_dim3A_1614, %broadcast_in_dim3A_1615 : vector<16xi1>, vector<16xi32>
      %add3A_1616 = arith.addi %broadcast_in_dim3A_1611, %select_n3A : vector<16xi32>
      %gather3A_1617 = tpu.vector_load_idx %arg9[%add3A_1616] : memref<256xf32, #tpu.memory_space<vmem>>[vector<16xi32>], vector<16xf32>,
      %le3A_1618 = arith.cmpf ole, %gather3A_1617, %get3A_1601 : vector<16xf32>
      %jit3A_1619 = arith.constant 32 : i32
      %jit3A_1620 = arith.constant -32 : i32
      %broadcast_in_dim3A_1621 = vector.broadcast %jit3A_1619 : i32 to vector<16xi32>
      %broadcast_in_dim3A_1622 = vector.broadcast %jit3A_1620 : i32 to vector<16xi32>
      %select_n3A_1623 = arith.select %le3A_1618, %broadcast_in_dim3A_1621, %broadcast_in_dim3A_1622 : vector<16xi1>, vector<16xi32>
      %add3A_1624 = arith.addi %add3A_1616, %select_n3A_1623 : vector<16xi32>
      %gather3A_1625 = tpu.vector_load_idx %arg9[%add3A_1624] : memref<256xf32, #tpu.memory_space<vmem>>[vector<16xi32>], vector<16xf32>,
      %le3A_1626 = arith.cmpf ole, %gather3A_1625, %get3A_1601 : vector<16xf32>
      %jit3A_1627 = arith.constant 16 : i32
      %jit3A_1628 = arith.constant -16 : i32
      %broadcast_in_dim3A_1629 = vector.broadcast %jit3A_1627 : i32 to vector<16xi32>
      %broadcast_in_dim3A_1630 = vector.broadcast %jit3A_1628 : i32 to vector<16xi32>
      %select_n3A_1631 = arith.select %le3A_1626, %broadcast_in_dim3A_1629, %broadcast_in_dim3A_1630 : vector<16xi1>, vector<16xi32>
      %add3A_1632 = arith.addi %add3A_1624, %select_n3A_1631 : vector<16xi32>
      %gather3A_1633 = tpu.vector_load_idx %arg9[%add3A_1632] : memref<256xf32, #tpu.memory_space<vmem>>[vector<16xi32>], vector<16xf32>,
      %le3A_1634 = arith.cmpf ole, %gather3A_1633, %get3A_1601 : vector<16xf32>
      %jit3A_1635 = arith.constant 8 : i32
      %jit3A_1636 = arith.constant -8 : i32
      %broadcast_in_dim3A_1637 = vector.broadcast %jit3A_1635 : i32 to vector<16xi32>
      %broadcast_in_dim3A_1638 = vector.broadcast %jit3A_1636 : i32 to vector<16xi32>
      %select_n3A_1639 = arith.select %le3A_1634, %broadcast_in_dim3A_1637, %broadcast_in_dim3A_1638 : vector<16xi1>, vector<16xi32>
      %add3A_1640 = arith.addi %add3A_1632, %select_n3A_1639 : vector<16xi32>
      %gather3A_1641 = tpu.vector_load_idx %arg9[%add3A_1640] : memref<256xf32, #tpu.memory_space<vmem>>[vector<16xi32>], vector<16xf32>,
      %le3A_1642 = arith.cmpf ole, %gather3A_1641, %get3A_1601 : vector<16xf32>
      %jit3A_1643 = arith.constant 4 : i32
      %jit3A_1644 = arith.constant -4 : i32
      %broadcast_in_dim3A_1645 = vector.broadcast %jit3A_1643 : i32 to vector<16xi32>
      %broadcast_in_dim3A_1646 = vector.broadcast %jit3A_1644 : i32 to vector<16xi32>
      %select_n3A_1647 = arith.select %le3A_1642, %broadcast_in_dim3A_1645, %broadcast_in_dim3A_1646 : vector<16xi1>, vector<16xi32>
      %add3A_1648 = arith.addi %add3A_1640, %select_n3A_1647 : vector<16xi32>
      %gather3A_1649 = tpu.vector_load_idx %arg9[%add3A_1648] : memref<256xf32, #tpu.memory_space<vmem>>[vector<16xi32>], vector<16xf32>,
      %le3A_1650 = arith.cmpf ole, %gather3A_1649, %get3A_1601 : vector<16xf32>
      %jit3A_1651 = arith.constant 2 : i32
      %jit3A_1652 = arith.constant -2 : i32
      %broadcast_in_dim3A_1653 = vector.broadcast %jit3A_1651 : i32 to vector<16xi32>
      %broadcast_in_dim3A_1654 = vector.broadcast %jit3A_1652 : i32 to vector<16xi32>
      %select_n3A_1655 = arith.select %le3A_1650, %broadcast_in_dim3A_1653, %broadcast_in_dim3A_1654 : vector<16xi1>, vector<16xi32>
      %add3A_1656 = arith.addi %add3A_1648, %select_n3A_1655 : vector<16xi32>
      %gather3A_1657 = tpu.vector_load_idx %arg9[%add3A_1656] : memref<256xf32, #tpu.memory_space<vmem>>[vector<16xi32>], vector<16xf32>,
      %le3A_1658 = arith.cmpf ole, %gather3A_1657, %get3A_1601 : vector<16xf32>
      %jit3A_1659 = arith.constant 1 : i32
      %jit3A_1660 = arith.constant -1 : i32
      %broadcast_in_dim3A_1661 = vector.broadcast %jit3A_1659 : i32 to vector<16xi32>
      %broadcast_in_dim3A_1662 = vector.broadcast %jit3A_1660 : i32 to vector<16xi32>
      %select_n3A_1663 = arith.select %le3A_1658, %broadcast_in_dim3A_1661, %broadcast_in_dim3A_1662 : vector<16xi1>, vector<16xi32>
      %add3A_1664 = arith.addi %add3A_1656, %select_n3A_1663 : vector<16xi32>
      %gather3A_1665 = tpu.vector_load_idx %arg9[%add3A_1664] : memref<256xf32, #tpu.memory_space<vmem>>[vector<16xi32>], vector<16xf32>,
      %le3A_1666 = arith.cmpf ole, %gather3A_1665, %get3A_1601 : vector<16xf32>
      %convert_element_type3A = arith.extui %le3A_1666 : vector<16xi1> to vector<16xi32>
      %add3A_1667 = arith.addi %add3A_1664, %convert_element_type3A : vector<16xi32>
      %add3A_1668 = arith.addi %mul3A_533, %add3A_1667 : vector<16xi32>
      %broadcast_in_dim3A_1669 = arith.constant 127 : i32
      %broadcast_in_dim3A_1670 = vector.broadcast %broadcast_in_dim3A_1669 : i32 to vector<16xi32>
      %gather3A_1671 = tpu.vector_load_idx %arg9[%broadcast_in_dim3A_1670] : memref<256xf32, #tpu.memory_space<vmem>>[vector<16xi32>], vector<16xf32>,
      %le3A_1672 = arith.cmpf ole, %gather3A_1671, %mul3A_1609 : vector<16xf32>
      %jit3A_1673 = arith.constant 64 : i32
      %jit3A_1674 = arith.constant -64 : i32
      %broadcast_in_dim3A_1675 = vector.broadcast %jit3A_1673 : i32 to vector<16xi32>
      %broadcast_in_dim3A_1676 = vector.broadcast %jit3A_1674 : i32 to vector<16xi32>
      %select_n3A_1677 = arith.select %le3A_1672, %broadcast_in_dim3A_1675, %broadcast_in_dim3A_1676 : vector<16xi1>, vector<16xi32>
      %add3A_1678 = arith.addi %broadcast_in_dim3A_1670, %select_n3A_1677 : vector<16xi32>
      %gather3A_1679 = tpu.vector_load_idx %arg9[%add3A_1678] : memref<256xf32, #tpu.memory_space<vmem>>[vector<16xi32>], vector<16xf32>,
      %le3A_1680 = arith.cmpf ole, %gather3A_1679, %mul3A_1609 : vector<16xf32>
      %jit3A_1681 = arith.constant 32 : i32
      %jit3A_1682 = arith.constant -32 : i32
      %broadcast_in_dim3A_1683 = vector.broadcast %jit3A_1681 : i32 to vector<16xi32>
      %broadcast_in_dim3A_1684 = vector.broadcast %jit3A_1682 : i32 to vector<16xi32>
      %select_n3A_1685 = arith.select %le3A_1680, %broadcast_in_dim3A_1683, %broadcast_in_dim3A_1684 : vector<16xi1>, vector<16xi32>
      %add3A_1686 = arith.addi %add3A_1678, %select_n3A_1685 : vector<16xi32>
      %gather3A_1687 = tpu.vector_load_idx %arg9[%add3A_1686] : memref<256xf32, #tpu.memory_space<vmem>>[vector<16xi32>], vector<16xf32>,
      %le3A_1688 = arith.cmpf ole, %gather3A_1687, %mul3A_1609 : vector<16xf32>
      %jit3A_1689 = arith.constant 16 : i32
      %jit3A_1690 = arith.constant -16 : i32
      %broadcast_in_dim3A_1691 = vector.broadcast %jit3A_1689 : i32 to vector<16xi32>
      %broadcast_in_dim3A_1692 = vector.broadcast %jit3A_1690 : i32 to vector<16xi32>
      %select_n3A_1693 = arith.select %le3A_1688, %broadcast_in_dim3A_1691, %broadcast_in_dim3A_1692 : vector<16xi1>, vector<16xi32>
      %add3A_1694 = arith.addi %add3A_1686, %select_n3A_1693 : vector<16xi32>
      %gather3A_1695 = tpu.vector_load_idx %arg9[%add3A_1694] : memref<256xf32, #tpu.memory_space<vmem>>[vector<16xi32>], vector<16xf32>,
      %le3A_1696 = arith.cmpf ole, %gather3A_1695, %mul3A_1609 : vector<16xf32>
      %jit3A_1697 = arith.constant 8 : i32
      %jit3A_1698 = arith.constant -8 : i32
      %broadcast_in_dim3A_1699 = vector.broadcast %jit3A_1697 : i32 to vector<16xi32>
      %broadcast_in_dim3A_1700 = vector.broadcast %jit3A_1698 : i32 to vector<16xi32>
      %select_n3A_1701 = arith.select %le3A_1696, %broadcast_in_dim3A_1699, %broadcast_in_dim3A_1700 : vector<16xi1>, vector<16xi32>
      %add3A_1702 = arith.addi %add3A_1694, %select_n3A_1701 : vector<16xi32>
      %gather3A_1703 = tpu.vector_load_idx %arg9[%add3A_1702] : memref<256xf32, #tpu.memory_space<vmem>>[vector<16xi32>], vector<16xf32>,
      %le3A_1704 = arith.cmpf ole, %gather3A_1703, %mul3A_1609 : vector<16xf32>
      %jit3A_1705 = arith.constant 4 : i32
      %jit3A_1706 = arith.constant -4 : i32
      %broadcast_in_dim3A_1707 = vector.broadcast %jit3A_1705 : i32 to vector<16xi32>
      %broadcast_in_dim3A_1708 = vector.broadcast %jit3A_1706 : i32 to vector<16xi32>
      %select_n3A_1709 = arith.select %le3A_1704, %broadcast_in_dim3A_1707, %broadcast_in_dim3A_1708 : vector<16xi1>, vector<16xi32>
      %add3A_1710 = arith.addi %add3A_1702, %select_n3A_1709 : vector<16xi32>
      %gather3A_1711 = tpu.vector_load_idx %arg9[%add3A_1710] : memref<256xf32, #tpu.memory_space<vmem>>[vector<16xi32>], vector<16xf32>,
      %le3A_1712 = arith.cmpf ole, %gather3A_1711, %mul3A_1609 : vector<16xf32>
      %jit3A_1713 = arith.constant 2 : i32
      %jit3A_1714 = arith.constant -2 : i32
      %broadcast_in_dim3A_1715 = vector.broadcast %jit3A_1713 : i32 to vector<16xi32>
      %broadcast_in_dim3A_1716 = vector.broadcast %jit3A_1714 : i32 to vector<16xi32>
      %select_n3A_1717 = arith.select %le3A_1712, %broadcast_in_dim3A_1715, %broadcast_in_dim3A_1716 : vector<16xi1>, vector<16xi32>
      %add3A_1718 = arith.addi %add3A_1710, %select_n3A_1717 : vector<16xi32>
      %gather3A_1719 = tpu.vector_load_idx %arg9[%add3A_1718] : memref<256xf32, #tpu.memory_space<vmem>>[vector<16xi32>], vector<16xf32>,
      %le3A_1720 = arith.cmpf ole, %gather3A_1719, %mul3A_1609 : vector<16xf32>
      %jit3A_1721 = arith.constant 1 : i32
      %jit3A_1722 = arith.constant -1 : i32
      %broadcast_in_dim3A_1723 = vector.broadcast %jit3A_1721 : i32 to vector<16xi32>
      %broadcast_in_dim3A_1724 = vector.broadcast %jit3A_1722 : i32 to vector<16xi32>
      %select_n3A_1725 = arith.select %le3A_1720, %broadcast_in_dim3A_1723, %broadcast_in_dim3A_1724 : vector<16xi1>, vector<16xi32>
      %add3A_1726 = arith.addi %add3A_1718, %select_n3A_1725 : vector<16xi32>
      %gather3A_1727 = tpu.vector_load_idx %arg9[%add3A_1726] : memref<256xf32, #tpu.memory_space<vmem>>[vector<16xi32>], vector<16xf32>,
      %le3A_1728 = arith.cmpf ole, %gather3A_1727, %mul3A_1609 : vector<16xf32>
      %convert_element_type3A_1729 = arith.extui %le3A_1728 : vector<16xi1> to vector<16xi32>
      %add3A_1730 = arith.addi %add3A_1726, %convert_element_type3A_1729 : vector<16xi32>
      %add3A_1731 = arith.addi %mul3A_533, %add3A_1730 : vector<16xi32>
      %broadcast_in_dim3A_1732 = arith.constant 127 : i32
      %broadcast_in_dim3A_1733 = vector.broadcast %broadcast_in_dim3A_1732 : i32 to vector<16xi32>
      %gather3A_1734 = tpu.vector_load_idx %arg9[%broadcast_in_dim3A_1733] : memref<256xf32, #tpu.memory_space<vmem>>[vector<16xi32>], vector<16xf32>,
      %le3A_1735 = arith.cmpf ole, %gather3A_1734, %get3A_1605 : vector<16xf32>
      %jit3A_1736 = arith.constant 64 : i32
      %jit3A_1737 = arith.constant -64 : i32
      %broadcast_in_dim3A_1738 = vector.broadcast %jit3A_1736 : i32 to vector<16xi32>
      %broadcast_in_dim3A_1739 = vector.broadcast %jit3A_1737 : i32 to vector<16xi32>
      %select_n3A_1740 = arith.select %le3A_1735, %broadcast_in_dim3A_1738, %broadcast_in_dim3A_1739 : vector<16xi1>, vector<16xi32>
      %add3A_1741 = arith.addi %broadcast_in_dim3A_1733, %select_n3A_1740 : vector<16xi32>
      %gather3A_1742 = tpu.vector_load_idx %arg9[%add3A_1741] : memref<256xf32, #tpu.memory_space<vmem>>[vector<16xi32>], vector<16xf32>,
      %le3A_1743 = arith.cmpf ole, %gather3A_1742, %get3A_1605 : vector<16xf32>
      %jit3A_1744 = arith.constant 32 : i32
      %jit3A_1745 = arith.constant -32 : i32
      %broadcast_in_dim3A_1746 = vector.broadcast %jit3A_1744 : i32 to vector<16xi32>
      %broadcast_in_dim3A_1747 = vector.broadcast %jit3A_1745 : i32 to vector<16xi32>
      %select_n3A_1748 = arith.select %le3A_1743, %broadcast_in_dim3A_1746, %broadcast_in_dim3A_1747 : vector<16xi1>, vector<16xi32>
      %add3A_1749 = arith.addi %add3A_1741, %select_n3A_1748 : vector<16xi32>
      %gather3A_1750 = tpu.vector_load_idx %arg9[%add3A_1749] : memref<256xf32, #tpu.memory_space<vmem>>[vector<16xi32>], vector<16xf32>,
      %le3A_1751 = arith.cmpf ole, %gather3A_1750, %get3A_1605 : vector<16xf32>
      %jit3A_1752 = arith.constant 16 : i32
      %jit3A_1753 = arith.constant -16 : i32
      %broadcast_in_dim3A_1754 = vector.broadcast %jit3A_1752 : i32 to vector<16xi32>
      %broadcast_in_dim3A_1755 = vector.broadcast %jit3A_1753 : i32 to vector<16xi32>
      %select_n3A_1756 = arith.select %le3A_1751, %broadcast_in_dim3A_1754, %broadcast_in_dim3A_1755 : vector<16xi1>, vector<16xi32>
      %add3A_1757 = arith.addi %add3A_1749, %select_n3A_1756 : vector<16xi32>
      %gather3A_1758 = tpu.vector_load_idx %arg9[%add3A_1757] : memref<256xf32, #tpu.memory_space<vmem>>[vector<16xi32>], vector<16xf32>,
      %le3A_1759 = arith.cmpf ole, %gather3A_1758, %get3A_1605 : vector<16xf32>
      %jit3A_1760 = arith.constant 8 : i32
      %jit3A_1761 = arith.constant -8 : i32
      %broadcast_in_dim3A_1762 = vector.broadcast %jit3A_1760 : i32 to vector<16xi32>
      %broadcast_in_dim3A_1763 = vector.broadcast %jit3A_1761 : i32 to vector<16xi32>
      %select_n3A_1764 = arith.select %le3A_1759, %broadcast_in_dim3A_1762, %broadcast_in_dim3A_1763 : vector<16xi1>, vector<16xi32>
      %add3A_1765 = arith.addi %add3A_1757, %select_n3A_1764 : vector<16xi32>
      %gather3A_1766 = tpu.vector_load_idx %arg9[%add3A_1765] : memref<256xf32, #tpu.memory_space<vmem>>[vector<16xi32>], vector<16xf32>,
      %le3A_1767 = arith.cmpf ole, %gather3A_1766, %get3A_1605 : vector<16xf32>
      %jit3A_1768 = arith.constant 4 : i32
      %jit3A_1769 = arith.constant -4 : i32
      %broadcast_in_dim3A_1770 = vector.broadcast %jit3A_1768 : i32 to vector<16xi32>
      %broadcast_in_dim3A_1771 = vector.broadcast %jit3A_1769 : i32 to vector<16xi32>
      %select_n3A_1772 = arith.select %le3A_1767, %broadcast_in_dim3A_1770, %broadcast_in_dim3A_1771 : vector<16xi1>, vector<16xi32>
      %add3A_1773 = arith.addi %add3A_1765, %select_n3A_1772 : vector<16xi32>
      %gather3A_1774 = tpu.vector_load_idx %arg9[%add3A_1773] : memref<256xf32, #tpu.memory_space<vmem>>[vector<16xi32>], vector<16xf32>,
      %le3A_1775 = arith.cmpf ole, %gather3A_1774, %get3A_1605 : vector<16xf32>
      %jit3A_1776 = arith.constant 2 : i32
      %jit3A_1777 = arith.constant -2 : i32
      %broadcast_in_dim3A_1778 = vector.broadcast %jit3A_1776 : i32 to vector<16xi32>
      %broadcast_in_dim3A_1779 = vector.broadcast %jit3A_1777 : i32 to vector<16xi32>
      %select_n3A_1780 = arith.select %le3A_1775, %broadcast_in_dim3A_1778, %broadcast_in_dim3A_1779 : vector<16xi1>, vector<16xi32>
      %add3A_1781 = arith.addi %add3A_1773, %select_n3A_1780 : vector<16xi32>
      %gather3A_1782 = tpu.vector_load_idx %arg9[%add3A_1781] : memref<256xf32, #tpu.memory_space<vmem>>[vector<16xi32>], vector<16xf32>,
      %le3A_1783 = arith.cmpf ole, %gather3A_1782, %get3A_1605 : vector<16xf32>
      %jit3A_1784 = arith.constant 1 : i32
      %jit3A_1785 = arith.constant -1 : i32
      %broadcast_in_dim3A_1786 = vector.broadcast %jit3A_1784 : i32 to vector<16xi32>
      %broadcast_in_dim3A_1787 = vector.broadcast %jit3A_1785 : i32 to vector<16xi32>
      %select_n3A_1788 = arith.select %le3A_1783, %broadcast_in_dim3A_1786, %broadcast_in_dim3A_1787 : vector<16xi1>, vector<16xi32>
      %add3A_1789 = arith.addi %add3A_1781, %select_n3A_1788 : vector<16xi32>
      %gather3A_1790 = tpu.vector_load_idx %arg9[%add3A_1789] : memref<256xf32, #tpu.memory_space<vmem>>[vector<16xi32>], vector<16xf32>,
      %le3A_1791 = arith.cmpf ole, %gather3A_1790, %get3A_1605 : vector<16xf32>
      %convert_element_type3A_1792 = arith.extui %le3A_1791 : vector<16xi1> to vector<16xi32>
      %add3A_1793 = arith.addi %add3A_1789, %convert_element_type3A_1792 : vector<16xi32>
      %add3A_1794 = arith.addi %mul3A_533, %add3A_1793 : vector<16xi32>
      tpu.vector_store_idx %arg11[%add3A_1668], %broadcast_in_dim3A_535 {add = true} : memref<2128xf32, #tpu.memory_space<vmem>>[vector<16xi32>], vector<16xf32>,
      tpu.vector_store_idx %arg11[%add3A_1731], %broadcast_in_dim3A_537 {add = true} : memref<2128xf32, #tpu.memory_space<vmem>>[vector<16xi32>], vector<16xf32>,
      tpu.vector_store_idx %arg11[%add3A_1794], %broadcast_in_dim3A_535 {add = true} : memref<2128xf32, #tpu.memory_space<vmem>>[vector<16xi32>], vector<16xf32>,
      %sub3A = arith.constant 0.000000e+00 : f32
      %sub3A_1795 = vector.broadcast %sub3A : f32 to vector<16xf32>
      %sub3A_1796 = arith.subf %sub3A_1795, %get3A_1601 : vector<16xf32>
      tpu.vector_store_idx %arg12[%add3A_1668], %sub3A_1796 {add = true} : memref<2128xf32, #tpu.memory_space<vmem>>[vector<16xi32>], vector<16xf32>,
      tpu.vector_store_idx %arg12[%add3A_1731], %add3A_1606 {add = true} : memref<2128xf32, #tpu.memory_space<vmem>>[vector<16xi32>], vector<16xf32>,
      %sub3A_1797 = arith.constant 0.000000e+00 : f32
      %sub3A_1798 = vector.broadcast %sub3A_1797 : f32 to vector<16xf32>
      %sub3A_1799 = arith.subf %sub3A_1798, %get3A_1605 : vector<16xf32>
      tpu.vector_store_idx %arg12[%add3A_1794], %sub3A_1799 {add = true} : memref<2128xf32, #tpu.memory_space<vmem>>[vector<16xi32>], vector<16xf32>,
      %mul3A_1800 = arith.constant 2 : i32
      %mul3A_1801 = arith.muli %scan3A_1593, %mul3A_1800 : i32
      %add3A_1802 = arith.constant 1 : i32
      %add3A_1803 = arith.addi %mul3A_1801, %add3A_1802 : i32
      %mul3A_1804 = arith.constant 16 : i32
      %mul3A_1805 = arith.muli %add3A_1803, %mul3A_1804 : i32
      %get3A_1806 = arith.index_cast %mul3A_1805 : i32 to index
      %get3A_1807 = tpu.vector_load %arg7[%get3A_1806] {strides = array<i32>} : memref<1024xf32, #tpu.memory_space<vmem>>, vector<16xf32>,
      %mul3A_1808 = arith.constant 16 : i32
      %mul3A_1809 = arith.muli %add3A_1803, %mul3A_1808 : i32
      %get3A_1810 = arith.index_cast %mul3A_1809 : i32 to index
      %get3A_1811 = tpu.vector_load %arg8[%get3A_1810] {strides = array<i32>} : memref<1024xf32, #tpu.memory_space<vmem>>, vector<16xf32>,
      %add3A_1812 = arith.addf %get3A_1807, %get3A_1811 : vector<16xf32>
      %mul3A_1813 = arith.constant 5.000000e-01 : f32
      %mul3A_1814 = vector.broadcast %mul3A_1813 : f32 to vector<16xf32>
      %mul3A_1815 = arith.mulf %mul3A_1814, %add3A_1812 : vector<16xf32>
      %broadcast_in_dim3A_1816 = arith.constant 127 : i32
      %broadcast_in_dim3A_1817 = vector.broadcast %broadcast_in_dim3A_1816 : i32 to vector<16xi32>
      %gather3A_1818 = tpu.vector_load_idx %arg9[%broadcast_in_dim3A_1817] : memref<256xf32, #tpu.memory_space<vmem>>[vector<16xi32>], vector<16xf32>,
      %le3A_1819 = arith.cmpf ole, %gather3A_1818, %get3A_1807 : vector<16xf32>
      %jit3A_1820 = arith.constant 64 : i32
      %jit3A_1821 = arith.constant -64 : i32
      %broadcast_in_dim3A_1822 = vector.broadcast %jit3A_1820 : i32 to vector<16xi32>
      %broadcast_in_dim3A_1823 = vector.broadcast %jit3A_1821 : i32 to vector<16xi32>
      %select_n3A_1824 = arith.select %le3A_1819, %broadcast_in_dim3A_1822, %broadcast_in_dim3A_1823 : vector<16xi1>, vector<16xi32>
      %add3A_1825 = arith.addi %broadcast_in_dim3A_1817, %select_n3A_1824 : vector<16xi32>
      %gather3A_1826 = tpu.vector_load_idx %arg9[%add3A_1825] : memref<256xf32, #tpu.memory_space<vmem>>[vector<16xi32>], vector<16xf32>,
      %le3A_1827 = arith.cmpf ole, %gather3A_1826, %get3A_1807 : vector<16xf32>
      %jit3A_1828 = arith.constant 32 : i32
      %jit3A_1829 = arith.constant -32 : i32
      %broadcast_in_dim3A_1830 = vector.broadcast %jit3A_1828 : i32 to vector<16xi32>
      %broadcast_in_dim3A_1831 = vector.broadcast %jit3A_1829 : i32 to vector<16xi32>
      %select_n3A_1832 = arith.select %le3A_1827, %broadcast_in_dim3A_1830, %broadcast_in_dim3A_1831 : vector<16xi1>, vector<16xi32>
      %add3A_1833 = arith.addi %add3A_1825, %select_n3A_1832 : vector<16xi32>
      %gather3A_1834 = tpu.vector_load_idx %arg9[%add3A_1833] : memref<256xf32, #tpu.memory_space<vmem>>[vector<16xi32>], vector<16xf32>,
      %le3A_1835 = arith.cmpf ole, %gather3A_1834, %get3A_1807 : vector<16xf32>
      %jit3A_1836 = arith.constant 16 : i32
      %jit3A_1837 = arith.constant -16 : i32
      %broadcast_in_dim3A_1838 = vector.broadcast %jit3A_1836 : i32 to vector<16xi32>
      %broadcast_in_dim3A_1839 = vector.broadcast %jit3A_1837 : i32 to vector<16xi32>
      %select_n3A_1840 = arith.select %le3A_1835, %broadcast_in_dim3A_1838, %broadcast_in_dim3A_1839 : vector<16xi1>, vector<16xi32>
      %add3A_1841 = arith.addi %add3A_1833, %select_n3A_1840 : vector<16xi32>
      %gather3A_1842 = tpu.vector_load_idx %arg9[%add3A_1841] : memref<256xf32, #tpu.memory_space<vmem>>[vector<16xi32>], vector<16xf32>,
      %le3A_1843 = arith.cmpf ole, %gather3A_1842, %get3A_1807 : vector<16xf32>
      %jit3A_1844 = arith.constant 8 : i32
      %jit3A_1845 = arith.constant -8 : i32
      %broadcast_in_dim3A_1846 = vector.broadcast %jit3A_1844 : i32 to vector<16xi32>
      %broadcast_in_dim3A_1847 = vector.broadcast %jit3A_1845 : i32 to vector<16xi32>
      %select_n3A_1848 = arith.select %le3A_1843, %broadcast_in_dim3A_1846, %broadcast_in_dim3A_1847 : vector<16xi1>, vector<16xi32>
      %add3A_1849 = arith.addi %add3A_1841, %select_n3A_1848 : vector<16xi32>
      %gather3A_1850 = tpu.vector_load_idx %arg9[%add3A_1849] : memref<256xf32, #tpu.memory_space<vmem>>[vector<16xi32>], vector<16xf32>,
      %le3A_1851 = arith.cmpf ole, %gather3A_1850, %get3A_1807 : vector<16xf32>
      %jit3A_1852 = arith.constant 4 : i32
      %jit3A_1853 = arith.constant -4 : i32
      %broadcast_in_dim3A_1854 = vector.broadcast %jit3A_1852 : i32 to vector<16xi32>
      %broadcast_in_dim3A_1855 = vector.broadcast %jit3A_1853 : i32 to vector<16xi32>
      %select_n3A_1856 = arith.select %le3A_1851, %broadcast_in_dim3A_1854, %broadcast_in_dim3A_1855 : vector<16xi1>, vector<16xi32>
      %add3A_1857 = arith.addi %add3A_1849, %select_n3A_1856 : vector<16xi32>
      %gather3A_1858 = tpu.vector_load_idx %arg9[%add3A_1857] : memref<256xf32, #tpu.memory_space<vmem>>[vector<16xi32>], vector<16xf32>,
      %le3A_1859 = arith.cmpf ole, %gather3A_1858, %get3A_1807 : vector<16xf32>
      %jit3A_1860 = arith.constant 2 : i32
      %jit3A_1861 = arith.constant -2 : i32
      %broadcast_in_dim3A_1862 = vector.broadcast %jit3A_1860 : i32 to vector<16xi32>
      %broadcast_in_dim3A_1863 = vector.broadcast %jit3A_1861 : i32 to vector<16xi32>
      %select_n3A_1864 = arith.select %le3A_1859, %broadcast_in_dim3A_1862, %broadcast_in_dim3A_1863 : vector<16xi1>, vector<16xi32>
      %add3A_1865 = arith.addi %add3A_1857, %select_n3A_1864 : vector<16xi32>
      %gather3A_1866 = tpu.vector_load_idx %arg9[%add3A_1865] : memref<256xf32, #tpu.memory_space<vmem>>[vector<16xi32>], vector<16xf32>,
      %le3A_1867 = arith.cmpf ole, %gather3A_1866, %get3A_1807 : vector<16xf32>
      %jit3A_1868 = arith.constant 1 : i32
      %jit3A_1869 = arith.constant -1 : i32
      %broadcast_in_dim3A_1870 = vector.broadcast %jit3A_1868 : i32 to vector<16xi32>
      %broadcast_in_dim3A_1871 = vector.broadcast %jit3A_1869 : i32 to vector<16xi32>
      %select_n3A_1872 = arith.select %le3A_1867, %broadcast_in_dim3A_1870, %broadcast_in_dim3A_1871 : vector<16xi1>, vector<16xi32>
      %add3A_1873 = arith.addi %add3A_1865, %select_n3A_1872 : vector<16xi32>
      %gather3A_1874 = tpu.vector_load_idx %arg9[%add3A_1873] : memref<256xf32, #tpu.memory_space<vmem>>[vector<16xi32>], vector<16xf32>,
      %le3A_1875 = arith.cmpf ole, %gather3A_1874, %get3A_1807 : vector<16xf32>
      %convert_element_type3A_1876 = arith.extui %le3A_1875 : vector<16xi1> to vector<16xi32>
      %add3A_1877 = arith.addi %add3A_1873, %convert_element_type3A_1876 : vector<16xi32>
      %add3A_1878 = arith.addi %mul3A_533, %add3A_1877 : vector<16xi32>
      %broadcast_in_dim3A_1879 = arith.constant 127 : i32
      %broadcast_in_dim3A_1880 = vector.broadcast %broadcast_in_dim3A_1879 : i32 to vector<16xi32>
      %gather3A_1881 = tpu.vector_load_idx %arg9[%broadcast_in_dim3A_1880] : memref<256xf32, #tpu.memory_space<vmem>>[vector<16xi32>], vector<16xf32>,
      %le3A_1882 = arith.cmpf ole, %gather3A_1881, %mul3A_1815 : vector<16xf32>
      %jit3A_1883 = arith.constant 64 : i32
      %jit3A_1884 = arith.constant -64 : i32
      %broadcast_in_dim3A_1885 = vector.broadcast %jit3A_1883 : i32 to vector<16xi32>
      %broadcast_in_dim3A_1886 = vector.broadcast %jit3A_1884 : i32 to vector<16xi32>
      %select_n3A_1887 = arith.select %le3A_1882, %broadcast_in_dim3A_1885, %broadcast_in_dim3A_1886 : vector<16xi1>, vector<16xi32>
      %add3A_1888 = arith.addi %broadcast_in_dim3A_1880, %select_n3A_1887 : vector<16xi32>
      %gather3A_1889 = tpu.vector_load_idx %arg9[%add3A_1888] : memref<256xf32, #tpu.memory_space<vmem>>[vector<16xi32>], vector<16xf32>,
      %le3A_1890 = arith.cmpf ole, %gather3A_1889, %mul3A_1815 : vector<16xf32>
      %jit3A_1891 = arith.constant 32 : i32
      %jit3A_1892 = arith.constant -32 : i32
      %broadcast_in_dim3A_1893 = vector.broadcast %jit3A_1891 : i32 to vector<16xi32>
      %broadcast_in_dim3A_1894 = vector.broadcast %jit3A_1892 : i32 to vector<16xi32>
      %select_n3A_1895 = arith.select %le3A_1890, %broadcast_in_dim3A_1893, %broadcast_in_dim3A_1894 : vector<16xi1>, vector<16xi32>
      %add3A_1896 = arith.addi %add3A_1888, %select_n3A_1895 : vector<16xi32>
      %gather3A_1897 = tpu.vector_load_idx %arg9[%add3A_1896] : memref<256xf32, #tpu.memory_space<vmem>>[vector<16xi32>], vector<16xf32>,
      %le3A_1898 = arith.cmpf ole, %gather3A_1897, %mul3A_1815 : vector<16xf32>
      %jit3A_1899 = arith.constant 16 : i32
      %jit3A_1900 = arith.constant -16 : i32
      %broadcast_in_dim3A_1901 = vector.broadcast %jit3A_1899 : i32 to vector<16xi32>
      %broadcast_in_dim3A_1902 = vector.broadcast %jit3A_1900 : i32 to vector<16xi32>
      %select_n3A_1903 = arith.select %le3A_1898, %broadcast_in_dim3A_1901, %broadcast_in_dim3A_1902 : vector<16xi1>, vector<16xi32>
      %add3A_1904 = arith.addi %add3A_1896, %select_n3A_1903 : vector<16xi32>
      %gather3A_1905 = tpu.vector_load_idx %arg9[%add3A_1904] : memref<256xf32, #tpu.memory_space<vmem>>[vector<16xi32>], vector<16xf32>,
      %le3A_1906 = arith.cmpf ole, %gather3A_1905, %mul3A_1815 : vector<16xf32>
      %jit3A_1907 = arith.constant 8 : i32
      %jit3A_1908 = arith.constant -8 : i32
      %broadcast_in_dim3A_1909 = vector.broadcast %jit3A_1907 : i32 to vector<16xi32>
      %broadcast_in_dim3A_1910 = vector.broadcast %jit3A_1908 : i32 to vector<16xi32>
      %select_n3A_1911 = arith.select %le3A_1906, %broadcast_in_dim3A_1909, %broadcast_in_dim3A_1910 : vector<16xi1>, vector<16xi32>
      %add3A_1912 = arith.addi %add3A_1904, %select_n3A_1911 : vector<16xi32>
      %gather3A_1913 = tpu.vector_load_idx %arg9[%add3A_1912] : memref<256xf32, #tpu.memory_space<vmem>>[vector<16xi32>], vector<16xf32>,
      %le3A_1914 = arith.cmpf ole, %gather3A_1913, %mul3A_1815 : vector<16xf32>
      %jit3A_1915 = arith.constant 4 : i32
      %jit3A_1916 = arith.constant -4 : i32
      %broadcast_in_dim3A_1917 = vector.broadcast %jit3A_1915 : i32 to vector<16xi32>
      %broadcast_in_dim3A_1918 = vector.broadcast %jit3A_1916 : i32 to vector<16xi32>
      %select_n3A_1919 = arith.select %le3A_1914, %broadcast_in_dim3A_1917, %broadcast_in_dim3A_1918 : vector<16xi1>, vector<16xi32>
      %add3A_1920 = arith.addi %add3A_1912, %select_n3A_1919 : vector<16xi32>
      %gather3A_1921 = tpu.vector_load_idx %arg9[%add3A_1920] : memref<256xf32, #tpu.memory_space<vmem>>[vector<16xi32>], vector<16xf32>,
      %le3A_1922 = arith.cmpf ole, %gather3A_1921, %mul3A_1815 : vector<16xf32>
      %jit3A_1923 = arith.constant 2 : i32
      %jit3A_1924 = arith.constant -2 : i32
      %broadcast_in_dim3A_1925 = vector.broadcast %jit3A_1923 : i32 to vector<16xi32>
      %broadcast_in_dim3A_1926 = vector.broadcast %jit3A_1924 : i32 to vector<16xi32>
      %select_n3A_1927 = arith.select %le3A_1922, %broadcast_in_dim3A_1925, %broadcast_in_dim3A_1926 : vector<16xi1>, vector<16xi32>
      %add3A_1928 = arith.addi %add3A_1920, %select_n3A_1927 : vector<16xi32>
      %gather3A_1929 = tpu.vector_load_idx %arg9[%add3A_1928] : memref<256xf32, #tpu.memory_space<vmem>>[vector<16xi32>], vector<16xf32>,
      %le3A_1930 = arith.cmpf ole, %gather3A_1929, %mul3A_1815 : vector<16xf32>
      %jit3A_1931 = arith.constant 1 : i32
      %jit3A_1932 = arith.constant -1 : i32
      %broadcast_in_dim3A_1933 = vector.broadcast %jit3A_1931 : i32 to vector<16xi32>
      %broadcast_in_dim3A_1934 = vector.broadcast %jit3A_1932 : i32 to vector<16xi32>
      %select_n3A_1935 = arith.select %le3A_1930, %broadcast_in_dim3A_1933, %broadcast_in_dim3A_1934 : vector<16xi1>, vector<16xi32>
      %add3A_1936 = arith.addi %add3A_1928, %select_n3A_1935 : vector<16xi32>
      %gather3A_1937 = tpu.vector_load_idx %arg9[%add3A_1936] : memref<256xf32, #tpu.memory_space<vmem>>[vector<16xi32>], vector<16xf32>,
      %le3A_1938 = arith.cmpf ole, %gather3A_1937, %mul3A_1815 : vector<16xf32>
      %convert_element_type3A_1939 = arith.extui %le3A_1938 : vector<16xi1> to vector<16xi32>
      %add3A_1940 = arith.addi %add3A_1936, %convert_element_type3A_1939 : vector<16xi32>
      %add3A_1941 = arith.addi %mul3A_533, %add3A_1940 : vector<16xi32>
      %broadcast_in_dim3A_1942 = arith.constant 127 : i32
      %broadcast_in_dim3A_1943 = vector.broadcast %broadcast_in_dim3A_1942 : i32 to vector<16xi32>
      %gather3A_1944 = tpu.vector_load_idx %arg9[%broadcast_in_dim3A_1943] : memref<256xf32, #tpu.memory_space<vmem>>[vector<16xi32>], vector<16xf32>,
      %le3A_1945 = arith.cmpf ole, %gather3A_1944, %get3A_1811 : vector<16xf32>
      %jit3A_1946 = arith.constant 64 : i32
      %jit3A_1947 = arith.constant -64 : i32
      %broadcast_in_dim3A_1948 = vector.broadcast %jit3A_1946 : i32 to vector<16xi32>
      %broadcast_in_dim3A_1949 = vector.broadcast %jit3A_1947 : i32 to vector<16xi32>
      %select_n3A_1950 = arith.select %le3A_1945, %broadcast_in_dim3A_1948, %broadcast_in_dim3A_1949 : vector<16xi1>, vector<16xi32>
      %add3A_1951 = arith.addi %broadcast_in_dim3A_1943, %select_n3A_1950 : vector<16xi32>
      %gather3A_1952 = tpu.vector_load_idx %arg9[%add3A_1951] : memref<256xf32, #tpu.memory_space<vmem>>[vector<16xi32>], vector<16xf32>,
      %le3A_1953 = arith.cmpf ole, %gather3A_1952, %get3A_1811 : vector<16xf32>
      %jit3A_1954 = arith.constant 32 : i32
      %jit3A_1955 = arith.constant -32 : i32
      %broadcast_in_dim3A_1956 = vector.broadcast %jit3A_1954 : i32 to vector<16xi32>
      %broadcast_in_dim3A_1957 = vector.broadcast %jit3A_1955 : i32 to vector<16xi32>
      %select_n3A_1958 = arith.select %le3A_1953, %broadcast_in_dim3A_1956, %broadcast_in_dim3A_1957 : vector<16xi1>, vector<16xi32>
      %add3A_1959 = arith.addi %add3A_1951, %select_n3A_1958 : vector<16xi32>
      %gather3A_1960 = tpu.vector_load_idx %arg9[%add3A_1959] : memref<256xf32, #tpu.memory_space<vmem>>[vector<16xi32>], vector<16xf32>,
      %le3A_1961 = arith.cmpf ole, %gather3A_1960, %get3A_1811 : vector<16xf32>
      %jit3A_1962 = arith.constant 16 : i32
      %jit3A_1963 = arith.constant -16 : i32
      %broadcast_in_dim3A_1964 = vector.broadcast %jit3A_1962 : i32 to vector<16xi32>
      %broadcast_in_dim3A_1965 = vector.broadcast %jit3A_1963 : i32 to vector<16xi32>
      %select_n3A_1966 = arith.select %le3A_1961, %broadcast_in_dim3A_1964, %broadcast_in_dim3A_1965 : vector<16xi1>, vector<16xi32>
      %add3A_1967 = arith.addi %add3A_1959, %select_n3A_1966 : vector<16xi32>
      %gather3A_1968 = tpu.vector_load_idx %arg9[%add3A_1967] : memref<256xf32, #tpu.memory_space<vmem>>[vector<16xi32>], vector<16xf32>,
      %le3A_1969 = arith.cmpf ole, %gather3A_1968, %get3A_1811 : vector<16xf32>
      %jit3A_1970 = arith.constant 8 : i32
      %jit3A_1971 = arith.constant -8 : i32
      %broadcast_in_dim3A_1972 = vector.broadcast %jit3A_1970 : i32 to vector<16xi32>
      %broadcast_in_dim3A_1973 = vector.broadcast %jit3A_1971 : i32 to vector<16xi32>
      %select_n3A_1974 = arith.select %le3A_1969, %broadcast_in_dim3A_1972, %broadcast_in_dim3A_1973 : vector<16xi1>, vector<16xi32>
      %add3A_1975 = arith.addi %add3A_1967, %select_n3A_1974 : vector<16xi32>
      %gather3A_1976 = tpu.vector_load_idx %arg9[%add3A_1975] : memref<256xf32, #tpu.memory_space<vmem>>[vector<16xi32>], vector<16xf32>,
      %le3A_1977 = arith.cmpf ole, %gather3A_1976, %get3A_1811 : vector<16xf32>
      %jit3A_1978 = arith.constant 4 : i32
      %jit3A_1979 = arith.constant -4 : i32
      %broadcast_in_dim3A_1980 = vector.broadcast %jit3A_1978 : i32 to vector<16xi32>
      %broadcast_in_dim3A_1981 = vector.broadcast %jit3A_1979 : i32 to vector<16xi32>
      %select_n3A_1982 = arith.select %le3A_1977, %broadcast_in_dim3A_1980, %broadcast_in_dim3A_1981 : vector<16xi1>, vector<16xi32>
      %add3A_1983 = arith.addi %add3A_1975, %select_n3A_1982 : vector<16xi32>
      %gather3A_1984 = tpu.vector_load_idx %arg9[%add3A_1983] : memref<256xf32, #tpu.memory_space<vmem>>[vector<16xi32>], vector<16xf32>,
      %le3A_1985 = arith.cmpf ole, %gather3A_1984, %get3A_1811 : vector<16xf32>
      %jit3A_1986 = arith.constant 2 : i32
      %jit3A_1987 = arith.constant -2 : i32
      %broadcast_in_dim3A_1988 = vector.broadcast %jit3A_1986 : i32 to vector<16xi32>
      %broadcast_in_dim3A_1989 = vector.broadcast %jit3A_1987 : i32 to vector<16xi32>
      %select_n3A_1990 = arith.select %le3A_1985, %broadcast_in_dim3A_1988, %broadcast_in_dim3A_1989 : vector<16xi1>, vector<16xi32>
      %add3A_1991 = arith.addi %add3A_1983, %select_n3A_1990 : vector<16xi32>
      %gather3A_1992 = tpu.vector_load_idx %arg9[%add3A_1991] : memref<256xf32, #tpu.memory_space<vmem>>[vector<16xi32>], vector<16xf32>,
      %le3A_1993 = arith.cmpf ole, %gather3A_1992, %get3A_1811 : vector<16xf32>
      %jit3A_1994 = arith.constant 1 : i32
      %jit3A_1995 = arith.constant -1 : i32
      %broadcast_in_dim3A_1996 = vector.broadcast %jit3A_1994 : i32 to vector<16xi32>
      %broadcast_in_dim3A_1997 = vector.broadcast %jit3A_1995 : i32 to vector<16xi32>
      %select_n3A_1998 = arith.select %le3A_1993, %broadcast_in_dim3A_1996, %broadcast_in_dim3A_1997 : vector<16xi1>, vector<16xi32>
      %add3A_1999 = arith.addi %add3A_1991, %select_n3A_1998 : vector<16xi32>
      %gather3A_2000 = tpu.vector_load_idx %arg9[%add3A_1999] : memref<256xf32, #tpu.memory_space<vmem>>[vector<16xi32>], vector<16xf32>,
      %le3A_2001 = arith.cmpf ole, %gather3A_2000, %get3A_1811 : vector<16xf32>
      %convert_element_type3A_2002 = arith.extui %le3A_2001 : vector<16xi1> to vector<16xi32>
      %add3A_2003 = arith.addi %add3A_1999, %convert_element_type3A_2002 : vector<16xi32>
      %add3A_2004 = arith.addi %mul3A_533, %add3A_2003 : vector<16xi32>
      tpu.vector_store_idx %arg11[%add3A_1878], %broadcast_in_dim3A_535 {add = true} : memref<2128xf32, #tpu.memory_space<vmem>>[vector<16xi32>], vector<16xf32>,
      tpu.vector_store_idx %arg11[%add3A_1941], %broadcast_in_dim3A_537 {add = true} : memref<2128xf32, #tpu.memory_space<vmem>>[vector<16xi32>], vector<16xf32>,
      tpu.vector_store_idx %arg11[%add3A_2004], %broadcast_in_dim3A_535 {add = true} : memref<2128xf32, #tpu.memory_space<vmem>>[vector<16xi32>], vector<16xf32>,
      %sub3A_2005 = arith.constant 0.000000e+00 : f32
      %sub3A_2006 = vector.broadcast %sub3A_2005 : f32 to vector<16xf32>
      %sub3A_2007 = arith.subf %sub3A_2006, %get3A_1807 : vector<16xf32>
      tpu.vector_store_idx %arg12[%add3A_1878], %sub3A_2007 {add = true} : memref<2128xf32, #tpu.memory_space<vmem>>[vector<16xi32>], vector<16xf32>,
      tpu.vector_store_idx %arg12[%add3A_1941], %add3A_1812 {add = true} : memref<2128xf32, #tpu.memory_space<vmem>>[vector<16xi32>], vector<16xf32>,
      %sub3A_2008 = arith.constant 0.000000e+00 : f32
      %sub3A_2009 = vector.broadcast %sub3A_2008 : f32 to vector<16xf32>
      %sub3A_2010 = arith.subf %sub3A_2009, %get3A_1811 : vector<16xf32>
      tpu.vector_store_idx %arg12[%add3A_2004], %sub3A_2010 {add = true} : memref<2128xf32, #tpu.memory_space<vmem>>[vector<16xi32>], vector<16xf32>,
    }
    %scan3A_542 = arith.constant 32 : i32
    %get3A = arith.constant 0 : index
    %get3A_543 = tpu.vector_load %arg11[%get3A] {strides = array<i32>} : memref<2128xf32, #tpu.memory_space<vmem>>, vector<16xf32>,
    %add3A = arith.addf %broadcast_in_dim3A_0, %get3A_543 : vector<16xf32>
    %get3A_544 = arith.constant 0 : index
    %get3A_545 = tpu.vector_load %arg12[%get3A_544] {strides = array<i32>} : memref<2128xf32, #tpu.memory_space<vmem>>, vector<16xf32>,
    %add3A_546 = arith.addf %broadcast_in_dim3A_0, %get3A_545 : vector<16xf32>
    %get3A_547 = arith.constant 133 : index
    %get3A_548 = tpu.vector_load %arg11[%get3A_547] {strides = array<i32>} : memref<2128xf32, #tpu.memory_space<vmem>>, vector<16xf32>,
    %add3A_549 = arith.addf %add3A, %get3A_548 : vector<16xf32>
    %get3A_550 = arith.constant 133 : index
    %get3A_551 = tpu.vector_load %arg12[%get3A_550] {strides = array<i32>} : memref<2128xf32, #tpu.memory_space<vmem>>, vector<16xf32>,
    %add3A_552 = arith.addf %add3A_546, %get3A_551 : vector<16xf32>
    %get3A_553 = arith.constant 266 : index
    %get3A_554 = tpu.vector_load %arg11[%get3A_553] {strides = array<i32>} : memref<2128xf32, #tpu.memory_space<vmem>>, vector<16xf32>,
    %add3A_555 = arith.addf %add3A_549, %get3A_554 : vector<16xf32>
    %get3A_556 = arith.constant 266 : index
    %get3A_557 = tpu.vector_load %arg12[%get3A_556] {strides = array<i32>} : memref<2128xf32, #tpu.memory_space<vmem>>, vector<16xf32>,
    %add3A_558 = arith.addf %add3A_552, %get3A_557 : vector<16xf32>
    %get3A_559 = arith.constant 399 : index
    %get3A_560 = tpu.vector_load %arg11[%get3A_559] {strides = array<i32>} : memref<2128xf32, #tpu.memory_space<vmem>>, vector<16xf32>,
    %add3A_561 = arith.addf %add3A_555, %get3A_560 : vector<16xf32>
    %get3A_562 = arith.constant 399 : index
    %get3A_563 = tpu.vector_load %arg12[%get3A_562] {strides = array<i32>} : memref<2128xf32, #tpu.memory_space<vmem>>, vector<16xf32>,
    %add3A_564 = arith.addf %add3A_558, %get3A_563 : vector<16xf32>
    %get3A_565 = arith.constant 532 : index
    %get3A_566 = tpu.vector_load %arg11[%get3A_565] {strides = array<i32>} : memref<2128xf32, #tpu.memory_space<vmem>>, vector<16xf32>,
    %add3A_567 = arith.addf %add3A_561, %get3A_566 : vector<16xf32>
    %get3A_568 = arith.constant 532 : index
    %get3A_569 = tpu.vector_load %arg12[%get3A_568] {strides = array<i32>} : memref<2128xf32, #tpu.memory_space<vmem>>, vector<16xf32>,
    %add3A_570 = arith.addf %add3A_564, %get3A_569 : vector<16xf32>
    %get3A_571 = arith.constant 665 : index
    %get3A_572 = tpu.vector_load %arg11[%get3A_571] {strides = array<i32>} : memref<2128xf32, #tpu.memory_space<vmem>>, vector<16xf32>,
    %add3A_573 = arith.addf %add3A_567, %get3A_572 : vector<16xf32>
    %get3A_574 = arith.constant 665 : index
    %get3A_575 = tpu.vector_load %arg12[%get3A_574] {strides = array<i32>} : memref<2128xf32, #tpu.memory_space<vmem>>, vector<16xf32>,
    %add3A_576 = arith.addf %add3A_570, %get3A_575 : vector<16xf32>
    %get3A_577 = arith.constant 798 : index
    %get3A_578 = tpu.vector_load %arg11[%get3A_577] {strides = array<i32>} : memref<2128xf32, #tpu.memory_space<vmem>>, vector<16xf32>,
    %add3A_579 = arith.addf %add3A_573, %get3A_578 : vector<16xf32>
    %get3A_580 = arith.constant 798 : index
    %get3A_581 = tpu.vector_load %arg12[%get3A_580] {strides = array<i32>} : memref<2128xf32, #tpu.memory_space<vmem>>, vector<16xf32>,
    %add3A_582 = arith.addf %add3A_576, %get3A_581 : vector<16xf32>
    %get3A_583 = arith.constant 931 : index
    %get3A_584 = tpu.vector_load %arg11[%get3A_583] {strides = array<i32>} : memref<2128xf32, #tpu.memory_space<vmem>>, vector<16xf32>,
    %add3A_585 = arith.addf %add3A_579, %get3A_584 : vector<16xf32>
    %get3A_586 = arith.constant 931 : index
    %get3A_587 = tpu.vector_load %arg12[%get3A_586] {strides = array<i32>} : memref<2128xf32, #tpu.memory_space<vmem>>, vector<16xf32>,
    %add3A_588 = arith.addf %add3A_582, %get3A_587 : vector<16xf32>
    %get3A_589 = arith.constant 1064 : index
    %get3A_590 = tpu.vector_load %arg11[%get3A_589] {strides = array<i32>} : memref<2128xf32, #tpu.memory_space<vmem>>, vector<16xf32>,
    %add3A_591 = arith.addf %add3A_585, %get3A_590 : vector<16xf32>
    %get3A_592 = arith.constant 1064 : index
    %get3A_593 = tpu.vector_load %arg12[%get3A_592] {strides = array<i32>} : memref<2128xf32, #tpu.memory_space<vmem>>, vector<16xf32>,
    %add3A_594 = arith.addf %add3A_588, %get3A_593 : vector<16xf32>
    %get3A_595 = arith.constant 1197 : index
    %get3A_596 = tpu.vector_load %arg11[%get3A_595] {strides = array<i32>} : memref<2128xf32, #tpu.memory_space<vmem>>, vector<16xf32>,
    %add3A_597 = arith.addf %add3A_591, %get3A_596 : vector<16xf32>
    %get3A_598 = arith.constant 1197 : index
    %get3A_599 = tpu.vector_load %arg12[%get3A_598] {strides = array<i32>} : memref<2128xf32, #tpu.memory_space<vmem>>, vector<16xf32>,
    %add3A_600 = arith.addf %add3A_594, %get3A_599 : vector<16xf32>
    %get3A_601 = arith.constant 1330 : index
    %get3A_602 = tpu.vector_load %arg11[%get3A_601] {strides = array<i32>} : memref<2128xf32, #tpu.memory_space<vmem>>, vector<16xf32>,
    %add3A_603 = arith.addf %add3A_597, %get3A_602 : vector<16xf32>
    %get3A_604 = arith.constant 1330 : index
    %get3A_605 = tpu.vector_load %arg12[%get3A_604] {strides = array<i32>} : memref<2128xf32, #tpu.memory_space<vmem>>, vector<16xf32>,
    %add3A_606 = arith.addf %add3A_600, %get3A_605 : vector<16xf32>
    %get3A_607 = arith.constant 1463 : index
    %get3A_608 = tpu.vector_load %arg11[%get3A_607] {strides = array<i32>} : memref<2128xf32, #tpu.memory_space<vmem>>, vector<16xf32>,
    %add3A_609 = arith.addf %add3A_603, %get3A_608 : vector<16xf32>
    %get3A_610 = arith.constant 1463 : index
    %get3A_611 = tpu.vector_load %arg12[%get3A_610] {strides = array<i32>} : memref<2128xf32, #tpu.memory_space<vmem>>, vector<16xf32>,
    %add3A_612 = arith.addf %add3A_606, %get3A_611 : vector<16xf32>
    %get3A_613 = arith.constant 1596 : index
    %get3A_614 = tpu.vector_load %arg11[%get3A_613] {strides = array<i32>} : memref<2128xf32, #tpu.memory_space<vmem>>, vector<16xf32>,
    %add3A_615 = arith.addf %add3A_609, %get3A_614 : vector<16xf32>
    %get3A_616 = arith.constant 1596 : index
    %get3A_617 = tpu.vector_load %arg12[%get3A_616] {strides = array<i32>} : memref<2128xf32, #tpu.memory_space<vmem>>, vector<16xf32>,
    %add3A_618 = arith.addf %add3A_612, %get3A_617 : vector<16xf32>
    %get3A_619 = arith.constant 1729 : index
    %get3A_620 = tpu.vector_load %arg11[%get3A_619] {strides = array<i32>} : memref<2128xf32, #tpu.memory_space<vmem>>, vector<16xf32>,
    %add3A_621 = arith.addf %add3A_615, %get3A_620 : vector<16xf32>
    %get3A_622 = arith.constant 1729 : index
    %get3A_623 = tpu.vector_load %arg12[%get3A_622] {strides = array<i32>} : memref<2128xf32, #tpu.memory_space<vmem>>, vector<16xf32>,
    %add3A_624 = arith.addf %add3A_618, %get3A_623 : vector<16xf32>
    %get3A_625 = arith.constant 1862 : index
    %get3A_626 = tpu.vector_load %arg11[%get3A_625] {strides = array<i32>} : memref<2128xf32, #tpu.memory_space<vmem>>, vector<16xf32>,
    %add3A_627 = arith.addf %add3A_621, %get3A_626 : vector<16xf32>
    %get3A_628 = arith.constant 1862 : index
    %get3A_629 = tpu.vector_load %arg12[%get3A_628] {strides = array<i32>} : memref<2128xf32, #tpu.memory_space<vmem>>, vector<16xf32>,
    %add3A_630 = arith.addf %add3A_624, %get3A_629 : vector<16xf32>
    %get3A_631 = arith.constant 1995 : index
    %get3A_632 = tpu.vector_load %arg11[%get3A_631] {strides = array<i32>} : memref<2128xf32, #tpu.memory_space<vmem>>, vector<16xf32>,
    %add3A_633 = arith.addf %add3A_627, %get3A_632 : vector<16xf32>
    %get3A_634 = arith.constant 1995 : index
    %get3A_635 = tpu.vector_load %arg12[%get3A_634] {strides = array<i32>} : memref<2128xf32, #tpu.memory_space<vmem>>, vector<16xf32>,
    %add3A_636 = arith.addf %add3A_630, %get3A_635 : vector<16xf32>
    %broadcast_in_dim3A_637 = arith.constant true
    %broadcast_in_dim3A_638 = vector.broadcast %broadcast_in_dim3A_637 : i1 to vector<16xi1>
    %masked_cumsum3A = tpu.scan <sum>, %add3A_633 masked %broadcast_in_dim3A_638 : vector<16xf32>, vector<16xi1> -> vector<16xf32>
    %add3A_639 = arith.addf %masked_cumsum3A, %broadcast_in_dim3A_0 : vector<16xf32>
    %broadcast_in_dim3A_640 = arith.constant true
    %broadcast_in_dim3A_641 = vector.broadcast %broadcast_in_dim3A_640 : i1 to vector<16xi1>
    %masked_cumsum3A_642 = tpu.scan <sum>, %add3A_636 masked %broadcast_in_dim3A_641 : vector<16xf32>, vector<16xi1> -> vector<16xf32>
    %add3A_643 = arith.addf %masked_cumsum3A_642, %broadcast_in_dim3A_0 : vector<16xf32>
    %broadcast_in_dim3A_644 = arith.constant 0.000000e+00 : f32
    %broadcast_in_dim3A_645 = vector.broadcast %broadcast_in_dim3A_644 : f32 to vector<16xf32>
    %slice3A = vector.extract_strided_slice %add3A_639 {offsets = [15], sizes = [1], strides = [1]} : vector<16xf32> to vector<1xf32>
    %squeeze3A = vector.extract %slice3A[0] : f32 from vector<1xf32>
    %add3A_646 = vector.broadcast %squeeze3A : f32 to vector<16xf32>
    %add3A_647 = arith.addf %broadcast_in_dim3A_645, %add3A_646 : vector<16xf32>
    %broadcast_in_dim3A_648 = arith.constant 0.000000e+00 : f32
    %broadcast_in_dim3A_649 = vector.broadcast %broadcast_in_dim3A_648 : f32 to vector<16xf32>
    %slice3A_650 = vector.extract_strided_slice %add3A_643 {offsets = [15], sizes = [1], strides = [1]} : vector<16xf32> to vector<1xf32>
    %squeeze3A_651 = vector.extract %slice3A_650[0] : f32 from vector<1xf32>
    %add3A_652 = vector.broadcast %squeeze3A_651 : f32 to vector<16xf32>
    %add3A_653 = arith.addf %broadcast_in_dim3A_649, %add3A_652 : vector<16xf32>
    %swap3A_654 = arith.constant 0 : index
    %swap3A_655 = tpu.vector_load %arg13[%swap3A_654] {strides = array<i32>} : memref<256xf32, #tpu.memory_space<vmem>>, vector<16xf32>,
    tpu.vector_store %arg13[%swap3A_654], %add3A_639 {strides = array<i32>} : memref<256xf32, #tpu.memory_space<vmem>>, vector<16xf32>,
    %swap3A_656 = arith.constant 128 : index
    %swap3A_657 = tpu.vector_load %arg13[%swap3A_656] {strides = array<i32>} : memref<256xf32, #tpu.memory_space<vmem>>, vector<16xf32>,
    tpu.vector_store %arg13[%swap3A_656], %add3A_643 {strides = array<i32>} : memref<256xf32, #tpu.memory_space<vmem>>, vector<16xf32>,
    %get3A_658 = arith.constant 16 : index
    %get3A_659 = tpu.vector_load %arg11[%get3A_658] {strides = array<i32>} : memref<2128xf32, #tpu.memory_space<vmem>>, vector<16xf32>,
    %add3A_660 = arith.addf %broadcast_in_dim3A_0, %get3A_659 : vector<16xf32>
    %get3A_661 = arith.constant 16 : index
    %get3A_662 = tpu.vector_load %arg12[%get3A_661] {strides = array<i32>} : memref<2128xf32, #tpu.memory_space<vmem>>, vector<16xf32>,
    %add3A_663 = arith.addf %broadcast_in_dim3A_0, %get3A_662 : vector<16xf32>
    %get3A_664 = arith.constant 149 : index
    %get3A_665 = tpu.vector_load %arg11[%get3A_664] {strides = array<i32>} : memref<2128xf32, #tpu.memory_space<vmem>>, vector<16xf32>,
    %add3A_666 = arith.addf %add3A_660, %get3A_665 : vector<16xf32>
    %get3A_667 = arith.constant 149 : index
    %get3A_668 = tpu.vector_load %arg12[%get3A_667] {strides = array<i32>} : memref<2128xf32, #tpu.memory_space<vmem>>, vector<16xf32>,
    %add3A_669 = arith.addf %add3A_663, %get3A_668 : vector<16xf32>
    %get3A_670 = arith.constant 282 : index
    %get3A_671 = tpu.vector_load %arg11[%get3A_670] {strides = array<i32>} : memref<2128xf32, #tpu.memory_space<vmem>>, vector<16xf32>,
    %add3A_672 = arith.addf %add3A_666, %get3A_671 : vector<16xf32>
    %get3A_673 = arith.constant 282 : index
    %get3A_674 = tpu.vector_load %arg12[%get3A_673] {strides = array<i32>} : memref<2128xf32, #tpu.memory_space<vmem>>, vector<16xf32>,
    %add3A_675 = arith.addf %add3A_669, %get3A_674 : vector<16xf32>
    %get3A_676 = arith.constant 415 : index
    %get3A_677 = tpu.vector_load %arg11[%get3A_676] {strides = array<i32>} : memref<2128xf32, #tpu.memory_space<vmem>>, vector<16xf32>,
    %add3A_678 = arith.addf %add3A_672, %get3A_677 : vector<16xf32>
    %get3A_679 = arith.constant 415 : index
    %get3A_680 = tpu.vector_load %arg12[%get3A_679] {strides = array<i32>} : memref<2128xf32, #tpu.memory_space<vmem>>, vector<16xf32>,
    %add3A_681 = arith.addf %add3A_675, %get3A_680 : vector<16xf32>
    %get3A_682 = arith.constant 548 : index
    %get3A_683 = tpu.vector_load %arg11[%get3A_682] {strides = array<i32>} : memref<2128xf32, #tpu.memory_space<vmem>>, vector<16xf32>,
    %add3A_684 = arith.addf %add3A_678, %get3A_683 : vector<16xf32>
    %get3A_685 = arith.constant 548 : index
    %get3A_686 = tpu.vector_load %arg12[%get3A_685] {strides = array<i32>} : memref<2128xf32, #tpu.memory_space<vmem>>, vector<16xf32>,
    %add3A_687 = arith.addf %add3A_681, %get3A_686 : vector<16xf32>
    %get3A_688 = arith.constant 681 : index
    %get3A_689 = tpu.vector_load %arg11[%get3A_688] {strides = array<i32>} : memref<2128xf32, #tpu.memory_space<vmem>>, vector<16xf32>,
    %add3A_690 = arith.addf %add3A_684, %get3A_689 : vector<16xf32>
    %get3A_691 = arith.constant 681 : index
    %get3A_692 = tpu.vector_load %arg12[%get3A_691] {strides = array<i32>} : memref<2128xf32, #tpu.memory_space<vmem>>, vector<16xf32>,
    %add3A_693 = arith.addf %add3A_687, %get3A_692 : vector<16xf32>
    %get3A_694 = arith.constant 814 : index
    %get3A_695 = tpu.vector_load %arg11[%get3A_694] {strides = array<i32>} : memref<2128xf32, #tpu.memory_space<vmem>>, vector<16xf32>,
    %add3A_696 = arith.addf %add3A_690, %get3A_695 : vector<16xf32>
    %get3A_697 = arith.constant 814 : index
    %get3A_698 = tpu.vector_load %arg12[%get3A_697] {strides = array<i32>} : memref<2128xf32, #tpu.memory_space<vmem>>, vector<16xf32>,
    %add3A_699 = arith.addf %add3A_693, %get3A_698 : vector<16xf32>
    %get3A_700 = arith.constant 947 : index
    %get3A_701 = tpu.vector_load %arg11[%get3A_700] {strides = array<i32>} : memref<2128xf32, #tpu.memory_space<vmem>>, vector<16xf32>,
    %add3A_702 = arith.addf %add3A_696, %get3A_701 : vector<16xf32>
    %get3A_703 = arith.constant 947 : index
    %get3A_704 = tpu.vector_load %arg12[%get3A_703] {strides = array<i32>} : memref<2128xf32, #tpu.memory_space<vmem>>, vector<16xf32>,
    %add3A_705 = arith.addf %add3A_699, %get3A_704 : vector<16xf32>
    %get3A_706 = arith.constant 1080 : index
    %get3A_707 = tpu.vector_load %arg11[%get3A_706] {strides = array<i32>} : memref<2128xf32, #tpu.memory_space<vmem>>, vector<16xf32>,
    %add3A_708 = arith.addf %add3A_702, %get3A_707 : vector<16xf32>
    %get3A_709 = arith.constant 1080 : index
    %get3A_710 = tpu.vector_load %arg12[%get3A_709] {strides = array<i32>} : memref<2128xf32, #tpu.memory_space<vmem>>, vector<16xf32>,
    %add3A_711 = arith.addf %add3A_705, %get3A_710 : vector<16xf32>
    %get3A_712 = arith.constant 1213 : index
    %get3A_713 = tpu.vector_load %arg11[%get3A_712] {strides = array<i32>} : memref<2128xf32, #tpu.memory_space<vmem>>, vector<16xf32>,
    %add3A_714 = arith.addf %add3A_708, %get3A_713 : vector<16xf32>
    %get3A_715 = arith.constant 1213 : index
    %get3A_716 = tpu.vector_load %arg12[%get3A_715] {strides = array<i32>} : memref<2128xf32, #tpu.memory_space<vmem>>, vector<16xf32>,
    %add3A_717 = arith.addf %add3A_711, %get3A_716 : vector<16xf32>
    %get3A_718 = arith.constant 1346 : index
    %get3A_719 = tpu.vector_load %arg11[%get3A_718] {strides = array<i32>} : memref<2128xf32, #tpu.memory_space<vmem>>, vector<16xf32>,
    %add3A_720 = arith.addf %add3A_714, %get3A_719 : vector<16xf32>
    %get3A_721 = arith.constant 1346 : index
    %get3A_722 = tpu.vector_load %arg12[%get3A_721] {strides = array<i32>} : memref<2128xf32, #tpu.memory_space<vmem>>, vector<16xf32>,
    %add3A_723 = arith.addf %add3A_717, %get3A_722 : vector<16xf32>
    %get3A_724 = arith.constant 1479 : index
    %get3A_725 = tpu.vector_load %arg11[%get3A_724] {strides = array<i32>} : memref<2128xf32, #tpu.memory_space<vmem>>, vector<16xf32>,
    %add3A_726 = arith.addf %add3A_720, %get3A_725 : vector<16xf32>
    %get3A_727 = arith.constant 1479 : index
    %get3A_728 = tpu.vector_load %arg12[%get3A_727] {strides = array<i32>} : memref<2128xf32, #tpu.memory_space<vmem>>, vector<16xf32>,
    %add3A_729 = arith.addf %add3A_723, %get3A_728 : vector<16xf32>
    %get3A_730 = arith.constant 1612 : index
    %get3A_731 = tpu.vector_load %arg11[%get3A_730] {strides = array<i32>} : memref<2128xf32, #tpu.memory_space<vmem>>, vector<16xf32>,
    %add3A_732 = arith.addf %add3A_726, %get3A_731 : vector<16xf32>
    %get3A_733 = arith.constant 1612 : index
    %get3A_734 = tpu.vector_load %arg12[%get3A_733] {strides = array<i32>} : memref<2128xf32, #tpu.memory_space<vmem>>, vector<16xf32>,
    %add3A_735 = arith.addf %add3A_729, %get3A_734 : vector<16xf32>
    %get3A_736 = arith.constant 1745 : index
    %get3A_737 = tpu.vector_load %arg11[%get3A_736] {strides = array<i32>} : memref<2128xf32, #tpu.memory_space<vmem>>, vector<16xf32>,
    %add3A_738 = arith.addf %add3A_732, %get3A_737 : vector<16xf32>
    %get3A_739 = arith.constant 1745 : index
    %get3A_740 = tpu.vector_load %arg12[%get3A_739] {strides = array<i32>} : memref<2128xf32, #tpu.memory_space<vmem>>, vector<16xf32>,
    %add3A_741 = arith.addf %add3A_735, %get3A_740 : vector<16xf32>
    %get3A_742 = arith.constant 1878 : index
    %get3A_743 = tpu.vector_load %arg11[%get3A_742] {strides = array<i32>} : memref<2128xf32, #tpu.memory_space<vmem>>, vector<16xf32>,
    %add3A_744 = arith.addf %add3A_738, %get3A_743 : vector<16xf32>
    %get3A_745 = arith.constant 1878 : index
    %get3A_746 = tpu.vector_load %arg12[%get3A_745] {strides = array<i32>} : memref<2128xf32, #tpu.memory_space<vmem>>, vector<16xf32>,
    %add3A_747 = arith.addf %add3A_741, %get3A_746 : vector<16xf32>
    %get3A_748 = arith.constant 2011 : index
    %get3A_749 = tpu.vector_load %arg11[%get3A_748] {strides = array<i32>} : memref<2128xf32, #tpu.memory_space<vmem>>, vector<16xf32>,
    %add3A_750 = arith.addf %add3A_744, %get3A_749 : vector<16xf32>
    %get3A_751 = arith.constant 2011 : index
    %get3A_752 = tpu.vector_load %arg12[%get3A_751] {strides = array<i32>} : memref<2128xf32, #tpu.memory_space<vmem>>, vector<16xf32>,
    %add3A_753 = arith.addf %add3A_747, %get3A_752 : vector<16xf32>
    %broadcast_in_dim3A_754 = arith.constant true
    %broadcast_in_dim3A_755 = vector.broadcast %broadcast_in_dim3A_754 : i1 to vector<16xi1>
    %masked_cumsum3A_756 = tpu.scan <sum>, %add3A_750 masked %broadcast_in_dim3A_755 : vector<16xf32>, vector<16xi1> -> vector<16xf32>
    %add3A_757 = arith.addf %masked_cumsum3A_756, %add3A_647 : vector<16xf32>
    %broadcast_in_dim3A_758 = arith.constant true
    %broadcast_in_dim3A_759 = vector.broadcast %broadcast_in_dim3A_758 : i1 to vector<16xi1>
    %masked_cumsum3A_760 = tpu.scan <sum>, %add3A_753 masked %broadcast_in_dim3A_759 : vector<16xf32>, vector<16xi1> -> vector<16xf32>
    %add3A_761 = arith.addf %masked_cumsum3A_760, %add3A_653 : vector<16xf32>
    %broadcast_in_dim3A_762 = arith.constant 0.000000e+00 : f32
    %broadcast_in_dim3A_763 = vector.broadcast %broadcast_in_dim3A_762 : f32 to vector<16xf32>
    %slice3A_764 = vector.extract_strided_slice %add3A_757 {offsets = [15], sizes = [1], strides = [1]} : vector<16xf32> to vector<1xf32>
    %squeeze3A_765 = vector.extract %slice3A_764[0] : f32 from vector<1xf32>
    %add3A_766 = vector.broadcast %squeeze3A_765 : f32 to vector<16xf32>
    %add3A_767 = arith.addf %broadcast_in_dim3A_763, %add3A_766 : vector<16xf32>
    %broadcast_in_dim3A_768 = arith.constant 0.000000e+00 : f32
    %broadcast_in_dim3A_769 = vector.broadcast %broadcast_in_dim3A_768 : f32 to vector<16xf32>
    %slice3A_770 = vector.extract_strided_slice %add3A_761 {offsets = [15], sizes = [1], strides = [1]} : vector<16xf32> to vector<1xf32>
    %squeeze3A_771 = vector.extract %slice3A_770[0] : f32 from vector<1xf32>
    %add3A_772 = vector.broadcast %squeeze3A_771 : f32 to vector<16xf32>
    %add3A_773 = arith.addf %broadcast_in_dim3A_769, %add3A_772 : vector<16xf32>
    %swap3A_774 = arith.constant 16 : index
    %swap3A_775 = tpu.vector_load %arg13[%swap3A_774] {strides = array<i32>} : memref<256xf32, #tpu.memory_space<vmem>>, vector<16xf32>,
    tpu.vector_store %arg13[%swap3A_774], %add3A_757 {strides = array<i32>} : memref<256xf32, #tpu.memory_space<vmem>>, vector<16xf32>,
    %swap3A_776 = arith.constant 144 : index
    %swap3A_777 = tpu.vector_load %arg13[%swap3A_776] {strides = array<i32>} : memref<256xf32, #tpu.memory_space<vmem>>, vector<16xf32>,
    tpu.vector_store %arg13[%swap3A_776], %add3A_761 {strides = array<i32>} : memref<256xf32, #tpu.memory_space<vmem>>, vector<16xf32>,
    %get3A_778 = arith.constant 32 : index
    %get3A_779 = tpu.vector_load %arg11[%get3A_778] {strides = array<i32>} : memref<2128xf32, #tpu.memory_space<vmem>>, vector<16xf32>,
    %add3A_780 = arith.addf %broadcast_in_dim3A_0, %get3A_779 : vector<16xf32>
    %get3A_781 = arith.constant 32 : index
    %get3A_782 = tpu.vector_load %arg12[%get3A_781] {strides = array<i32>} : memref<2128xf32, #tpu.memory_space<vmem>>, vector<16xf32>,
    %add3A_783 = arith.addf %broadcast_in_dim3A_0, %get3A_782 : vector<16xf32>
    %get3A_784 = arith.constant 165 : index
    %get3A_785 = tpu.vector_load %arg11[%get3A_784] {strides = array<i32>} : memref<2128xf32, #tpu.memory_space<vmem>>, vector<16xf32>,
    %add3A_786 = arith.addf %add3A_780, %get3A_785 : vector<16xf32>
    %get3A_787 = arith.constant 165 : index
    %get3A_788 = tpu.vector_load %arg12[%get3A_787] {strides = array<i32>} : memref<2128xf32, #tpu.memory_space<vmem>>, vector<16xf32>,
    %add3A_789 = arith.addf %add3A_783, %get3A_788 : vector<16xf32>
    %get3A_790 = arith.constant 298 : index
    %get3A_791 = tpu.vector_load %arg11[%get3A_790] {strides = array<i32>} : memref<2128xf32, #tpu.memory_space<vmem>>, vector<16xf32>,
    %add3A_792 = arith.addf %add3A_786, %get3A_791 : vector<16xf32>
    %get3A_793 = arith.constant 298 : index
    %get3A_794 = tpu.vector_load %arg12[%get3A_793] {strides = array<i32>} : memref<2128xf32, #tpu.memory_space<vmem>>, vector<16xf32>,
    %add3A_795 = arith.addf %add3A_789, %get3A_794 : vector<16xf32>
    %get3A_796 = arith.constant 431 : index
    %get3A_797 = tpu.vector_load %arg11[%get3A_796] {strides = array<i32>} : memref<2128xf32, #tpu.memory_space<vmem>>, vector<16xf32>,
    %add3A_798 = arith.addf %add3A_792, %get3A_797 : vector<16xf32>
    %get3A_799 = arith.constant 431 : index
    %get3A_800 = tpu.vector_load %arg12[%get3A_799] {strides = array<i32>} : memref<2128xf32, #tpu.memory_space<vmem>>, vector<16xf32>,
    %add3A_801 = arith.addf %add3A_795, %get3A_800 : vector<16xf32>
    %get3A_802 = arith.constant 564 : index
    %get3A_803 = tpu.vector_load %arg11[%get3A_802] {strides = array<i32>} : memref<2128xf32, #tpu.memory_space<vmem>>, vector<16xf32>,
    %add3A_804 = arith.addf %add3A_798, %get3A_803 : vector<16xf32>
    %get3A_805 = arith.constant 564 : index
    %get3A_806 = tpu.vector_load %arg12[%get3A_805] {strides = array<i32>} : memref<2128xf32, #tpu.memory_space<vmem>>, vector<16xf32>,
    %add3A_807 = arith.addf %add3A_801, %get3A_806 : vector<16xf32>
    %get3A_808 = arith.constant 697 : index
    %get3A_809 = tpu.vector_load %arg11[%get3A_808] {strides = array<i32>} : memref<2128xf32, #tpu.memory_space<vmem>>, vector<16xf32>,
    %add3A_810 = arith.addf %add3A_804, %get3A_809 : vector<16xf32>
    %get3A_811 = arith.constant 697 : index
    %get3A_812 = tpu.vector_load %arg12[%get3A_811] {strides = array<i32>} : memref<2128xf32, #tpu.memory_space<vmem>>, vector<16xf32>,
    %add3A_813 = arith.addf %add3A_807, %get3A_812 : vector<16xf32>
    %get3A_814 = arith.constant 830 : index
    %get3A_815 = tpu.vector_load %arg11[%get3A_814] {strides = array<i32>} : memref<2128xf32, #tpu.memory_space<vmem>>, vector<16xf32>,
    %add3A_816 = arith.addf %add3A_810, %get3A_815 : vector<16xf32>
    %get3A_817 = arith.constant 830 : index
    %get3A_818 = tpu.vector_load %arg12[%get3A_817] {strides = array<i32>} : memref<2128xf32, #tpu.memory_space<vmem>>, vector<16xf32>,
    %add3A_819 = arith.addf %add3A_813, %get3A_818 : vector<16xf32>
    %get3A_820 = arith.constant 963 : index
    %get3A_821 = tpu.vector_load %arg11[%get3A_820] {strides = array<i32>} : memref<2128xf32, #tpu.memory_space<vmem>>, vector<16xf32>,
    %add3A_822 = arith.addf %add3A_816, %get3A_821 : vector<16xf32>
    %get3A_823 = arith.constant 963 : index
    %get3A_824 = tpu.vector_load %arg12[%get3A_823] {strides = array<i32>} : memref<2128xf32, #tpu.memory_space<vmem>>, vector<16xf32>,
    %add3A_825 = arith.addf %add3A_819, %get3A_824 : vector<16xf32>
    %get3A_826 = arith.constant 1096 : index
    %get3A_827 = tpu.vector_load %arg11[%get3A_826] {strides = array<i32>} : memref<2128xf32, #tpu.memory_space<vmem>>, vector<16xf32>,
    %add3A_828 = arith.addf %add3A_822, %get3A_827 : vector<16xf32>
    %get3A_829 = arith.constant 1096 : index
    %get3A_830 = tpu.vector_load %arg12[%get3A_829] {strides = array<i32>} : memref<2128xf32, #tpu.memory_space<vmem>>, vector<16xf32>,
    %add3A_831 = arith.addf %add3A_825, %get3A_830 : vector<16xf32>
    %get3A_832 = arith.constant 1229 : index
    %get3A_833 = tpu.vector_load %arg11[%get3A_832] {strides = array<i32>} : memref<2128xf32, #tpu.memory_space<vmem>>, vector<16xf32>,
    %add3A_834 = arith.addf %add3A_828, %get3A_833 : vector<16xf32>
    %get3A_835 = arith.constant 1229 : index
    %get3A_836 = tpu.vector_load %arg12[%get3A_835] {strides = array<i32>} : memref<2128xf32, #tpu.memory_space<vmem>>, vector<16xf32>,
    %add3A_837 = arith.addf %add3A_831, %get3A_836 : vector<16xf32>
    %get3A_838 = arith.constant 1362 : index
    %get3A_839 = tpu.vector_load %arg11[%get3A_838] {strides = array<i32>} : memref<2128xf32, #tpu.memory_space<vmem>>, vector<16xf32>,
    %add3A_840 = arith.addf %add3A_834, %get3A_839 : vector<16xf32>
    %get3A_841 = arith.constant 1362 : index
    %get3A_842 = tpu.vector_load %arg12[%get3A_841] {strides = array<i32>} : memref<2128xf32, #tpu.memory_space<vmem>>, vector<16xf32>,
    %add3A_843 = arith.addf %add3A_837, %get3A_842 : vector<16xf32>
    %get3A_844 = arith.constant 1495 : index
    %get3A_845 = tpu.vector_load %arg11[%get3A_844] {strides = array<i32>} : memref<2128xf32, #tpu.memory_space<vmem>>, vector<16xf32>,
    %add3A_846 = arith.addf %add3A_840, %get3A_845 : vector<16xf32>
    %get3A_847 = arith.constant 1495 : index
    %get3A_848 = tpu.vector_load %arg12[%get3A_847] {strides = array<i32>} : memref<2128xf32, #tpu.memory_space<vmem>>, vector<16xf32>,
    %add3A_849 = arith.addf %add3A_843, %get3A_848 : vector<16xf32>
    %get3A_850 = arith.constant 1628 : index
    %get3A_851 = tpu.vector_load %arg11[%get3A_850] {strides = array<i32>} : memref<2128xf32, #tpu.memory_space<vmem>>, vector<16xf32>,
    %add3A_852 = arith.addf %add3A_846, %get3A_851 : vector<16xf32>
    %get3A_853 = arith.constant 1628 : index
    %get3A_854 = tpu.vector_load %arg12[%get3A_853] {strides = array<i32>} : memref<2128xf32, #tpu.memory_space<vmem>>, vector<16xf32>,
    %add3A_855 = arith.addf %add3A_849, %get3A_854 : vector<16xf32>
    %get3A_856 = arith.constant 1761 : index
    %get3A_857 = tpu.vector_load %arg11[%get3A_856] {strides = array<i32>} : memref<2128xf32, #tpu.memory_space<vmem>>, vector<16xf32>,
    %add3A_858 = arith.addf %add3A_852, %get3A_857 : vector<16xf32>
    %get3A_859 = arith.constant 1761 : index
    %get3A_860 = tpu.vector_load %arg12[%get3A_859] {strides = array<i32>} : memref<2128xf32, #tpu.memory_space<vmem>>, vector<16xf32>,
    %add3A_861 = arith.addf %add3A_855, %get3A_860 : vector<16xf32>
    %get3A_862 = arith.constant 1894 : index
    %get3A_863 = tpu.vector_load %arg11[%get3A_862] {strides = array<i32>} : memref<2128xf32, #tpu.memory_space<vmem>>, vector<16xf32>,
    %add3A_864 = arith.addf %add3A_858, %get3A_863 : vector<16xf32>
    %get3A_865 = arith.constant 1894 : index
    %get3A_866 = tpu.vector_load %arg12[%get3A_865] {strides = array<i32>} : memref<2128xf32, #tpu.memory_space<vmem>>, vector<16xf32>,
    %add3A_867 = arith.addf %add3A_861, %get3A_866 : vector<16xf32>
    %get3A_868 = arith.constant 2027 : index
    %get3A_869 = tpu.vector_load %arg11[%get3A_868] {strides = array<i32>} : memref<2128xf32, #tpu.memory_space<vmem>>, vector<16xf32>,
    %add3A_870 = arith.addf %add3A_864, %get3A_869 : vector<16xf32>
    %get3A_871 = arith.constant 2027 : index
    %get3A_872 = tpu.vector_load %arg12[%get3A_871] {strides = array<i32>} : memref<2128xf32, #tpu.memory_space<vmem>>, vector<16xf32>,
    %add3A_873 = arith.addf %add3A_867, %get3A_872 : vector<16xf32>
    %broadcast_in_dim3A_874 = arith.constant true
    %broadcast_in_dim3A_875 = vector.broadcast %broadcast_in_dim3A_874 : i1 to vector<16xi1>
    %masked_cumsum3A_876 = tpu.scan <sum>, %add3A_870 masked %broadcast_in_dim3A_875 : vector<16xf32>, vector<16xi1> -> vector<16xf32>
    %add3A_877 = arith.addf %masked_cumsum3A_876, %add3A_767 : vector<16xf32>
    %broadcast_in_dim3A_878 = arith.constant true
    %broadcast_in_dim3A_879 = vector.broadcast %broadcast_in_dim3A_878 : i1 to vector<16xi1>
    %masked_cumsum3A_880 = tpu.scan <sum>, %add3A_873 masked %broadcast_in_dim3A_879 : vector<16xf32>, vector<16xi1> -> vector<16xf32>
    %add3A_881 = arith.addf %masked_cumsum3A_880, %add3A_773 : vector<16xf32>
    %broadcast_in_dim3A_882 = arith.constant 0.000000e+00 : f32
    %broadcast_in_dim3A_883 = vector.broadcast %broadcast_in_dim3A_882 : f32 to vector<16xf32>
    %slice3A_884 = vector.extract_strided_slice %add3A_877 {offsets = [15], sizes = [1], strides = [1]} : vector<16xf32> to vector<1xf32>
    %squeeze3A_885 = vector.extract %slice3A_884[0] : f32 from vector<1xf32>
    %add3A_886 = vector.broadcast %squeeze3A_885 : f32 to vector<16xf32>
    %add3A_887 = arith.addf %broadcast_in_dim3A_883, %add3A_886 : vector<16xf32>
    %broadcast_in_dim3A_888 = arith.constant 0.000000e+00 : f32
    %broadcast_in_dim3A_889 = vector.broadcast %broadcast_in_dim3A_888 : f32 to vector<16xf32>
    %slice3A_890 = vector.extract_strided_slice %add3A_881 {offsets = [15], sizes = [1], strides = [1]} : vector<16xf32> to vector<1xf32>
    %squeeze3A_891 = vector.extract %slice3A_890[0] : f32 from vector<1xf32>
    %add3A_892 = vector.broadcast %squeeze3A_891 : f32 to vector<16xf32>
    %add3A_893 = arith.addf %broadcast_in_dim3A_889, %add3A_892 : vector<16xf32>
    %swap3A_894 = arith.constant 32 : index
    %swap3A_895 = tpu.vector_load %arg13[%swap3A_894] {strides = array<i32>} : memref<256xf32, #tpu.memory_space<vmem>>, vector<16xf32>,
    tpu.vector_store %arg13[%swap3A_894], %add3A_877 {strides = array<i32>} : memref<256xf32, #tpu.memory_space<vmem>>, vector<16xf32>,
    %swap3A_896 = arith.constant 160 : index
    %swap3A_897 = tpu.vector_load %arg13[%swap3A_896] {strides = array<i32>} : memref<256xf32, #tpu.memory_space<vmem>>, vector<16xf32>,
    tpu.vector_store %arg13[%swap3A_896], %add3A_881 {strides = array<i32>} : memref<256xf32, #tpu.memory_space<vmem>>, vector<16xf32>,
    %get3A_898 = arith.constant 48 : index
    %get3A_899 = tpu.vector_load %arg11[%get3A_898] {strides = array<i32>} : memref<2128xf32, #tpu.memory_space<vmem>>, vector<16xf32>,
    %add3A_900 = arith.addf %broadcast_in_dim3A_0, %get3A_899 : vector<16xf32>
    %get3A_901 = arith.constant 48 : index
    %get3A_902 = tpu.vector_load %arg12[%get3A_901] {strides = array<i32>} : memref<2128xf32, #tpu.memory_space<vmem>>, vector<16xf32>,
    %add3A_903 = arith.addf %broadcast_in_dim3A_0, %get3A_902 : vector<16xf32>
    %get3A_904 = arith.constant 181 : index
    %get3A_905 = tpu.vector_load %arg11[%get3A_904] {strides = array<i32>} : memref<2128xf32, #tpu.memory_space<vmem>>, vector<16xf32>,
    %add3A_906 = arith.addf %add3A_900, %get3A_905 : vector<16xf32>
    %get3A_907 = arith.constant 181 : index
    %get3A_908 = tpu.vector_load %arg12[%get3A_907] {strides = array<i32>} : memref<2128xf32, #tpu.memory_space<vmem>>, vector<16xf32>,
    %add3A_909 = arith.addf %add3A_903, %get3A_908 : vector<16xf32>
    %get3A_910 = arith.constant 314 : index
    %get3A_911 = tpu.vector_load %arg11[%get3A_910] {strides = array<i32>} : memref<2128xf32, #tpu.memory_space<vmem>>, vector<16xf32>,
    %add3A_912 = arith.addf %add3A_906, %get3A_911 : vector<16xf32>
    %get3A_913 = arith.constant 314 : index
    %get3A_914 = tpu.vector_load %arg12[%get3A_913] {strides = array<i32>} : memref<2128xf32, #tpu.memory_space<vmem>>, vector<16xf32>,
    %add3A_915 = arith.addf %add3A_909, %get3A_914 : vector<16xf32>
    %get3A_916 = arith.constant 447 : index
    %get3A_917 = tpu.vector_load %arg11[%get3A_916] {strides = array<i32>} : memref<2128xf32, #tpu.memory_space<vmem>>, vector<16xf32>,
    %add3A_918 = arith.addf %add3A_912, %get3A_917 : vector<16xf32>
    %get3A_919 = arith.constant 447 : index
    %get3A_920 = tpu.vector_load %arg12[%get3A_919] {strides = array<i32>} : memref<2128xf32, #tpu.memory_space<vmem>>, vector<16xf32>,
    %add3A_921 = arith.addf %add3A_915, %get3A_920 : vector<16xf32>
    %get3A_922 = arith.constant 580 : index
    %get3A_923 = tpu.vector_load %arg11[%get3A_922] {strides = array<i32>} : memref<2128xf32, #tpu.memory_space<vmem>>, vector<16xf32>,
    %add3A_924 = arith.addf %add3A_918, %get3A_923 : vector<16xf32>
    %get3A_925 = arith.constant 580 : index
    %get3A_926 = tpu.vector_load %arg12[%get3A_925] {strides = array<i32>} : memref<2128xf32, #tpu.memory_space<vmem>>, vector<16xf32>,
    %add3A_927 = arith.addf %add3A_921, %get3A_926 : vector<16xf32>
    %get3A_928 = arith.constant 713 : index
    %get3A_929 = tpu.vector_load %arg11[%get3A_928] {strides = array<i32>} : memref<2128xf32, #tpu.memory_space<vmem>>, vector<16xf32>,
    %add3A_930 = arith.addf %add3A_924, %get3A_929 : vector<16xf32>
    %get3A_931 = arith.constant 713 : index
    %get3A_932 = tpu.vector_load %arg12[%get3A_931] {strides = array<i32>} : memref<2128xf32, #tpu.memory_space<vmem>>, vector<16xf32>,
    %add3A_933 = arith.addf %add3A_927, %get3A_932 : vector<16xf32>
    %get3A_934 = arith.constant 846 : index
    %get3A_935 = tpu.vector_load %arg11[%get3A_934] {strides = array<i32>} : memref<2128xf32, #tpu.memory_space<vmem>>, vector<16xf32>,
    %add3A_936 = arith.addf %add3A_930, %get3A_935 : vector<16xf32>
    %get3A_937 = arith.constant 846 : index
    %get3A_938 = tpu.vector_load %arg12[%get3A_937] {strides = array<i32>} : memref<2128xf32, #tpu.memory_space<vmem>>, vector<16xf32>,
    %add3A_939 = arith.addf %add3A_933, %get3A_938 : vector<16xf32>
    %get3A_940 = arith.constant 979 : index
    %get3A_941 = tpu.vector_load %arg11[%get3A_940] {strides = array<i32>} : memref<2128xf32, #tpu.memory_space<vmem>>, vector<16xf32>,
    %add3A_942 = arith.addf %add3A_936, %get3A_941 : vector<16xf32>
    %get3A_943 = arith.constant 979 : index
    %get3A_944 = tpu.vector_load %arg12[%get3A_943] {strides = array<i32>} : memref<2128xf32, #tpu.memory_space<vmem>>, vector<16xf32>,
    %add3A_945 = arith.addf %add3A_939, %get3A_944 : vector<16xf32>
    %get3A_946 = arith.constant 1112 : index
    %get3A_947 = tpu.vector_load %arg11[%get3A_946] {strides = array<i32>} : memref<2128xf32, #tpu.memory_space<vmem>>, vector<16xf32>,
    %add3A_948 = arith.addf %add3A_942, %get3A_947 : vector<16xf32>
    %get3A_949 = arith.constant 1112 : index
    %get3A_950 = tpu.vector_load %arg12[%get3A_949] {strides = array<i32>} : memref<2128xf32, #tpu.memory_space<vmem>>, vector<16xf32>,
    %add3A_951 = arith.addf %add3A_945, %get3A_950 : vector<16xf32>
    %get3A_952 = arith.constant 1245 : index
    %get3A_953 = tpu.vector_load %arg11[%get3A_952] {strides = array<i32>} : memref<2128xf32, #tpu.memory_space<vmem>>, vector<16xf32>,
    %add3A_954 = arith.addf %add3A_948, %get3A_953 : vector<16xf32>
    %get3A_955 = arith.constant 1245 : index
    %get3A_956 = tpu.vector_load %arg12[%get3A_955] {strides = array<i32>} : memref<2128xf32, #tpu.memory_space<vmem>>, vector<16xf32>,
    %add3A_957 = arith.addf %add3A_951, %get3A_956 : vector<16xf32>
    %get3A_958 = arith.constant 1378 : index
    %get3A_959 = tpu.vector_load %arg11[%get3A_958] {strides = array<i32>} : memref<2128xf32, #tpu.memory_space<vmem>>, vector<16xf32>,
    %add3A_960 = arith.addf %add3A_954, %get3A_959 : vector<16xf32>
    %get3A_961 = arith.constant 1378 : index
    %get3A_962 = tpu.vector_load %arg12[%get3A_961] {strides = array<i32>} : memref<2128xf32, #tpu.memory_space<vmem>>, vector<16xf32>,
    %add3A_963 = arith.addf %add3A_957, %get3A_962 : vector<16xf32>
    %get3A_964 = arith.constant 1511 : index
    %get3A_965 = tpu.vector_load %arg11[%get3A_964] {strides = array<i32>} : memref<2128xf32, #tpu.memory_space<vmem>>, vector<16xf32>,
    %add3A_966 = arith.addf %add3A_960, %get3A_965 : vector<16xf32>
    %get3A_967 = arith.constant 1511 : index
    %get3A_968 = tpu.vector_load %arg12[%get3A_967] {strides = array<i32>} : memref<2128xf32, #tpu.memory_space<vmem>>, vector<16xf32>,
    %add3A_969 = arith.addf %add3A_963, %get3A_968 : vector<16xf32>
    %get3A_970 = arith.constant 1644 : index
    %get3A_971 = tpu.vector_load %arg11[%get3A_970] {strides = array<i32>} : memref<2128xf32, #tpu.memory_space<vmem>>, vector<16xf32>,
    %add3A_972 = arith.addf %add3A_966, %get3A_971 : vector<16xf32>
    %get3A_973 = arith.constant 1644 : index
    %get3A_974 = tpu.vector_load %arg12[%get3A_973] {strides = array<i32>} : memref<2128xf32, #tpu.memory_space<vmem>>, vector<16xf32>,
    %add3A_975 = arith.addf %add3A_969, %get3A_974 : vector<16xf32>
    %get3A_976 = arith.constant 1777 : index
    %get3A_977 = tpu.vector_load %arg11[%get3A_976] {strides = array<i32>} : memref<2128xf32, #tpu.memory_space<vmem>>, vector<16xf32>,
    %add3A_978 = arith.addf %add3A_972, %get3A_977 : vector<16xf32>
    %get3A_979 = arith.constant 1777 : index
    %get3A_980 = tpu.vector_load %arg12[%get3A_979] {strides = array<i32>} : memref<2128xf32, #tpu.memory_space<vmem>>, vector<16xf32>,
    %add3A_981 = arith.addf %add3A_975, %get3A_980 : vector<16xf32>
    %get3A_982 = arith.constant 1910 : index
    %get3A_983 = tpu.vector_load %arg11[%get3A_982] {strides = array<i32>} : memref<2128xf32, #tpu.memory_space<vmem>>, vector<16xf32>,
    %add3A_984 = arith.addf %add3A_978, %get3A_983 : vector<16xf32>
    %get3A_985 = arith.constant 1910 : index
    %get3A_986 = tpu.vector_load %arg12[%get3A_985] {strides = array<i32>} : memref<2128xf32, #tpu.memory_space<vmem>>, vector<16xf32>,
    %add3A_987 = arith.addf %add3A_981, %get3A_986 : vector<16xf32>
    %get3A_988 = arith.constant 2043 : index
    %get3A_989 = tpu.vector_load %arg11[%get3A_988] {strides = array<i32>} : memref<2128xf32, #tpu.memory_space<vmem>>, vector<16xf32>,
    %add3A_990 = arith.addf %add3A_984, %get3A_989 : vector<16xf32>
    %get3A_991 = arith.constant 2043 : index
    %get3A_992 = tpu.vector_load %arg12[%get3A_991] {strides = array<i32>} : memref<2128xf32, #tpu.memory_space<vmem>>, vector<16xf32>,
    %add3A_993 = arith.addf %add3A_987, %get3A_992 : vector<16xf32>
    %broadcast_in_dim3A_994 = arith.constant true
    %broadcast_in_dim3A_995 = vector.broadcast %broadcast_in_dim3A_994 : i1 to vector<16xi1>
    %masked_cumsum3A_996 = tpu.scan <sum>, %add3A_990 masked %broadcast_in_dim3A_995 : vector<16xf32>, vector<16xi1> -> vector<16xf32>
    %add3A_997 = arith.addf %masked_cumsum3A_996, %add3A_887 : vector<16xf32>
    %broadcast_in_dim3A_998 = arith.constant true
    %broadcast_in_dim3A_999 = vector.broadcast %broadcast_in_dim3A_998 : i1 to vector<16xi1>
    %masked_cumsum3A_1000 = tpu.scan <sum>, %add3A_993 masked %broadcast_in_dim3A_999 : vector<16xf32>, vector<16xi1> -> vector<16xf32>
    %add3A_1001 = arith.addf %masked_cumsum3A_1000, %add3A_893 : vector<16xf32>
    %broadcast_in_dim3A_1002 = arith.constant 0.000000e+00 : f32
    %broadcast_in_dim3A_1003 = vector.broadcast %broadcast_in_dim3A_1002 : f32 to vector<16xf32>
    %slice3A_1004 = vector.extract_strided_slice %add3A_997 {offsets = [15], sizes = [1], strides = [1]} : vector<16xf32> to vector<1xf32>
    %squeeze3A_1005 = vector.extract %slice3A_1004[0] : f32 from vector<1xf32>
    %add3A_1006 = vector.broadcast %squeeze3A_1005 : f32 to vector<16xf32>
    %add3A_1007 = arith.addf %broadcast_in_dim3A_1003, %add3A_1006 : vector<16xf32>
    %broadcast_in_dim3A_1008 = arith.constant 0.000000e+00 : f32
    %broadcast_in_dim3A_1009 = vector.broadcast %broadcast_in_dim3A_1008 : f32 to vector<16xf32>
    %slice3A_1010 = vector.extract_strided_slice %add3A_1001 {offsets = [15], sizes = [1], strides = [1]} : vector<16xf32> to vector<1xf32>
    %squeeze3A_1011 = vector.extract %slice3A_1010[0] : f32 from vector<1xf32>
    %add3A_1012 = vector.broadcast %squeeze3A_1011 : f32 to vector<16xf32>
    %add3A_1013 = arith.addf %broadcast_in_dim3A_1009, %add3A_1012 : vector<16xf32>
    %swap3A_1014 = arith.constant 48 : index
    %swap3A_1015 = tpu.vector_load %arg13[%swap3A_1014] {strides = array<i32>} : memref<256xf32, #tpu.memory_space<vmem>>, vector<16xf32>,
    tpu.vector_store %arg13[%swap3A_1014], %add3A_997 {strides = array<i32>} : memref<256xf32, #tpu.memory_space<vmem>>, vector<16xf32>,
    %swap3A_1016 = arith.constant 176 : index
    %swap3A_1017 = tpu.vector_load %arg13[%swap3A_1016] {strides = array<i32>} : memref<256xf32, #tpu.memory_space<vmem>>, vector<16xf32>,
    tpu.vector_store %arg13[%swap3A_1016], %add3A_1001 {strides = array<i32>} : memref<256xf32, #tpu.memory_space<vmem>>, vector<16xf32>,
    %get3A_1018 = arith.constant 64 : index
    %get3A_1019 = tpu.vector_load %arg11[%get3A_1018] {strides = array<i32>} : memref<2128xf32, #tpu.memory_space<vmem>>, vector<16xf32>,
    %add3A_1020 = arith.addf %broadcast_in_dim3A_0, %get3A_1019 : vector<16xf32>
    %get3A_1021 = arith.constant 64 : index
    %get3A_1022 = tpu.vector_load %arg12[%get3A_1021] {strides = array<i32>} : memref<2128xf32, #tpu.memory_space<vmem>>, vector<16xf32>,
    %add3A_1023 = arith.addf %broadcast_in_dim3A_0, %get3A_1022 : vector<16xf32>
    %get3A_1024 = arith.constant 197 : index
    %get3A_1025 = tpu.vector_load %arg11[%get3A_1024] {strides = array<i32>} : memref<2128xf32, #tpu.memory_space<vmem>>, vector<16xf32>,
    %add3A_1026 = arith.addf %add3A_1020, %get3A_1025 : vector<16xf32>
    %get3A_1027 = arith.constant 197 : index
    %get3A_1028 = tpu.vector_load %arg12[%get3A_1027] {strides = array<i32>} : memref<2128xf32, #tpu.memory_space<vmem>>, vector<16xf32>,
    %add3A_1029 = arith.addf %add3A_1023, %get3A_1028 : vector<16xf32>
    %get3A_1030 = arith.constant 330 : index
    %get3A_1031 = tpu.vector_load %arg11[%get3A_1030] {strides = array<i32>} : memref<2128xf32, #tpu.memory_space<vmem>>, vector<16xf32>,
    %add3A_1032 = arith.addf %add3A_1026, %get3A_1031 : vector<16xf32>
    %get3A_1033 = arith.constant 330 : index
    %get3A_1034 = tpu.vector_load %arg12[%get3A_1033] {strides = array<i32>} : memref<2128xf32, #tpu.memory_space<vmem>>, vector<16xf32>,
    %add3A_1035 = arith.addf %add3A_1029, %get3A_1034 : vector<16xf32>
    %get3A_1036 = arith.constant 463 : index
    %get3A_1037 = tpu.vector_load %arg11[%get3A_1036] {strides = array<i32>} : memref<2128xf32, #tpu.memory_space<vmem>>, vector<16xf32>,
    %add3A_1038 = arith.addf %add3A_1032, %get3A_1037 : vector<16xf32>
    %get3A_1039 = arith.constant 463 : index
    %get3A_1040 = tpu.vector_load %arg12[%get3A_1039] {strides = array<i32>} : memref<2128xf32, #tpu.memory_space<vmem>>, vector<16xf32>,
    %add3A_1041 = arith.addf %add3A_1035, %get3A_1040 : vector<16xf32>
    %get3A_1042 = arith.constant 596 : index
    %get3A_1043 = tpu.vector_load %arg11[%get3A_1042] {strides = array<i32>} : memref<2128xf32, #tpu.memory_space<vmem>>, vector<16xf32>,
    %add3A_1044 = arith.addf %add3A_1038, %get3A_1043 : vector<16xf32>
    %get3A_1045 = arith.constant 596 : index
    %get3A_1046 = tpu.vector_load %arg12[%get3A_1045] {strides = array<i32>} : memref<2128xf32, #tpu.memory_space<vmem>>, vector<16xf32>,
    %add3A_1047 = arith.addf %add3A_1041, %get3A_1046 : vector<16xf32>
    %get3A_1048 = arith.constant 729 : index
    %get3A_1049 = tpu.vector_load %arg11[%get3A_1048] {strides = array<i32>} : memref<2128xf32, #tpu.memory_space<vmem>>, vector<16xf32>,
    %add3A_1050 = arith.addf %add3A_1044, %get3A_1049 : vector<16xf32>
    %get3A_1051 = arith.constant 729 : index
    %get3A_1052 = tpu.vector_load %arg12[%get3A_1051] {strides = array<i32>} : memref<2128xf32, #tpu.memory_space<vmem>>, vector<16xf32>,
    %add3A_1053 = arith.addf %add3A_1047, %get3A_1052 : vector<16xf32>
    %get3A_1054 = arith.constant 862 : index
    %get3A_1055 = tpu.vector_load %arg11[%get3A_1054] {strides = array<i32>} : memref<2128xf32, #tpu.memory_space<vmem>>, vector<16xf32>,
    %add3A_1056 = arith.addf %add3A_1050, %get3A_1055 : vector<16xf32>
    %get3A_1057 = arith.constant 862 : index
    %get3A_1058 = tpu.vector_load %arg12[%get3A_1057] {strides = array<i32>} : memref<2128xf32, #tpu.memory_space<vmem>>, vector<16xf32>,
    %add3A_1059 = arith.addf %add3A_1053, %get3A_1058 : vector<16xf32>
    %get3A_1060 = arith.constant 995 : index
    %get3A_1061 = tpu.vector_load %arg11[%get3A_1060] {strides = array<i32>} : memref<2128xf32, #tpu.memory_space<vmem>>, vector<16xf32>,
    %add3A_1062 = arith.addf %add3A_1056, %get3A_1061 : vector<16xf32>
    %get3A_1063 = arith.constant 995 : index
    %get3A_1064 = tpu.vector_load %arg12[%get3A_1063] {strides = array<i32>} : memref<2128xf32, #tpu.memory_space<vmem>>, vector<16xf32>,
    %add3A_1065 = arith.addf %add3A_1059, %get3A_1064 : vector<16xf32>
    %get3A_1066 = arith.constant 1128 : index
    %get3A_1067 = tpu.vector_load %arg11[%get3A_1066] {strides = array<i32>} : memref<2128xf32, #tpu.memory_space<vmem>>, vector<16xf32>,
    %add3A_1068 = arith.addf %add3A_1062, %get3A_1067 : vector<16xf32>
    %get3A_1069 = arith.constant 1128 : index
    %get3A_1070 = tpu.vector_load %arg12[%get3A_1069] {strides = array<i32>} : memref<2128xf32, #tpu.memory_space<vmem>>, vector<16xf32>,
    %add3A_1071 = arith.addf %add3A_1065, %get3A_1070 : vector<16xf32>
    %get3A_1072 = arith.constant 1261 : index
    %get3A_1073 = tpu.vector_load %arg11[%get3A_1072] {strides = array<i32>} : memref<2128xf32, #tpu.memory_space<vmem>>, vector<16xf32>,
    %add3A_1074 = arith.addf %add3A_1068, %get3A_1073 : vector<16xf32>
    %get3A_1075 = arith.constant 1261 : index
    %get3A_1076 = tpu.vector_load %arg12[%get3A_1075] {strides = array<i32>} : memref<2128xf32, #tpu.memory_space<vmem>>, vector<16xf32>,
    %add3A_1077 = arith.addf %add3A_1071, %get3A_1076 : vector<16xf32>
    %get3A_1078 = arith.constant 1394 : index
    %get3A_1079 = tpu.vector_load %arg11[%get3A_1078] {strides = array<i32>} : memref<2128xf32, #tpu.memory_space<vmem>>, vector<16xf32>,
    %add3A_1080 = arith.addf %add3A_1074, %get3A_1079 : vector<16xf32>
    %get3A_1081 = arith.constant 1394 : index
    %get3A_1082 = tpu.vector_load %arg12[%get3A_1081] {strides = array<i32>} : memref<2128xf32, #tpu.memory_space<vmem>>, vector<16xf32>,
    %add3A_1083 = arith.addf %add3A_1077, %get3A_1082 : vector<16xf32>
    %get3A_1084 = arith.constant 1527 : index
    %get3A_1085 = tpu.vector_load %arg11[%get3A_1084] {strides = array<i32>} : memref<2128xf32, #tpu.memory_space<vmem>>, vector<16xf32>,
    %add3A_1086 = arith.addf %add3A_1080, %get3A_1085 : vector<16xf32>
    %get3A_1087 = arith.constant 1527 : index
    %get3A_1088 = tpu.vector_load %arg12[%get3A_1087] {strides = array<i32>} : memref<2128xf32, #tpu.memory_space<vmem>>, vector<16xf32>,
    %add3A_1089 = arith.addf %add3A_1083, %get3A_1088 : vector<16xf32>
    %get3A_1090 = arith.constant 1660 : index
    %get3A_1091 = tpu.vector_load %arg11[%get3A_1090] {strides = array<i32>} : memref<2128xf32, #tpu.memory_space<vmem>>, vector<16xf32>,
    %add3A_1092 = arith.addf %add3A_1086, %get3A_1091 : vector<16xf32>
    %get3A_1093 = arith.constant 1660 : index
    %get3A_1094 = tpu.vector_load %arg12[%get3A_1093] {strides = array<i32>} : memref<2128xf32, #tpu.memory_space<vmem>>, vector<16xf32>,
    %add3A_1095 = arith.addf %add3A_1089, %get3A_1094 : vector<16xf32>
    %get3A_1096 = arith.constant 1793 : index
    %get3A_1097 = tpu.vector_load %arg11[%get3A_1096] {strides = array<i32>} : memref<2128xf32, #tpu.memory_space<vmem>>, vector<16xf32>,
    %add3A_1098 = arith.addf %add3A_1092, %get3A_1097 : vector<16xf32>
    %get3A_1099 = arith.constant 1793 : index
    %get3A_1100 = tpu.vector_load %arg12[%get3A_1099] {strides = array<i32>} : memref<2128xf32, #tpu.memory_space<vmem>>, vector<16xf32>,
    %add3A_1101 = arith.addf %add3A_1095, %get3A_1100 : vector<16xf32>
    %get3A_1102 = arith.constant 1926 : index
    %get3A_1103 = tpu.vector_load %arg11[%get3A_1102] {strides = array<i32>} : memref<2128xf32, #tpu.memory_space<vmem>>, vector<16xf32>,
    %add3A_1104 = arith.addf %add3A_1098, %get3A_1103 : vector<16xf32>
    %get3A_1105 = arith.constant 1926 : index
    %get3A_1106 = tpu.vector_load %arg12[%get3A_1105] {strides = array<i32>} : memref<2128xf32, #tpu.memory_space<vmem>>, vector<16xf32>,
    %add3A_1107 = arith.addf %add3A_1101, %get3A_1106 : vector<16xf32>
    %get3A_1108 = arith.constant 2059 : index
    %get3A_1109 = tpu.vector_load %arg11[%get3A_1108] {strides = array<i32>} : memref<2128xf32, #tpu.memory_space<vmem>>, vector<16xf32>,
    %add3A_1110 = arith.addf %add3A_1104, %get3A_1109 : vector<16xf32>
    %get3A_1111 = arith.constant 2059 : index
    %get3A_1112 = tpu.vector_load %arg12[%get3A_1111] {strides = array<i32>} : memref<2128xf32, #tpu.memory_space<vmem>>, vector<16xf32>,
    %add3A_1113 = arith.addf %add3A_1107, %get3A_1112 : vector<16xf32>
    %broadcast_in_dim3A_1114 = arith.constant true
    %broadcast_in_dim3A_1115 = vector.broadcast %broadcast_in_dim3A_1114 : i1 to vector<16xi1>
    %masked_cumsum3A_1116 = tpu.scan <sum>, %add3A_1110 masked %broadcast_in_dim3A_1115 : vector<16xf32>, vector<16xi1> -> vector<16xf32>
    %add3A_1117 = arith.addf %masked_cumsum3A_1116, %add3A_1007 : vector<16xf32>
    %broadcast_in_dim3A_1118 = arith.constant true
    %broadcast_in_dim3A_1119 = vector.broadcast %broadcast_in_dim3A_1118 : i1 to vector<16xi1>
    %masked_cumsum3A_1120 = tpu.scan <sum>, %add3A_1113 masked %broadcast_in_dim3A_1119 : vector<16xf32>, vector<16xi1> -> vector<16xf32>
    %add3A_1121 = arith.addf %masked_cumsum3A_1120, %add3A_1013 : vector<16xf32>
    %broadcast_in_dim3A_1122 = arith.constant 0.000000e+00 : f32
    %broadcast_in_dim3A_1123 = vector.broadcast %broadcast_in_dim3A_1122 : f32 to vector<16xf32>
    %slice3A_1124 = vector.extract_strided_slice %add3A_1117 {offsets = [15], sizes = [1], strides = [1]} : vector<16xf32> to vector<1xf32>
    %squeeze3A_1125 = vector.extract %slice3A_1124[0] : f32 from vector<1xf32>
    %add3A_1126 = vector.broadcast %squeeze3A_1125 : f32 to vector<16xf32>
    %add3A_1127 = arith.addf %broadcast_in_dim3A_1123, %add3A_1126 : vector<16xf32>
    %broadcast_in_dim3A_1128 = arith.constant 0.000000e+00 : f32
    %broadcast_in_dim3A_1129 = vector.broadcast %broadcast_in_dim3A_1128 : f32 to vector<16xf32>
    %slice3A_1130 = vector.extract_strided_slice %add3A_1121 {offsets = [15], sizes = [1], strides = [1]} : vector<16xf32> to vector<1xf32>
    %squeeze3A_1131 = vector.extract %slice3A_1130[0] : f32 from vector<1xf32>
    %add3A_1132 = vector.broadcast %squeeze3A_1131 : f32 to vector<16xf32>
    %add3A_1133 = arith.addf %broadcast_in_dim3A_1129, %add3A_1132 : vector<16xf32>
    %swap3A_1134 = arith.constant 64 : index
    %swap3A_1135 = tpu.vector_load %arg13[%swap3A_1134] {strides = array<i32>} : memref<256xf32, #tpu.memory_space<vmem>>, vector<16xf32>,
    tpu.vector_store %arg13[%swap3A_1134], %add3A_1117 {strides = array<i32>} : memref<256xf32, #tpu.memory_space<vmem>>, vector<16xf32>,
    %swap3A_1136 = arith.constant 192 : index
    %swap3A_1137 = tpu.vector_load %arg13[%swap3A_1136] {strides = array<i32>} : memref<256xf32, #tpu.memory_space<vmem>>, vector<16xf32>,
    tpu.vector_store %arg13[%swap3A_1136], %add3A_1121 {strides = array<i32>} : memref<256xf32, #tpu.memory_space<vmem>>, vector<16xf32>,
    %get3A_1138 = arith.constant 80 : index
    %get3A_1139 = tpu.vector_load %arg11[%get3A_1138] {strides = array<i32>} : memref<2128xf32, #tpu.memory_space<vmem>>, vector<16xf32>,
    %add3A_1140 = arith.addf %broadcast_in_dim3A_0, %get3A_1139 : vector<16xf32>
    %get3A_1141 = arith.constant 80 : index
    %get3A_1142 = tpu.vector_load %arg12[%get3A_1141] {strides = array<i32>} : memref<2128xf32, #tpu.memory_space<vmem>>, vector<16xf32>,
    %add3A_1143 = arith.addf %broadcast_in_dim3A_0, %get3A_1142 : vector<16xf32>
    %get3A_1144 = arith.constant 213 : index
    %get3A_1145 = tpu.vector_load %arg11[%get3A_1144] {strides = array<i32>} : memref<2128xf32, #tpu.memory_space<vmem>>, vector<16xf32>,
    %add3A_1146 = arith.addf %add3A_1140, %get3A_1145 : vector<16xf32>
    %get3A_1147 = arith.constant 213 : index
    %get3A_1148 = tpu.vector_load %arg12[%get3A_1147] {strides = array<i32>} : memref<2128xf32, #tpu.memory_space<vmem>>, vector<16xf32>,
    %add3A_1149 = arith.addf %add3A_1143, %get3A_1148 : vector<16xf32>
    %get3A_1150 = arith.constant 346 : index
    %get3A_1151 = tpu.vector_load %arg11[%get3A_1150] {strides = array<i32>} : memref<2128xf32, #tpu.memory_space<vmem>>, vector<16xf32>,
    %add3A_1152 = arith.addf %add3A_1146, %get3A_1151 : vector<16xf32>
    %get3A_1153 = arith.constant 346 : index
    %get3A_1154 = tpu.vector_load %arg12[%get3A_1153] {strides = array<i32>} : memref<2128xf32, #tpu.memory_space<vmem>>, vector<16xf32>,
    %add3A_1155 = arith.addf %add3A_1149, %get3A_1154 : vector<16xf32>
    %get3A_1156 = arith.constant 479 : index
    %get3A_1157 = tpu.vector_load %arg11[%get3A_1156] {strides = array<i32>} : memref<2128xf32, #tpu.memory_space<vmem>>, vector<16xf32>,
    %add3A_1158 = arith.addf %add3A_1152, %get3A_1157 : vector<16xf32>
    %get3A_1159 = arith.constant 479 : index
    %get3A_1160 = tpu.vector_load %arg12[%get3A_1159] {strides = array<i32>} : memref<2128xf32, #tpu.memory_space<vmem>>, vector<16xf32>,
    %add3A_1161 = arith.addf %add3A_1155, %get3A_1160 : vector<16xf32>
    %get3A_1162 = arith.constant 612 : index
    %get3A_1163 = tpu.vector_load %arg11[%get3A_1162] {strides = array<i32>} : memref<2128xf32, #tpu.memory_space<vmem>>, vector<16xf32>,
    %add3A_1164 = arith.addf %add3A_1158, %get3A_1163 : vector<16xf32>
    %get3A_1165 = arith.constant 612 : index
    %get3A_1166 = tpu.vector_load %arg12[%get3A_1165] {strides = array<i32>} : memref<2128xf32, #tpu.memory_space<vmem>>, vector<16xf32>,
    %add3A_1167 = arith.addf %add3A_1161, %get3A_1166 : vector<16xf32>
    %get3A_1168 = arith.constant 745 : index
    %get3A_1169 = tpu.vector_load %arg11[%get3A_1168] {strides = array<i32>} : memref<2128xf32, #tpu.memory_space<vmem>>, vector<16xf32>,
    %add3A_1170 = arith.addf %add3A_1164, %get3A_1169 : vector<16xf32>
    %get3A_1171 = arith.constant 745 : index
    %get3A_1172 = tpu.vector_load %arg12[%get3A_1171] {strides = array<i32>} : memref<2128xf32, #tpu.memory_space<vmem>>, vector<16xf32>,
    %add3A_1173 = arith.addf %add3A_1167, %get3A_1172 : vector<16xf32>
    %get3A_1174 = arith.constant 878 : index
    %get3A_1175 = tpu.vector_load %arg11[%get3A_1174] {strides = array<i32>} : memref<2128xf32, #tpu.memory_space<vmem>>, vector<16xf32>,
    %add3A_1176 = arith.addf %add3A_1170, %get3A_1175 : vector<16xf32>
    %get3A_1177 = arith.constant 878 : index
    %get3A_1178 = tpu.vector_load %arg12[%get3A_1177] {strides = array<i32>} : memref<2128xf32, #tpu.memory_space<vmem>>, vector<16xf32>,
    %add3A_1179 = arith.addf %add3A_1173, %get3A_1178 : vector<16xf32>
    %get3A_1180 = arith.constant 1011 : index
    %get3A_1181 = tpu.vector_load %arg11[%get3A_1180] {strides = array<i32>} : memref<2128xf32, #tpu.memory_space<vmem>>, vector<16xf32>,
    %add3A_1182 = arith.addf %add3A_1176, %get3A_1181 : vector<16xf32>
    %get3A_1183 = arith.constant 1011 : index
    %get3A_1184 = tpu.vector_load %arg12[%get3A_1183] {strides = array<i32>} : memref<2128xf32, #tpu.memory_space<vmem>>, vector<16xf32>,
    %add3A_1185 = arith.addf %add3A_1179, %get3A_1184 : vector<16xf32>
    %get3A_1186 = arith.constant 1144 : index
    %get3A_1187 = tpu.vector_load %arg11[%get3A_1186] {strides = array<i32>} : memref<2128xf32, #tpu.memory_space<vmem>>, vector<16xf32>,
    %add3A_1188 = arith.addf %add3A_1182, %get3A_1187 : vector<16xf32>
    %get3A_1189 = arith.constant 1144 : index
    %get3A_1190 = tpu.vector_load %arg12[%get3A_1189] {strides = array<i32>} : memref<2128xf32, #tpu.memory_space<vmem>>, vector<16xf32>,
    %add3A_1191 = arith.addf %add3A_1185, %get3A_1190 : vector<16xf32>
    %get3A_1192 = arith.constant 1277 : index
    %get3A_1193 = tpu.vector_load %arg11[%get3A_1192] {strides = array<i32>} : memref<2128xf32, #tpu.memory_space<vmem>>, vector<16xf32>,
    %add3A_1194 = arith.addf %add3A_1188, %get3A_1193 : vector<16xf32>
    %get3A_1195 = arith.constant 1277 : index
    %get3A_1196 = tpu.vector_load %arg12[%get3A_1195] {strides = array<i32>} : memref<2128xf32, #tpu.memory_space<vmem>>, vector<16xf32>,
    %add3A_1197 = arith.addf %add3A_1191, %get3A_1196 : vector<16xf32>
    %get3A_1198 = arith.constant 1410 : index
    %get3A_1199 = tpu.vector_load %arg11[%get3A_1198] {strides = array<i32>} : memref<2128xf32, #tpu.memory_space<vmem>>, vector<16xf32>,
    %add3A_1200 = arith.addf %add3A_1194, %get3A_1199 : vector<16xf32>
    %get3A_1201 = arith.constant 1410 : index
    %get3A_1202 = tpu.vector_load %arg12[%get3A_1201] {strides = array<i32>} : memref<2128xf32, #tpu.memory_space<vmem>>, vector<16xf32>,
    %add3A_1203 = arith.addf %add3A_1197, %get3A_1202 : vector<16xf32>
    %get3A_1204 = arith.constant 1543 : index
    %get3A_1205 = tpu.vector_load %arg11[%get3A_1204] {strides = array<i32>} : memref<2128xf32, #tpu.memory_space<vmem>>, vector<16xf32>,
    %add3A_1206 = arith.addf %add3A_1200, %get3A_1205 : vector<16xf32>
    %get3A_1207 = arith.constant 1543 : index
    %get3A_1208 = tpu.vector_load %arg12[%get3A_1207] {strides = array<i32>} : memref<2128xf32, #tpu.memory_space<vmem>>, vector<16xf32>,
    %add3A_1209 = arith.addf %add3A_1203, %get3A_1208 : vector<16xf32>
    %get3A_1210 = arith.constant 1676 : index
    %get3A_1211 = tpu.vector_load %arg11[%get3A_1210] {strides = array<i32>} : memref<2128xf32, #tpu.memory_space<vmem>>, vector<16xf32>,
    %add3A_1212 = arith.addf %add3A_1206, %get3A_1211 : vector<16xf32>
    %get3A_1213 = arith.constant 1676 : index
    %get3A_1214 = tpu.vector_load %arg12[%get3A_1213] {strides = array<i32>} : memref<2128xf32, #tpu.memory_space<vmem>>, vector<16xf32>,
    %add3A_1215 = arith.addf %add3A_1209, %get3A_1214 : vector<16xf32>
    %get3A_1216 = arith.constant 1809 : index
    %get3A_1217 = tpu.vector_load %arg11[%get3A_1216] {strides = array<i32>} : memref<2128xf32, #tpu.memory_space<vmem>>, vector<16xf32>,
    %add3A_1218 = arith.addf %add3A_1212, %get3A_1217 : vector<16xf32>
    %get3A_1219 = arith.constant 1809 : index
    %get3A_1220 = tpu.vector_load %arg12[%get3A_1219] {strides = array<i32>} : memref<2128xf32, #tpu.memory_space<vmem>>, vector<16xf32>,
    %add3A_1221 = arith.addf %add3A_1215, %get3A_1220 : vector<16xf32>
    %get3A_1222 = arith.constant 1942 : index
    %get3A_1223 = tpu.vector_load %arg11[%get3A_1222] {strides = array<i32>} : memref<2128xf32, #tpu.memory_space<vmem>>, vector<16xf32>,
    %add3A_1224 = arith.addf %add3A_1218, %get3A_1223 : vector<16xf32>
    %get3A_1225 = arith.constant 1942 : index
    %get3A_1226 = tpu.vector_load %arg12[%get3A_1225] {strides = array<i32>} : memref<2128xf32, #tpu.memory_space<vmem>>, vector<16xf32>,
    %add3A_1227 = arith.addf %add3A_1221, %get3A_1226 : vector<16xf32>
    %get3A_1228 = arith.constant 2075 : index
    %get3A_1229 = tpu.vector_load %arg11[%get3A_1228] {strides = array<i32>} : memref<2128xf32, #tpu.memory_space<vmem>>, vector<16xf32>,
    %add3A_1230 = arith.addf %add3A_1224, %get3A_1229 : vector<16xf32>
    %get3A_1231 = arith.constant 2075 : index
    %get3A_1232 = tpu.vector_load %arg12[%get3A_1231] {strides = array<i32>} : memref<2128xf32, #tpu.memory_space<vmem>>, vector<16xf32>,
    %add3A_1233 = arith.addf %add3A_1227, %get3A_1232 : vector<16xf32>
    %broadcast_in_dim3A_1234 = arith.constant true
    %broadcast_in_dim3A_1235 = vector.broadcast %broadcast_in_dim3A_1234 : i1 to vector<16xi1>
    %masked_cumsum3A_1236 = tpu.scan <sum>, %add3A_1230 masked %broadcast_in_dim3A_1235 : vector<16xf32>, vector<16xi1> -> vector<16xf32>
    %add3A_1237 = arith.addf %masked_cumsum3A_1236, %add3A_1127 : vector<16xf32>
    %broadcast_in_dim3A_1238 = arith.constant true
    %broadcast_in_dim3A_1239 = vector.broadcast %broadcast_in_dim3A_1238 : i1 to vector<16xi1>
    %masked_cumsum3A_1240 = tpu.scan <sum>, %add3A_1233 masked %broadcast_in_dim3A_1239 : vector<16xf32>, vector<16xi1> -> vector<16xf32>
    %add3A_1241 = arith.addf %masked_cumsum3A_1240, %add3A_1133 : vector<16xf32>
    %broadcast_in_dim3A_1242 = arith.constant 0.000000e+00 : f32
    %broadcast_in_dim3A_1243 = vector.broadcast %broadcast_in_dim3A_1242 : f32 to vector<16xf32>
    %slice3A_1244 = vector.extract_strided_slice %add3A_1237 {offsets = [15], sizes = [1], strides = [1]} : vector<16xf32> to vector<1xf32>
    %squeeze3A_1245 = vector.extract %slice3A_1244[0] : f32 from vector<1xf32>
    %add3A_1246 = vector.broadcast %squeeze3A_1245 : f32 to vector<16xf32>
    %add3A_1247 = arith.addf %broadcast_in_dim3A_1243, %add3A_1246 : vector<16xf32>
    %broadcast_in_dim3A_1248 = arith.constant 0.000000e+00 : f32
    %broadcast_in_dim3A_1249 = vector.broadcast %broadcast_in_dim3A_1248 : f32 to vector<16xf32>
    %slice3A_1250 = vector.extract_strided_slice %add3A_1241 {offsets = [15], sizes = [1], strides = [1]} : vector<16xf32> to vector<1xf32>
    %squeeze3A_1251 = vector.extract %slice3A_1250[0] : f32 from vector<1xf32>
    %add3A_1252 = vector.broadcast %squeeze3A_1251 : f32 to vector<16xf32>
    %add3A_1253 = arith.addf %broadcast_in_dim3A_1249, %add3A_1252 : vector<16xf32>
    %swap3A_1254 = arith.constant 80 : index
    %swap3A_1255 = tpu.vector_load %arg13[%swap3A_1254] {strides = array<i32>} : memref<256xf32, #tpu.memory_space<vmem>>, vector<16xf32>,
    tpu.vector_store %arg13[%swap3A_1254], %add3A_1237 {strides = array<i32>} : memref<256xf32, #tpu.memory_space<vmem>>, vector<16xf32>,
    %swap3A_1256 = arith.constant 208 : index
    %swap3A_1257 = tpu.vector_load %arg13[%swap3A_1256] {strides = array<i32>} : memref<256xf32, #tpu.memory_space<vmem>>, vector<16xf32>,
    tpu.vector_store %arg13[%swap3A_1256], %add3A_1241 {strides = array<i32>} : memref<256xf32, #tpu.memory_space<vmem>>, vector<16xf32>,
    %get3A_1258 = arith.constant 96 : index
    %get3A_1259 = tpu.vector_load %arg11[%get3A_1258] {strides = array<i32>} : memref<2128xf32, #tpu.memory_space<vmem>>, vector<16xf32>,
    %add3A_1260 = arith.addf %broadcast_in_dim3A_0, %get3A_1259 : vector<16xf32>
    %get3A_1261 = arith.constant 96 : index
    %get3A_1262 = tpu.vector_load %arg12[%get3A_1261] {strides = array<i32>} : memref<2128xf32, #tpu.memory_space<vmem>>, vector<16xf32>,
    %add3A_1263 = arith.addf %broadcast_in_dim3A_0, %get3A_1262 : vector<16xf32>
    %get3A_1264 = arith.constant 229 : index
    %get3A_1265 = tpu.vector_load %arg11[%get3A_1264] {strides = array<i32>} : memref<2128xf32, #tpu.memory_space<vmem>>, vector<16xf32>,
    %add3A_1266 = arith.addf %add3A_1260, %get3A_1265 : vector<16xf32>
    %get3A_1267 = arith.constant 229 : index
    %get3A_1268 = tpu.vector_load %arg12[%get3A_1267] {strides = array<i32>} : memref<2128xf32, #tpu.memory_space<vmem>>, vector<16xf32>,
    %add3A_1269 = arith.addf %add3A_1263, %get3A_1268 : vector<16xf32>
    %get3A_1270 = arith.constant 362 : index
    %get3A_1271 = tpu.vector_load %arg11[%get3A_1270] {strides = array<i32>} : memref<2128xf32, #tpu.memory_space<vmem>>, vector<16xf32>,
    %add3A_1272 = arith.addf %add3A_1266, %get3A_1271 : vector<16xf32>
    %get3A_1273 = arith.constant 362 : index
    %get3A_1274 = tpu.vector_load %arg12[%get3A_1273] {strides = array<i32>} : memref<2128xf32, #tpu.memory_space<vmem>>, vector<16xf32>,
    %add3A_1275 = arith.addf %add3A_1269, %get3A_1274 : vector<16xf32>
    %get3A_1276 = arith.constant 495 : index
    %get3A_1277 = tpu.vector_load %arg11[%get3A_1276] {strides = array<i32>} : memref<2128xf32, #tpu.memory_space<vmem>>, vector<16xf32>,
    %add3A_1278 = arith.addf %add3A_1272, %get3A_1277 : vector<16xf32>
    %get3A_1279 = arith.constant 495 : index
    %get3A_1280 = tpu.vector_load %arg12[%get3A_1279] {strides = array<i32>} : memref<2128xf32, #tpu.memory_space<vmem>>, vector<16xf32>,
    %add3A_1281 = arith.addf %add3A_1275, %get3A_1280 : vector<16xf32>
    %get3A_1282 = arith.constant 628 : index
    %get3A_1283 = tpu.vector_load %arg11[%get3A_1282] {strides = array<i32>} : memref<2128xf32, #tpu.memory_space<vmem>>, vector<16xf32>,
    %add3A_1284 = arith.addf %add3A_1278, %get3A_1283 : vector<16xf32>
    %get3A_1285 = arith.constant 628 : index
    %get3A_1286 = tpu.vector_load %arg12[%get3A_1285] {strides = array<i32>} : memref<2128xf32, #tpu.memory_space<vmem>>, vector<16xf32>,
    %add3A_1287 = arith.addf %add3A_1281, %get3A_1286 : vector<16xf32>
    %get3A_1288 = arith.constant 761 : index
    %get3A_1289 = tpu.vector_load %arg11[%get3A_1288] {strides = array<i32>} : memref<2128xf32, #tpu.memory_space<vmem>>, vector<16xf32>,
    %add3A_1290 = arith.addf %add3A_1284, %get3A_1289 : vector<16xf32>
    %get3A_1291 = arith.constant 761 : index
    %get3A_1292 = tpu.vector_load %arg12[%get3A_1291] {strides = array<i32>} : memref<2128xf32, #tpu.memory_space<vmem>>, vector<16xf32>,
    %add3A_1293 = arith.addf %add3A_1287, %get3A_1292 : vector<16xf32>
    %get3A_1294 = arith.constant 894 : index
    %get3A_1295 = tpu.vector_load %arg11[%get3A_1294] {strides = array<i32>} : memref<2128xf32, #tpu.memory_space<vmem>>, vector<16xf32>,
    %add3A_1296 = arith.addf %add3A_1290, %get3A_1295 : vector<16xf32>
    %get3A_1297 = arith.constant 894 : index
    %get3A_1298 = tpu.vector_load %arg12[%get3A_1297] {strides = array<i32>} : memref<2128xf32, #tpu.memory_space<vmem>>, vector<16xf32>,
    %add3A_1299 = arith.addf %add3A_1293, %get3A_1298 : vector<16xf32>
    %get3A_1300 = arith.constant 1027 : index
    %get3A_1301 = tpu.vector_load %arg11[%get3A_1300] {strides = array<i32>} : memref<2128xf32, #tpu.memory_space<vmem>>, vector<16xf32>,
    %add3A_1302 = arith.addf %add3A_1296, %get3A_1301 : vector<16xf32>
    %get3A_1303 = arith.constant 1027 : index
    %get3A_1304 = tpu.vector_load %arg12[%get3A_1303] {strides = array<i32>} : memref<2128xf32, #tpu.memory_space<vmem>>, vector<16xf32>,
    %add3A_1305 = arith.addf %add3A_1299, %get3A_1304 : vector<16xf32>
    %get3A_1306 = arith.constant 1160 : index
    %get3A_1307 = tpu.vector_load %arg11[%get3A_1306] {strides = array<i32>} : memref<2128xf32, #tpu.memory_space<vmem>>, vector<16xf32>,
    %add3A_1308 = arith.addf %add3A_1302, %get3A_1307 : vector<16xf32>
    %get3A_1309 = arith.constant 1160 : index
    %get3A_1310 = tpu.vector_load %arg12[%get3A_1309] {strides = array<i32>} : memref<2128xf32, #tpu.memory_space<vmem>>, vector<16xf32>,
    %add3A_1311 = arith.addf %add3A_1305, %get3A_1310 : vector<16xf32>
    %get3A_1312 = arith.constant 1293 : index
    %get3A_1313 = tpu.vector_load %arg11[%get3A_1312] {strides = array<i32>} : memref<2128xf32, #tpu.memory_space<vmem>>, vector<16xf32>,
    %add3A_1314 = arith.addf %add3A_1308, %get3A_1313 : vector<16xf32>
    %get3A_1315 = arith.constant 1293 : index
    %get3A_1316 = tpu.vector_load %arg12[%get3A_1315] {strides = array<i32>} : memref<2128xf32, #tpu.memory_space<vmem>>, vector<16xf32>,
    %add3A_1317 = arith.addf %add3A_1311, %get3A_1316 : vector<16xf32>
    %get3A_1318 = arith.constant 1426 : index
    %get3A_1319 = tpu.vector_load %arg11[%get3A_1318] {strides = array<i32>} : memref<2128xf32, #tpu.memory_space<vmem>>, vector<16xf32>,
    %add3A_1320 = arith.addf %add3A_1314, %get3A_1319 : vector<16xf32>
    %get3A_1321 = arith.constant 1426 : index
    %get3A_1322 = tpu.vector_load %arg12[%get3A_1321] {strides = array<i32>} : memref<2128xf32, #tpu.memory_space<vmem>>, vector<16xf32>,
    %add3A_1323 = arith.addf %add3A_1317, %get3A_1322 : vector<16xf32>
    %get3A_1324 = arith.constant 1559 : index
    %get3A_1325 = tpu.vector_load %arg11[%get3A_1324] {strides = array<i32>} : memref<2128xf32, #tpu.memory_space<vmem>>, vector<16xf32>,
    %add3A_1326 = arith.addf %add3A_1320, %get3A_1325 : vector<16xf32>
    %get3A_1327 = arith.constant 1559 : index
    %get3A_1328 = tpu.vector_load %arg12[%get3A_1327] {strides = array<i32>} : memref<2128xf32, #tpu.memory_space<vmem>>, vector<16xf32>,
    %add3A_1329 = arith.addf %add3A_1323, %get3A_1328 : vector<16xf32>
    %get3A_1330 = arith.constant 1692 : index
    %get3A_1331 = tpu.vector_load %arg11[%get3A_1330] {strides = array<i32>} : memref<2128xf32, #tpu.memory_space<vmem>>, vector<16xf32>,
    %add3A_1332 = arith.addf %add3A_1326, %get3A_1331 : vector<16xf32>
    %get3A_1333 = arith.constant 1692 : index
    %get3A_1334 = tpu.vector_load %arg12[%get3A_1333] {strides = array<i32>} : memref<2128xf32, #tpu.memory_space<vmem>>, vector<16xf32>,
    %add3A_1335 = arith.addf %add3A_1329, %get3A_1334 : vector<16xf32>
    %get3A_1336 = arith.constant 1825 : index
    %get3A_1337 = tpu.vector_load %arg11[%get3A_1336] {strides = array<i32>} : memref<2128xf32, #tpu.memory_space<vmem>>, vector<16xf32>,
    %add3A_1338 = arith.addf %add3A_1332, %get3A_1337 : vector<16xf32>
    %get3A_1339 = arith.constant 1825 : index
    %get3A_1340 = tpu.vector_load %arg12[%get3A_1339] {strides = array<i32>} : memref<2128xf32, #tpu.memory_space<vmem>>, vector<16xf32>,
    %add3A_1341 = arith.addf %add3A_1335, %get3A_1340 : vector<16xf32>
    %get3A_1342 = arith.constant 1958 : index
    %get3A_1343 = tpu.vector_load %arg11[%get3A_1342] {strides = array<i32>} : memref<2128xf32, #tpu.memory_space<vmem>>, vector<16xf32>,
    %add3A_1344 = arith.addf %add3A_1338, %get3A_1343 : vector<16xf32>
    %get3A_1345 = arith.constant 1958 : index
    %get3A_1346 = tpu.vector_load %arg12[%get3A_1345] {strides = array<i32>} : memref<2128xf32, #tpu.memory_space<vmem>>, vector<16xf32>,
    %add3A_1347 = arith.addf %add3A_1341, %get3A_1346 : vector<16xf32>
    %get3A_1348 = arith.constant 2091 : index
    %get3A_1349 = tpu.vector_load %arg11[%get3A_1348] {strides = array<i32>} : memref<2128xf32, #tpu.memory_space<vmem>>, vector<16xf32>,
    %add3A_1350 = arith.addf %add3A_1344, %get3A_1349 : vector<16xf32>
    %get3A_1351 = arith.constant 2091 : index
    %get3A_1352 = tpu.vector_load %arg12[%get3A_1351] {strides = array<i32>} : memref<2128xf32, #tpu.memory_space<vmem>>, vector<16xf32>,
    %add3A_1353 = arith.addf %add3A_1347, %get3A_1352 : vector<16xf32>
    %broadcast_in_dim3A_1354 = arith.constant true
    %broadcast_in_dim3A_1355 = vector.broadcast %broadcast_in_dim3A_1354 : i1 to vector<16xi1>
    %masked_cumsum3A_1356 = tpu.scan <sum>, %add3A_1350 masked %broadcast_in_dim3A_1355 : vector<16xf32>, vector<16xi1> -> vector<16xf32>
    %add3A_1357 = arith.addf %masked_cumsum3A_1356, %add3A_1247 : vector<16xf32>
    %broadcast_in_dim3A_1358 = arith.constant true
    %broadcast_in_dim3A_1359 = vector.broadcast %broadcast_in_dim3A_1358 : i1 to vector<16xi1>
    %masked_cumsum3A_1360 = tpu.scan <sum>, %add3A_1353 masked %broadcast_in_dim3A_1359 : vector<16xf32>, vector<16xi1> -> vector<16xf32>
    %add3A_1361 = arith.addf %masked_cumsum3A_1360, %add3A_1253 : vector<16xf32>
    %broadcast_in_dim3A_1362 = arith.constant 0.000000e+00 : f32
    %broadcast_in_dim3A_1363 = vector.broadcast %broadcast_in_dim3A_1362 : f32 to vector<16xf32>
    %slice3A_1364 = vector.extract_strided_slice %add3A_1357 {offsets = [15], sizes = [1], strides = [1]} : vector<16xf32> to vector<1xf32>
    %squeeze3A_1365 = vector.extract %slice3A_1364[0] : f32 from vector<1xf32>
    %add3A_1366 = vector.broadcast %squeeze3A_1365 : f32 to vector<16xf32>
    %add3A_1367 = arith.addf %broadcast_in_dim3A_1363, %add3A_1366 : vector<16xf32>
    %broadcast_in_dim3A_1368 = arith.constant 0.000000e+00 : f32
    %broadcast_in_dim3A_1369 = vector.broadcast %broadcast_in_dim3A_1368 : f32 to vector<16xf32>
    %slice3A_1370 = vector.extract_strided_slice %add3A_1361 {offsets = [15], sizes = [1], strides = [1]} : vector<16xf32> to vector<1xf32>
    %squeeze3A_1371 = vector.extract %slice3A_1370[0] : f32 from vector<1xf32>
    %add3A_1372 = vector.broadcast %squeeze3A_1371 : f32 to vector<16xf32>
    %add3A_1373 = arith.addf %broadcast_in_dim3A_1369, %add3A_1372 : vector<16xf32>
    %swap3A_1374 = arith.constant 96 : index
    %swap3A_1375 = tpu.vector_load %arg13[%swap3A_1374] {strides = array<i32>} : memref<256xf32, #tpu.memory_space<vmem>>, vector<16xf32>,
    tpu.vector_store %arg13[%swap3A_1374], %add3A_1357 {strides = array<i32>} : memref<256xf32, #tpu.memory_space<vmem>>, vector<16xf32>,
    %swap3A_1376 = arith.constant 224 : index
    %swap3A_1377 = tpu.vector_load %arg13[%swap3A_1376] {strides = array<i32>} : memref<256xf32, #tpu.memory_space<vmem>>, vector<16xf32>,
    tpu.vector_store %arg13[%swap3A_1376], %add3A_1361 {strides = array<i32>} : memref<256xf32, #tpu.memory_space<vmem>>, vector<16xf32>,
    %get3A_1378 = arith.constant 112 : index
    %get3A_1379 = tpu.vector_load %arg11[%get3A_1378] {strides = array<i32>} : memref<2128xf32, #tpu.memory_space<vmem>>, vector<16xf32>,
    %add3A_1380 = arith.addf %broadcast_in_dim3A_0, %get3A_1379 : vector<16xf32>
    %get3A_1381 = arith.constant 112 : index
    %get3A_1382 = tpu.vector_load %arg12[%get3A_1381] {strides = array<i32>} : memref<2128xf32, #tpu.memory_space<vmem>>, vector<16xf32>,
    %add3A_1383 = arith.addf %broadcast_in_dim3A_0, %get3A_1382 : vector<16xf32>
    %get3A_1384 = arith.constant 245 : index
    %get3A_1385 = tpu.vector_load %arg11[%get3A_1384] {strides = array<i32>} : memref<2128xf32, #tpu.memory_space<vmem>>, vector<16xf32>,
    %add3A_1386 = arith.addf %add3A_1380, %get3A_1385 : vector<16xf32>
    %get3A_1387 = arith.constant 245 : index
    %get3A_1388 = tpu.vector_load %arg12[%get3A_1387] {strides = array<i32>} : memref<2128xf32, #tpu.memory_space<vmem>>, vector<16xf32>,
    %add3A_1389 = arith.addf %add3A_1383, %get3A_1388 : vector<16xf32>
    %get3A_1390 = arith.constant 378 : index
    %get3A_1391 = tpu.vector_load %arg11[%get3A_1390] {strides = array<i32>} : memref<2128xf32, #tpu.memory_space<vmem>>, vector<16xf32>,
    %add3A_1392 = arith.addf %add3A_1386, %get3A_1391 : vector<16xf32>
    %get3A_1393 = arith.constant 378 : index
    %get3A_1394 = tpu.vector_load %arg12[%get3A_1393] {strides = array<i32>} : memref<2128xf32, #tpu.memory_space<vmem>>, vector<16xf32>,
    %add3A_1395 = arith.addf %add3A_1389, %get3A_1394 : vector<16xf32>
    %get3A_1396 = arith.constant 511 : index
    %get3A_1397 = tpu.vector_load %arg11[%get3A_1396] {strides = array<i32>} : memref<2128xf32, #tpu.memory_space<vmem>>, vector<16xf32>,
    %add3A_1398 = arith.addf %add3A_1392, %get3A_1397 : vector<16xf32>
    %get3A_1399 = arith.constant 511 : index
    %get3A_1400 = tpu.vector_load %arg12[%get3A_1399] {strides = array<i32>} : memref<2128xf32, #tpu.memory_space<vmem>>, vector<16xf32>,
    %add3A_1401 = arith.addf %add3A_1395, %get3A_1400 : vector<16xf32>
    %get3A_1402 = arith.constant 644 : index
    %get3A_1403 = tpu.vector_load %arg11[%get3A_1402] {strides = array<i32>} : memref<2128xf32, #tpu.memory_space<vmem>>, vector<16xf32>,
    %add3A_1404 = arith.addf %add3A_1398, %get3A_1403 : vector<16xf32>
    %get3A_1405 = arith.constant 644 : index
    %get3A_1406 = tpu.vector_load %arg12[%get3A_1405] {strides = array<i32>} : memref<2128xf32, #tpu.memory_space<vmem>>, vector<16xf32>,
    %add3A_1407 = arith.addf %add3A_1401, %get3A_1406 : vector<16xf32>
    %get3A_1408 = arith.constant 777 : index
    %get3A_1409 = tpu.vector_load %arg11[%get3A_1408] {strides = array<i32>} : memref<2128xf32, #tpu.memory_space<vmem>>, vector<16xf32>,
    %add3A_1410 = arith.addf %add3A_1404, %get3A_1409 : vector<16xf32>
    %get3A_1411 = arith.constant 777 : index
    %get3A_1412 = tpu.vector_load %arg12[%get3A_1411] {strides = array<i32>} : memref<2128xf32, #tpu.memory_space<vmem>>, vector<16xf32>,
    %add3A_1413 = arith.addf %add3A_1407, %get3A_1412 : vector<16xf32>
    %get3A_1414 = arith.constant 910 : index
    %get3A_1415 = tpu.vector_load %arg11[%get3A_1414] {strides = array<i32>} : memref<2128xf32, #tpu.memory_space<vmem>>, vector<16xf32>,
    %add3A_1416 = arith.addf %add3A_1410, %get3A_1415 : vector<16xf32>
    %get3A_1417 = arith.constant 910 : index
    %get3A_1418 = tpu.vector_load %arg12[%get3A_1417] {strides = array<i32>} : memref<2128xf32, #tpu.memory_space<vmem>>, vector<16xf32>,
    %add3A_1419 = arith.addf %add3A_1413, %get3A_1418 : vector<16xf32>
    %get3A_1420 = arith.constant 1043 : index
    %get3A_1421 = tpu.vector_load %arg11[%get3A_1420] {strides = array<i32>} : memref<2128xf32, #tpu.memory_space<vmem>>, vector<16xf32>,
    %add3A_1422 = arith.addf %add3A_1416, %get3A_1421 : vector<16xf32>
    %get3A_1423 = arith.constant 1043 : index
    %get3A_1424 = tpu.vector_load %arg12[%get3A_1423] {strides = array<i32>} : memref<2128xf32, #tpu.memory_space<vmem>>, vector<16xf32>,
    %add3A_1425 = arith.addf %add3A_1419, %get3A_1424 : vector<16xf32>
    %get3A_1426 = arith.constant 1176 : index
    %get3A_1427 = tpu.vector_load %arg11[%get3A_1426] {strides = array<i32>} : memref<2128xf32, #tpu.memory_space<vmem>>, vector<16xf32>,
    %add3A_1428 = arith.addf %add3A_1422, %get3A_1427 : vector<16xf32>
    %get3A_1429 = arith.constant 1176 : index
    %get3A_1430 = tpu.vector_load %arg12[%get3A_1429] {strides = array<i32>} : memref<2128xf32, #tpu.memory_space<vmem>>, vector<16xf32>,
    %add3A_1431 = arith.addf %add3A_1425, %get3A_1430 : vector<16xf32>
    %get3A_1432 = arith.constant 1309 : index
    %get3A_1433 = tpu.vector_load %arg11[%get3A_1432] {strides = array<i32>} : memref<2128xf32, #tpu.memory_space<vmem>>, vector<16xf32>,
    %add3A_1434 = arith.addf %add3A_1428, %get3A_1433 : vector<16xf32>
    %get3A_1435 = arith.constant 1309 : index
    %get3A_1436 = tpu.vector_load %arg12[%get3A_1435] {strides = array<i32>} : memref<2128xf32, #tpu.memory_space<vmem>>, vector<16xf32>,
    %add3A_1437 = arith.addf %add3A_1431, %get3A_1436 : vector<16xf32>
    %get3A_1438 = arith.constant 1442 : index
    %get3A_1439 = tpu.vector_load %arg11[%get3A_1438] {strides = array<i32>} : memref<2128xf32, #tpu.memory_space<vmem>>, vector<16xf32>,
    %add3A_1440 = arith.addf %add3A_1434, %get3A_1439 : vector<16xf32>
    %get3A_1441 = arith.constant 1442 : index
    %get3A_1442 = tpu.vector_load %arg12[%get3A_1441] {strides = array<i32>} : memref<2128xf32, #tpu.memory_space<vmem>>, vector<16xf32>,
    %add3A_1443 = arith.addf %add3A_1437, %get3A_1442 : vector<16xf32>
    %get3A_1444 = arith.constant 1575 : index
    %get3A_1445 = tpu.vector_load %arg11[%get3A_1444] {strides = array<i32>} : memref<2128xf32, #tpu.memory_space<vmem>>, vector<16xf32>,
    %add3A_1446 = arith.addf %add3A_1440, %get3A_1445 : vector<16xf32>
    %get3A_1447 = arith.constant 1575 : index
    %get3A_1448 = tpu.vector_load %arg12[%get3A_1447] {strides = array<i32>} : memref<2128xf32, #tpu.memory_space<vmem>>, vector<16xf32>,
    %add3A_1449 = arith.addf %add3A_1443, %get3A_1448 : vector<16xf32>
    %get3A_1450 = arith.constant 1708 : index
    %get3A_1451 = tpu.vector_load %arg11[%get3A_1450] {strides = array<i32>} : memref<2128xf32, #tpu.memory_space<vmem>>, vector<16xf32>,
    %add3A_1452 = arith.addf %add3A_1446, %get3A_1451 : vector<16xf32>
    %get3A_1453 = arith.constant 1708 : index
    %get3A_1454 = tpu.vector_load %arg12[%get3A_1453] {strides = array<i32>} : memref<2128xf32, #tpu.memory_space<vmem>>, vector<16xf32>,
    %add3A_1455 = arith.addf %add3A_1449, %get3A_1454 : vector<16xf32>
    %get3A_1456 = arith.constant 1841 : index
    %get3A_1457 = tpu.vector_load %arg11[%get3A_1456] {strides = array<i32>} : memref<2128xf32, #tpu.memory_space<vmem>>, vector<16xf32>,
    %add3A_1458 = arith.addf %add3A_1452, %get3A_1457 : vector<16xf32>
    %get3A_1459 = arith.constant 1841 : index
    %get3A_1460 = tpu.vector_load %arg12[%get3A_1459] {strides = array<i32>} : memref<2128xf32, #tpu.memory_space<vmem>>, vector<16xf32>,
    %add3A_1461 = arith.addf %add3A_1455, %get3A_1460 : vector<16xf32>
    %get3A_1462 = arith.constant 1974 : index
    %get3A_1463 = tpu.vector_load %arg11[%get3A_1462] {strides = array<i32>} : memref<2128xf32, #tpu.memory_space<vmem>>, vector<16xf32>,
    %add3A_1464 = arith.addf %add3A_1458, %get3A_1463 : vector<16xf32>
    %get3A_1465 = arith.constant 1974 : index
    %get3A_1466 = tpu.vector_load %arg12[%get3A_1465] {strides = array<i32>} : memref<2128xf32, #tpu.memory_space<vmem>>, vector<16xf32>,
    %add3A_1467 = arith.addf %add3A_1461, %get3A_1466 : vector<16xf32>
    %get3A_1468 = arith.constant 2107 : index
    %get3A_1469 = tpu.vector_load %arg11[%get3A_1468] {strides = array<i32>} : memref<2128xf32, #tpu.memory_space<vmem>>, vector<16xf32>,
    %add3A_1470 = arith.addf %add3A_1464, %get3A_1469 : vector<16xf32>
    %get3A_1471 = arith.constant 2107 : index
    %get3A_1472 = tpu.vector_load %arg12[%get3A_1471] {strides = array<i32>} : memref<2128xf32, #tpu.memory_space<vmem>>, vector<16xf32>,
    %add3A_1473 = arith.addf %add3A_1467, %get3A_1472 : vector<16xf32>
    %broadcast_in_dim3A_1474 = arith.constant true
    %broadcast_in_dim3A_1475 = vector.broadcast %broadcast_in_dim3A_1474 : i1 to vector<16xi1>
    %masked_cumsum3A_1476 = tpu.scan <sum>, %add3A_1470 masked %broadcast_in_dim3A_1475 : vector<16xf32>, vector<16xi1> -> vector<16xf32>
    %add3A_1477 = arith.addf %masked_cumsum3A_1476, %add3A_1367 : vector<16xf32>
    %broadcast_in_dim3A_1478 = arith.constant true
    %broadcast_in_dim3A_1479 = vector.broadcast %broadcast_in_dim3A_1478 : i1 to vector<16xi1>
    %masked_cumsum3A_1480 = tpu.scan <sum>, %add3A_1473 masked %broadcast_in_dim3A_1479 : vector<16xf32>, vector<16xi1> -> vector<16xf32>
    %add3A_1481 = arith.addf %masked_cumsum3A_1480, %add3A_1373 : vector<16xf32>
    %broadcast_in_dim3A_1482 = arith.constant 0.000000e+00 : f32
    %broadcast_in_dim3A_1483 = vector.broadcast %broadcast_in_dim3A_1482 : f32 to vector<16xf32>
    %slice3A_1484 = vector.extract_strided_slice %add3A_1477 {offsets = [15], sizes = [1], strides = [1]} : vector<16xf32> to vector<1xf32>
    %squeeze3A_1485 = vector.extract %slice3A_1484[0] : f32 from vector<1xf32>
    %add3A_1486 = vector.broadcast %squeeze3A_1485 : f32 to vector<16xf32>
    %add3A_1487 = arith.addf %broadcast_in_dim3A_1483, %add3A_1486 : vector<16xf32>
    %broadcast_in_dim3A_1488 = arith.constant 0.000000e+00 : f32
    %broadcast_in_dim3A_1489 = vector.broadcast %broadcast_in_dim3A_1488 : f32 to vector<16xf32>
    %slice3A_1490 = vector.extract_strided_slice %add3A_1481 {offsets = [15], sizes = [1], strides = [1]} : vector<16xf32> to vector<1xf32>
    %squeeze3A_1491 = vector.extract %slice3A_1490[0] : f32 from vector<1xf32>
    %add3A_1492 = vector.broadcast %squeeze3A_1491 : f32 to vector<16xf32>
    %add3A_1493 = arith.addf %broadcast_in_dim3A_1489, %add3A_1492 : vector<16xf32>
    %swap3A_1494 = arith.constant 112 : index
    %swap3A_1495 = tpu.vector_load %arg13[%swap3A_1494] {strides = array<i32>} : memref<256xf32, #tpu.memory_space<vmem>>, vector<16xf32>,
    tpu.vector_store %arg13[%swap3A_1494], %add3A_1477 {strides = array<i32>} : memref<256xf32, #tpu.memory_space<vmem>>, vector<16xf32>,
    %swap3A_1496 = arith.constant 240 : index
    %swap3A_1497 = tpu.vector_load %arg13[%swap3A_1496] {strides = array<i32>} : memref<256xf32, #tpu.memory_space<vmem>>, vector<16xf32>,
    tpu.vector_store %arg13[%swap3A_1496], %add3A_1481 {strides = array<i32>} : memref<256xf32, #tpu.memory_space<vmem>>, vector<16xf32>,
    %get3A_1498 = arith.constant 0 : index
    %get3A_1499 = tpu.vector_load %arg10[%get3A_1498] {strides = array<i32>} : memref<128xi32, #tpu.memory_space<vmem>>, vector<16xi32>,
    %gather3A = tpu.vector_load_idx %arg13[%get3A_1499] : memref<256xf32, #tpu.memory_space<vmem>>[vector<16xi32>], vector<16xf32>,
    %add3A_1500 = arith.constant 128 : i32
    %add3A_1501 = vector.broadcast %add3A_1500 : i32 to vector<16xi32>
    %add3A_1502 = arith.addi %get3A_1499, %add3A_1501 : vector<16xi32>
    %gather3A_1503 = tpu.vector_load_idx %arg13[%add3A_1502] : memref<256xf32, #tpu.memory_space<vmem>>[vector<16xi32>], vector<16xf32>,
    %gather3A_1504 = tpu.vector_load_idx %arg9[%get3A_1499] : memref<256xf32, #tpu.memory_space<vmem>>[vector<16xi32>], vector<16xf32>,
    %mul3A_1505 = arith.mulf %gather3A_1504, %gather3A : vector<16xf32>
    %add3A_1506 = arith.addf %mul3A_1505, %gather3A_1503 : vector<16xf32>
    %swap3A_1507 = arith.constant 0 : index
    %swap3A_1508 = tpu.vector_load %arg14[%swap3A_1507] {strides = array<i32>} : memref<128xf32, #tpu.memory_space<vmem>>, vector<16xf32>,
    tpu.vector_store %arg14[%swap3A_1507], %add3A_1506 {strides = array<i32>} : memref<128xf32, #tpu.memory_space<vmem>>, vector<16xf32>,
    %get3A_1509 = arith.constant 16 : index
    %get3A_1510 = tpu.vector_load %arg10[%get3A_1509] {strides = array<i32>} : memref<128xi32, #tpu.memory_space<vmem>>, vector<16xi32>,
    %gather3A_1511 = tpu.vector_load_idx %arg13[%get3A_1510] : memref<256xf32, #tpu.memory_space<vmem>>[vector<16xi32>], vector<16xf32>,
    %add3A_1512 = arith.constant 128 : i32
    %add3A_1513 = vector.broadcast %add3A_1512 : i32 to vector<16xi32>
    %add3A_1514 = arith.addi %get3A_1510, %add3A_1513 : vector<16xi32>
    %gather3A_1515 = tpu.vector_load_idx %arg13[%add3A_1514] : memref<256xf32, #tpu.memory_space<vmem>>[vector<16xi32>], vector<16xf32>,
    %gather3A_1516 = tpu.vector_load_idx %arg9[%get3A_1510] : memref<256xf32, #tpu.memory_space<vmem>>[vector<16xi32>], vector<16xf32>,
    %mul3A_1517 = arith.mulf %gather3A_1516, %gather3A_1511 : vector<16xf32>
    %add3A_1518 = arith.addf %mul3A_1517, %gather3A_1515 : vector<16xf32>
    %swap3A_1519 = arith.constant 16 : index
    %swap3A_1520 = tpu.vector_load %arg14[%swap3A_1519] {strides = array<i32>} : memref<128xf32, #tpu.memory_space<vmem>>, vector<16xf32>,
    tpu.vector_store %arg14[%swap3A_1519], %add3A_1518 {strides = array<i32>} : memref<128xf32, #tpu.memory_space<vmem>>, vector<16xf32>,
    %get3A_1521 = arith.constant 32 : index
    %get3A_1522 = tpu.vector_load %arg10[%get3A_1521] {strides = array<i32>} : memref<128xi32, #tpu.memory_space<vmem>>, vector<16xi32>,
    %gather3A_1523 = tpu.vector_load_idx %arg13[%get3A_1522] : memref<256xf32, #tpu.memory_space<vmem>>[vector<16xi32>], vector<16xf32>,
    %add3A_1524 = arith.constant 128 : i32
    %add3A_1525 = vector.broadcast %add3A_1524 : i32 to vector<16xi32>
    %add3A_1526 = arith.addi %get3A_1522, %add3A_1525 : vector<16xi32>
    %gather3A_1527 = tpu.vector_load_idx %arg13[%add3A_1526] : memref<256xf32, #tpu.memory_space<vmem>>[vector<16xi32>], vector<16xf32>,
    %gather3A_1528 = tpu.vector_load_idx %arg9[%get3A_1522] : memref<256xf32, #tpu.memory_space<vmem>>[vector<16xi32>], vector<16xf32>,
    %mul3A_1529 = arith.mulf %gather3A_1528, %gather3A_1523 : vector<16xf32>
    %add3A_1530 = arith.addf %mul3A_1529, %gather3A_1527 : vector<16xf32>
    %swap3A_1531 = arith.constant 32 : index
    %swap3A_1532 = tpu.vector_load %arg14[%swap3A_1531] {strides = array<i32>} : memref<128xf32, #tpu.memory_space<vmem>>, vector<16xf32>,
    tpu.vector_store %arg14[%swap3A_1531], %add3A_1530 {strides = array<i32>} : memref<128xf32, #tpu.memory_space<vmem>>, vector<16xf32>,
    %get3A_1533 = arith.constant 48 : index
    %get3A_1534 = tpu.vector_load %arg10[%get3A_1533] {strides = array<i32>} : memref<128xi32, #tpu.memory_space<vmem>>, vector<16xi32>,
    %gather3A_1535 = tpu.vector_load_idx %arg13[%get3A_1534] : memref<256xf32, #tpu.memory_space<vmem>>[vector<16xi32>], vector<16xf32>,
    %add3A_1536 = arith.constant 128 : i32
    %add3A_1537 = vector.broadcast %add3A_1536 : i32 to vector<16xi32>
    %add3A_1538 = arith.addi %get3A_1534, %add3A_1537 : vector<16xi32>
    %gather3A_1539 = tpu.vector_load_idx %arg13[%add3A_1538] : memref<256xf32, #tpu.memory_space<vmem>>[vector<16xi32>], vector<16xf32>,
    %gather3A_1540 = tpu.vector_load_idx %arg9[%get3A_1534] : memref<256xf32, #tpu.memory_space<vmem>>[vector<16xi32>], vector<16xf32>,
    %mul3A_1541 = arith.mulf %gather3A_1540, %gather3A_1535 : vector<16xf32>
    %add3A_1542 = arith.addf %mul3A_1541, %gather3A_1539 : vector<16xf32>
    %swap3A_1543 = arith.constant 48 : index
    %swap3A_1544 = tpu.vector_load %arg14[%swap3A_1543] {strides = array<i32>} : memref<128xf32, #tpu.memory_space<vmem>>, vector<16xf32>,
    tpu.vector_store %arg14[%swap3A_1543], %add3A_1542 {strides = array<i32>} : memref<128xf32, #tpu.memory_space<vmem>>, vector<16xf32>,
    %get3A_1545 = arith.constant 64 : index
    %get3A_1546 = tpu.vector_load %arg10[%get3A_1545] {strides = array<i32>} : memref<128xi32, #tpu.memory_space<vmem>>, vector<16xi32>,
    %gather3A_1547 = tpu.vector_load_idx %arg13[%get3A_1546] : memref<256xf32, #tpu.memory_space<vmem>>[vector<16xi32>], vector<16xf32>,
    %add3A_1548 = arith.constant 128 : i32
    %add3A_1549 = vector.broadcast %add3A_1548 : i32 to vector<16xi32>
    %add3A_1550 = arith.addi %get3A_1546, %add3A_1549 : vector<16xi32>
    %gather3A_1551 = tpu.vector_load_idx %arg13[%add3A_1550] : memref<256xf32, #tpu.memory_space<vmem>>[vector<16xi32>], vector<16xf32>,
    %gather3A_1552 = tpu.vector_load_idx %arg9[%get3A_1546] : memref<256xf32, #tpu.memory_space<vmem>>[vector<16xi32>], vector<16xf32>,
    %mul3A_1553 = arith.mulf %gather3A_1552, %gather3A_1547 : vector<16xf32>
    %add3A_1554 = arith.addf %mul3A_1553, %gather3A_1551 : vector<16xf32>
    %swap3A_1555 = arith.constant 64 : index
    %swap3A_1556 = tpu.vector_load %arg14[%swap3A_1555] {strides = array<i32>} : memref<128xf32, #tpu.memory_space<vmem>>, vector<16xf32>,
    tpu.vector_store %arg14[%swap3A_1555], %add3A_1554 {strides = array<i32>} : memref<128xf32, #tpu.memory_space<vmem>>, vector<16xf32>,
    %get3A_1557 = arith.constant 80 : index
    %get3A_1558 = tpu.vector_load %arg10[%get3A_1557] {strides = array<i32>} : memref<128xi32, #tpu.memory_space<vmem>>, vector<16xi32>,
    %gather3A_1559 = tpu.vector_load_idx %arg13[%get3A_1558] : memref<256xf32, #tpu.memory_space<vmem>>[vector<16xi32>], vector<16xf32>,
    %add3A_1560 = arith.constant 128 : i32
    %add3A_1561 = vector.broadcast %add3A_1560 : i32 to vector<16xi32>
    %add3A_1562 = arith.addi %get3A_1558, %add3A_1561 : vector<16xi32>
    %gather3A_1563 = tpu.vector_load_idx %arg13[%add3A_1562] : memref<256xf32, #tpu.memory_space<vmem>>[vector<16xi32>], vector<16xf32>,
    %gather3A_1564 = tpu.vector_load_idx %arg9[%get3A_1558] : memref<256xf32, #tpu.memory_space<vmem>>[vector<16xi32>], vector<16xf32>,
    %mul3A_1565 = arith.mulf %gather3A_1564, %gather3A_1559 : vector<16xf32>
    %add3A_1566 = arith.addf %mul3A_1565, %gather3A_1563 : vector<16xf32>
    %swap3A_1567 = arith.constant 80 : index
    %swap3A_1568 = tpu.vector_load %arg14[%swap3A_1567] {strides = array<i32>} : memref<128xf32, #tpu.memory_space<vmem>>, vector<16xf32>,
    tpu.vector_store %arg14[%swap3A_1567], %add3A_1566 {strides = array<i32>} : memref<128xf32, #tpu.memory_space<vmem>>, vector<16xf32>,
    %get3A_1569 = arith.constant 96 : index
    %get3A_1570 = tpu.vector_load %arg10[%get3A_1569] {strides = array<i32>} : memref<128xi32, #tpu.memory_space<vmem>>, vector<16xi32>,
    %gather3A_1571 = tpu.vector_load_idx %arg13[%get3A_1570] : memref<256xf32, #tpu.memory_space<vmem>>[vector<16xi32>], vector<16xf32>,
    %add3A_1572 = arith.constant 128 : i32
    %add3A_1573 = vector.broadcast %add3A_1572 : i32 to vector<16xi32>
    %add3A_1574 = arith.addi %get3A_1570, %add3A_1573 : vector<16xi32>
    %gather3A_1575 = tpu.vector_load_idx %arg13[%add3A_1574] : memref<256xf32, #tpu.memory_space<vmem>>[vector<16xi32>], vector<16xf32>,
    %gather3A_1576 = tpu.vector_load_idx %arg9[%get3A_1570] : memref<256xf32, #tpu.memory_space<vmem>>[vector<16xi32>], vector<16xf32>,
    %mul3A_1577 = arith.mulf %gather3A_1576, %gather3A_1571 : vector<16xf32>
    %add3A_1578 = arith.addf %mul3A_1577, %gather3A_1575 : vector<16xf32>
    %swap3A_1579 = arith.constant 96 : index
    %swap3A_1580 = tpu.vector_load %arg14[%swap3A_1579] {strides = array<i32>} : memref<128xf32, #tpu.memory_space<vmem>>, vector<16xf32>,
    tpu.vector_store %arg14[%swap3A_1579], %add3A_1578 {strides = array<i32>} : memref<128xf32, #tpu.memory_space<vmem>>, vector<16xf32>,
    %get3A_1581 = arith.constant 112 : index
    %get3A_1582 = tpu.vector_load %arg10[%get3A_1581] {strides = array<i32>} : memref<128xi32, #tpu.memory_space<vmem>>, vector<16xi32>,
    %gather3A_1583 = tpu.vector_load_idx %arg13[%get3A_1582] : memref<256xf32, #tpu.memory_space<vmem>>[vector<16xi32>], vector<16xf32>,
    %add3A_1584 = arith.constant 128 : i32
    %add3A_1585 = vector.broadcast %add3A_1584 : i32 to vector<16xi32>
    %add3A_1586 = arith.addi %get3A_1582, %add3A_1585 : vector<16xi32>
    %gather3A_1587 = tpu.vector_load_idx %arg13[%add3A_1586] : memref<256xf32, #tpu.memory_space<vmem>>[vector<16xi32>], vector<16xf32>,
    %gather3A_1588 = tpu.vector_load_idx %arg9[%get3A_1582] : memref<256xf32, #tpu.memory_space<vmem>>[vector<16xi32>], vector<16xf32>,
    %mul3A_1589 = arith.mulf %gather3A_1588, %gather3A_1583 : vector<16xf32>
    %add3A_1590 = arith.addf %mul3A_1589, %gather3A_1587 : vector<16xf32>
    %swap3A_1591 = arith.constant 112 : index
    %swap3A_1592 = tpu.vector_load %arg14[%swap3A_1591] {strides = array<i32>} : memref<128xf32, #tpu.memory_space<vmem>>, vector<16xf32>,
    tpu.vector_store %arg14[%swap3A_1591], %add3A_1590 {strides = array<i32>} : memref<128xf32, #tpu.memory_space<vmem>>, vector<16xf32>,
    "tpu.region"() ({
      %run_scoped3A = tpu.sem_alloc : memref<!tpu.dma_semaphore, #tpu.memory_space<semaphore_mem>>
      %dma_start3A = arith.constant 0 : i32
      %dma_start3A_1593 = tpu.memref_slice %arg6[%arg1, %arg0, %dma_start3A] : memref<16x2x128xf32, #tpu.memory_space<hbm>> -> memref<1x1x128xf32, #tpu.memory_space<hbm>>
      %dma_start3A_1594 = tpu.memref_squeeze %dma_start3A_1593 : memref<1x1x128xf32, #tpu.memory_space<hbm>> -> memref<128xf32, #tpu.memory_space<hbm>>
      %dma_start3A_1595 = arith.constant 0 : i32
      %dma_start3A_1596 = tpu.memref_slice %arg6[%arg1, %arg0, %dma_start3A_1595] : memref<16x2x128xf32, #tpu.memory_space<hbm>> -> memref<1x1x128xf32, #tpu.memory_space<hbm>>
      %dma_start3A_1597 = tpu.memref_squeeze %dma_start3A_1596 : memref<1x1x128xf32, #tpu.memory_space<hbm>> -> memref<128xf32, #tpu.memory_space<hbm>>
      tpu.enqueue_dma source(%arg14 : memref<128xf32, #tpu.memory_space<vmem>>) target(%dma_start3A_1597 : memref<128xf32, #tpu.memory_space<hbm>>) target_semaphore(%run_scoped3A : memref<!tpu.dma_semaphore, #tpu.memory_space<semaphore_mem>>)
      %dma_wait3A = arith.constant 0 : i32
      %dma_wait3A_1598 = tpu.memref_slice %arg6[%arg1, %arg0, %dma_wait3A] : memref<16x2x128xf32, #tpu.memory_space<hbm>> -> memref<1x1x128xf32, #tpu.memory_space<hbm>>
      %dma_wait3A_1599 = tpu.memref_squeeze %dma_wait3A_1598 : memref<1x1x128xf32, #tpu.memory_space<hbm>> -> memref<128xf32, #tpu.memory_space<hbm>>
      %dma_wait3A_1600 = arith.constant 0 : i32
      %dma_wait3A_1601 = tpu.memref_slice %arg6[%arg1, %arg0, %dma_wait3A_1600] : memref<16x2x128xf32, #tpu.memory_space<hbm>> -> memref<1x1x128xf32, #tpu.memory_space<hbm>>
      %dma_wait3A_1602 = tpu.memref_squeeze %dma_wait3A_1601 : memref<1x1x128xf32, #tpu.memory_space<hbm>> -> memref<128xf32, #tpu.memory_space<hbm>>
      tpu.wait_dma2 semaphore(%run_scoped3A : memref<!tpu.dma_semaphore, #tpu.memory_space<semaphore_mem>>) src(%arg14 : memref<128xf32, #tpu.memory_space<vmem>>) dst(%dma_wait3A_1602 : memref<128xf32, #tpu.memory_space<hbm>>)
      tpu.yield
    }) : () -> ()
    return
  }
}

module attributes {stable_mosaic.version = 14 : i64} {
  func.func @_tc_rho_body(%arg0: memref<16x128xf32, #tpu.memory_space<vmem>>, %arg1: memref<16x128xf32, #tpu.memory_space<vmem>>, %arg2: memref<128x128xf32, #tpu.memory_space<vmem>>, %arg3: memref<1x128xf32, #tpu.memory_space<vmem>>, %arg4: memref<16x128xf32, #tpu.memory_space<vmem>>) attributes {dimension_semantics = [], scalar_prefetch = 0 : i64, scratch_operands = 0 : i64, tpu.core_type = #tpu.core_type<tc>} {
    %get3A = arith.constant 0 : index
    %get3A_0 = arith.constant 0 : index
    %get3A_1 = vector.load %arg0[%get3A, %get3A_0] : memref<16x128xf32, #tpu.memory_space<vmem>>, vector<16x128xf32>
    %get3A_2 = arith.constant 0 : index
    %get3A_3 = arith.constant 0 : index
    %get3A_4 = vector.load %arg1[%get3A_2, %get3A_3] : memref<16x128xf32, #tpu.memory_space<vmem>>, vector<16x128xf32>
    %add3A = arith.addf %get3A_1, %get3A_4 : vector<16x128xf32>
    %get3A_5 = arith.constant 0 : index
    %get3A_6 = arith.constant 0 : index
    %get3A_7 = vector.load %arg2[%get3A_5, %get3A_6] : memref<128x128xf32, #tpu.memory_space<vmem>>, vector<128x128xf32>
    %dot_general3A = arith.constant dense<0.000000e+00> : vector<16x128xf32>
    %dot_general3A_8 = tpu.matmul %add3A, %get3A_7, %dot_general3A {dimension_numbers = #tpu.dot_dimension_numbers<[1], [0], [0], [1], [0, 0, 1, 1], [], []>, transpose_lhs_hint = false} : vector<16x128xf32>, vector<128x128xf32>, vector<16x128xf32> -> vector<16x128xf32>
    %get3A_9 = arith.constant 0 : index
    %get3A_10 = arith.constant 0 : index
    %get3A_11 = vector.load %arg3[%get3A_9, %get3A_10] : memref<1x128xf32, #tpu.memory_space<vmem>>, vector<1x128xf32>
    %add3A_12 = vector.broadcast %get3A_11 : vector<1x128xf32> to vector<16x128xf32>
    %add3A_13 = arith.addf %dot_general3A_8, %add3A_12 : vector<16x128xf32>
    %max3A = arith.constant 0.000000e+00 : f32
    %max3A_14 = vector.broadcast %max3A : f32 to vector<16x128xf32>
    %max3A_15 = arith.maximumf %add3A_13, %max3A_14 : vector<16x128xf32>
    %swap3A = arith.constant 0 : index
    %swap3A_16 = arith.constant 0 : index
    %swap3A_17 = vector.load %arg4[%swap3A, %swap3A_16] : memref<16x128xf32, #tpu.memory_space<vmem>>, vector<16x128xf32>
    tpu.vector_store %arg4[%swap3A, %swap3A_16], %max3A_15 {strides = array<i32>} : memref<16x128xf32, #tpu.memory_space<vmem>>, vector<16x128xf32>,
    return
  }
}

module attributes {stable_mosaic.version = 14 : i64} {
  func.func @_tc_prep_body(%arg0: memref<1x128xf32, #tpu.memory_space<vmem>>, %arg1: memref<128x1xf32, #tpu.memory_space<vmem>>, %arg2: memref<1x256xf32, #tpu.memory_space<vmem>>, %arg3: memref<1x128xi32, #tpu.memory_space<vmem>>) attributes {dimension_semantics = [], scalar_prefetch = 0 : i64, scratch_operands = 0 : i64, tpu.core_type = #tpu.core_type<tc>} {
    %get3A = arith.constant 0 : index
    %get3A_0 = arith.constant 0 : index
    %get3A_1 = vector.load %arg0[%get3A, %get3A_0] : memref<1x128xf32, #tpu.memory_space<vmem>>, vector<1x128xf32>
    %get3A_2 = arith.constant 0 : index
    %get3A_3 = arith.constant 0 : index
    %get3A_4 = vector.load %arg1[%get3A_2, %get3A_3] : memref<128x1xf32, #tpu.memory_space<vmem>>, vector<128x1xf32>
    %iota3A = tpu.iota {dimensions = array<i32: 0>} : vector<128x128xi32>
    %iota3A_5 = tpu.iota {dimensions = array<i32: 1>} : vector<128x128xi32>
    %lt3A = vector.broadcast %get3A_4 : vector<128x1xf32> to vector<128x128xf32>
    %lt3A_6 = vector.broadcast %get3A_1 : vector<1x128xf32> to vector<128x128xf32>
    %lt3A_7 = arith.cmpf olt, %lt3A, %lt3A_6 : vector<128x128xf32>
    %eq3A = vector.broadcast %get3A_4 : vector<128x1xf32> to vector<128x128xf32>
    %eq3A_8 = vector.broadcast %get3A_1 : vector<1x128xf32> to vector<128x128xf32>
    %eq3A_9 = arith.cmpf oeq, %eq3A, %eq3A_8 : vector<128x128xf32>
    %lt3A_10 = arith.cmpi slt, %iota3A, %iota3A_5 : vector<128x128xi32>
    %and3A = arith.andi %eq3A_9, %lt3A_10 : vector<128x128xi1>
    %or3A = arith.ori %lt3A_7, %and3A : vector<128x128xi1>
    %convert_element_type3A = arith.extui %or3A : vector<128x128xi1> to vector<128x128xi32>
    %convert_element_type3A_11 = arith.sitofp %convert_element_type3A : vector<128x128xi32> to vector<128x128xf32>
    %reduce_sum3A = arith.constant dense<0.000000e+00> : vector<128xf32>
    %reduce_sum3A_12 = vector.multi_reduction <add>, %convert_element_type3A_11, %reduce_sum3A [0] : vector<128x128xf32> to vector<128xf32>
    %broadcast_in_dim3A = vector.shape_cast %reduce_sum3A_12 : vector<128xf32> to vector<1x128xf32>
    %convert_element_type3A_13 = arith.fptosi %broadcast_in_dim3A : vector<1x128xf32> to vector<1x128xi32>
    %swap3A = arith.constant 0 : index
    %swap3A_14 = arith.constant 0 : index
    %swap3A_15 = vector.load %arg3[%swap3A, %swap3A_14] : memref<1x128xi32, #tpu.memory_space<vmem>>, vector<1x128xi32>
    tpu.vector_store %arg3[%swap3A, %swap3A_14], %convert_element_type3A_13 {strides = array<i32>} : memref<1x128xi32, #tpu.memory_space<vmem>>, vector<1x128xi32>,
    %lt3A_16 = vector.broadcast %get3A_1 : vector<1x128xf32> to vector<128x128xf32>
    %lt3A_17 = vector.broadcast %get3A_4 : vector<128x1xf32> to vector<128x128xf32>
    %lt3A_18 = arith.cmpf olt, %lt3A_16, %lt3A_17 : vector<128x128xf32>
    %eq3A_19 = vector.broadcast %get3A_1 : vector<1x128xf32> to vector<128x128xf32>
    %eq3A_20 = vector.broadcast %get3A_4 : vector<128x1xf32> to vector<128x128xf32>
    %eq3A_21 = arith.cmpf oeq, %eq3A_19, %eq3A_20 : vector<128x128xf32>
    %lt3A_22 = arith.cmpi slt, %iota3A_5, %iota3A : vector<128x128xi32>
    %and3A_23 = arith.andi %eq3A_21, %lt3A_22 : vector<128x128xi1>
    %or3A_24 = arith.ori %lt3A_18, %and3A_23 : vector<128x128xi1>
    %convert_element_type3A_25 = arith.extui %or3A_24 : vector<128x128xi1> to vector<128x128xi32>
    %convert_element_type3A_26 = arith.sitofp %convert_element_type3A_25 : vector<128x128xi32> to vector<128x128xf32>
    %reduce_sum3A_27 = arith.constant dense<0.000000e+00> : vector<128xf32>
    %reduce_sum3A_28 = vector.multi_reduction <add>, %convert_element_type3A_26, %reduce_sum3A_27 [1] : vector<128x128xf32> to vector<128xf32>
    %broadcast_in_dim3A_29 = vector.shape_cast %reduce_sum3A_28 : vector<128xf32> to vector<128x1xf32>
    %convert_element_type3A_30 = arith.sitofp %iota3A_5 : vector<128x128xi32> to vector<128x128xf32>
    %eq3A_31 = vector.broadcast %broadcast_in_dim3A_29 : vector<128x1xf32> to vector<128x128xf32>
    %eq3A_32 = arith.cmpf oeq, %eq3A_31, %convert_element_type3A_30 : vector<128x128xf32>
    %convert_element_type3A_33 = arith.extui %eq3A_32 : vector<128x128xi1> to vector<128x128xi32>
    %convert_element_type3A_34 = arith.sitofp %convert_element_type3A_33 : vector<128x128xi32> to vector<128x128xf32>
    %dot_general3A = arith.constant dense<0.000000e+00> : vector<1x128xf32>
    %dot_general3A_35 = tpu.matmul %get3A_1, %convert_element_type3A_34, %dot_general3A {dimension_numbers = #tpu.dot_dimension_numbers<[1], [0], [0], [1], [0, 0, 1, 1], [], []>, transpose_lhs_hint = false} : vector<1x128xf32>, vector<128x128xf32>, vector<1x128xf32> -> vector<1x128xf32>
    %swap3A_36 = arith.constant 0 : index
    %swap3A_37 = arith.constant 0 : index
    %swap3A_38 = vector.load %arg2[%swap3A_36, %swap3A_37] : memref<1x256xf32, #tpu.memory_space<vmem>>, vector<1x128xf32>
    tpu.vector_store %arg2[%swap3A_36, %swap3A_37], %dot_general3A_35 {strides = array<i32>} : memref<1x256xf32, #tpu.memory_space<vmem>>, vector<1x128xf32>,
    %broadcast_in_dim3A_39 = arith.constant 2.000000e+00 : f32
    %broadcast_in_dim3A_40 = vector.broadcast %broadcast_in_dim3A_39 : f32 to vector<1x128xf32>
    %swap3A_41 = arith.constant 0 : index
    %swap3A_42 = arith.constant 128 : index
    %swap3A_43 = vector.load %arg2[%swap3A_41, %swap3A_42] : memref<1x256xf32, #tpu.memory_space<vmem>>, vector<1x128xf32>
    tpu.vector_store %arg2[%swap3A_41, %swap3A_42], %broadcast_in_dim3A_40 {strides = array<i32>} : memref<1x256xf32, #tpu.memory_space<vmem>>, vector<1x128xf32>,
    return
  }
}

</mosaic_0001>

<sc_bundles>
// kernel: kernel.5.cloned.1.call-start
scs
__scs_entry_jumppad:
0x0: {  	(pc) =	sbr.rel $0x88, $3  }
0x1: {  	(tag) =	ssettag $0x0;
	lr =	simm.s32 $0x1  }
0x2: {  	[smem:$0x3F9D] =	sst lr;
	_ =	strace $0xD0000000  }
0x3: {  	_ = 	snop  }
0x4: {  	_ = 	snop  }
0x5: {  	_ = 	snop  }
0x6: {  	_ = 	snop  }
0x7: {  	_ = 	snop  }
__scs_overlays_trampoline_lowered:
0x8: {  	[smem:$0x3FAC] =	sst s0  }
0x9: {  	[smem:$0x3FAD] =	sst s1  }
0xa: {  	[smem:$0x3FAE] =	sst s2  }
0xb: {  	[smem:$0x3FAF] =	sst s3  }
0xc: {  	[smem:$0x3FB0] =	sst s4  }
0xd: {  	[smem:$0x3FB1] =	sst s5  }
0xe: {  	[smem:$0x3FB2] =	sst s6  }
0xf: {  	[smem:$0x3FB3] =	sst s7  }
0x10: {  	[smem:$0x3FB4] =	sst s8  }
0x11: {  	[smem:$0x3FB5] =	sst s9;
	s0 =	simm.s32 @!p0 $0x0  }
0x12: {  	s1 =	sld [smem:$0x3F9B];
	s0 =	simm.s32 @p0 $0x1  }
0x13: {  	[smem:$0x3FB6] =	sst s0;
	s0 =	simm.s32 @!p1 $0x0  }
0x14: {  	s2 =	sld [smem:$0x3F9A];
	s0 =	simm.s32 @p1 $0x1  }
0x15: {  	[smem:$0x3FB7] =	sst s0;
	s0 =	simm.s32 @!p2 $0x0  }
0x16: {  	s3 =	sld [smem:$0x3FDB];
	s0 =	simm.s32 @p2 $0x1  }
0x17: {  	s4 =	simm.s32 $0x1BF5;
	[smem:$0x3FB9] =	sst s0  }
0x18: {  	s0 =	sld [smem:$0x3F9C];
	_ =	swait.ge [sflag:s4], $0x0  }
0x19: {  	s7 =	sld [smem:$0x3F9D]  }
0x1a: {  	s8 =	sadd.s32 $0xFFFFE003, lr  }
0x1b: {  	s9 =	sadd.s32 $0xFFFFFEF7, lr;
	s5 =	simm.s32 $0xFFFFFFFF;
	p2 =	slt.u32 s8, $0xFFFFF086  }
0x1c: {  	p1 =	slt.u32 s9, $0xF7A;
	s5 =	simm.s32 @!p2 $0x0  }
0x1d: {  	s5 =	simm.s32 @p1 $0x1;
	p0 =	seq.s32 s7, s2  }
0x1e: {  	s7 =	smul.u32 @!p0 $0xF7A, s2;
	p2 =	seq.s32 @!p0 s5, $0x0  }
0x1f: {  	s9 =	smul.u32 $0xF7A, s1;
	s8 =	simm.s32 @!p0 $0x1BF5;
	p2 =	por !p2, p0  }
0x20: {  	[sflag:s8] =	ssyncset.s32 @!p0 $0xFFFFF086;
	s6 =	sadd.s32 @!p0 s3, s7;
	s7 =	simm.s32 @!p0 $0x108  }
0x21: {  	s3 =	sadd.s32 s3, s9;
	s6 =	sadd.s32 @!p0 $0x88, s6;
	s7 =	simm.s32 @p2 $0x1082  }
0x22: {  	[simem:s7], [sflag:s8] =	dma.local @!p0 [hbm:s6], $0xF7A  }
0x23: {  	s9 =	sor.u32 $0xD0000000, s2;
	s6 =	simm.s32 $0x108;
	_ =	swait.ge @!p0 [sflag:s8], $0x0  }
0x24: {  	s3 =	sadd.s32 $0x88, s3;
	s6 =	simm.s32 @!p1 $0x1082;
	[sflag:s4] =	ssyncset.s32 $0xFFFFF086  }
0x25: {  	[simem:s6], [sflag:s4] =	dma.local [hbm:s3], $0xF7A  }
0x26: {  	[smem:$0x3F9D] =	sst s1;
	(tag) =	ssettag s2;
	_ =	strace s9  }
0x27: {  	s1 =	sld [smem:$0x3FAD]  }
0x28: {  	s2 =	sld [smem:$0x3FAE]  }
0x29: {  	s4 =	sld [smem:$0x3FB0]  }
0x2a: {  	p0 =	seq.s32 s5, $0x0;
	s5 =	sld [smem:$0x3FB1]  }
0x2b: {  	s6 =	sld [smem:$0x3FB2]  }
0x2c: {  	s7 =	sld [smem:$0x3FB3]  }
0x2d: {  	s3 =	simm.s32 $0x108;
	s8 =	sld [smem:$0x3FB4]  }
0x2e: {  	s3 =	simm.s32 @!p0 $0x1082;
	s9 =	sld [smem:$0x3FB5]  }
0x2f: {  	lr =	sadd.s32 s0, s3;
	s0 =	sld [smem:$0x3FAC]  }
0x30: {  	s3 =	sld [smem:$0x3FAF]  }
0x31: {  	[smem:$0x3FB8] =	sst s10  }
0x32: {  	s10 =	sld [smem:$0x3FB6];
	_ =	sdelay $0x3  }
0x33: {  	p0 =	seq.s32 s10, $0x1;
	s10 =	sld [smem:$0x3FB8];
	_ =	sdelay $0x3  }
0x34: {  	[smem:$0x3FB8] =	sst s10  }
0x35: {  	s10 =	sld [smem:$0x3FB7];
	_ =	sdelay $0x3  }
0x36: {  	p1 =	seq.s32 s10, $0x1;
	s10 =	sld [smem:$0x3FB8];
	_ =	sdelay $0x3  }
0x37: {  	[smem:$0x3FB8] =	sst s10  }
0x38: {  	s10 =	sld [smem:$0x3FB9]  }
0x39: {  	_ = 	snop;
	(pc) =	sbr.ind lr, $3  }
0x3a: {  	_ = 	snop  }
0x3b: {  	_ = 	snop  }
0x3c: {  	p2 =	seq.s32 s10, $0x1;
	s10 =	sld [smem:$0x3FB8]  }
0x3d: {  	_ =	shalt  }
0x3e: {  	_ =	shalt  }
0x3f: {  	_ =	shalt  }
0x40: {  	_ =	shalt  }
0x41: {  	_ =	shalt  }
0x42: {  	_ =	shalt  }
0x43: {  	_ =	shalt  }
0x44: {  	_ =	shalt  }
0x45: {  	_ =	shalt  }
0x46: {  	_ =	shalt  }
0x47: {  	_ =	shalt  }
0x48: {  	_ =	shalt  }
0x49: {  	_ =	shalt  }
0x4a: {  	_ =	shalt  }
0x4b: {  	_ =	shalt  }
0x4c: {  	_ =	shalt  }
0x4d: {  	_ =	shalt  }
0x4e: {  	_ =	shalt  }
0x4f: {  	_ =	shalt  }
0x50: {  	_ =	shalt  }
0x51: {  	_ =	shalt  }
0x52: {  	_ =	shalt  }
0x53: {  	_ =	shalt  }
0x54: {  	_ =	shalt  }
0x55: {  	_ =	shalt  }
0x56: {  	_ =	shalt  }
0x57: {  	_ =	shalt  }
0x58: {  	_ =	shalt  }
0x59: {  	_ =	shalt  }
0x5a: {  	_ =	shalt  }
0x5b: {  	_ =	shalt  }
0x5c: {  	_ =	shalt  }
0x5d: {  	_ =	shalt  }
0x5e: {  	_ =	shalt  }
0x5f: {  	_ =	shalt  }
0x60: {  	_ =	shalt  }
0x61: {  	_ =	shalt  }
0x62: {  	_ =	shalt  }
0x63: {  	_ =	shalt  }
0x64: {  	_ =	shalt  }
0x65: {  	_ =	shalt  }
0x66: {  	_ =	shalt  }
0x67: {  	_ =	shalt  }
0x68: {  	_ =	shalt  }
0x69: {  	_ =	shalt  }
0x6a: {  	_ =	shalt  }
0x6b: {  	_ =	shalt  }
0x6c: {  	_ =	shalt  }
0x6d: {  	_ =	shalt  }
0x6e: {  	_ =	shalt  }
0x6f: {  	_ =	shalt  }
0x70: {  	_ =	shalt  }
0x71: {  	_ =	shalt  }
0x72: {  	_ =	shalt  }
0x73: {  	_ =	shalt  }
0x74: {  	_ =	shalt  }
0x75: {  	_ =	shalt  }
0x76: {  	_ =	shalt  }
0x77: {  	_ =	shalt  }
0x78: {  	_ =	shalt  }
0x79: {  	_ =	shalt  }
0x7a: {  	_ =	shalt  }
0x7b: {  	_ =	shalt  }
0x7c: {  	_ =	shalt  }
0x7d: {  	_ =	shalt  }
0x7e: {  	_ =	shalt  }
0x7f: {  	_ =	shalt  }
0x80: {  	_ =	shalt  }
0x81: {  	_ =	shalt  }
0x82: {  	_ =	shalt  }
0x83: {  	_ =	shalt  }
0x84: {  	_ =	shalt  }
0x85: {  	_ =	shalt  }
0x86: {  	_ =	shalt  }
0x87: {  	_ =	shalt  }
.Lfunc_end0:
.L_simem_size_0:
called_computation_lowered:
.L_overlay_start_0:
0x88: {  	s2 =	sld [smem:$0x3FD9]  }
0x89: {  	s3 =	sld [smem:$0x3FFE];
	_ =	sdelay $0x1  }
0x8a: {  	s1 =	srdreg.scid  }
0x8b: {  	s0 =	sand.u32 $0x1, s1  }
0x8c: {  	s17 =	sshll.u32 s0, $0xA;
	s2 =	sadd.s32 s3, s2  }
0x8d: {  	s2 =	sadd.s32 s2, s17  }
0x8e: {  	[smem:$0x3FC4] =	sst s2  }
0x8f: {  	_ = 	snop  }
0x90: {  	s2 =	sld [smem:$0x3FD0];
	(tm) =	ssettm $0x1  }
0x91: {  	s18 =	sld [smem:$0x3FFB];
	_ =	sdelay $0x3  }
0x92: {  	_ =	strace s18  }
0x93: {  	s3 =	sld [smem:$0x3FFC];
	_ =	sdelay $0x3  }
0x94: {  	_ =	strace s3  }
0x95: {  	s3 =	sld [smem:$0x3FFD];
	_ =	sdelay $0x3  }
0x96: {  	_ =	strace s3  }
0x97: {  	_ =	strace $0x8FFFFFFF  }
0x98: {  	s19 =	sld [smem:$0x3FDB];
	_ =	sdelay $0x1  }
0x99: {  	s4 =	simm.s32 $_scs_section_size  }
0x9a: {  	s5 =	simm.s32 $_size__tile_overlayer_lowered;
	s6 =	simm.s32 $_tile_overlayer_lowered  }
0x9b: {  	s22 =	simm.s32 $0x1BFF;
	s21 =	sshll.u32 s6, $0x1;
	s3 =	sadd.s32 s4, s19  }
0x9c: {  	s7 =	simm.s32 $0x0;
	s20 =	sshll.u32 s5, $0x1;
	s5 =	sadd.s32 s21, s3  }
0x9d: {  	[timem:s7], [sflag:s22] =	dma.local [hbm:s5], s20  }
0x9e: {  	_ =	swait.ge [sflag:s22], s20  }
0x9f: {  	s4 =	ssub.s32 $0x0, s20;
	[sflag:s22] =	ssyncset.done $0x0  }
0xa0: {  	[sflag:s22] =	ssyncadd.s32 s4;
	_ =	sdelay $0x1  }
0xa1: {  	s23 =	simm.s32 $0x1B8B  }
0xa2: {  	_ =	swait.ge [sflag:s23], $0x1  }
0xa3: {  	[sflag:s23] =	ssyncset.done $0x0  }
0xa4: {  	s25 =	simm.s32 $0x1B8E;
	s24 =	sld [smem:$0x3FFE];
	[sflag:s23] =	ssyncadd.s32 $0xFFFFFFFF  }
0xa5: {  	s26 =	simm.s32 $execute0_lowered;
	[smem:$0x3FD2] =	sst s25  }
0xa6: {  	s5 =	sshll.u32 s26, $0x1;
	_ =	strace $0x80000046;
	[dreg:$0x1] =	wrdreg $0xFFFFFFFF  }
0xa7: {  	s28 =	simm.s32 $_size_execute0_lowered;
	s3 =	sadd.s32 s3, s5;
	[dreg:$0x0] =	wrdreg $0x0  }
0xa8: {  	s5 =	sshll.u32 s28, $0x1;
	[dreg:$0x2] =	wrdreg s3  }
0xa9: {  	[dreg:$0x3] =	wrdreg s5  }
0xaa: {  	[dreg:$0x4] =	wrdreg $0xC0  }
0xab: {  	_ =	task [dreg:s7], $0x5FFFF  }
0xac: {  	[dreg:$0x1] =	wrdreg $0xFFFFFFFF  }
0xad: {  	[dreg:$0x0] =	wrdreg $0x60  }
0xae: {  	[dreg:$0x2] =	wrdreg s24  }
0xaf: {  	[dreg:$0x3] =	wrdreg s2  }
0xb0: {  	[dreg:$0x4] =	wrdreg $0x9  }
0xb1: {  	_ =	task.clear_ibuf [dreg:s7], $0x5FFFF;
	_ =	strace $0x90000046  }
0xb2: {  	s29 =	simm.s32 $0x9;
	_ =	strace $0x80000048  }
0xb3: {  	_ =	swait.ge [sflag:s29], $0x1  }
0xb4: {  	[sflag:s29] =	ssyncadd.s32 $0xFFFFFFFF  }
0xb5: {  	_ =	strace $0x90000048  }
0xb6: {  	_ =	sfence  }
0xb7: {  	s30 =	sld [smem:$0x0];
	_ =	sdelay $0x2  }
0xb8: {  	s31 =	sshll.u32 s1, $0xD;
	s1 =	sshrl.u32 s1, $0x2  }
0xb9: {  	s3 =	sand.u32 $0x4000, s31;
	s1 =	sadd.s32 s1, s30  }
0xba: {  	s0 =	sor.u32 s3, s0;
	s1 =	sshll.u32 s1, $0x11  }
0xbb: {  	s0 =	sor.u32 s1, s0  }
0xbc: {  	s0 =	sadd.s32 $0x8F2B, s0  }
0xbd: {  	[sflag:s0] =	ssyncadd.remote.s32 $0x1  }
0xbe: {  	_ =	sfence.sel $0xFFFF  }
0xbf: {  	[dreg:$0x0] =	wrdreg $0xFFFFFFFF;
	(pc) =	sbr.abs _section_cstart, $3  }
0xc0: {  	[dreg:$0x1] =	wrdreg $0xFFFFFFFF  }
0xc1: {  	_ =	task.clear_ibuf [dreg:s7], $0x2FFFF;
	_ =	strace $0x9FFFFFFF  }
0xc2: {  	(tm) =	ssettm $0x7FFFFFFF  }
0xc3: {  	_ =	shalt  }
tec
execute0_lowered:
.L_overlay_start_1:
0x0: {  	(tag) =	ssettag $0x1  }
0x1: {  	s5 =	rddreg [dreg:$0x0]  }
0x2: {  	s2 =	rddreg [dreg:$0x1]  }
0x3: {  	s0 =	rddreg [dreg:$0x2];
	s4 =	srdreg.scid  }
0x4: {  	s3 =	simm.s32 $0x0;
	s1 =	stileid.u32;
	s11 =	simm.s32 $0x1  }
0x5: {  	s12 =	simm.s32 $0x400;
	s13 =	simm.s32 $0x800;
	s14 =	simm.s32 $0x900  }
0x6: {  	s15 =	simm.s32 $0x980;
	s16 =	simm.s32 $0x1200;
	s17 =	simm.s32 $0x1A80  }
0x7: {  	s18 =	simm.s32 $0x1B80;
	s19 =	simm.s32 $0x0;
	s4 =	sand.u32 $0x1, s4  }
0x8: {  	[smem:$0x7FF] =	sst s3;
	s7 =	sshll.u32 s1, $0xB;
	s8 =	sshll.u32 s1, $0x8  }
0x9: {  	s6 =	sshll.u32 s4, $0x7;
	_ =	strace $0x80000047;
	s31 =	ssub.s32 $0x2, s4  }
0xa: {  	v0 =	vimm.f32 $0.0e+00;
	v31 =	vimm.s32 $0x7F;
	s4 =	sadd.s32 $0x2A00, s5;
	s7 =	sor.u32 s6, s7;
	s6 =	sor.u32 s6, s8  }
0xb: {  	v2 =	vimm.s32 $0x3F;
	v3 =	vimm.s32 $0xFFFFFFE0;
	v6 =	vlaneseq.u32;
	s9 =	sshrl.u32 s31, $0x1;
	s7 =	sshrl.u32 s7, $0x3;
	s6 =	sshrl.u32 s6, $0x3  }
0xc: {  	v4 =	vimm.s32 $0xFFFFFFF0;
	v5 =	vimm.s32 $0xFFFFFFF8;
	v6 =	vmul.u32 $0x85, v6;
	s8 =	ssub.s32 s31, s9;
	s9 =	simm.s32 $0x80;
	s7 =	sadd.s32 s7, s5  }
0xd: {  	v7 =	vimm.s32 $0xFFFFFFFC;
	v8 =	vimm.s32 $0xFFFFFFFE;
	v9 =	vimm.s32 $0xFFFFFFFF;
	s10 =	sadd.s32 s6, s5;
	s8 =	smax.u32 s8, $0x1;
	s5 =	sadd.s32 $0xA00, s7  }
0xe: {  	v11 =	vimm.f32 $1.000000000e+00;
	v12 =	vimm.f32 $-2.000000000e+00;
	v10 =	vadd.s32 $0x1, v6;
	s6 =	sadd.s32 $0x1A00, s7;
	s7 =	sadd.s32 $0x2C00, s10;
	s10 =	simm.s32 $0x100  }
.LBB2_1:
0xf: {  	[tilespmem:s3], [sflag:$0x1] =	stream.strided.gather [hbm4b:s5+s9], $0x400, s10, s9, $0x38;
	[tilespmem:$0x1C00] =	vst v63  }
0x10: {  	_ =	swait.ge [sflag:s11], $0x400  }
0x11: {  	[sflag:s11] =	ssyncset.done $0x0  }
0x12: {  	[sflag:s11] =	ssyncadd.s32 $0xFFFFFC00  }
0x13: {  	[tilespmem:s12], [sflag:$0x1] =	stream.strided.gather [hbm4b:s6+s9], $0x400, s10, s9, $0x38;
	[tilespmem:$0x1C00] =	vst v63  }
0x14: {  	_ =	swait.ge [sflag:s11], $0x400  }
0x15: {  	[sflag:s11] =	ssyncset.done $0x0  }
0x16: {  	[sflag:s11] =	ssyncadd.s32 $0xFFFFFC00  }
0x17: {  	[tilespmem:s13], [sflag:$0x1] =	stream.linear.gather [hbm4b:s2+s3], $0x100, $0x38;
	[tilespmem:$0x1C00] =	vst v63  }
0x18: {  	_ =	swait.ge [sflag:s11], $0x100  }
0x19: {  	[sflag:s11] =	ssyncset.done $0x0  }
0x1a: {  	[sflag:s11] =	ssyncadd.s32 $0xFFFFFF00  }
0x1b: {  	[tilespmem:s14], [sflag:$0x1] =	stream.linear.gather [hbm4b:s4+s3], $0x80, $0x38;
	[tilespmem:$0x1C00] =	vst v63  }
0x1c: {  	_ =	swait.ge [sflag:s11], $0x80  }
0x1d: {  	[sflag:s11] =	ssyncset.done $0x0  }
0x1e: {  	[sflag:s11] =	ssyncadd.s32 $0xFFFFFF80  }
0x1f: {  	[tilespmem:$0x980] =	vst v0  }
0x20: {  	[tilespmem:$0x1200] =	vst v0  }
0x21: {  	[tilespmem:$0x990] =	vst v0  }
0x22: {  	[tilespmem:$0x1210] =	vst v0  }
0x23: {  	[tilespmem:$0x9A0] =	vst v0  }
0x24: {  	[tilespmem:$0x1220] =	vst v0  }
0x25: {  	[tilespmem:$0x9B0] =	vst v0  }
0x26: {  	[tilespmem:$0x1230] =	vst v0  }
0x27: {  	[tilespmem:$0x9C0] =	vst v0  }
0x28: {  	[tilespmem:$0x1240] =	vst v0  }
0x29: {  	[tilespmem:$0x9D0] =	vst v0  }
0x2a: {  	[tilespmem:$0x1250] =	vst v0  }
0x2b: {  	[tilespmem:$0x9E0] =	vst v0  }
0x2c: {  	[tilespmem:$0x1260] =	vst v0  }
0x2d: {  	[tilespmem:$0x9F0] =	vst v0  }
0x2e: {  	[tilespmem:$0x1270] =	vst v0  }
0x2f: {  	[tilespmem:$0xA00] =	vst v0  }
0x30: {  	[tilespmem:$0x1280] =	vst v0  }
0x31: {  	[tilespmem:$0xA10] =	vst v0  }
0x32: {  	[tilespmem:$0x1290] =	vst v0  }
0x33: {  	[tilespmem:$0xA20] =	vst v0  }
0x34: {  	[tilespmem:$0x12A0] =	vst v0  }
0x35: {  	[tilespmem:$0xA30] =	vst v0  }
0x36: {  	[tilespmem:$0x12B0] =	vst v0  }
0x37: {  	[tilespmem:$0xA40] =	vst v0  }
0x38: {  	[tilespmem:$0x12C0] =	vst v0  }
0x39: {  	[tilespmem:$0xA50] =	vst v0  }
0x3a: {  	[tilespmem:$0x12D0] =	vst v0  }
0x3b: {  	[tilespmem:$0xA60] =	vst v0  }
0x3c: {  	[tilespmem:$0x12E0] =	vst v0  }
0x3d: {  	[tilespmem:$0xA70] =	vst v0  }
0x3e: {  	[tilespmem:$0x12F0] =	vst v0  }
0x3f: {  	[tilespmem:$0xA80] =	vst v0  }
0x40: {  	[tilespmem:$0x1300] =	vst v0  }
0x41: {  	[tilespmem:$0xA90] =	vst v0  }
0x42: {  	[tilespmem:$0x1310] =	vst v0  }
0x43: {  	[tilespmem:$0xAA0] =	vst v0  }
0x44: {  	[tilespmem:$0x1320] =	vst v0  }
0x45: {  	[tilespmem:$0xAB0] =	vst v0  }
0x46: {  	[tilespmem:$0x1330] =	vst v0  }
0x47: {  	[tilespmem:$0xAC0] =	vst v0  }
0x48: {  	[tilespmem:$0x1340] =	vst v0  }
0x49: {  	[tilespmem:$0xAD0] =	vst v0  }
0x4a: {  	[tilespmem:$0x1350] =	vst v0  }
0x4b: {  	[tilespmem:$0xAE0] =	vst v0  }
0x4c: {  	[tilespmem:$0x1360] =	vst v0  }
0x4d: {  	[tilespmem:$0xAF0] =	vst v0  }
0x4e: {  	[tilespmem:$0x1370] =	vst v0  }
0x4f: {  	[tilespmem:$0xB00] =	vst v0  }
0x50: {  	[tilespmem:$0x1380] =	vst v0  }
0x51: {  	[tilespmem:$0xB10] =	vst v0  }
0x52: {  	[tilespmem:$0x1390] =	vst v0  }
0x53: {  	[tilespmem:$0xB20] =	vst v0  }
0x54: {  	[tilespmem:$0x13A0] =	vst v0  }
0x55: {  	[tilespmem:$0xB30] =	vst v0  }
0x56: {  	[tilespmem:$0x13B0] =	vst v0  }
0x57: {  	[tilespmem:$0xB40] =	vst v0  }
0x58: {  	[tilespmem:$0x13C0] =	vst v0  }
0x59: {  	[tilespmem:$0xB50] =	vst v0  }
0x5a: {  	[tilespmem:$0x13D0] =	vst v0  }
0x5b: {  	[tilespmem:$0xB60] =	vst v0  }
0x5c: {  	[tilespmem:$0x13E0] =	vst v0  }
0x5d: {  	[tilespmem:$0xB70] =	vst v0  }
0x5e: {  	[tilespmem:$0x13F0] =	vst v0  }
0x5f: {  	[tilespmem:$0xB80] =	vst v0  }
0x60: {  	[tilespmem:$0x1400] =	vst v0  }
0x61: {  	[tilespmem:$0xB90] =	vst v0  }
0x62: {  	[tilespmem:$0x1410] =	vst v0  }
0x63: {  	[tilespmem:$0xBA0] =	vst v0  }
0x64: {  	[tilespmem:$0x1420] =	vst v0  }
0x65: {  	[tilespmem:$0xBB0] =	vst v0  }
0x66: {  	[tilespmem:$0x1430] =	vst v0  }
0x67: {  	[tilespmem:$0xBC0] =	vst v0  }
0x68: {  	[tilespmem:$0x1440] =	vst v0  }
0x69: {  	[tilespmem:$0xBD0] =	vst v0  }
0x6a: {  	[tilespmem:$0x1450] =	vst v0  }
0x6b: {  	[tilespmem:$0xBE0] =	vst v0  }
0x6c: {  	[tilespmem:$0x1460] =	vst v0  }
0x6d: {  	[tilespmem:$0xBF0] =	vst v0  }
0x6e: {  	[tilespmem:$0x1470] =	vst v0  }
0x6f: {  	[tilespmem:$0xC00] =	vst v0  }
0x70: {  	[tilespmem:$0x1480] =	vst v0  }
0x71: {  	[tilespmem:$0xC10] =	vst v0  }
0x72: {  	[tilespmem:$0x1490] =	vst v0  }
0x73: {  	[tilespmem:$0xC20] =	vst v0  }
0x74: {  	[tilespmem:$0x14A0] =	vst v0  }
0x75: {  	[tilespmem:$0xC30] =	vst v0  }
0x76: {  	[tilespmem:$0x14B0] =	vst v0  }
0x77: {  	[tilespmem:$0xC40] =	vst v0  }
0x78: {  	[tilespmem:$0x14C0] =	vst v0  }
0x79: {  	[tilespmem:$0xC50] =	vst v0  }
0x7a: {  	[tilespmem:$0x14D0] =	vst v0  }
0x7b: {  	[tilespmem:$0xC60] =	vst v0  }
0x7c: {  	[tilespmem:$0x14E0] =	vst v0  }
0x7d: {  	[tilespmem:$0xC70] =	vst v0  }
0x7e: {  	[tilespmem:$0x14F0] =	vst v0  }
0x7f: {  	[tilespmem:$0xC80] =	vst v0  }
0x80: {  	[tilespmem:$0x1500] =	vst v0  }
0x81: {  	[tilespmem:$0xC90] =	vst v0  }
0x82: {  	[tilespmem:$0x1510] =	vst v0  }
0x83: {  	[tilespmem:$0xCA0] =	vst v0  }
0x84: {  	[tilespmem:$0x1520] =	vst v0  }
0x85: {  	[tilespmem:$0xCB0] =	vst v0  }
0x86: {  	[tilespmem:$0x1530] =	vst v0  }
0x87: {  	[tilespmem:$0xCC0] =	vst v0  }
0x88: {  	[tilespmem:$0x1540] =	vst v0  }
0x89: {  	[tilespmem:$0xCD0] =	vst v0  }
0x8a: {  	[tilespmem:$0x1550] =	vst v0  }
0x8b: {  	[tilespmem:$0xCE0] =	vst v0  }
0x8c: {  	[tilespmem:$0x1560] =	vst v0  }
0x8d: {  	[tilespmem:$0xCF0] =	vst v0  }
0x8e: {  	[tilespmem:$0x1570] =	vst v0  }
0x8f: {  	[tilespmem:$0xD00] =	vst v0  }
0x90: {  	[tilespmem:$0x1580] =	vst v0  }
0x91: {  	[tilespmem:$0xD10] =	vst v0  }
0x92: {  	[tilespmem:$0x1590] =	vst v0  }
0x93: {  	[tilespmem:$0xD20] =	vst v0  }
0x94: {  	[tilespmem:$0x15A0] =	vst v0  }
0x95: {  	[tilespmem:$0xD30] =	vst v0  }
0x96: {  	[tilespmem:$0x15B0] =	vst v0  }
0x97: {  	[tilespmem:$0xD40] =	vst v0  }
0x98: {  	[tilespmem:$0x15C0] =	vst v0  }
0x99: {  	[tilespmem:$0xD50] =	vst v0  }
0x9a: {  	[tilespmem:$0x15D0] =	vst v0  }
0x9b: {  	[tilespmem:$0xD60] =	vst v0  }
0x9c: {  	[tilespmem:$0x15E0] =	vst v0  }
0x9d: {  	[tilespmem:$0xD70] =	vst v0  }
0x9e: {  	[tilespmem:$0x15F0] =	vst v0  }
0x9f: {  	[tilespmem:$0xD80] =	vst v0  }
0xa0: {  	[tilespmem:$0x1600] =	vst v0  }
0xa1: {  	[tilespmem:$0xD90] =	vst v0  }
0xa2: {  	[tilespmem:$0x1610] =	vst v0  }
0xa3: {  	[tilespmem:$0xDA0] =	vst v0  }
0xa4: {  	[tilespmem:$0x1620] =	vst v0  }
0xa5: {  	[tilespmem:$0xDB0] =	vst v0  }
0xa6: {  	[tilespmem:$0x1630] =	vst v0  }
0xa7: {  	[tilespmem:$0xDC0] =	vst v0  }
0xa8: {  	[tilespmem:$0x1640] =	vst v0  }
0xa9: {  	[tilespmem:$0xDD0] =	vst v0  }
0xaa: {  	[tilespmem:$0x1650] =	vst v0  }
0xab: {  	[tilespmem:$0xDE0] =	vst v0  }
0xac: {  	[tilespmem:$0x1660] =	vst v0  }
0xad: {  	[tilespmem:$0xDF0] =	vst v0  }
0xae: {  	[tilespmem:$0x1670] =	vst v0  }
0xaf: {  	[tilespmem:$0xE00] =	vst v0  }
0xb0: {  	[tilespmem:$0x1680] =	vst v0  }
0xb1: {  	[tilespmem:$0xE10] =	vst v0  }
0xb2: {  	[tilespmem:$0x1690] =	vst v0  }
0xb3: {  	[tilespmem:$0xE20] =	vst v0  }
0xb4: {  	[tilespmem:$0x16A0] =	vst v0  }
0xb5: {  	[tilespmem:$0xE30] =	vst v0  }
0xb6: {  	[tilespmem:$0x16B0] =	vst v0  }
0xb7: {  	[tilespmem:$0xE40] =	vst v0  }
0xb8: {  	[tilespmem:$0x16C0] =	vst v0  }
0xb9: {  	[tilespmem:$0xE50] =	vst v0  }
0xba: {  	[tilespmem:$0x16D0] =	vst v0  }
0xbb: {  	[tilespmem:$0xE60] =	vst v0  }
0xbc: {  	[tilespmem:$0x16E0] =	vst v0  }
0xbd: {  	[tilespmem:$0xE70] =	vst v0  }
0xbe: {  	[tilespmem:$0x16F0] =	vst v0  }
0xbf: {  	[tilespmem:$0xE80] =	vst v0  }
0xc0: {  	[tilespmem:$0x1700] =	vst v0  }
0xc1: {  	[tilespmem:$0xE90] =	vst v0  }
0xc2: {  	[tilespmem:$0x1710] =	vst v0  }
0xc3: {  	[tilespmem:$0xEA0] =	vst v0  }
0xc4: {  	[tilespmem:$0x1720] =	vst v0  }
0xc5: {  	[tilespmem:$0xEB0] =	vst v0  }
0xc6: {  	[tilespmem:$0x1730] =	vst v0  }
0xc7: {  	[tilespmem:$0xEC0] =	vst v0  }
0xc8: {  	[tilespmem:$0x1740] =	vst v0  }
0xc9: {  	[tilespmem:$0xED0] =	vst v0  }
0xca: {  	[tilespmem:$0x1750] =	vst v0  }
0xcb: {  	[tilespmem:$0xEE0] =	vst v0  }
0xcc: {  	[tilespmem:$0x1760] =	vst v0  }
0xcd: {  	[tilespmem:$0xEF0] =	vst v0  }
0xce: {  	[tilespmem:$0x1770] =	vst v0  }
0xcf: {  	[tilespmem:$0xF00] =	vst v0  }
0xd0: {  	[tilespmem:$0x1780] =	vst v0  }
0xd1: {  	[tilespmem:$0xF10] =	vst v0  }
0xd2: {  	[tilespmem:$0x1790] =	vst v0  }
0xd3: {  	[tilespmem:$0xF20] =	vst v0  }
0xd4: {  	[tilespmem:$0x17A0] =	vst v0  }
0xd5: {  	[tilespmem:$0xF30] =	vst v0  }
0xd6: {  	[tilespmem:$0x17B0] =	vst v0  }
0xd7: {  	[tilespmem:$0xF40] =	vst v0  }
0xd8: {  	[tilespmem:$0x17C0] =	vst v0  }
0xd9: {  	[tilespmem:$0xF50] =	vst v0  }
0xda: {  	[tilespmem:$0x17D0] =	vst v0  }
0xdb: {  	[tilespmem:$0xF60] =	vst v0  }
0xdc: {  	[tilespmem:$0x17E0] =	vst v0  }
0xdd: {  	[tilespmem:$0xF70] =	vst v0  }
0xde: {  	[tilespmem:$0x17F0] =	vst v0  }
0xdf: {  	[tilespmem:$0xF80] =	vst v0  }
0xe0: {  	[tilespmem:$0x1800] =	vst v0  }
0xe1: {  	[tilespmem:$0xF90] =	vst v0  }
0xe2: {  	[tilespmem:$0x1810] =	vst v0  }
0xe3: {  	[tilespmem:$0xFA0] =	vst v0  }
0xe4: {  	[tilespmem:$0x1820] =	vst v0  }
0xe5: {  	[tilespmem:$0xFB0] =	vst v0  }
0xe6: {  	[tilespmem:$0x1830] =	vst v0  }
0xe7: {  	[tilespmem:$0xFC0] =	vst v0  }
0xe8: {  	[tilespmem:$0x1840] =	vst v0  }
0xe9: {  	[tilespmem:$0xFD0] =	vst v0  }
0xea: {  	[tilespmem:$0x1850] =	vst v0  }
0xeb: {  	[tilespmem:$0xFE0] =	vst v0  }
0xec: {  	[tilespmem:$0x1860] =	vst v0  }
0xed: {  	[tilespmem:$0xFF0] =	vst v0  }
0xee: {  	[tilespmem:$0x1870] =	vst v0  }
0xef: {  	[tilespmem:$0x1000] =	vst v0  }
0xf0: {  	[tilespmem:$0x1880] =	vst v0  }
0xf1: {  	[tilespmem:$0x1010] =	vst v0  }
0xf2: {  	[tilespmem:$0x1890] =	vst v0  }
0xf3: {  	[tilespmem:$0x1020] =	vst v0  }
0xf4: {  	[tilespmem:$0x18A0] =	vst v0  }
0xf5: {  	[tilespmem:$0x1030] =	vst v0  }
0xf6: {  	[tilespmem:$0x18B0] =	vst v0  }
0xf7: {  	[tilespmem:$0x1040] =	vst v0  }
0xf8: {  	[tilespmem:$0x18C0] =	vst v0  }
0xf9: {  	[tilespmem:$0x1050] =	vst v0  }
0xfa: {  	[tilespmem:$0x18D0] =	vst v0  }
0xfb: {  	[tilespmem:$0x1060] =	vst v0  }
0xfc: {  	[tilespmem:$0x18E0] =	vst v0  }
0xfd: {  	[tilespmem:$0x1070] =	vst v0  }
0xfe: {  	[tilespmem:$0x18F0] =	vst v0  }
0xff: {  	[tilespmem:$0x1080] =	vst v0  }
0x100: {  	[tilespmem:$0x1900] =	vst v0  }
0x101: {  	[tilespmem:$0x1090] =	vst v0  }
0x102: {  	[tilespmem:$0x1910] =	vst v0  }
0x103: {  	[tilespmem:$0x10A0] =	vst v0  }
0x104: {  	[tilespmem:$0x1920] =	vst v0  }
0x105: {  	[tilespmem:$0x10B0] =	vst v0  }
0x106: {  	[tilespmem:$0x1930] =	vst v0  }
0x107: {  	[tilespmem:$0x10C0] =	vst v0  }
0x108: {  	[tilespmem:$0x1940] =	vst v0  }
0x109: {  	[tilespmem:$0x10D0] =	vst v0  }
0x10a: {  	[tilespmem:$0x1950] =	vst v0  }
0x10b: {  	[tilespmem:$0x10E0] =	vst v0  }
0x10c: {  	[tilespmem:$0x1960] =	vst v0  }
0x10d: {  	[tilespmem:$0x10F0] =	vst v0  }
0x10e: {  	[tilespmem:$0x1970] =	vst v0  }
0x10f: {  	[tilespmem:$0x1100] =	vst v0  }
0x110: {  	[tilespmem:$0x1980] =	vst v0  }
0x111: {  	[tilespmem:$0x1110] =	vst v0  }
0x112: {  	[tilespmem:$0x1990] =	vst v0  }
0x113: {  	[tilespmem:$0x1120] =	vst v0  }
0x114: {  	[tilespmem:$0x19A0] =	vst v0  }
0x115: {  	[tilespmem:$0x1130] =	vst v0  }
0x116: {  	[tilespmem:$0x19B0] =	vst v0  }
0x117: {  	[tilespmem:$0x1140] =	vst v0  }
0x118: {  	[tilespmem:$0x19C0] =	vst v0  }
0x119: {  	[tilespmem:$0x1150] =	vst v0  }
0x11a: {  	[tilespmem:$0x19D0] =	vst v0  }
0x11b: {  	[tilespmem:$0x1160] =	vst v0  }
0x11c: {  	[tilespmem:$0x19E0] =	vst v0  }
0x11d: {  	[tilespmem:$0x1170] =	vst v0  }
0x11e: {  	[tilespmem:$0x19F0] =	vst v0  }
0x11f: {  	[tilespmem:$0x1180] =	vst v0  }
0x120: {  	[tilespmem:$0x1A00] =	vst v0  }
0x121: {  	[tilespmem:$0x1190] =	vst v0  }
0x122: {  	[tilespmem:$0x1A10] =	vst v0  }
0x123: {  	[tilespmem:$0x11A0] =	vst v0  }
0x124: {  	[tilespmem:$0x1A20] =	vst v0  }
0x125: {  	[tilespmem:$0x11B0] =	vst v0  }
0x126: {  	[tilespmem:$0x1A30] =	vst v0  }
0x127: {  	[tilespmem:$0x11C0] =	vst v0  }
0x128: {  	s20 =	simm.s32 $0x0;
	[tilespmem:$0x1A40] =	vst v0  }
.LBB2_2:
0x129: {  	s21 =	sshra.s32 s20, $0x2  }
0x12a: {  	v13 =	vld [tilespmem:s21+$0x0]  }
0x12b: {  	v14 =	vld [tilespmem:s21+$0x400];
	_ =	sdelay $0x2  }
0x12c: {  	v15 =	vld.idx.msk [tilespmem:v31+s13+$0x0], $0xffff;
	_ =	sdelay $0x1  }
0x12d: {  	v16 =	vadd.f32 v14, v13;
	_ =	sdelay $0x1  }
0x12e: {  	v17 =	vmul.f32 $5.000000000e-01, v16  }
0x12f: {  	vm0 =	vle.f32 v15, v13  }
0x130: {  	v18 =	vsel vm0, $0xBF, v2;
	vm5 =	vle.f32 v15, v17  }
0x131: {  	vm6 =	vle.f32 v15, v14;
	v19 =	vsel vm5, $0xBF, v2  }
0x132: {  	v15 =	vsel vm6, $0xBF, v2;
	_ =	sdelay $0x2  }
0x133: {  	v20 =	vld.idx.msk [tilespmem:v18+s13+$0x0], $0xffff  }
0x134: {  	v21 =	vld.idx.msk [tilespmem:v19+s13+$0x0], $0xffff  }
0x135: {  	v22 =	vld.idx.msk [tilespmem:v15+s13+$0x0], $0xffff;
	_ =	sdelay $0x2  }
0x136: {  	vm7 =	vle.f32 v20, v13  }
0x137: {  	v20 =	vsel vm7, $0x20, v3;
	vm8 =	vle.f32 v21, v17  }
0x138: {  	v18 =	vadd.s32 v18, v20;
	vm9 =	vle.f32 v22, v14;
	v24 =	vsel vm8, $0x20, v3  }
0x139: {  	v25 =	vsel vm9, $0x20, v3;
	v19 =	vadd.s32 v19, v24  }
0x13a: {  	v15 =	vadd.s32 v15, v25;
	_ =	sdelay $0x2  }
0x13b: {  	v26 =	vld.idx.msk [tilespmem:v18+s13+$0x0], $0xffff  }
0x13c: {  	v27 =	vld.idx.msk [tilespmem:v19+s13+$0x0], $0xffff  }
0x13d: {  	v32 =	vld.idx.msk [tilespmem:v15+s13+$0x0], $0xffff;
	_ =	sdelay $0x2  }
0x13e: {  	vm10 =	vle.f32 v26, v13  }
0x13f: {  	v20 =	vsel vm10, $0x10, v4;
	vm11 =	vle.f32 v27, v17  }
0x140: {  	v18 =	vadd.s32 v20, v18;
	vm12 =	vle.f32 v32, v14;
	v33 =	vsel vm11, $0x10, v4  }
0x141: {  	v34 =	vsel vm12, $0x10, v4;
	v19 =	vadd.s32 v33, v19  }
0x142: {  	v15 =	vadd.s32 v34, v15;
	_ =	sdelay $0x2  }
0x143: {  	v35 =	vld.idx.msk [tilespmem:v18+s13+$0x0], $0xffff  }
0x144: {  	v36 =	vld.idx.msk [tilespmem:v19+s13+$0x0], $0xffff  }
0x145: {  	v37 =	vld.idx.msk [tilespmem:v15+s13+$0x0], $0xffff;
	_ =	sdelay $0x2  }
0x146: {  	vm13 =	vle.f32 v35, v13  }
0x147: {  	v20 =	vsel vm13, $0x8, v5;
	vm14 =	vle.f32 v36, v17  }
0x148: {  	v18 =	vadd.s32 v20, v18;
	vm15 =	vle.f32 v37, v14;
	v38 =	vsel vm14, $0x8, v5  }
0x149: {  	v39 =	vsel vm15, $0x8, v5;
	v19 =	vadd.s32 v38, v19  }
0x14a: {  	v15 =	vadd.s32 v39, v15;
	_ =	sdelay $0x2  }
0x14b: {  	v40 =	vld.idx.msk [tilespmem:v18+s13+$0x0], $0xffff  }
0x14c: {  	v41 =	vld.idx.msk [tilespmem:v19+s13+$0x0], $0xffff  }
0x14d: {  	v42 =	vld.idx.msk [tilespmem:v15+s13+$0x0], $0xffff;
	_ =	sdelay $0x2  }
0x14e: {  	vm4 =	vle.f32 v40, v13  }
0x14f: {  	v20 =	vsel vm4, $0x4, v7;
	vm5 =	vle.f32 v41, v17  }
0x150: {  	v18 =	vadd.s32 v20, v18;
	vm6 =	vle.f32 v42, v14;
	v43 =	vsel vm5, $0x4, v7  }
0x151: {  	v44 =	vsel vm6, $0x4, v7;
	v19 =	vadd.s32 v43, v19  }
0x152: {  	v15 =	vadd.s32 v44, v15;
	_ =	sdelay $0x2  }
0x153: {  	v45 =	vld.idx.msk [tilespmem:v18+s13+$0x0], $0xffff  }
0x154: {  	v46 =	vld.idx.msk [tilespmem:v19+s13+$0x0], $0xffff  }
0x155: {  	v47 =	vld.idx.msk [tilespmem:v15+s13+$0x0], $0xffff;
	_ =	sdelay $0x2  }
0x156: {  	vm7 =	vle.f32 v45, v13  }
0x157: {  	v20 =	vsel vm7, $0x2, v8;
	vm8 =	vle.f32 v46, v17  }
0x158: {  	v18 =	vadd.s32 v20, v18;
	vm9 =	vle.f32 v47, v14;
	v48 =	vsel vm8, $0x2, v8  }
0x159: {  	v49 =	vsel vm9, $0x2, v8;
	v19 =	vadd.s32 v48, v19  }
0x15a: {  	v15 =	vadd.s32 v49, v15;
	_ =	sdelay $0x2  }
0x15b: {  	v50 =	vld.idx.msk [tilespmem:v18+s13+$0x0], $0xffff  }
0x15c: {  	v51 =	vld.idx.msk [tilespmem:v19+s13+$0x0], $0xffff  }
0x15d: {  	v52 =	vld.idx.msk [tilespmem:v15+s13+$0x0], $0xffff;
	_ =	sdelay $0x2  }
0x15e: {  	vm10 =	vle.f32 v50, v13  }
0x15f: {  	v20 =	vsel vm10, $0x1, v9;
	vm11 =	vle.f32 v51, v17  }
0x160: {  	v18 =	vadd.s32 v20, v18;
	vm12 =	vle.f32 v52, v14;
	v53 =	vsel vm11, $0x1, v9  }
0x161: {  	v54 =	vsel vm12, $0x1, v9;
	v19 =	vadd.s32 v53, v19  }
0x162: {  	v15 =	vadd.s32 v54, v15;
	_ =	sdelay $0x2  }
0x163: {  	v55 =	vld.idx.msk [tilespmem:v18+s13+$0x0], $0xffff  }
0x164: {  	v56 =	vld.idx.msk [tilespmem:v19+s13+$0x0], $0xffff  }
0x165: {  	v57 =	vld.idx.msk [tilespmem:v15+s13+$0x0], $0xffff;
	_ =	sdelay $0x2  }
0x166: {  	vm13 =	vle.f32 v55, v13  }
0x167: {  	v20 =	vsel vm13, v10, v6;
	vm14 =	vle.f32 v56, v17  }
0x168: {  	v58 =	vadd.s32 v18, v20;
	vm15 =	vle.f32 v57, v14;
	v59 =	vsel vm14, v10, v6  }
0x169: {  	v60 =	vsel vm15, v10, v6;
	v18 =	vadd.s32 v19, v59  }
0x16a: {  	v15 =	vadd.s32 v15, v60;
	_ =	sdelay $0x2  }
0x16b: {  	[tilespmem:v58+s15+$0x0] =	vst.idx.add.f32.msk $0xffff, v11  }
0x16c: {  	v13 =	vsub.f32 $0.0e+00, v13;
	[tilespmem:v18+s15+$0x0] =	vst.idx.add.f32.msk $0xffff, v12  }
0x16d: {  	[tilespmem:v15+s15+$0x0] =	vst.idx.add.f32.msk $0xffff, v11  }
0x16e: {  	[tilespmem:v58+s16+$0x0] =	vst.idx.add.f32.msk $0xffff, v13;
	v13 =	vsub.f32 $0.0e+00, v14  }
0x16f: {  	[tilespmem:v18+s16+$0x0] =	vst.idx.add.f32.msk $0xffff, v16  }
0x170: {  	[tilespmem:v15+s16+$0x0] =	vst.idx.add.f32.msk $0xffff, v13  }
0x171: {  	v13 =	vld [tilespmem:s21+$0x10]  }
0x172: {  	v14 =	vld [tilespmem:s21+$0x410];
	_ =	sdelay $0x2  }
0x173: {  	v15 =	vld.idx.msk [tilespmem:v31+s13+$0x0], $0xffff;
	_ =	sdelay $0x1  }
0x174: {  	v16 =	vadd.f32 v14, v13;
	_ =	sdelay $0x1  }
0x175: {  	v61 =	vmul.f32 $5.000000000e-01, v16  }
0x176: {  	vm4 =	vle.f32 v15, v13  }
0x177: {  	v62 =	vsel vm4, $0xBF, v2;
	vm5 =	vle.f32 v15, v61  }
0x178: {  	vm6 =	vle.f32 v15, v14;
	v63 =	vsel vm5, $0xBF, v2  }
0x179: {  	v15 =	vsel vm6, $0xBF, v2;
	_ =	sdelay $0x2  }
0x17a: {  	v24 =	vld.idx.msk [tilespmem:v62+s13+$0x0], $0xffff  }
0x17b: {  	v25 =	vld.idx.msk [tilespmem:v63+s13+$0x0], $0xffff  }
0x17c: {  	v26 =	vld.idx.msk [tilespmem:v15+s13+$0x0], $0xffff;
	_ =	sdelay $0x2  }
0x17d: {  	vm7 =	vle.f32 v24, v13  }
0x17e: {  	v20 =	vsel vm7, $0x20, v3;
	vm8 =	vle.f32 v25, v61  }
0x17f: {  	v18 =	vadd.s32 v62, v20;
	vm9 =	vle.f32 v26, v14;
	v27 =	vsel vm8, $0x20, v3  }
0x180: {  	v32 =	vsel vm9, $0x20, v3;
	v19 =	vadd.s32 v63, v27  }
0x181: {  	v15 =	vadd.s32 v15, v32;
	_ =	sdelay $0x2  }
0x182: {  	v33 =	vld.idx.msk [tilespmem:v18+s13+$0x0], $0xffff  }
0x183: {  	v34 =	vld.idx.msk [tilespmem:v19+s13+$0x0], $0xffff  }
0x184: {  	v35 =	vld.idx.msk [tilespmem:v15+s13+$0x0], $0xffff;
	_ =	sdelay $0x2  }
0x185: {  	vm10 =	vle.f32 v33, v13  }
0x186: {  	v20 =	vsel vm10, $0x10, v4;
	vm11 =	vle.f32 v34, v61  }
0x187: {  	v18 =	vadd.s32 v20, v18;
	vm12 =	vle.f32 v35, v14;
	v36 =	vsel vm11, $0x10, v4  }
0x188: {  	v37 =	vsel vm12, $0x10, v4;
	v19 =	vadd.s32 v36, v19  }
0x189: {  	v15 =	vadd.s32 v37, v15;
	_ =	sdelay $0x2  }
0x18a: {  	v38 =	vld.idx.msk [tilespmem:v18+s13+$0x0], $0xffff  }
0x18b: {  	v39 =	vld.idx.msk [tilespmem:v19+s13+$0x0], $0xffff  }
0x18c: {  	v40 =	vld.idx.msk [tilespmem:v15+s13+$0x0], $0xffff;
	_ =	sdelay $0x2  }
0x18d: {  	vm13 =	vle.f32 v38, v13  }
0x18e: {  	v20 =	vsel vm13, $0x8, v5;
	vm14 =	vle.f32 v39, v61  }
0x18f: {  	v18 =	vadd.s32 v20, v18;
	vm15 =	vle.f32 v40, v14;
	v41 =	vsel vm14, $0x8, v5  }
0x190: {  	v42 =	vsel vm15, $0x8, v5;
	v19 =	vadd.s32 v41, v19  }
0x191: {  	v15 =	vadd.s32 v42, v15;
	_ =	sdelay $0x2  }
0x192: {  	v43 =	vld.idx.msk [tilespmem:v18+s13+$0x0], $0xffff  }
0x193: {  	v44 =	vld.idx.msk [tilespmem:v19+s13+$0x0], $0xffff  }
0x194: {  	v45 =	vld.idx.msk [tilespmem:v15+s13+$0x0], $0xffff;
	_ =	sdelay $0x2  }
0x195: {  	vm4 =	vle.f32 v43, v13  }
0x196: {  	v20 =	vsel vm4, $0x4, v7;
	vm5 =	vle.f32 v44, v61  }
0x197: {  	v18 =	vadd.s32 v20, v18;
	vm6 =	vle.f32 v45, v14;
	v46 =	vsel vm5, $0x4, v7  }
0x198: {  	v47 =	vsel vm6, $0x4, v7;
	v19 =	vadd.s32 v46, v19  }
0x199: {  	v15 =	vadd.s32 v47, v15;
	_ =	sdelay $0x2  }
0x19a: {  	v48 =	vld.idx.msk [tilespmem:v18+s13+$0x0], $0xffff  }
0x19b: {  	v49 =	vld.idx.msk [tilespmem:v19+s13+$0x0], $0xffff  }
0x19c: {  	v50 =	vld.idx.msk [tilespmem:v15+s13+$0x0], $0xffff;
	_ =	sdelay $0x2  }
0x19d: {  	vm7 =	vle.f32 v48, v13  }
0x19e: {  	v20 =	vsel vm7, $0x2, v8;
	vm8 =	vle.f32 v49, v61  }
0x19f: {  	v18 =	vadd.s32 v20, v18;
	vm9 =	vle.f32 v50, v14;
	v51 =	vsel vm8, $0x2, v8  }
0x1a0: {  	v52 =	vsel vm9, $0x2, v8;
	v19 =	vadd.s32 v51, v19  }
0x1a1: {  	v15 =	vadd.s32 v52, v15;
	_ =	sdelay $0x2  }
0x1a2: {  	v53 =	vld.idx.msk [tilespmem:v18+s13+$0x0], $0xffff  }
0x1a3: {  	v54 =	vld.idx.msk [tilespmem:v19+s13+$0x0], $0xffff  }
0x1a4: {  	v55 =	vld.idx.msk [tilespmem:v15+s13+$0x0], $0xffff;
	_ =	sdelay $0x2  }
0x1a5: {  	vm10 =	vle.f32 v53, v13  }
0x1a6: {  	v20 =	vsel vm10, $0x1, v9;
	vm11 =	vle.f32 v54, v61  }
0x1a7: {  	v18 =	vadd.s32 v20, v18;
	vm12 =	vle.f32 v55, v14;
	v56 =	vsel vm11, $0x1, v9  }
0x1a8: {  	v57 =	vsel vm12, $0x1, v9;
	v19 =	vadd.s32 v56, v19  }
0x1a9: {  	v15 =	vadd.s32 v57, v15;
	_ =	sdelay $0x2  }
0x1aa: {  	v58 =	vld.idx.msk [tilespmem:v18+s13+$0x0], $0xffff  }
0x1ab: {  	v59 =	vld.idx.msk [tilespmem:v19+s13+$0x0], $0xffff  }
0x1ac: {  	v60 =	vld.idx.msk [tilespmem:v15+s13+$0x0], $0xffff;
	_ =	sdelay $0x2  }
0x1ad: {  	vm13 =	vle.f32 v58, v13  }
0x1ae: {  	v20 =	vsel vm13, v10, v6;
	vm14 =	vle.f32 v59, v61  }
0x1af: {  	vm15 =	vle.f32 v60, v14;
	v61 =	vadd.s32 v18, v20;
	v62 =	vsel vm14, v10, v6  }
0x1b0: {  	v63 =	vsel vm15, v10, v6;
	v18 =	vadd.s32 v19, v62  }
0x1b1: {  	v15 =	vadd.s32 v15, v63;
	_ =	sdelay $0x2  }
0x1b2: {  	p0 =	sne.s32 s20, $0xF80;
	[tilespmem:v61+s15+$0x0] =	vst.idx.add.f32.msk $0xffff, v11  }
.Ltmp0:
0x1b3: {  	v13 =	vsub.f32 $0.0e+00, v13;
	[tilespmem:v18+s15+$0x0] =	vst.idx.add.f32.msk $0xffff, v12;
	(pc) =	sbr.rel @p0 .LBB2_2-.Ltmp0, $4  }
0x1b4: {  	[tilespmem:v15+s15+$0x0] =	vst.idx.add.f32.msk $0xffff, v11  }
0x1b5: {  	[tilespmem:v61+s16+$0x0] =	vst.idx.add.f32.msk $0xffff, v13;
	v13 =	vsub.f32 $0.0e+00, v14  }
0x1b6: {  	[tilespmem:v18+s16+$0x0] =	vst.idx.add.f32.msk $0xffff, v16  }
0x1b7: {  	s20 =	sadd.s32 $0x80, s20;
	[tilespmem:v15+s16+$0x0] =	vst.idx.add.f32.msk $0xffff, v13  }
0x1b8: {  	v13 =	vld [tilespmem:$0xDA8];
	_ =	sdelay $0x4  }
0x1b9: {  	[tilespmem:$0x1F990] =	vst v13;
	v13 =	vld [tilespmem:$0x1628];
	_ =	sdelay $0x4  }
0x1ba: {  	[tilespmem:$0x1F9A0] =	vst v13;
	v13 =	vld [tilespmem:$0xE2D];
	_ =	sdelay $0x4  }
0x1bb: {  	[tilespmem:$0x1F9B0] =	vst v13;
	v13 =	vld [tilespmem:$0x16AD];
	_ =	sdelay $0x4  }
0x1bc: {  	[tilespmem:$0x1F9C0] =	vst v13;
	v13 =	vld [tilespmem:$0xEB2];
	_ =	sdelay $0x4  }
0x1bd: {  	[tilespmem:$0x1F9D0] =	vst v13;
	v13 =	vld [tilespmem:$0x1732];
	_ =	sdelay $0x4  }
0x1be: {  	[tilespmem:$0x1F9E0] =	vst v13;
	v13 =	vld [tilespmem:$0xF37];
	_ =	sdelay $0x4  }
0x1bf: {  	[tilespmem:$0x1F9F0] =	vst v13;
	v13 =	vld [tilespmem:$0x17B7];
	_ =	sdelay $0x4  }
0x1c0: {  	[tilespmem:$0x1FA00] =	vst v13;
	v13 =	vld [tilespmem:$0xFBC];
	_ =	sdelay $0x4  }
0x1c1: {  	[tilespmem:$0x1FA10] =	vst v13;
	v13 =	vld [tilespmem:$0x183C];
	_ =	sdelay $0x4  }
0x1c2: {  	[tilespmem:$0x1FA20] =	vst v13;
	v13 =	vld [tilespmem:$0x1041];
	_ =	sdelay $0x4  }
0x1c3: {  	[tilespmem:$0x1FA30] =	vst v13;
	v13 =	vld [tilespmem:$0x18C1]  }
0x1c4: {  	v25 =	vld [tilespmem:$0x980]  }
0x1c5: {  	v26 =	vld [tilespmem:$0x1200]  }
0x1c6: {  	v28 =	vld [tilespmem:$0xA05]  }
0x1c7: {  	v29 =	vld [tilespmem:$0x1285]  }
0x1c8: {  	[tilespmem:$0x1FA40] =	vst v13;
	v13 =	vld [tilespmem:$0x10C6]  }
0x1c9: {  	v33 =	vld [tilespmem:$0xA8A]  }
0x1ca: {  	v35 =	vld [tilespmem:$0x130A]  }
0x1cb: {  	v1 =	vld [tilespmem:$0xB0F]  }
0x1cc: {  	v38 =	vld [tilespmem:$0x138F]  }
0x1cd: {  	[tilespmem:$0x1FA50] =	vst v13;
	v13 =	vld [tilespmem:$0x1946]  }
0x1ce: {  	v41 =	vld [tilespmem:$0xB94]  }
0x1cf: {  	v44 =	vld [tilespmem:$0x1414]  }
0x1d0: {  	v47 =	vld [tilespmem:$0xC19]  }
0x1d1: {  	v50 =	vld [tilespmem:$0x1499]  }
0x1d2: {  	[tilespmem:$0x1FA60] =	vst v13;
	v13 =	vld [tilespmem:$0x114B]  }
0x1d3: {  	v53 =	vld [tilespmem:$0xC9E]  }
0x1d4: {  	v56 =	vld [tilespmem:$0x151E]  }
0x1d5: {  	v59 =	vld [tilespmem:$0xD23]  }
0x1d6: {  	v62 =	vld [tilespmem:$0x15A3]  }
0x1d7: {  	[tilespmem:$0x1FA80] =	vst v13;
	v13 =	vld [tilespmem:$0x19CB]  }
0x1d8: {  	v14 =	vld [tilespmem:$0x1210];
	v25 =	vadd.f32 $0.0e+00, v25  }
0x1d9: {  	v15 =	vld [tilespmem:$0xA15]  }
0x1da: {  	v16 =	vld [tilespmem:$0x1295];
	v25 =	vadd.f32 v28, v25  }
0x1db: {  	v17 =	vld [tilespmem:$0xA9A]  }
0x1dc: {  	v25 =	vadd.f32 v33, v25;
	[tilespmem:$0x1FAA0] =	vst v13;
	v13 =	vld [tilespmem:$0x990]  }
0x1dd: {  	v18 =	vld [tilespmem:$0x131A]  }
0x1de: {  	v25 =	vadd.f32 v1, v25;
	v1 =	vld [tilespmem:$0x10F6];
	_ =	sdelay $0x4  }
0x1df: {  	[tilespmem:$0x1FE00] =	vst v1;
	v1 =	vld [tilespmem:$0x1976];
	_ =	sdelay $0x4  }
0x1e0: {  	[tilespmem:$0x1FE10] =	vst v1;
	v1 =	vld [tilespmem:$0x117B];
	_ =	sdelay $0x4  }
0x1e1: {  	[tilespmem:$0x1FE20] =	vst v1;
	v1 =	vld [tilespmem:$0xA45];
	_ =	sdelay $0x4  }
0x1e2: {  	[tilespmem:$0x1FE30] =	vst v1;
	v1 =	vld [tilespmem:$0x12C5];
	_ =	sdelay $0x1  }
0x1e3: {  	v14 =	vadd.f32 $0.0e+00, v14;
	v41 =	vadd.f32 v41, v25  }
0x1e4: {  	v26 =	vadd.f32 $0.0e+00, v26  }
0x1e5: {  	v14 =	vadd.f32 v16, v14;
	v16 =	vadd.f32 v47, v41  }
0x1e6: {  	[tilespmem:$0x1FE40] =	vst v1;
	v1 =	vld [tilespmem:$0x1F990]  }
0x1e7: {  	v26 =	vadd.f32 v29, v26;
	v16 =	vadd.f32 v53, v16  }
0x1e8: {  	v13 =	vadd.f32 $0.0e+00, v13  }
0x1e9: {  	v26 =	vadd.f32 v35, v26;
	v16 =	vadd.f32 v59, v16  }
0x1ea: {  	v13 =	vadd.f32 v15, v13  }
0x1eb: {  	v15 =	vadd.f32 v38, v26;
	v16 =	vadd.f32 v1, v16;
	v1 =	vld [tilespmem:$0xACA];
	_ =	sdelay $0x1  }
0x1ec: {  	v15 =	vadd.f32 v44, v15;
	_ =	sdelay $0x1  }
0x1ed: {  	v15 =	vadd.f32 v50, v15  }
0x1ee: {  	[tilespmem:$0x1FE50] =	vst v1;
	v1 =	vld [tilespmem:$0x1F9A0]  }
0x1ef: {  	v15 =	vadd.f32 v56, v15;
	_ =	sdelay $0x1  }
0x1f0: {  	v15 =	vadd.f32 v62, v15;
	_ =	sdelay $0x1  }
0x1f1: {  	v15 =	vadd.f32 v1, v15;
	v1 =	vld [tilespmem:$0x134A];
	_ =	sdelay $0x4  }
0x1f2: {  	[tilespmem:$0x1FE60] =	vst v1;
	v1 =	vld [tilespmem:$0x1F9B0];
	_ =	sdelay $0x4  }
0x1f3: {  	v16 =	vadd.f32 v1, v16;
	v1 =	vld [tilespmem:$0xB4F];
	_ =	sdelay $0x4  }
0x1f4: {  	[tilespmem:$0x1FE70] =	vst v1;
	v1 =	vld [tilespmem:$0x1F9C0];
	_ =	sdelay $0x4  }
0x1f5: {  	v15 =	vadd.f32 v1, v15;
	v1 =	vld [tilespmem:$0x13CF];
	_ =	sdelay $0x4  }
0x1f6: {  	[tilespmem:$0x1FE80] =	vst v1;
	v1 =	vld [tilespmem:$0x1F9D0];
	_ =	sdelay $0x4  }
0x1f7: {  	v16 =	vadd.f32 v1, v16;
	v1 =	vld [tilespmem:$0xBD4];
	_ =	sdelay $0x4  }
0x1f8: {  	[tilespmem:$0x1FE90] =	vst v1;
	v1 =	vld [tilespmem:$0x1F9E0];
	_ =	sdelay $0x4  }
0x1f9: {  	v15 =	vadd.f32 v1, v15;
	v1 =	vld [tilespmem:$0x1454];
	_ =	sdelay $0x4  }
0x1fa: {  	[tilespmem:$0x1FEA0] =	vst v1;
	v1 =	vld [tilespmem:$0x1F9F0];
	_ =	sdelay $0x4  }
0x1fb: {  	v16 =	vadd.f32 v1, v16;
	v1 =	vld [tilespmem:$0xC59];
	_ =	sdelay $0x4  }
0x1fc: {  	[tilespmem:$0x1FEB0] =	vst v1;
	v1 =	vld [tilespmem:$0x1FA00];
	_ =	sdelay $0x4  }
0x1fd: {  	v15 =	vadd.f32 v1, v15;
	v1 =	vld [tilespmem:$0x14D9];
	_ =	sdelay $0x4  }
0x1fe: {  	[tilespmem:$0x1FEC0] =	vst v1;
	v1 =	vld [tilespmem:$0x1FA10];
	_ =	sdelay $0x4  }
0x1ff: {  	v16 =	vadd.f32 v1, v16;
	v1 =	vld [tilespmem:$0xCDE];
	_ =	sdelay $0x4  }
0x200: {  	[tilespmem:$0x1FED0] =	vst v1;
	v1 =	vld [tilespmem:$0x1FA20];
	_ =	sdelay $0x4  }
0x201: {  	v15 =	vadd.f32 v1, v15;
	v1 =	vld [tilespmem:$0x155E];
	_ =	sdelay $0x4  }
0x202: {  	[tilespmem:$0x1FEE0] =	vst v1;
	v1 =	vld [tilespmem:$0x1FA30];
	_ =	sdelay $0x4  }
0x203: {  	v16 =	vadd.f32 v1, v16;
	v1 =	vld [tilespmem:$0xD63];
	_ =	sdelay $0x4  }
0x204: {  	[tilespmem:$0x1FEF0] =	vst v1;
	v1 =	vld [tilespmem:$0x1FA40];
	_ =	sdelay $0x4  }
0x205: {  	v15 =	vadd.f32 v1, v15;
	v1 =	vld [tilespmem:$0x15E3];
	_ =	sdelay $0x1  }
0x206: {  	v20 =	vld [tilespmem:$0x139F];
	_ =	sdelay $0x1  }
0x207: {  	v22 =	vld [tilespmem:$0x1424]  }
0x208: {  	v14 =	vadd.f32 v18, v14;
	[tilespmem:$0x1FF00] =	vst v1;
	v1 =	vld [tilespmem:$0x1FA50]  }
0x209: {  	v24 =	vld [tilespmem:$0x14A9]  }
0x20a: {  	v14 =	vadd.f32 v20, v14  }
0x20b: {  	v30 =	vld [tilespmem:$0x152E]  }
0x20c: {  	v34 =	vld [tilespmem:$0x15B3];
	v14 =	vadd.f32 v22, v14  }
0x20d: {  	v16 =	vadd.f32 v1, v16;
	v1 =	vld [tilespmem:$0xDE8]  }
0x20e: {  	v19 =	vld [tilespmem:$0xB1F];
	v14 =	vadd.f32 v24, v14  }
0x20f: {  	v39 =	vld [tilespmem:$0x1638]  }
0x210: {  	v45 =	vld [tilespmem:$0x16BD];
	v14 =	vadd.f32 v30, v14  }
0x211: {  	v37 =	vld [tilespmem:$0x184C]  }
0x212: {  	v14 =	vadd.f32 v34, v14;
	[tilespmem:$0x1FF10] =	vst v1;
	v1 =	vld [tilespmem:$0x1FA60]  }
0x213: {  	v51 =	vld [tilespmem:$0x1742]  }
0x214: {  	v21 =	vld [tilespmem:$0xBA4];
	v14 =	vadd.f32 v39, v14  }
0x215: {  	v58 =	vld [tilespmem:$0x17C7];
	v13 =	vadd.f32 v17, v13  }
0x216: {  	v23 =	vld [tilespmem:$0xC29];
	[tilespmem:$0x1FA70] =	vst v37;
	v14 =	vadd.f32 v45, v14  }
0x217: {  	v13 =	vadd.f32 v19, v13;
	v15 =	vadd.f32 v1, v15;
	v1 =	vld [tilespmem:$0x1FA70]  }
0x218: {  	v27 =	vld [tilespmem:$0xCAE];
	v14 =	vadd.f32 v51, v14  }
0x219: {  	v13 =	vadd.f32 v21, v13  }
0x21a: {  	v32 =	vld [tilespmem:$0xD33];
	v14 =	vadd.f32 v58, v14  }
0x21b: {  	v36 =	vld [tilespmem:$0xDB8];
	v13 =	vadd.f32 v23, v13  }
0x21c: {  	v14 =	vadd.f32 v1, v14;
	v1 =	vld [tilespmem:$0x1668]  }
0x21d: {  	v13 =	vadd.f32 v27, v13  }
0x21e: {  	v43 =	vld [tilespmem:$0xE3D]  }
0x21f: {  	v49 =	vld [tilespmem:$0xEC2];
	v13 =	vadd.f32 v32, v13  }
0x220: {  	v63 =	vld [tilespmem:$0x1051]  }
0x221: {  	v13 =	vadd.f32 v36, v13;
	[tilespmem:$0x1FF20] =	vst v1;
	v1 =	vld [tilespmem:$0x1FA80]  }
0x222: {  	v55 =	vld [tilespmem:$0xF47]  }
0x223: {  	v13 =	vadd.f32 v43, v13  }
0x224: {  	v60 =	vld [tilespmem:$0xFCC]  }
0x225: {  	[tilespmem:$0x1FA90] =	vst v63;
	v13 =	vadd.f32 v49, v13  }
0x226: {  	v16 =	vadd.f32 v1, v16;
	v1 =	vld [tilespmem:$0x1FA90]  }
0x227: {  	v13 =	vadd.f32 v55, v13;
	_ =	sdelay $0x1  }
0x228: {  	v13 =	vadd.f32 v60, v13;
	_ =	sdelay $0x1  }
0x229: {  	v13 =	vadd.f32 v1, v13;
	v1 =	vld [tilespmem:$0xE6D];
	_ =	sdelay $0x3  }
0x22a: {  	v40 =	vld [tilespmem:$0x18D1]  }
0x22b: {  	[tilespmem:$0x1FF30] =	vst v1;
	v1 =	vld [tilespmem:$0x1FAA0];
	_ =	sdelay $0x3  }
0x22c: {  	[tilespmem:$0x1FAB0] =	vst v40  }
0x22d: {  	v15 =	vadd.f32 v1, v15;
	v1 =	vld [tilespmem:$0x1FAB0];
	_ =	sdelay $0x3  }
0x22e: {  	v42 =	vld [tilespmem:$0x10D6]  }
0x22f: {  	v14 =	vadd.f32 v1, v14;
	v1 =	vld [tilespmem:$0x16ED];
	_ =	sdelay $0x3  }
0x230: {  	v54 =	vld [tilespmem:$0x9A0];
	[tilespmem:$0x1FAC0] =	vst v42  }
0x231: {  	[tilespmem:$0x1FF40] =	vst v1;
	v1 =	vld [tilespmem:$0x1FAC0];
	_ =	sdelay $0x3  }
0x232: {  	v46 =	vld [tilespmem:$0x1956];
	[tilespmem:$0x1FAD0] =	vst v54  }
0x233: {  	v13 =	vadd.f32 v1, v13;
	v1 =	vld [tilespmem:$0x1FAD0];
	_ =	sdelay $0x3  }
0x234: {  	v57 =	vld [tilespmem:$0x1220];
	[tilespmem:$0x1FAE0] =	vst v46  }
0x235: {  	v56 =	vadd.f32 $0.0e+00, v1;
	v1 =	vld [tilespmem:$0x1FAE0];
	_ =	sdelay $0x3  }
0x236: {  	[tilespmem:$0x1FAF0] =	vst v57  }
0x237: {  	v14 =	vadd.f32 v1, v14;
	v1 =	vld [tilespmem:$0x1FAF0];
	_ =	sdelay $0x3  }
0x238: {  	v48 =	vld [tilespmem:$0x115B]  }
0x239: {  	v58 =	vadd.f32 $0.0e+00, v1;
	v1 =	vld [tilespmem:$0x1772];
	_ =	sdelay $0x3  }
0x23a: {  	v61 =	vld [tilespmem:$0xA25];
	[tilespmem:$0x1FB00] =	vst v48  }
0x23b: {  	[tilespmem:$0x1FF50] =	vst v1;
	v1 =	vld [tilespmem:$0x1FB00];
	_ =	sdelay $0x3  }
0x23c: {  	[tilespmem:$0x1FB10] =	vst v61  }
0x23d: {  	v13 =	vadd.f32 v1, v13;
	v1 =	vld [tilespmem:$0x1FB10];
	_ =	sdelay $0x3  }
0x23e: {  	v52 =	vld [tilespmem:$0x19DB]  }
0x23f: {  	v17 =	vadd.f32 v1, v56;
	v1 =	vld [tilespmem:$0xF77];
	_ =	sdelay $0x3  }
0x240: {  	[tilespmem:$0x1FB20] =	vst v52;
	v63 =	vld [tilespmem:$0x12A5]  }
0x241: {  	[tilespmem:$0x1FF60] =	vst v1;
	v1 =	vld [tilespmem:$0x1FB20];
	_ =	sdelay $0x3  }
0x242: {  	[tilespmem:$0x1FB30] =	vst v63  }
0x243: {  	v14 =	vadd.f32 v1, v14;
	v1 =	vld [tilespmem:$0x1FB30];
	_ =	sdelay $0x3  }
0x244: {  	v40 =	vld [tilespmem:$0xAAA]  }
0x245: {  	v18 =	vadd.f32 v1, v58;
	v1 =	vld [tilespmem:$0x17F7];
	_ =	sdelay $0x3  }
0x246: {  	[tilespmem:$0x1FB40] =	vst v40  }
0x247: {  	[tilespmem:$0x1FF70] =	vst v1;
	v1 =	vld [tilespmem:$0x1FB40];
	_ =	sdelay $0x3  }
0x248: {  	v42 =	vld [tilespmem:$0x132A]  }
0x249: {  	v17 =	vadd.f32 v1, v17;
	v1 =	vld [tilespmem:$0xFFC];
	_ =	sdelay $0x3  }
0x24a: {  	[tilespmem:$0x1FB50] =	vst v42  }
0x24b: {  	[tilespmem:$0x1FF80] =	vst v1;
	v1 =	vld [tilespmem:$0x1FB50];
	_ =	sdelay $0x3  }
0x24c: {  	v46 =	vld [tilespmem:$0xB2F]  }
0x24d: {  	v18 =	vadd.f32 v1, v18;
	v1 =	vld [tilespmem:$0x187C];
	_ =	sdelay $0x3  }
0x24e: {  	[tilespmem:$0x1FB60] =	vst v46  }
0x24f: {  	[tilespmem:$0x1FF90] =	vst v1;
	v1 =	vld [tilespmem:$0x1FB60];
	_ =	sdelay $0x3  }
0x250: {  	v48 =	vld [tilespmem:$0x13AF]  }
0x251: {  	v17 =	vadd.f32 v1, v17;
	v1 =	vld [tilespmem:$0x1081];
	_ =	sdelay $0x3  }
0x252: {  	[tilespmem:$0x1FB70] =	vst v48  }
0x253: {  	[tilespmem:$0x1FFA0] =	vst v1;
	v1 =	vld [tilespmem:$0x1FB70];
	_ =	sdelay $0x3  }
0x254: {  	v52 =	vld [tilespmem:$0xBB4]  }
0x255: {  	v18 =	vadd.f32 v1, v18;
	v1 =	vld [tilespmem:$0x1901];
	_ =	sdelay $0x3  }
0x256: {  	[tilespmem:$0x1FB80] =	vst v52  }
0x257: {  	[tilespmem:$0x1FFB0] =	vst v1;
	v1 =	vld [tilespmem:$0x1FB80];
	_ =	sdelay $0x3  }
0x258: {  	v54 =	vld [tilespmem:$0x1434]  }
0x259: {  	v17 =	vadd.f32 v1, v17;
	v1 =	vld [tilespmem:$0x1106];
	_ =	sdelay $0x3  }
0x25a: {  	[tilespmem:$0x1FB90] =	vst v54  }
0x25b: {  	[tilespmem:$0x1FFC0] =	vst v1;
	v1 =	vld [tilespmem:$0x1FB90];
	_ =	sdelay $0x3  }
0x25c: {  	v57 =	vld [tilespmem:$0xC39]  }
0x25d: {  	v18 =	vadd.f32 v1, v18;
	v1 =	vld [tilespmem:$0x1986];
	_ =	sdelay $0x2  }
0x25e: {  	v61 =	vld [tilespmem:$0x14B9]  }
0x25f: {  	v37 =	vld [tilespmem:$0x9B0];
	[tilespmem:$0x1FBA0] =	vst v57  }
0x260: {  	[tilespmem:$0x1FFD0] =	vst v1;
	v1 =	vld [tilespmem:$0x1FBA0]  }
0x261: {  	v63 =	vld [tilespmem:$0xCBE]  }
0x262: {  	v40 =	vld [tilespmem:$0x153E]  }
0x263: {  	v42 =	vld [tilespmem:$0xD43]  }
0x264: {  	v46 =	vld [tilespmem:$0x15C3]  }
0x265: {  	v17 =	vadd.f32 v1, v17;
	v1 =	vld [tilespmem:$0x118B]  }
0x266: {  	v48 =	vld [tilespmem:$0xDC8]  }
0x267: {  	v52 =	vld [tilespmem:$0x1648]  }
0x268: {  	v54 =	vld [tilespmem:$0xE4D]  }
0x269: {  	[tilespmem:$0x1FBB0] =	vst v61;
	v57 =	vld [tilespmem:$0x16CD]  }
0x26a: {  	[tilespmem:$0x1FFE0] =	vst v1;
	v1 =	vld [tilespmem:$0x1FBB0]  }
0x26b: {  	v61 =	vld [tilespmem:$0xED2]  }
0x26c: {  	[tilespmem:$0x1FBD0] =	vst v40;
	v40 =	vld [tilespmem:$0xF57]  }
0x26d: {  	[tilespmem:$0x1FBC0] =	vst v63;
	v63 =	vld [tilespmem:$0x1752]  }
0x26e: {  	[tilespmem:$0x1FBF0] =	vst v42;
	v42 =	vld [tilespmem:$0x17D7]  }
0x26f: {  	v18 =	vadd.f32 v1, v18;
	v1 =	vld [tilespmem:$0x1A0B]  }
0x270: {  	[tilespmem:$0x1FC10] =	vst v46;
	v46 =	vld [tilespmem:$0xFDC]  }
0x271: {  	[tilespmem:$0x1FCF0] =	vst v40;
	v40 =	vld [tilespmem:$0x19EB]  }
0x272: {  	[tilespmem:$0x1FC50] =	vst v52;
	v52 =	vld [tilespmem:$0x1061]  }
0x273: {  	[tilespmem:$0x1FCD0] =	vst v63;
	v63 =	vld [tilespmem:$0x116B]  }
0x274: {  	[tilespmem:$0x1FFF0] =	vst v1;
	v1 =	vld [tilespmem:$0x1FBC0]  }
0x275: {  	[tilespmem:$0x1FC90] =	vst v57;
	v57 =	vld [tilespmem:$0x10E6]  }
0x276: {  	[tilespmem:$0x1FDF0] =	vst v40;
	v40 =	vld [tilespmem:$0x1230]  }
0x277: {  	[tilespmem:$0x1FD30] =	vst v46;
	v46 =	vld [tilespmem:$0x12B5]  }
0x278: {  	[tilespmem:$0x1FDE0] =	vst v63;
	v63 =	vld [tilespmem:$0x1444]  }
0x279: {  	[tilespmem:$0x1FC30] =	vst v48;
	v17 =	vadd.f32 v1, v17;
	v1 =	vld [tilespmem:$0x1FBD0]  }
0x27a: {  	[tilespmem:$0x1FD70] =	vst v52;
	v52 =	vld [tilespmem:$0x133A]  }
0x27b: {  	[tilespmem:$0x1FC70] =	vst v54;
	v48 =	vld [tilespmem:$0x185C];
	v60 =	vadd.f32 $0.0e+00, v40  }
0x27c: {  	[tilespmem:$0x1FDB0] =	vst v57;
	v57 =	vld [tilespmem:$0x13BF]  }
0x27d: {  	v54 =	vld [tilespmem:$0x18E1];
	[tilespmem:$0x1FBE0] =	vst v63;
	v20 =	vadd.f32 v46, v60  }
0x27e: {  	v18 =	vadd.f32 v1, v18;
	v1 =	vld [tilespmem:$0x1FBE0]  }
0x27f: {  	[tilespmem:$0x1FCB0] =	vst v61;
	v61 =	vld [tilespmem:$0x1966];
	v20 =	vadd.f32 v52, v20  }
0x280: {  	[tilespmem:$0x1FD10] =	vst v42;
	v42 =	vld [tilespmem:$0xA35]  }
0x281: {  	[tilespmem:$0x1FD50] =	vst v48;
	v48 =	vld [tilespmem:$0xABA];
	v20 =	vadd.f32 v57, v20  }
0x282: {  	v63 =	vld [tilespmem:$0xC49]  }
0x283: {  	v59 =	vadd.f32 $0.0e+00, v37;
	v20 =	vadd.f32 v1, v20;
	v1 =	vld [tilespmem:$0x1FBF0]  }
0x284: {  	[tilespmem:$0x1FD90] =	vst v54;
	v54 =	vld [tilespmem:$0xB3F]  }
0x285: {  	v19 =	vadd.f32 v42, v59  }
0x286: {  	[tilespmem:$0x1FDD0] =	vst v61;
	v61 =	vld [tilespmem:$0xBC4]  }
0x287: {  	v19 =	vadd.f32 v48, v19;
	[tilespmem:$0x1FC00] =	vst v63  }
0x288: {  	v17 =	vadd.f32 v1, v17;
	v1 =	vld [tilespmem:$0x1FC00]  }
0x289: {  	v19 =	vadd.f32 v54, v19;
	_ =	sdelay $0x1  }
0x28a: {  	v19 =	vadd.f32 v61, v19  }
0x28b: {  	v63 =	vld [tilespmem:$0x14C9]  }
0x28c: {  	v19 =	vadd.f32 v1, v19;
	v1 =	vld [tilespmem:$0x1FC10];
	_ =	sdelay $0x3  }
0x28d: {  	[tilespmem:$0x1FC20] =	vst v63  }
0x28e: {  	v18 =	vadd.f32 v1, v18;
	v1 =	vld [tilespmem:$0x1FC20];
	_ =	sdelay $0x3  }
0x28f: {  	v63 =	vld [tilespmem:$0xCCE]  }
0x290: {  	v20 =	vadd.f32 v1, v20;
	v1 =	vld [tilespmem:$0x1FC30];
	_ =	sdelay $0x3  }
0x291: {  	[tilespmem:$0x1FC40] =	vst v63  }
0x292: {  	v17 =	vadd.f32 v1, v17;
	v1 =	vld [tilespmem:$0x1FC40];
	_ =	sdelay $0x3  }
0x293: {  	v63 =	vld [tilespmem:$0x154E]  }
0x294: {  	v19 =	vadd.f32 v1, v19;
	v1 =	vld [tilespmem:$0x1FC50];
	_ =	sdelay $0x3  }
0x295: {  	[tilespmem:$0x1FC60] =	vst v63  }
0x296: {  	v18 =	vadd.f32 v1, v18;
	v1 =	vld [tilespmem:$0x1FC60];
	_ =	sdelay $0x3  }
0x297: {  	v63 =	vld [tilespmem:$0xD53]  }
0x298: {  	v20 =	vadd.f32 v1, v20;
	v1 =	vld [tilespmem:$0x1FC70];
	_ =	sdelay $0x3  }
0x299: {  	[tilespmem:$0x1FC80] =	vst v63  }
0x29a: {  	v17 =	vadd.f32 v1, v17;
	v1 =	vld [tilespmem:$0x1FC80];
	_ =	sdelay $0x3  }
0x29b: {  	v63 =	vld [tilespmem:$0x15D3]  }
0x29c: {  	v19 =	vadd.f32 v1, v19;
	v1 =	vld [tilespmem:$0x1FC90];
	_ =	sdelay $0x3  }
0x29d: {  	[tilespmem:$0x1FCA0] =	vst v63  }
0x29e: {  	v18 =	vadd.f32 v1, v18;
	v1 =	vld [tilespmem:$0x1FCA0];
	_ =	sdelay $0x3  }
0x29f: {  	v63 =	vld [tilespmem:$0xDD8]  }
0x2a0: {  	v20 =	vadd.f32 v1, v20;
	v1 =	vld [tilespmem:$0x1FCB0];
	_ =	sdelay $0x3  }
0x2a1: {  	[tilespmem:$0x1FCC0] =	vst v63  }
0x2a2: {  	v17 =	vadd.f32 v1, v17;
	v1 =	vld [tilespmem:$0x1FCC0];
	_ =	sdelay $0x3  }
0x2a3: {  	v63 =	vld [tilespmem:$0x1658]  }
0x2a4: {  	v19 =	vadd.f32 v1, v19;
	v1 =	vld [tilespmem:$0x1FCD0];
	_ =	sdelay $0x3  }
0x2a5: {  	[tilespmem:$0x1FCE0] =	vst v63  }
0x2a6: {  	v18 =	vadd.f32 v1, v18;
	v1 =	vld [tilespmem:$0x1FCE0];
	_ =	sdelay $0x3  }
0x2a7: {  	v63 =	vld [tilespmem:$0xE5D]  }
0x2a8: {  	v20 =	vadd.f32 v1, v20;
	v1 =	vld [tilespmem:$0x1FCF0];
	_ =	sdelay $0x3  }
0x2a9: {  	[tilespmem:$0x1FD00] =	vst v63  }
0x2aa: {  	v17 =	vadd.f32 v1, v17;
	v1 =	vld [tilespmem:$0x1FD00];
	_ =	sdelay $0x3  }
0x2ab: {  	v63 =	vld [tilespmem:$0x16DD]  }
0x2ac: {  	v19 =	vadd.f32 v1, v19;
	v1 =	vld [tilespmem:$0x1FD10];
	_ =	sdelay $0x3  }
0x2ad: {  	[tilespmem:$0x1FD20] =	vst v63  }
0x2ae: {  	v18 =	vadd.f32 v1, v18;
	v1 =	vld [tilespmem:$0x1FD20];
	_ =	sdelay $0x3  }
0x2af: {  	v63 =	vld [tilespmem:$0xEE2]  }
0x2b0: {  	v20 =	vadd.f32 v1, v20;
	v1 =	vld [tilespmem:$0x1FD30];
	_ =	sdelay $0x3  }
0x2b1: {  	[tilespmem:$0x1FD40] =	vst v63  }
0x2b2: {  	v61 =	vadd.f32 v1, v17;
	v1 =	vld [tilespmem:$0x1FD40];
	_ =	sdelay $0x3  }
0x2b3: {  	v63 =	vld [tilespmem:$0x1762]  }
0x2b4: {  	v62 =	vadd.f32 v1, v19;
	v1 =	vld [tilespmem:$0x1FD50];
	_ =	sdelay $0x3  }
0x2b5: {  	[tilespmem:$0x1FD60] =	vst v63;
	(xrf2) =	vadd.scan.msk.f32 $0xffff, v16  }
0x2b6: {  	(xrf2) =	vadd.scan.msk.f32 $0xffff, v15;
	v15 =	vadd.f32 v1, v18;
	v1 =	vld [tilespmem:$0x1FD60];
	_ =	sdelay $0x3  }
0x2b7: {  	v28 =	vld [tilespmem:$0xF67]  }
0x2b8: {  	v63 =	vadd.f32 v1, v20;
	v1 =	vld [tilespmem:$0x1FD70];
	_ =	sdelay $0x3  }
0x2b9: {  	[tilespmem:$0x1FD80] =	vst v28  }
0x2ba: {  	v16 =	vadd.f32 v1, v61;
	v1 =	vld [tilespmem:$0x1FD80];
	_ =	sdelay $0x3  }
0x2bb: {  	v28 =	vld [tilespmem:$0x17E7]  }
0x2bc: {  	v17 =	vadd.f32 v1, v62;
	v1 =	vld [tilespmem:$0x1FD90];
	_ =	sdelay $0x3  }
0x2bd: {  	[tilespmem:$0x1FDA0] =	vst v28  }
0x2be: {  	v15 =	vadd.f32 v1, v15;
	v1 =	vld [tilespmem:$0x1FDA0];
	_ =	sdelay $0x3  }
0x2bf: {  	v28 =	vld [tilespmem:$0xFEC]  }
0x2c0: {  	v18 =	vadd.f32 v1, v63;
	v1 =	vld [tilespmem:$0x1FDB0];
	_ =	sdelay $0x3  }
0x2c1: {  	[tilespmem:$0x1FDC0] =	vst v28  }
0x2c2: {  	(xrf2) =	vadd.scan.msk.f32 $0xffff, v13;
	v13 =	vadd.f32 v1, v16;
	v1 =	vld [tilespmem:$0x1FDC0];
	_ =	sdelay $0x4  }
0x2c3: {  	v21 =	vadd.f32 v1, v17;
	v1 =	vld [tilespmem:$0x1FDD0];
	_ =	sdelay $0x4  }
0x2c4: {  	(xrf2) =	vadd.scan.msk.f32 $0xffff, v14;
	v14 =	vadd.f32 v1, v15;
	v1 =	vld [tilespmem:$0x1FDE0];
	_ =	sdelay $0x4  }
0x2c5: {  	v13 =	vadd.f32 v1, v13;
	v1 =	vld [tilespmem:$0x1FDF0];
	_ =	sdelay $0x2  }
0x2c6: {  	v35 =	vld [tilespmem:$0x1071];
	_ =	sdelay $0x1  }
0x2c7: {  	v14 =	vadd.f32 v1, v14;
	v1 =	vld [tilespmem:$0x1FE00]  }
0x2c8: {  	v28 =	vld [tilespmem:$0x186C];
	_ =	sdelay $0x1  }
0x2c9: {  	v26 =	vld [tilespmem:$0x18F1];
	v16 =	vadd.f32 v35, v21;
	_ =	sdelay $0x1  }
0x2ca: {  	(xrf2) =	vadd.scan.msk.f32 $0xffff, v13;
	v13 =	vadd.f32 v1, v16;
	v1 =	vld [tilespmem:$0x1FE10]  }
0x2cb: {  	v15 =	vadd.f32 v28, v18;
	_ =	sdelay $0x1  }
0x2cc: {  	v15 =	vadd.f32 v26, v15;
	_ =	sdelay $0x1  }
0x2cd: {  	(xrf2) =	vadd.scan.msk.f32 $0xffff, v14;
	v14 =	vadd.f32 v1, v15;
	v1 =	vld [tilespmem:$0x1FE20];
	_ =	sdelay $0x4  }
0x2ce: {  	v25 =	vld [tilespmem:$0x19FB];
	v15, _, _ =	vpop (xrf2);
	v16 =	vadd.f32 v1, v13  }
0x2cf: {  	v28 =	vadd.f32 $0.0e+00, v15  }
0x2d0: {  	v15, _, _ =	vpop (xrf2);
	(xrf2) =	vadd.scan.msk.f32 $0xffff, v16  }
0x2d1: {  	v27 =	vadd.f32 $0.0e+00, v15;
	v15 =	vbroadcast v28, $0xF  }
0x2d2: {  	v26, _, _ =	vpop (xrf2)  }
0x2d3: {  	v22 =	vadd.f32 v25, v14;
	v25 =	vadd.f32 v26, v15  }
0x2d4: {  	v29 =	vld [tilespmem:$0x9C0]  }
0x2d5: {  	v33 =	vld [tilespmem:$0x1240];
	v15, _, _ =	vpop (xrf2);
	v35 =	vbroadcast v25, $0xF  }
0x2d6: {  	v13 =	vld [tilespmem:$0x1FE30];
	v24, _, _ =	vpop (xrf2)  }
0x2d7: {  	v24 =	vadd.f32 v24, v35;
	_ =	sdelay $0x1  }
0x2d8: {  	v20 =	vadd.f32 $0.0e+00, v29;
	v35, _, _ =	vpop (xrf2);
	v19 =	vbroadcast v24, $0xF  }
0x2d9: {  	v1 =	vadd.f32 $0.0e+00, v33;
	v33, _, _ =	vpop (xrf2)  }
0x2da: {  	v19 =	vadd.f32 v33, v19;
	v33 =	vadd.f32 v13, v20;
	v13 =	vld [tilespmem:$0x1FE40];
	_ =	sdelay $0x4  }
0x2db: {  	v1 =	vadd.f32 v13, v1;
	v13 =	vld [tilespmem:$0x1FE50];
	_ =	sdelay $0x1  }
0x2dc: {  	v29 =	vld [tilespmem:$0x1FE70];
	_ =	sdelay $0x2  }
0x2dd: {  	v14 =	vld [tilespmem:$0x1FE60];
	v33 =	vadd.f32 v13, v33  }
0x2de: {  	v41 =	vld [tilespmem:$0x13DF]  }
0x2df: {  	v33 =	vadd.f32 v29, v33;
	v29 =	vld [tilespmem:$0x1FE80]  }
0x2e0: {  	v47 =	vld [tilespmem:$0x156E]  }
0x2e1: {  	v53 =	vld [tilespmem:$0x16FD]  }
0x2e2: {  	v38 =	vld [tilespmem:$0xADA];
	v1 =	vadd.f32 v14, v1  }
0x2e3: {  	v44 =	vld [tilespmem:$0xC69]  }
0x2e4: {  	v1 =	vadd.f32 v29, v1;
	v29 =	vld [tilespmem:$0x1FE90]  }
0x2e5: {  	v37 =	vld [tilespmem:$0x12D5]  }
0x2e6: {  	v50 =	vld [tilespmem:$0xDF8]  }
0x2e7: {  	v30 =	vld [tilespmem:$0xEF2]  }
0x2e8: {  	v34 =	vld [tilespmem:$0x1250]  }
0x2e9: {  	v33 =	vadd.f32 v29, v33;
	v29 =	vld [tilespmem:$0x1FEA0]  }
0x2ea: {  	v39 =	vld [tilespmem:$0x135A]  }
0x2eb: {  	v32 =	vld [tilespmem:$0x9D0]  }
0x2ec: {  	v45 =	vld [tilespmem:$0x14E9]  }
0x2ed: {  	v36 =	vld [tilespmem:$0xA55]  }
0x2ee: {  	v1 =	vadd.f32 v29, v1;
	v29 =	vld [tilespmem:$0x1FEB0]  }
0x2ef: {  	v34 =	vadd.f32 $0.0e+00, v34;
	v51 =	vld [tilespmem:$0x1678]  }
0x2f0: {  	v43 =	vld [tilespmem:$0x1464]  }
0x2f1: {  	v34 =	vadd.f32 v37, v34;
	v37 =	vld [tilespmem:$0xBF4]  }
0x2f2: {  	v49 =	vld [tilespmem:$0x15F3]  }
0x2f3: {  	v33 =	vadd.f32 v29, v33;
	v29 =	vld [tilespmem:$0x1FEC0]  }
0x2f4: {  	v34 =	vadd.f32 v39, v34;
	v39 =	vld [tilespmem:$0xC79]  }
0x2f5: {  	v32 =	vadd.f32 $0.0e+00, v32;
	v42 =	vld [tilespmem:$0xBE4]  }
0x2f6: {  	v59 =	vld [tilespmem:$0x188C]  }
0x2f7: {  	v32 =	vadd.f32 v36, v32;
	v36 =	vld [tilespmem:$0x13EF]  }
0x2f8: {  	v1 =	vadd.f32 v29, v1;
	v29 =	vld [tilespmem:$0x1FED0]  }
0x2f9: {  	v55 =	vld [tilespmem:$0x1782]  }
0x2fa: {  	v34 =	vadd.f32 v41, v34;
	v41 =	vld [tilespmem:$0xCFE]  }
0x2fb: {  	v48 =	vld [tilespmem:$0xD73]  }
0x2fc: {  	v32 =	vadd.f32 v38, v32;
	v38 =	vld [tilespmem:$0x1474]  }
0x2fd: {  	v33 =	vadd.f32 v29, v33;
	v29 =	vld [tilespmem:$0x1FEE0]  }
0x2fe: {  	v34 =	vadd.f32 v43, v34;
	v43 =	vld [tilespmem:$0xD83]  }
0x2ff: {  	v54 =	vld [tilespmem:$0xF02]  }
0x300: {  	v40 =	vld [tilespmem:$0xB5F]  }
0x301: {  	v34 =	vadd.f32 v45, v34;
	v45 =	vld [tilespmem:$0xE08]  }
0x302: {  	v1 =	vadd.f32 v29, v1;
	v29 =	vld [tilespmem:$0x1FEF0]  }
0x303: {  	v46 =	vld [tilespmem:$0xCEE]  }
0x304: {  	v60 =	vld [tilespmem:$0x1091];
	v34 =	vadd.f32 v47, v34  }
0x305: {  	v47 =	vld [tilespmem:$0xE8D]  }
0x306: {  	v52 =	vld [tilespmem:$0xE7D];
	v34 =	vadd.f32 v49, v34  }
0x307: {  	v32 =	vadd.f32 v40, v32;
	v33 =	vadd.f32 v29, v33;
	v29 =	vld [tilespmem:$0x1FF00]  }
0x308: {  	v49 =	vld [tilespmem:$0xF12];
	v34 =	vadd.f32 v51, v34  }
0x309: {  	v57 =	vld [tilespmem:$0x1807];
	v32 =	vadd.f32 v42, v32  }
0x30a: {  	v40 =	vld [tilespmem:$0x14F9];
	v34 =	vadd.f32 v53, v34  }
0x30b: {  	v42 =	vld [tilespmem:$0x157E];
	v32 =	vadd.f32 v44, v32  }
0x30c: {  	v34 =	vadd.f32 v55, v34;
	v1 =	vadd.f32 v29, v1;
	v29 =	vld [tilespmem:$0x1FF10]  }
0x30d: {  	v44 =	vld [tilespmem:$0x1603];
	v32 =	vadd.f32 v46, v32  }
0x30e: {  	v46 =	vld [tilespmem:$0x1688];
	v34 =	vadd.f32 v57, v34  }
0x30f: {  	v32 =	vadd.f32 v48, v32;
	v48 =	vld [tilespmem:$0x170D]  }
0x310: {  	v34 =	vadd.f32 v59, v34;
	v59 =	vld [tilespmem:$0x9F0]  }
0x311: {  	v33 =	vadd.f32 v29, v33;
	v29 =	vld [tilespmem:$0x1FF20]  }
0x312: {  	v32 =	vadd.f32 v50, v32;
	v50 =	vld [tilespmem:$0xF97]  }
0x313: {  	v56 =	vld [tilespmem:$0xF87]  }
0x314: {  	v58 =	vld [tilespmem:$0x100C];
	(xrf2) =	vadd.scan.msk.f32 $0xffff, v22  }
0x315: {  	v51 =	vld [tilespmem:$0x1FF70];
	v23 =	vbroadcast v27, $0xF  }
0x316: {  	v1 =	vadd.f32 v29, v1;
	v29 =	vld [tilespmem:$0x1FF30]  }
0x317: {  	v53 =	vld [tilespmem:$0x1FF90];
	v26 =	vadd.f32 v15, v23  }
0x318: {  	v55 =	vld [tilespmem:$0x1FFB0]  }
0x319: {  	v57 =	vld [tilespmem:$0x1FFD0];
	v18 =	vbroadcast v26, $0xF  }
0x31a: {  	v61 =	vld [tilespmem:$0x1911]  }
0x31b: {  	v23 =	vadd.f32 v35, v18;
	v33 =	vadd.f32 v29, v33;
	v29 =	vld [tilespmem:$0x1FF40]  }
0x31c: {  	v17 =	vld [tilespmem:$0x9E0]  }
0x31d: {  	v62 =	vld [tilespmem:$0x1116];
	v35 =	vbroadcast v23, $0xF  }
0x31e: {  	v16 =	vld [tilespmem:$0xA65];
	v20, _, _ =	vpop (xrf2)  }
0x31f: {  	v20 =	vadd.f32 v20, v35;
	v35 =	vld [tilespmem:$0xAEA]  }
0x320: {  	v1 =	vadd.f32 v29, v1;
	v29 =	vld [tilespmem:$0x1FF50]  }
0x321: {  	v17 =	vadd.f32 $0.0e+00, v17;
	v18 =	vld [tilespmem:$0x1260]  }
0x322: {  	v14 =	vld [tilespmem:$0xB6F]  }
0x323: {  	v34 =	vadd.f32 v61, v34;
	v61 =	vld [tilespmem:$0xA75];
	v16 =	vadd.f32 v16, v17  }
0x324: {  	v15 =	vld [tilespmem:$0x12E5]  }
0x325: {  	v16 =	vadd.f32 v35, v16;
	v1 =	vadd.f32 v29, v1;
	v29 =	vld [tilespmem:$0x1FF60]  }
0x326: {  	v13 =	vld [tilespmem:$0x136A]  }
0x327: {  	v63 =	vld [tilespmem:$0x1996];
	v18 =	vadd.f32 $0.0e+00, v18;
	v14 =	vadd.f32 v14, v16  }
0x328: {  	v21 =	vld [tilespmem:$0x119B];
	v30 =	vadd.f32 v30, v33  }
0x329: {  	v22 =	vld [tilespmem:$0x1A1B];
	v15 =	vadd.f32 v15, v18;
	v14 =	vadd.f32 v37, v14  }
0x32a: {  	v17 =	vld [tilespmem:$0x12F5];
	v29 =	vadd.f32 v29, v30;
	v30 =	vadd.f32 v52, v32  }
0x32b: {  	v18 =	vld [tilespmem:$0xAFA];
	v13 =	vadd.f32 v13, v15  }
0x32c: {  	v37 =	vld [tilespmem:$0x1484];
	v14 =	vadd.f32 v39, v14;
	v30 =	vadd.f32 v54, v30  }
0x32d: {  	v39 =	vld [tilespmem:$0x1509];
	v13 =	vadd.f32 v36, v13  }
0x32e: {  	v36 =	vld [tilespmem:$0xC04];
	v14 =	vadd.f32 v41, v14;
	v30 =	vadd.f32 v56, v30  }
0x32f: {  	v41 =	vld [tilespmem:$0x158E];
	v13 =	vadd.f32 v38, v13;
	v1 =	vadd.f32 v51, v1  }
0x330: {  	v38 =	vld [tilespmem:$0xC89];
	v14 =	vadd.f32 v43, v14;
	v30 =	vadd.f32 v58, v30  }
0x331: {  	v43 =	vld [tilespmem:$0x1613];
	v13 =	vadd.f32 v40, v13;
	v1 =	vadd.f32 v53, v1  }
0x332: {  	v14 =	vadd.f32 v45, v14;
	v30 =	vadd.f32 v60, v30;
	v60 =	vld [tilespmem:$0x1FFF0]  }
0x333: {  	v13 =	vadd.f32 v42, v13;
	v42 =	vld [tilespmem:$0xD93];
	v1 =	vadd.f32 v55, v1  }
0x334: {  	v14 =	vadd.f32 v47, v14;
	v47 =	vld [tilespmem:$0x171D]  }
0x335: {  	v13 =	vadd.f32 v44, v13;
	v44 =	vld [tilespmem:$0xE18];
	v1 =	vadd.f32 v57, v1  }
0x336: {  	v14 =	vadd.f32 v49, v14;
	v49 =	vld [tilespmem:$0x17A2]  }
0x337: {  	v1 =	vadd.f32 v60, v1;
	v60 =	vld [tilespmem:$0x1270]  }
0x338: {  	v13 =	vadd.f32 v46, v13;
	v46 =	vld [tilespmem:$0xE9D]  }
0x339: {  	v14 =	vadd.f32 v50, v14;
	v50 =	vld [tilespmem:$0x1827];
	v30 =	vadd.f32 v62, v30  }
0x33a: {  	v13 =	vadd.f32 v48, v13;
	v48 =	vld [tilespmem:$0xF22]  }
0x33b: {  	v21 =	vadd.f32 v21, v30;
	v30 =	vadd.f32 $0.0e+00, v59;
	v59 =	vld [tilespmem:$0x137A]  }
0x33c: {  	v62 =	vld [tilespmem:$0xB7F];
	v15 =	vadd.f32 $0.0e+00, v60  }
0x33d: {  	v34 =	vadd.f32 v63, v34;
	v63 =	vadd.f32 v61, v30;
	v30 =	vld [tilespmem:$0x13FF]  }
0x33e: {  	v33 =	vld [tilespmem:$0x1792];
	v15 =	vadd.f32 v17, v15  }
0x33f: {  	v51 =	vld [tilespmem:$0x101C];
	v16 =	vadd.f32 v18, v63  }
0x340: {  	v52 =	vld [tilespmem:$0x1FF80];
	v15 =	vadd.f32 v59, v15  }
0x341: {  	v54 =	vld [tilespmem:$0x1FFA0];
	v16 =	vadd.f32 v62, v16  }
0x342: {  	v15 =	vadd.f32 v30, v15;
	v30 =	vld [tilespmem:$0xD0E]  }
0x343: {  	v53 =	vld [tilespmem:$0x10A1];
	v16 =	vadd.f32 v36, v16  }
0x344: {  	v56 =	vld [tilespmem:$0x1FFC0];
	v15 =	vadd.f32 v37, v15  }
0x345: {  	v32 =	vld [tilespmem:$0x1817];
	v29 =	vadd.f32 v52, v29;
	v16 =	vadd.f32 v38, v16  }
0x346: {  	v58 =	vld [tilespmem:$0x1FFE0];
	v15 =	vadd.f32 v39, v15  }
0x347: {  	v29 =	vadd.f32 v54, v29;
	v16 =	vadd.f32 v30, v16;
	v30 =	vld [tilespmem:$0x1698]  }
0x348: {  	v55 =	vld [tilespmem:$0x1126];
	v14 =	vadd.f32 v51, v14;
	v15 =	vadd.f32 v41, v15  }
0x349: {  	v51 =	vld [tilespmem:$0x18AC];
	v29 =	vadd.f32 v56, v29;
	v16 =	vadd.f32 v42, v16  }
0x34a: {  	v57 =	vld [tilespmem:$0x11AB];
	v15 =	vadd.f32 v43, v15  }
0x34b: {  	v52 =	vld [tilespmem:$0x189C];
	v29 =	vadd.f32 v58, v29;
	v16 =	vadd.f32 v44, v16  }
0x34c: {  	v13 =	vadd.f32 v33, v13;
	v15 =	vadd.f32 v30, v15;
	v30 =	vld [tilespmem:$0xFA7]  }
0x34d: {  	v54 =	vld [tilespmem:$0x1921];
	(xrf2) =	vadd.scan.msk.f32 $0xffff, v29;
	v16 =	vadd.f32 v46, v16  }
0x34e: {  	v56 =	vld [tilespmem:$0x19A6];
	(xrf2) =	vadd.scan.msk.f32 $0xffff, v1;
	v1 =	vadd.f32 v32, v13;
	v13 =	vadd.f32 v47, v15  }
0x34f: {  	v58 =	vld [tilespmem:$0x1A2B];
	v16 =	vadd.f32 v48, v16  }
0x350: {  	v1 =	vadd.f32 v52, v1;
	v15 =	vld [tilespmem:$0x102C];
	v13 =	vadd.f32 v49, v13  }
0x351: {  	v14 =	vadd.f32 v53, v14;
	v16 =	vadd.f32 v30, v16;
	v30 =	vld [tilespmem:$0x1931]  }
0x352: {  	v29 =	vld [tilespmem:$0x10B1];
	v1 =	vadd.f32 v54, v1;
	v13 =	vadd.f32 v50, v13  }
0x353: {  	v22 =	vadd.f32 v22, v34;
	v53 =	vld [tilespmem:$0x19B6];
	v14 =	vadd.f32 v55, v14  }
0x354: {  	v52 =	vld [tilespmem:$0x1136];
	v1 =	vadd.f32 v56, v1;
	v13 =	vadd.f32 v51, v13  }
0x355: {  	v55 =	vld [tilespmem:$0x1A3B];
	v14 =	vadd.f32 v57, v14;
	(xrf2) =	vadd.scan.msk.f32 $0xffff, v21;
	v15 =	vadd.f32 v15, v16  }
0x356: {  	(xrf2) =	vadd.scan.msk.f32 $0xffff, v22;
	v54 =	vld [tilespmem:$0x11BB];
	v1 =	vadd.f32 v58, v1;
	v13 =	vadd.f32 v30, v13  }
0x357: {  	(xrf2) =	vadd.scan.msk.f32 $0xffff, v14;
	v15 =	vadd.f32 v29, v15  }
0x358: {  	v56 =	vbroadcast v19, $0xF;
	(xrf2) =	vadd.scan.msk.f32 $0xffff, v1;
	v1 =	vadd.f32 v53, v13  }
0x359: {  	v14 =	vbroadcast v20, $0xF;
	v57, _, _ =	vpop (xrf2);
	v15 =	vadd.f32 v52, v15  }
0x35a: {  	v17 =	vadd.f32 v57, v56;
	v13, _, _ =	vpop (xrf2);
	v1 =	vadd.f32 v55, v1  }
0x35b: {  	v13 =	vadd.f32 v13, v14;
	v14 =	vadd.f32 v54, v15  }
0x35c: {  	[tilespmem:$0x1A80] =	vst v28;
	v15 =	vadd.f32 $0.0e+00, v17  }
0x35d: {  	[tilespmem:$0x1B00] =	vst v27;
	(xrf2) =	vadd.scan.msk.f32 $0xffff, v14;
	v14 =	vadd.f32 $0.0e+00, v13  }
0x35e: {  	[tilespmem:$0x1A90] =	vst v25;
	v15 =	vbroadcast v15, $0xF;
	(xrf2) =	vadd.scan.msk.f32 $0xffff, v1  }
0x35f: {  	[tilespmem:$0x1B10] =	vst v26;
	v1, _, _ =	vpop (xrf2);
	v14 =	vbroadcast v14, $0xF  }
0x360: {  	[tilespmem:$0x1AA0] =	vst v24;
	v58, _, _ =	vpop (xrf2);
	v1 =	vadd.f32 v1, v15  }
0x361: {  	[tilespmem:$0x1B20] =	vst v23;
	v14 =	vadd.f32 v58, v14  }
0x362: {  	[tilespmem:$0x1AB0] =	vst v19;
	v15 =	vbroadcast v1, $0xF  }
0x363: {  	[tilespmem:$0x1B30] =	vst v20;
	v59, _, _ =	vpop (xrf2);
	v60 =	vbroadcast v14, $0xF  }
0x364: {  	v62 =	vld [tilespmem:$0x900];
	[tilespmem:$0x1AC0] =	vst v17;
	v61, _, _ =	vpop (xrf2);
	v15 =	vadd.f32 v59, v15  }
0x365: {  	[tilespmem:$0x1B40] =	vst v13;
	v13 =	vadd.f32 v61, v60  }
0x366: {  	[tilespmem:$0x1AD0] =	vst v1;
	v1 =	vbroadcast v15, $0xF  }
0x367: {  	[tilespmem:$0x1B50] =	vst v14;
	v63, _, _ =	vpop (xrf2);
	v14 =	vbroadcast v13, $0xF  }
0x368: {  	[tilespmem:$0x1AE0] =	vst v15;
	v1 =	vadd.f32 v63, v1;
	v15, _, _ =	vpop (xrf2)  }
0x369: {  	[tilespmem:$0x1B60] =	vst v13;
	v13 =	vadd.f32 v15, v14  }
0x36a: {  	v14 =	vadd.s32 $0x80, v62;
	[tilespmem:$0x1AF0] =	vst v1  }
0x36b: {  	[tilespmem:$0x1B70] =	vst v13  }
0x36c: {  	v1 =	vld.idx.msk [tilespmem:v62+s17+$0x0], $0xffff  }
0x36d: {  	v13 =	vld.idx.msk [tilespmem:v62+s13+$0x0], $0xffff  }
0x36e: {  	v15 =	vld [tilespmem:$0x910]  }
0x36f: {  	v14 =	vld.idx.msk [tilespmem:v14+s17+$0x0], $0xffff;
	_ =	sdelay $0x2  }
0x370: {  	v1 =	vmul.f32 v13, v1;
	_ =	sdelay $0x1  }
0x371: {  	v13 =	vadd.s32 $0x80, v15;
	v1 =	vadd.f32 v1, v14;
	_ =	sdelay $0x1  }
0x372: {  	[tilespmem:$0x1B80] =	vst v1  }
0x373: {  	v1 =	vld.idx.msk [tilespmem:v15+s17+$0x0], $0xffff  }
0x374: {  	v14 =	vld.idx.msk [tilespmem:v15+s13+$0x0], $0xffff  }
0x375: {  	v13 =	vld.idx.msk [tilespmem:v13+s17+$0x0], $0xffff  }
0x376: {  	v15 =	vld [tilespmem:$0x920];
	_ =	sdelay $0x2  }
0x377: {  	v1 =	vmul.f32 v14, v1;
	_ =	sdelay $0x1  }
0x378: {  	v1 =	vadd.f32 v1, v13  }
0x379: {  	v13 =	vadd.s32 $0x80, v15  }
0x37a: {  	[tilespmem:$0x1B90] =	vst v1  }
0x37b: {  	v1 =	vld.idx.msk [tilespmem:v15+s17+$0x0], $0xffff  }
0x37c: {  	v14 =	vld.idx.msk [tilespmem:v15+s13+$0x0], $0xffff  }
0x37d: {  	v15 =	vld [tilespmem:$0x930]  }
0x37e: {  	v13 =	vld.idx.msk [tilespmem:v13+s17+$0x0], $0xffff;
	_ =	sdelay $0x2  }
0x37f: {  	v1 =	vmul.f32 v14, v1;
	_ =	sdelay $0x1  }
0x380: {  	v1 =	vadd.f32 v1, v13  }
0x381: {  	v13 =	vadd.s32 $0x80, v15  }
0x382: {  	[tilespmem:$0x1BA0] =	vst v1  }
0x383: {  	v1 =	vld.idx.msk [tilespmem:v15+s17+$0x0], $0xffff  }
0x384: {  	v14 =	vld.idx.msk [tilespmem:v15+s13+$0x0], $0xffff  }
0x385: {  	v15 =	vld [tilespmem:$0x940]  }
0x386: {  	v13 =	vld.idx.msk [tilespmem:v13+s17+$0x0], $0xffff;
	_ =	sdelay $0x2  }
0x387: {  	v1 =	vmul.f32 v14, v1;
	_ =	sdelay $0x1  }
0x388: {  	v1 =	vadd.f32 v1, v13  }
0x389: {  	v13 =	vadd.s32 $0x80, v15  }
0x38a: {  	[tilespmem:$0x1BB0] =	vst v1  }
0x38b: {  	v1 =	vld.idx.msk [tilespmem:v15+s17+$0x0], $0xffff  }
0x38c: {  	v14 =	vld.idx.msk [tilespmem:v15+s13+$0x0], $0xffff  }
0x38d: {  	v15 =	vld [tilespmem:$0x950]  }
0x38e: {  	v13 =	vld.idx.msk [tilespmem:v13+s17+$0x0], $0xffff;
	_ =	sdelay $0x2  }
0x38f: {  	v1 =	vmul.f32 v14, v1;
	_ =	sdelay $0x1  }
0x390: {  	v1 =	vadd.f32 v1, v13  }
0x391: {  	v13 =	vadd.s32 $0x80, v15  }
0x392: {  	[tilespmem:$0x1BC0] =	vst v1  }
0x393: {  	v1 =	vld.idx.msk [tilespmem:v15+s17+$0x0], $0xffff  }
0x394: {  	v14 =	vld.idx.msk [tilespmem:v15+s13+$0x0], $0xffff  }
0x395: {  	v15 =	vld [tilespmem:$0x960]  }
0x396: {  	v13 =	vld.idx.msk [tilespmem:v13+s17+$0x0], $0xffff;
	_ =	sdelay $0x2  }
0x397: {  	v1 =	vmul.f32 v14, v1;
	_ =	sdelay $0x1  }
0x398: {  	v1 =	vadd.f32 v1, v13  }
0x399: {  	v13 =	vadd.s32 $0x80, v15  }
0x39a: {  	[tilespmem:$0x1BD0] =	vst v1  }
0x39b: {  	v1 =	vld.idx.msk [tilespmem:v15+s17+$0x0], $0xffff  }
0x39c: {  	v14 =	vld.idx.msk [tilespmem:v15+s13+$0x0], $0xffff  }
0x39d: {  	v15 =	vld [tilespmem:$0x970]  }
0x39e: {  	v13 =	vld.idx.msk [tilespmem:v13+s17+$0x0], $0xffff;
	_ =	sdelay $0x2  }
0x39f: {  	v1 =	vmul.f32 v14, v1;
	_ =	sdelay $0x1  }
0x3a0: {  	v1 =	vadd.f32 v1, v13  }
0x3a1: {  	v13 =	vadd.s32 $0x80, v15  }
0x3a2: {  	[tilespmem:$0x1BE0] =	vst v1  }
0x3a3: {  	v1 =	vld.idx.msk [tilespmem:v15+s17+$0x0], $0xffff  }
0x3a4: {  	v14 =	vld.idx.msk [tilespmem:v15+s13+$0x0], $0xffff;
	_ =	sdelay $0x1  }
0x3a5: {  	v13 =	vld.idx.msk [tilespmem:v13+s17+$0x0], $0xffff;
	_ =	sdelay $0x2  }
0x3a6: {  	v1 =	vmul.f32 v14, v1;
	_ =	sdelay $0x1  }
0x3a7: {  	s19 =	sadd.s32 $0x1, s19;
	v1 =	vadd.f32 v1, v13  }
0x3a8: {  	p0 =	sne.s32 s19, s8  }
.Ltmp1:
0x3a9: {  	[tilespmem:$0x1BF0] =	vst v1;
	(pc) =	sbr.rel @p0 .LBB2_1-.Ltmp1, $4  }
0x3aa: {  	[hbm4b:s7+s3] =	stream.linear.scatter [tilespmem:s18], [sflag:$0x1], $0x80, $0x38;
	[tilespmem:$0x1C00] =	vst v63  }
0x3ab: {  	_ =	swait.ge [sflag:s11], $0x80  }
0x3ac: {  	[sflag:s11] =	ssyncset.done $0x0  }
0x3ad: {  	[sflag:s11] =	ssyncadd.s32 $0xFFFFFF80  }
0x3ae: {  	_ =	sfence.sel $0x180000  }
0x3af: {  	[bflag:$0x0] =	sbarrier.arrive $0xFFFF  }
0x3b0: {  	p0 =	sne.s32 s1, $0x0;
	_ =	strace $0x90000047  }
0x3b1: {  	s0 =	sadd.s32 @!p0 $0x100000, s0;
	[bflag:$0x2] =	sbarrier.arrive $0xFFFF  }
0x3b2: {  	[sflag:s0] =	ssyncadd.tile.s32 @!p0 $0x1;
	_ =	shalt  }
.Lfunc_end2:
_tile_overlayer_lowered:
.L_overlay_start_2:
0x3b3: {  	(tag) =	ssettag $0x2  }
0x3b4: {  	s0 =	rddreg [dreg:$0x0];
	s2 =	stileid.u32  }
0x3b5: {  	s1 =	rddreg [dreg:$0x1];
	p0 =	sne.s32 s2, $0x0  }
0x3b6: {  	s3 =	rddreg [dreg:$0x2];
	[bflag:$0x3] =	sbarrier.arrive $0xFFFF;
	s2 =	simm.s32 @!p0 $0x1C01  }
0x3b7: {  	[timem:s3], [sflag:s2] =	dma.local @!p0 [hbm:s0], s1  }
0x3b8: {  	s0 =	simm.s32 @!p0 $0x1  }
0x3b9: {  	_ =	swait.ge @!p0 [sflag:s0], s1  }
0x3ba: {  	s1 =	ssub.s32 @!p0 $0x0, s1;
	[sflag:s0] =	ssyncset.done @!p0 $0x0  }
0x3bb: {  	[sflag:s0] =	ssyncadd.s32 @!p0 s1  }
0x3bc: {  	[bflag:$0x3] =	sbarrier.arrive $0xFFFF  }
0x3bd: {  	_ =	shalt  }

</sc_bundles>
